<compile_context>
chip_gen: v7x
topology: tpu7x:2x2x1
jax: 0.10.2.dev20260603
libtpu: 0.0.44.dev20260713+nightly
codegen_flags: <defaults>
</compile_context>

<pallas_src>
import functools

import jax
import jax.numpy as jnp
from jax import lax
from jax.experimental import pallas as pl
from jax.experimental.pallas import tpu as pltpu
from jax.experimental.pallas import tpu_sc as plsc

NC = 2
NS = 16
NW = NC * NS
L = 16
CHUNK = 128


def _sc_accumulate(NCH, V_pad, STRIPE, T_pad, TSTRIPE):
    mesh = plsc.VectorSubcoreMesh(
        core_axis_name="c", subcore_axis_name="s", num_cores=NC, num_subcores=NS
    )

    @functools.partial(
        pl.kernel,
        out_type=jax.ShapeDtypeStruct((NC, 6, V_pad), jnp.float32),
        mesh=mesh,
        scratch_types=[
            [pltpu.VMEM((NCH, CHUNK), jnp.int32) for _ in range(6)],
            [[pltpu.VMEM((CHUNK,), jnp.float32) for _ in range(9)]
             for _ in range(2)],
            [[pltpu.VMEM((CHUNK,), jnp.float32) for _ in range(6)]
             for _ in range(2)],
            [[pltpu.VMEM((CHUNK,), jnp.float32) for _ in range(6)]
             for _ in range(2)],
            [pltpu.VMEM_SHARED((V_pad,), jnp.float32) for _ in range(3)],
            [pltpu.VMEM_SHARED((T_pad,), jnp.float32) for _ in range(2)],
            [pltpu.VMEM_SHARED((V_pad,), jnp.float32) for _ in range(6)],
            pltpu.VMEM((max(STRIPE, TSTRIPE),), jnp.float32),
            pltpu.SemaphoreType.DMA,
            [pltpu.SemaphoreType.DMA for _ in range(2)],
        ],
    )
    def k(px, py, pz, tu, tv, ih, jh, zeros_hbm, out_hbm,
          idxv, gpsets, gtsets, cbsets, psh, tsh, accs, bounce, semg, sems):
        cid = lax.axis_index("c")
        sid = lax.axis_index("s")
        wid = cid * NS + sid

        zcps = [
            pltpu.async_copy(zeros_hbm.at[pl.ds(0, STRIPE)],
                             a.at[pl.ds(sid * STRIPE, STRIPE)], sems[0])
            for a in accs
        ]
        for corner in range(3):
            zcps.append(pltpu.async_copy(ih.at[corner, wid], idxv[corner],
                                         sems[0]))
            zcps.append(pltpu.async_copy(jh.at[corner, wid],
                                         idxv[3 + corner], sems[0]))

        vst_ = pl.ds(sid * STRIPE, STRIPE)
        tst_ = pl.ds(sid * TSTRIPE, TSTRIPE)
        vb = bounce.at[pl.ds(0, STRIPE)]
        tb = bounce.at[pl.ds(0, TSTRIPE)]
        for hbm, sh in ((px, psh[0]), (py, psh[1]), (pz, psh[2])):
            pltpu.sync_copy(hbm.at[vst_], vb)
            pltpu.sync_copy(vb, sh.at[vst_])
        for hbm, sh in ((tu, tsh[0]), (tv, tsh[1])):
            pltpu.sync_copy(hbm.at[tst_], tb)
            pltpu.sync_copy(tb, sh.at[tst_])

        for cp in zcps:
            cp.wait()

        plsc.subcore_barrier()

        i0v, i1v, i2v, j0v, j1v, j2v = idxv

        def gather_ops(jc, b, op):
            gp, gt = gpsets[b], gtsets[b]
            for corner, iv in enumerate((i0v, i1v, i2v)):
                idx = iv.at[jc]
                for comp in range(3):
                    op(psh[comp].at[idx], gp[corner * 3 + comp], semg)
            for corner, jv in enumerate((j0v, j1v, j2v)):
                idx = jv.at[jc]
                for comp in range(2):
                    op(tsh[comp].at[idx], gt[corner * 2 + comp], semg)

        def scatter_ops(jc, b, op):
            cb = cbsets[b]
            for iv in (i0v, i1v, i2v):
                idx = iv.at[jc]
                for comp in range(6):
                    op(cb[comp], accs[comp].at[idx], sems[b])

        def compute(b):
            gp, gt = gpsets[b], gtsets[b]
            cb = cbsets[b]
            for s in range(CHUNK // L):
                sl = pl.ds(s * L, L)
                x0, y0, z0 = gp[0][sl], gp[1][sl], gp[2][sl]
                x1, y1, z1 = gp[3][sl], gp[4][sl], gp[5][sl]
                x2, y2, z2 = gp[6][sl], gp[7][sl], gp[8][sl]
                u0, v0 = gt[0][sl], gt[1][sl]
                u1, v1 = gt[2][sl], gt[3][sl]
                u2, v2 = gt[4][sl], gt[5][sl]
                e1x = x1 - x0
                e1y = y1 - y0
                e1z = z1 - z0
                e2x = x2 - x0
                e2y = y2 - y0
                e2z = z2 - z0
                du1 = u1 - u0
                dv1 = v1 - v0
                du2 = u2 - u0
                dv2 = v2 - v0
                den = du1 * dv2 - dv1 * du2
                dens = jnp.where(
                    den > 0.0, jnp.maximum(den, 1e-6), jnp.minimum(den, -1e-6)
                )
                inv = 1.0 / dens
                cb[0][sl] = e1y * e2z - e1z * e2y
                cb[1][sl] = e1z * e2x - e1x * e2z
                cb[2][sl] = e1x * e2y - e1y * e2x
                cb[3][sl] = (e1x * dv2 - e2x * dv1) * inv
                cb[4][sl] = (e1y * dv2 - e2y * dv1) * inv
                cb[5][sl] = (e1z * dv2 - e2z * dv1) * inv

        def issue(s, d, m):
            pltpu.async_copy(s, d, m)

        def issue_add(s, d, m):
            pltpu.async_copy(s, d, m, add=True)

        def drain_gathers():
            pltpu.make_async_copy(
                zeros_hbm.at[pl.ds(0, 15 * CHUNK)],
                bounce.at[pl.ds(0, 15 * CHUNK)], semg).wait()

        def drain_scatters(b):
            pltpu.make_async_copy(
                zeros_hbm.at[pl.ds(0, 18 * CHUNK)],
                bounce.at[pl.ds(0, 18 * CHUNK)], sems[b]).wait()

        gather_ops(0, 0, issue)

        @pl.loop(0, NCH, step=2)
        def _(base):
            for b in range(2):
                jc = base + b
                drain_gathers()

                @pl.when(jc + 1 < NCH)
                def _():
                    gather_ops(jc + 1, 1 - b, issue)

                @pl.when(jc >= 2)
                def _():
                    drain_scatters(b)

                compute(b)
                scatter_ops(jc, b, issue_add)

        for b in range(2):
            drain_scatters(b)

        plsc.subcore_barrier()

        st = pl.ds(sid * STRIPE, STRIPE)
        wcps = [
            pltpu.async_copy(accs[comp].at[st], out_hbm.at[cid, comp, st],
                             sems[0])
            for comp in range(6)
        ]
        for cp in wcps:
            cp.wait()

    return k


def _tc_finalize(partial, V_pad, VB=2048):

    def body(p_ref, o_ref):
        p = p_ref[...]
        a = p[0] + p[1]
        nx, ny, nz = a[0], a[1], a[2]
        tx, ty, tz = a[3], a[4], a[5]
        nd = nx * nx + ny * ny + nz * nz
        cond = nd > 1e-20
        nx = jnp.where(cond, nx, 0.0)
        ny = jnp.where(cond, ny, 0.0)
        nz = jnp.where(cond, nz, 1.0)
        rinv = 1.0 / jnp.sqrt(jnp.maximum(nx * nx + ny * ny + nz * nz, 1e-20))
        nx, ny, nz = nx * rinv, ny * rinv, nz * rinv
        tinv = 1.0 / jnp.sqrt(jnp.maximum(tx * tx + ty * ty + tz * tz, 1e-20))
        tx, ty, tz = tx * tinv, ty * tinv, tz * tinv
        d = tx * nx + ty * ny + tz * nz
        tx, ty, tz = tx - d * nx, ty - d * ny, tz - d * nz
        tinv = 1.0 / jnp.sqrt(jnp.maximum(tx * tx + ty * ty + tz * tz, 1e-20))
        tx, ty, tz = tx * tinv, ty * tinv, tz * tinv
        zr = jnp.zeros_like(nx)
        o_ref[...] = jnp.stack(
            [jnp.stack([nx, ny, nz, zr]), jnp.stack([tx, ty, tz, zr])]
        )

    return pl.pallas_call(
        body,
        grid=(V_pad // VB,),
        in_specs=[pl.BlockSpec((NC, 6, VB), lambda i: (0, 0, i))],
        out_specs=pl.BlockSpec((2, 4, VB), lambda i: (0, 0, i)),
        out_shape=jax.ShapeDtypeStruct((2, 4, V_pad), jnp.float32),
    )(partial)


def kernel(positions, texcoords, pos_indexes, uv_indexes, mvp):
    V = positions.shape[0]
    T = texcoords.shape[0]
    F = pos_indexes.shape[0]

    per_w = -(-F // NW)
    NCH = -(-per_w // CHUNK)
    NCH += NCH % 2
    F_pad = NW * NCH * CHUNK
    V_pad = (V // (NS * CHUNK) + 1) * (NS * CHUNK)
    STRIPE = V_pad // NS
    T_pad = -(-T // CHUNK) * CHUNK
    TSTRIPE = T_pad // NS

    ppad = jnp.pad(positions, ((0, V_pad - V), (0, 0)))
    px, py, pz = ppad[:, 0], ppad[:, 1], ppad[:, 2]
    tpad = jnp.pad(texcoords, ((0, T_pad - T), (0, 0)))
    tu, tv = tpad[:, 0], tpad[:, 1]
    ih = jnp.pad(pos_indexes.T, ((0, 0), (0, F_pad - F)),
                 constant_values=V).reshape(3, NW, NCH, CHUNK)
    jh = jnp.pad(uv_indexes.T, ((0, 0), (0, F_pad - F)),
                 constant_values=0).reshape(3, NW, NCH, CHUNK)
    zrows = jnp.zeros((max(STRIPE, TSTRIPE),), jnp.float32)

    partial = _sc_accumulate(NCH, V_pad, STRIPE, T_pad, TSTRIPE)(
        px, py, pz, tu, tv, ih, jh, zrows
    )
    out = _tc_finalize(partial, V_pad)
    return jnp.transpose(out[:, :3, :V], (0, 2, 1))

# --- scband reference (transcript-rebuilt; emitter-appended) ---
"""Pipeline reference for scband-geometry-module-51402168599381 (READ-ONLY COPY).

The authoritative reference and input builder live on the scoring server;
editing this copy changes nothing except your own understanding.
"""

import jax, jax.numpy as jnp
import numpy as np


def _dot(a, b):
    return jnp.sum(a * b, axis=-1, keepdims=True)


def _safe_normalize(x):
    return x / jnp.sqrt(jnp.maximum(_dot(x, x), 1e-20))


def _auto_normals(positions, faces):
    i0 = faces[:, 0]
    i1 = faces[:, 1]
    i2 = faces[:, 2]
    v0 = positions[i0, :]
    v1 = positions[i1, :]
    v2 = positions[i2, :]
    face_normals = jnp.cross(v1 - v0, v2 - v0)
    v_nrm = jnp.zeros_like(positions)
    v_nrm = v_nrm.at[i0].add(face_normals)
    v_nrm = v_nrm.at[i1].add(face_normals)
    v_nrm = v_nrm.at[i2].add(face_normals)
    fallback = jnp.array([0.0, 0.0, 1.0], dtype=positions.dtype)
    v_nrm = jnp.where(_dot(v_nrm, v_nrm) > 1e-20, v_nrm, fallback)
    return _safe_normalize(v_nrm)


def _compute_tangents(positions, normals, faces, texcoords, uv_faces):
    pos = [positions[faces[:, i]] for i in range(3)]
    tex = [texcoords[uv_faces[:, i]] for i in range(3)]
    uve1 = tex[1] - tex[0]
    uve2 = tex[2] - tex[0]
    pe1 = pos[1] - pos[0]
    pe2 = pos[2] - pos[0]
    nom = pe1 * uve2[..., 1:2] - pe2 * uve1[..., 1:2]
    denom = uve1[..., 0:1] * uve2[..., 1:2] - uve1[..., 1:2] * uve2[..., 0:1]
    denom_safe = jnp.where(denom > 0.0, jnp.maximum(denom, 1e-06), jnp.minimum(denom, -1e-06))
    tang = nom / denom_safe
    tangents = jnp.zeros_like(normals)
    for i in range(3):
        tangents = tangents.at[faces[:, i]].add(tang)
    tangents = _safe_normalize(tangents)
    tangents = _safe_normalize(tangents - _dot(tangents, normals) * normals)
    return tangents


def setup_inputs(seed: int = 0) -> dict:
    key = jax.random.key(seed)
    k1, k2, k3, k4, k5 = jax.random.split(key, 5)
    V = 100000
    T = 120000
    F = 200000
    positions = jax.random.normal(k1, (V, 3), dtype=jnp.float32)
    texcoords = jax.random.uniform(k2, (T, 2), dtype=jnp.float32)
    pos_indexes = jax.random.randint(k3, (F, 3), 0, V, dtype=jnp.int32)
    uv_indexes = jax.random.randint(k4, (F, 3), 0, T, dtype=jnp.int32)
    mvp = jax.random.normal(k5, (4, 4, 4), dtype=jnp.float32)
    return {"positions": positions, "texcoords": texcoords, "pos_indexes": pos_indexes, "uv_indexes": uv_indexes, "mvp": mvp}


def reference(positions, texcoords, pos_indexes, uv_indexes, mvp):
    # Core of GeometryModule.frustum_cull: per-vertex normals via face-normal
    # scatter-add, then per-vertex tangents via UV-space scatter-add.
    # mvp only determines how many identical views are replicated in torch;
    # the geometric computation does not depend on its values.
    nrm = _auto_normals(positions, pos_indexes)
    tng = _compute_tangents(positions, nrm, pos_indexes, texcoords, uv_indexes)
    return jnp.stack([nrm, tng], axis=0)

if __name__ == "__main__":
    import jax
    _d = setup_inputs()
    print(jax.jit(kernel)(*tuple(_d.values())))

</pallas_src>

<mosaic_0001>
#map = affine_map<(d0, d1) -> (0)>
#map1 = affine_map<(d0, d1) -> (0, 0, 0, 0)>
#map2 = affine_map<(d0, d1) -> (0, 0, 0)>
module attributes {stable_mosaic.version = 14 : i64} {
  func.func @k(%arg0: i32, %arg1: i32, %arg2: memref<100352xf32, #tpu.memory_space<hbm>>, %arg3: memref<100352xf32, #tpu.memory_space<hbm>>, %arg4: memref<100352xf32, #tpu.memory_space<hbm>>, %arg5: memref<120064xf32, #tpu.memory_space<hbm>>, %arg6: memref<120064xf32, #tpu.memory_space<hbm>>, %arg7: memref<3x32x50x128xi32, #tpu.memory_space<hbm>>, %arg8: memref<3x32x50x128xi32, #tpu.memory_space<hbm>>, %arg9: memref<7504xf32, #tpu.memory_space<hbm>>, %arg10: memref<2x6x100352xf32, #tpu.memory_space<hbm>>, %arg11: memref<50x128xi32, #tpu.memory_space<vmem>>, %arg12: memref<50x128xi32, #tpu.memory_space<vmem>>, %arg13: memref<50x128xi32, #tpu.memory_space<vmem>>, %arg14: memref<50x128xi32, #tpu.memory_space<vmem>>, %arg15: memref<50x128xi32, #tpu.memory_space<vmem>>, %arg16: memref<50x128xi32, #tpu.memory_space<vmem>>, %arg17: memref<128xf32, #tpu.memory_space<vmem>>, %arg18: memref<128xf32, #tpu.memory_space<vmem>>, %arg19: memref<128xf32, #tpu.memory_space<vmem>>, %arg20: memref<128xf32, #tpu.memory_space<vmem>>, %arg21: memref<128xf32, #tpu.memory_space<vmem>>, %arg22: memref<128xf32, #tpu.memory_space<vmem>>, %arg23: memref<128xf32, #tpu.memory_space<vmem>>, %arg24: memref<128xf32, #tpu.memory_space<vmem>>, %arg25: memref<128xf32, #tpu.memory_space<vmem>>, %arg26: memref<128xf32, #tpu.memory_space<vmem>>, %arg27: memref<128xf32, #tpu.memory_space<vmem>>, %arg28: memref<128xf32, #tpu.memory_space<vmem>>, %arg29: memref<128xf32, #tpu.memory_space<vmem>>, %arg30: memref<128xf32, #tpu.memory_space<vmem>>, %arg31: memref<128xf32, #tpu.memory_space<vmem>>, %arg32: memref<128xf32, #tpu.memory_space<vmem>>, %arg33: memref<128xf32, #tpu.memory_space<vmem>>, %arg34: memref<128xf32, #tpu.memory_space<vmem>>, %arg35: memref<128xf32, #tpu.memory_space<vmem>>, %arg36: memref<128xf32, #tpu.memory_space<vmem>>, %arg37: memref<128xf32, #tpu.memory_space<vmem>>, %arg38: memref<128xf32, #tpu.memory_space<vmem>>, %arg39: memref<128xf32, #tpu.memory_space<vmem>>, %arg40: memref<128xf32, #tpu.memory_space<vmem>>, %arg41: memref<128xf32, #tpu.memory_space<vmem>>, %arg42: memref<128xf32, #tpu.memory_space<vmem>>, %arg43: memref<128xf32, #tpu.memory_space<vmem>>, %arg44: memref<128xf32, #tpu.memory_space<vmem>>, %arg45: memref<128xf32, #tpu.memory_space<vmem>>, %arg46: memref<128xf32, #tpu.memory_space<vmem>>, %arg47: memref<128xf32, #tpu.memory_space<vmem>>, %arg48: memref<128xf32, #tpu.memory_space<vmem>>, %arg49: memref<128xf32, #tpu.memory_space<vmem>>, %arg50: memref<128xf32, #tpu.memory_space<vmem>>, %arg51: memref<128xf32, #tpu.memory_space<vmem>>, %arg52: memref<128xf32, #tpu.memory_space<vmem>>, %arg53: memref<128xf32, #tpu.memory_space<vmem>>, %arg54: memref<128xf32, #tpu.memory_space<vmem>>, %arg55: memref<128xf32, #tpu.memory_space<vmem>>, %arg56: memref<128xf32, #tpu.memory_space<vmem>>, %arg57: memref<128xf32, #tpu.memory_space<vmem>>, %arg58: memref<128xf32, #tpu.memory_space<vmem>>, %arg59: memref<100352xf32, #tpu.memory_space<vmem_shared>>, %arg60: memref<100352xf32, #tpu.memory_space<vmem_shared>>, %arg61: memref<100352xf32, #tpu.memory_space<vmem_shared>>, %arg62: memref<120064xf32, #tpu.memory_space<vmem_shared>>, %arg63: memref<120064xf32, #tpu.memory_space<vmem_shared>>, %arg64: memref<100352xf32, #tpu.memory_space<vmem_shared>>, %arg65: memref<100352xf32, #tpu.memory_space<vmem_shared>>, %arg66: memref<100352xf32, #tpu.memory_space<vmem_shared>>, %arg67: memref<100352xf32, #tpu.memory_space<vmem_shared>>, %arg68: memref<100352xf32, #tpu.memory_space<vmem_shared>>, %arg69: memref<100352xf32, #tpu.memory_space<vmem_shared>>, %arg70: memref<7504xf32, #tpu.memory_space<vmem>>, %arg71: memref<!tpu.dma_semaphore, #tpu.memory_space<semaphore_mem>>, %arg72: memref<!tpu.dma_semaphore, #tpu.memory_space<semaphore_mem>>, %arg73: memref<!tpu.dma_semaphore, #tpu.memory_space<semaphore_mem>>) attributes {dimension_semantics = [#tpu.dimension_semantics<core_parallel>, #tpu.dimension_semantics<subcore_parallel>], iteration_bounds = array<i64: 2, 16>, scalar_prefetch = 0 : i64, scratch_operands = 63 : i64, tpu.core_type = #tpu.core_type<sc_vector_subcore>, window_params = [{transform_indices = #map}, {transform_indices = #map}, {transform_indices = #map}, {transform_indices = #map}, {transform_indices = #map}, {transform_indices = #map1}, {transform_indices = #map1}, {transform_indices = #map}, {transform_indices = #map2}]} {
    %mul3A = arith.constant 16 : i32
    %mul3A_0 = arith.muli %arg0, %mul3A : i32
    %add3A = arith.addi %mul3A_0, %arg1 : i32
    %mul3A_1 = arith.constant 6272 : i32
    %mul3A_2 = arith.muli %arg1, %mul3A_1 : i32
    %dma_start3A = tpu.memref_slice %arg64[%mul3A_2] : memref<100352xf32, #tpu.memory_space<vmem_shared>> -> memref<6272xf32, #tpu.memory_space<vmem_shared>>
    %dma_start3A_3 = arith.constant 0 : i32
    %dma_start3A_4 = tpu.memref_slice %arg9[%dma_start3A_3] : memref<7504xf32, #tpu.memory_space<hbm>> -> memref<6272xf32, #tpu.memory_space<hbm>>
    tpu.enqueue_dma source(%dma_start3A_4 : memref<6272xf32, #tpu.memory_space<hbm>>) target(%dma_start3A : memref<6272xf32, #tpu.memory_space<vmem_shared>>) target_semaphore(%arg72 : memref<!tpu.dma_semaphore, #tpu.memory_space<semaphore_mem>>)
    %mul3A_5 = arith.constant 6272 : i32
    %mul3A_6 = arith.muli %arg1, %mul3A_5 : i32
    %dma_start3A_7 = tpu.memref_slice %arg65[%mul3A_6] : memref<100352xf32, #tpu.memory_space<vmem_shared>> -> memref<6272xf32, #tpu.memory_space<vmem_shared>>
    %dma_start3A_8 = arith.constant 0 : i32
    %dma_start3A_9 = tpu.memref_slice %arg9[%dma_start3A_8] : memref<7504xf32, #tpu.memory_space<hbm>> -> memref<6272xf32, #tpu.memory_space<hbm>>
    tpu.enqueue_dma source(%dma_start3A_9 : memref<6272xf32, #tpu.memory_space<hbm>>) target(%dma_start3A_7 : memref<6272xf32, #tpu.memory_space<vmem_shared>>) target_semaphore(%arg72 : memref<!tpu.dma_semaphore, #tpu.memory_space<semaphore_mem>>)
    %mul3A_10 = arith.constant 6272 : i32
    %mul3A_11 = arith.muli %arg1, %mul3A_10 : i32
    %dma_start3A_12 = tpu.memref_slice %arg66[%mul3A_11] : memref<100352xf32, #tpu.memory_space<vmem_shared>> -> memref<6272xf32, #tpu.memory_space<vmem_shared>>
    %dma_start3A_13 = arith.constant 0 : i32
    %dma_start3A_14 = tpu.memref_slice %arg9[%dma_start3A_13] : memref<7504xf32, #tpu.memory_space<hbm>> -> memref<6272xf32, #tpu.memory_space<hbm>>
    tpu.enqueue_dma source(%dma_start3A_14 : memref<6272xf32, #tpu.memory_space<hbm>>) target(%dma_start3A_12 : memref<6272xf32, #tpu.memory_space<vmem_shared>>) target_semaphore(%arg72 : memref<!tpu.dma_semaphore, #tpu.memory_space<semaphore_mem>>)
    %mul3A_15 = arith.constant 6272 : i32
    %mul3A_16 = arith.muli %arg1, %mul3A_15 : i32
    %dma_start3A_17 = tpu.memref_slice %arg67[%mul3A_16] : memref<100352xf32, #tpu.memory_space<vmem_shared>> -> memref<6272xf32, #tpu.memory_space<vmem_shared>>
    %dma_start3A_18 = arith.constant 0 : i32
    %dma_start3A_19 = tpu.memref_slice %arg9[%dma_start3A_18] : memref<7504xf32, #tpu.memory_space<hbm>> -> memref<6272xf32, #tpu.memory_space<hbm>>
    tpu.enqueue_dma source(%dma_start3A_19 : memref<6272xf32, #tpu.memory_space<hbm>>) target(%dma_start3A_17 : memref<6272xf32, #tpu.memory_space<vmem_shared>>) target_semaphore(%arg72 : memref<!tpu.dma_semaphore, #tpu.memory_space<semaphore_mem>>)
    %mul3A_20 = arith.constant 6272 : i32
    %mul3A_21 = arith.muli %arg1, %mul3A_20 : i32
    %dma_start3A_22 = tpu.memref_slice %arg68[%mul3A_21] : memref<100352xf32, #tpu.memory_space<vmem_shared>> -> memref<6272xf32, #tpu.memory_space<vmem_shared>>
    %dma_start3A_23 = arith.constant 0 : i32
    %dma_start3A_24 = tpu.memref_slice %arg9[%dma_start3A_23] : memref<7504xf32, #tpu.memory_space<hbm>> -> memref<6272xf32, #tpu.memory_space<hbm>>
    tpu.enqueue_dma source(%dma_start3A_24 : memref<6272xf32, #tpu.memory_space<hbm>>) target(%dma_start3A_22 : memref<6272xf32, #tpu.memory_space<vmem_shared>>) target_semaphore(%arg72 : memref<!tpu.dma_semaphore, #tpu.memory_space<semaphore_mem>>)
    %mul3A_25 = arith.constant 6272 : i32
    %mul3A_26 = arith.muli %arg1, %mul3A_25 : i32
    %dma_start3A_27 = tpu.memref_slice %arg69[%mul3A_26] : memref<100352xf32, #tpu.memory_space<vmem_shared>> -> memref<6272xf32, #tpu.memory_space<vmem_shared>>
    %dma_start3A_28 = arith.constant 0 : i32
    %dma_start3A_29 = tpu.memref_slice %arg9[%dma_start3A_28] : memref<7504xf32, #tpu.memory_space<hbm>> -> memref<6272xf32, #tpu.memory_space<hbm>>
    tpu.enqueue_dma source(%dma_start3A_29 : memref<6272xf32, #tpu.memory_space<hbm>>) target(%dma_start3A_27 : memref<6272xf32, #tpu.memory_space<vmem_shared>>) target_semaphore(%arg72 : memref<!tpu.dma_semaphore, #tpu.memory_space<semaphore_mem>>)
    %dma_start3A_30 = arith.constant 0 : i32
    %dma_start3A_31 = arith.constant 0 : i32
    %dma_start3A_32 = arith.constant 0 : i32
    %dma_start3A_33 = tpu.memref_slice %arg7[%dma_start3A_30, %add3A, %dma_start3A_31, %dma_start3A_32] : memref<3x32x50x128xi32, #tpu.memory_space<hbm>> -> memref<1x1x50x128xi32, #tpu.memory_space<hbm>>
    %dma_start3A_34 = tpu.memref_squeeze %dma_start3A_33 : memref<1x1x50x128xi32, #tpu.memory_space<hbm>> -> memref<50x128xi32, #tpu.memory_space<hbm>>
    %dma_start3A_35 = arith.constant 0 : i32
    %dma_start3A_36 = arith.constant 0 : i32
    %dma_start3A_37 = tpu.memref_slice %arg7[%dma_start3A_30, %add3A, %dma_start3A_35, %dma_start3A_36] : memref<3x32x50x128xi32, #tpu.memory_space<hbm>> -> memref<1x1x50x128xi32, #tpu.memory_space<hbm>>
    %dma_start3A_38 = tpu.memref_squeeze %dma_start3A_37 : memref<1x1x50x128xi32, #tpu.memory_space<hbm>> -> memref<50x128xi32, #tpu.memory_space<hbm>>
    tpu.enqueue_dma source(%dma_start3A_38 : memref<50x128xi32, #tpu.memory_space<hbm>>) target(%arg11 : memref<50x128xi32, #tpu.memory_space<vmem>>) target_semaphore(%arg72 : memref<!tpu.dma_semaphore, #tpu.memory_space<semaphore_mem>>)
    %dma_start3A_39 = arith.constant 0 : i32
    %dma_start3A_40 = arith.constant 0 : i32
    %dma_start3A_41 = arith.constant 0 : i32
    %dma_start3A_42 = tpu.memref_slice %arg8[%dma_start3A_39, %add3A, %dma_start3A_40, %dma_start3A_41] : memref<3x32x50x128xi32, #tpu.memory_space<hbm>> -> memref<1x1x50x128xi32, #tpu.memory_space<hbm>>
    %dma_start3A_43 = tpu.memref_squeeze %dma_start3A_42 : memref<1x1x50x128xi32, #tpu.memory_space<hbm>> -> memref<50x128xi32, #tpu.memory_space<hbm>>
    %dma_start3A_44 = arith.constant 0 : i32
    %dma_start3A_45 = arith.constant 0 : i32
    %dma_start3A_46 = tpu.memref_slice %arg8[%dma_start3A_39, %add3A, %dma_start3A_44, %dma_start3A_45] : memref<3x32x50x128xi32, #tpu.memory_space<hbm>> -> memref<1x1x50x128xi32, #tpu.memory_space<hbm>>
    %dma_start3A_47 = tpu.memref_squeeze %dma_start3A_46 : memref<1x1x50x128xi32, #tpu.memory_space<hbm>> -> memref<50x128xi32, #tpu.memory_space<hbm>>
    tpu.enqueue_dma source(%dma_start3A_47 : memref<50x128xi32, #tpu.memory_space<hbm>>) target(%arg14 : memref<50x128xi32, #tpu.memory_space<vmem>>) target_semaphore(%arg72 : memref<!tpu.dma_semaphore, #tpu.memory_space<semaphore_mem>>)
    %dma_start3A_48 = arith.constant 1 : i32
    %dma_start3A_49 = arith.constant 0 : i32
    %dma_start3A_50 = arith.constant 0 : i32
    %dma_start3A_51 = tpu.memref_slice %arg7[%dma_start3A_48, %add3A, %dma_start3A_49, %dma_start3A_50] : memref<3x32x50x128xi32, #tpu.memory_space<hbm>> -> memref<1x1x50x128xi32, #tpu.memory_space<hbm>>
    %dma_start3A_52 = tpu.memref_squeeze %dma_start3A_51 : memref<1x1x50x128xi32, #tpu.memory_space<hbm>> -> memref<50x128xi32, #tpu.memory_space<hbm>>
    %dma_start3A_53 = arith.constant 0 : i32
    %dma_start3A_54 = arith.constant 0 : i32
    %dma_start3A_55 = tpu.memref_slice %arg7[%dma_start3A_48, %add3A, %dma_start3A_53, %dma_start3A_54] : memref<3x32x50x128xi32, #tpu.memory_space<hbm>> -> memref<1x1x50x128xi32, #tpu.memory_space<hbm>>
    %dma_start3A_56 = tpu.memref_squeeze %dma_start3A_55 : memref<1x1x50x128xi32, #tpu.memory_space<hbm>> -> memref<50x128xi32, #tpu.memory_space<hbm>>
    tpu.enqueue_dma source(%dma_start3A_56 : memref<50x128xi32, #tpu.memory_space<hbm>>) target(%arg12 : memref<50x128xi32, #tpu.memory_space<vmem>>) target_semaphore(%arg72 : memref<!tpu.dma_semaphore, #tpu.memory_space<semaphore_mem>>)
    %dma_start3A_57 = arith.constant 1 : i32
    %dma_start3A_58 = arith.constant 0 : i32
    %dma_start3A_59 = arith.constant 0 : i32
    %dma_start3A_60 = tpu.memref_slice %arg8[%dma_start3A_57, %add3A, %dma_start3A_58, %dma_start3A_59] : memref<3x32x50x128xi32, #tpu.memory_space<hbm>> -> memref<1x1x50x128xi32, #tpu.memory_space<hbm>>
    %dma_start3A_61 = tpu.memref_squeeze %dma_start3A_60 : memref<1x1x50x128xi32, #tpu.memory_space<hbm>> -> memref<50x128xi32, #tpu.memory_space<hbm>>
    %dma_start3A_62 = arith.constant 0 : i32
    %dma_start3A_63 = arith.constant 0 : i32
    %dma_start3A_64 = tpu.memref_slice %arg8[%dma_start3A_57, %add3A, %dma_start3A_62, %dma_start3A_63] : memref<3x32x50x128xi32, #tpu.memory_space<hbm>> -> memref<1x1x50x128xi32, #tpu.memory_space<hbm>>
    %dma_start3A_65 = tpu.memref_squeeze %dma_start3A_64 : memref<1x1x50x128xi32, #tpu.memory_space<hbm>> -> memref<50x128xi32, #tpu.memory_space<hbm>>
    tpu.enqueue_dma source(%dma_start3A_65 : memref<50x128xi32, #tpu.memory_space<hbm>>) target(%arg15 : memref<50x128xi32, #tpu.memory_space<vmem>>) target_semaphore(%arg72 : memref<!tpu.dma_semaphore, #tpu.memory_space<semaphore_mem>>)
    %dma_start3A_66 = arith.constant 2 : i32
    %dma_start3A_67 = arith.constant 0 : i32
    %dma_start3A_68 = arith.constant 0 : i32
    %dma_start3A_69 = tpu.memref_slice %arg7[%dma_start3A_66, %add3A, %dma_start3A_67, %dma_start3A_68] : memref<3x32x50x128xi32, #tpu.memory_space<hbm>> -> memref<1x1x50x128xi32, #tpu.memory_space<hbm>>
    %dma_start3A_70 = tpu.memref_squeeze %dma_start3A_69 : memref<1x1x50x128xi32, #tpu.memory_space<hbm>> -> memref<50x128xi32, #tpu.memory_space<hbm>>
    %dma_start3A_71 = arith.constant 0 : i32
    %dma_start3A_72 = arith.constant 0 : i32
    %dma_start3A_73 = tpu.memref_slice %arg7[%dma_start3A_66, %add3A, %dma_start3A_71, %dma_start3A_72] : memref<3x32x50x128xi32, #tpu.memory_space<hbm>> -> memref<1x1x50x128xi32, #tpu.memory_space<hbm>>
    %dma_start3A_74 = tpu.memref_squeeze %dma_start3A_73 : memref<1x1x50x128xi32, #tpu.memory_space<hbm>> -> memref<50x128xi32, #tpu.memory_space<hbm>>
    tpu.enqueue_dma source(%dma_start3A_74 : memref<50x128xi32, #tpu.memory_space<hbm>>) target(%arg13 : memref<50x128xi32, #tpu.memory_space<vmem>>) target_semaphore(%arg72 : memref<!tpu.dma_semaphore, #tpu.memory_space<semaphore_mem>>)
    %dma_start3A_75 = arith.constant 2 : i32
    %dma_start3A_76 = arith.constant 0 : i32
    %dma_start3A_77 = arith.constant 0 : i32
    %dma_start3A_78 = tpu.memref_slice %arg8[%dma_start3A_75, %add3A, %dma_start3A_76, %dma_start3A_77] : memref<3x32x50x128xi32, #tpu.memory_space<hbm>> -> memref<1x1x50x128xi32, #tpu.memory_space<hbm>>
    %dma_start3A_79 = tpu.memref_squeeze %dma_start3A_78 : memref<1x1x50x128xi32, #tpu.memory_space<hbm>> -> memref<50x128xi32, #tpu.memory_space<hbm>>
    %dma_start3A_80 = arith.constant 0 : i32
    %dma_start3A_81 = arith.constant 0 : i32
    %dma_start3A_82 = tpu.memref_slice %arg8[%dma_start3A_75, %add3A, %dma_start3A_80, %dma_start3A_81] : memref<3x32x50x128xi32, #tpu.memory_space<hbm>> -> memref<1x1x50x128xi32, #tpu.memory_space<hbm>>
    %dma_start3A_83 = tpu.memref_squeeze %dma_start3A_82 : memref<1x1x50x128xi32, #tpu.memory_space<hbm>> -> memref<50x128xi32, #tpu.memory_space<hbm>>
    tpu.enqueue_dma source(%dma_start3A_83 : memref<50x128xi32, #tpu.memory_space<hbm>>) target(%arg16 : memref<50x128xi32, #tpu.memory_space<vmem>>) target_semaphore(%arg72 : memref<!tpu.dma_semaphore, #tpu.memory_space<semaphore_mem>>)
    %mul3A_84 = arith.constant 6272 : i32
    %mul3A_85 = arith.muli %arg1, %mul3A_84 : i32
    %mul3A_86 = arith.constant 7504 : i32
    %mul3A_87 = arith.muli %arg1, %mul3A_86 : i32
    "tpu.region"() ({
      %run_scoped3A = tpu.sem_alloc : memref<!tpu.dma_semaphore, #tpu.memory_space<semaphore_mem>>
      %dma_start3A_320 = arith.constant 0 : i32
      %dma_start3A_321 = tpu.memref_slice %arg70[%dma_start3A_320] : memref<7504xf32, #tpu.memory_space<vmem>> -> memref<6272xf32, #tpu.memory_space<vmem>>
      %dma_start3A_322 = tpu.memref_slice %arg2[%mul3A_85] : memref<100352xf32, #tpu.memory_space<hbm>> -> memref<6272xf32, #tpu.memory_space<hbm>>
      %dma_start3A_323 = arith.constant 0 : i32
      %dma_start3A_324 = tpu.memref_slice %arg70[%dma_start3A_323] : memref<7504xf32, #tpu.memory_space<vmem>> -> memref<6272xf32, #tpu.memory_space<vmem>>
      %dma_start3A_325 = tpu.memref_slice %arg2[%mul3A_85] : memref<100352xf32, #tpu.memory_space<hbm>> -> memref<6272xf32, #tpu.memory_space<hbm>>
      tpu.enqueue_dma source(%dma_start3A_325 : memref<6272xf32, #tpu.memory_space<hbm>>) target(%dma_start3A_324 : memref<6272xf32, #tpu.memory_space<vmem>>) target_semaphore(%run_scoped3A : memref<!tpu.dma_semaphore, #tpu.memory_space<semaphore_mem>>)
      %dma_wait3A_326 = arith.constant 0 : i32
      %dma_wait3A_327 = tpu.memref_slice %arg70[%dma_wait3A_326] : memref<7504xf32, #tpu.memory_space<vmem>> -> memref<6272xf32, #tpu.memory_space<vmem>>
      %dma_wait3A_328 = tpu.memref_slice %arg2[%mul3A_85] : memref<100352xf32, #tpu.memory_space<hbm>> -> memref<6272xf32, #tpu.memory_space<hbm>>
      %dma_wait3A_329 = arith.constant 0 : i32
      %dma_wait3A_330 = tpu.memref_slice %arg70[%dma_wait3A_329] : memref<7504xf32, #tpu.memory_space<vmem>> -> memref<6272xf32, #tpu.memory_space<vmem>>
      %dma_wait3A_331 = tpu.memref_slice %arg2[%mul3A_85] : memref<100352xf32, #tpu.memory_space<hbm>> -> memref<6272xf32, #tpu.memory_space<hbm>>
      tpu.wait_dma2 semaphore(%run_scoped3A : memref<!tpu.dma_semaphore, #tpu.memory_space<semaphore_mem>>) src(%dma_wait3A_331 : memref<6272xf32, #tpu.memory_space<hbm>>) dst(%dma_wait3A_330 : memref<6272xf32, #tpu.memory_space<vmem>>)
      tpu.yield
    }) : () -> ()
    "tpu.region"() ({
      %run_scoped3A = tpu.sem_alloc : memref<!tpu.dma_semaphore, #tpu.memory_space<semaphore_mem>>
      %dma_start3A_320 = arith.constant 0 : i32
      %dma_start3A_321 = tpu.memref_slice %arg70[%dma_start3A_320] : memref<7504xf32, #tpu.memory_space<vmem>> -> memref<6272xf32, #tpu.memory_space<vmem>>
      %dma_start3A_322 = tpu.memref_slice %arg59[%mul3A_85] : memref<100352xf32, #tpu.memory_space<vmem_shared>> -> memref<6272xf32, #tpu.memory_space<vmem_shared>>
      %dma_start3A_323 = tpu.memref_slice %arg59[%mul3A_85] : memref<100352xf32, #tpu.memory_space<vmem_shared>> -> memref<6272xf32, #tpu.memory_space<vmem_shared>>
      %dma_start3A_324 = arith.constant 0 : i32
      %dma_start3A_325 = tpu.memref_slice %arg70[%dma_start3A_324] : memref<7504xf32, #tpu.memory_space<vmem>> -> memref<6272xf32, #tpu.memory_space<vmem>>
      tpu.enqueue_dma source(%dma_start3A_325 : memref<6272xf32, #tpu.memory_space<vmem>>) target(%dma_start3A_323 : memref<6272xf32, #tpu.memory_space<vmem_shared>>) target_semaphore(%run_scoped3A : memref<!tpu.dma_semaphore, #tpu.memory_space<semaphore_mem>>)
      %dma_wait3A_326 = arith.constant 0 : i32
      %dma_wait3A_327 = tpu.memref_slice %arg70[%dma_wait3A_326] : memref<7504xf32, #tpu.memory_space<vmem>> -> memref<6272xf32, #tpu.memory_space<vmem>>
      %dma_wait3A_328 = tpu.memref_slice %arg59[%mul3A_85] : memref<100352xf32, #tpu.memory_space<vmem_shared>> -> memref<6272xf32, #tpu.memory_space<vmem_shared>>
      %dma_wait3A_329 = tpu.memref_slice %arg59[%mul3A_85] : memref<100352xf32, #tpu.memory_space<vmem_shared>> -> memref<6272xf32, #tpu.memory_space<vmem_shared>>
      %dma_wait3A_330 = arith.constant 0 : i32
      %dma_wait3A_331 = tpu.memref_slice %arg70[%dma_wait3A_330] : memref<7504xf32, #tpu.memory_space<vmem>> -> memref<6272xf32, #tpu.memory_space<vmem>>
      tpu.wait_dma2 semaphore(%run_scoped3A : memref<!tpu.dma_semaphore, #tpu.memory_space<semaphore_mem>>) src(%dma_wait3A_331 : memref<6272xf32, #tpu.memory_space<vmem>>) dst(%dma_wait3A_329 : memref<6272xf32, #tpu.memory_space<vmem_shared>>)
      tpu.yield
    }) : () -> ()
    "tpu.region"() ({
      %run_scoped3A = tpu.sem_alloc : memref<!tpu.dma_semaphore, #tpu.memory_space<semaphore_mem>>
      %dma_start3A_320 = arith.constant 0 : i32
      %dma_start3A_321 = tpu.memref_slice %arg70[%dma_start3A_320] : memref<7504xf32, #tpu.memory_space<vmem>> -> memref<6272xf32, #tpu.memory_space<vmem>>
      %dma_start3A_322 = tpu.memref_slice %arg3[%mul3A_85] : memref<100352xf32, #tpu.memory_space<hbm>> -> memref<6272xf32, #tpu.memory_space<hbm>>
      %dma_start3A_323 = arith.constant 0 : i32
      %dma_start3A_324 = tpu.memref_slice %arg70[%dma_start3A_323] : memref<7504xf32, #tpu.memory_space<vmem>> -> memref<6272xf32, #tpu.memory_space<vmem>>
      %dma_start3A_325 = tpu.memref_slice %arg3[%mul3A_85] : memref<100352xf32, #tpu.memory_space<hbm>> -> memref<6272xf32, #tpu.memory_space<hbm>>
      tpu.enqueue_dma source(%dma_start3A_325 : memref<6272xf32, #tpu.memory_space<hbm>>) target(%dma_start3A_324 : memref<6272xf32, #tpu.memory_space<vmem>>) target_semaphore(%run_scoped3A : memref<!tpu.dma_semaphore, #tpu.memory_space<semaphore_mem>>)
      %dma_wait3A_326 = arith.constant 0 : i32
      %dma_wait3A_327 = tpu.memref_slice %arg70[%dma_wait3A_326] : memref<7504xf32, #tpu.memory_space<vmem>> -> memref<6272xf32, #tpu.memory_space<vmem>>
      %dma_wait3A_328 = tpu.memref_slice %arg3[%mul3A_85] : memref<100352xf32, #tpu.memory_space<hbm>> -> memref<6272xf32, #tpu.memory_space<hbm>>
      %dma_wait3A_329 = arith.constant 0 : i32
      %dma_wait3A_330 = tpu.memref_slice %arg70[%dma_wait3A_329] : memref<7504xf32, #tpu.memory_space<vmem>> -> memref<6272xf32, #tpu.memory_space<vmem>>
      %dma_wait3A_331 = tpu.memref_slice %arg3[%mul3A_85] : memref<100352xf32, #tpu.memory_space<hbm>> -> memref<6272xf32, #tpu.memory_space<hbm>>
      tpu.wait_dma2 semaphore(%run_scoped3A : memref<!tpu.dma_semaphore, #tpu.memory_space<semaphore_mem>>) src(%dma_wait3A_331 : memref<6272xf32, #tpu.memory_space<hbm>>) dst(%dma_wait3A_330 : memref<6272xf32, #tpu.memory_space<vmem>>)
      tpu.yield
    }) : () -> ()
    "tpu.region"() ({
      %run_scoped3A = tpu.sem_alloc : memref<!tpu.dma_semaphore, #tpu.memory_space<semaphore_mem>>
      %dma_start3A_320 = arith.constant 0 : i32
      %dma_start3A_321 = tpu.memref_slice %arg70[%dma_start3A_320] : memref<7504xf32, #tpu.memory_space<vmem>> -> memref<6272xf32, #tpu.memory_space<vmem>>
      %dma_start3A_322 = tpu.memref_slice %arg60[%mul3A_85] : memref<100352xf32, #tpu.memory_space<vmem_shared>> -> memref<6272xf32, #tpu.memory_space<vmem_shared>>
      %dma_start3A_323 = tpu.memref_slice %arg60[%mul3A_85] : memref<100352xf32, #tpu.memory_space<vmem_shared>> -> memref<6272xf32, #tpu.memory_space<vmem_shared>>
      %dma_start3A_324 = arith.constant 0 : i32
      %dma_start3A_325 = tpu.memref_slice %arg70[%dma_start3A_324] : memref<7504xf32, #tpu.memory_space<vmem>> -> memref<6272xf32, #tpu.memory_space<vmem>>
      tpu.enqueue_dma source(%dma_start3A_325 : memref<6272xf32, #tpu.memory_space<vmem>>) target(%dma_start3A_323 : memref<6272xf32, #tpu.memory_space<vmem_shared>>) target_semaphore(%run_scoped3A : memref<!tpu.dma_semaphore, #tpu.memory_space<semaphore_mem>>)
      %dma_wait3A_326 = arith.constant 0 : i32
      %dma_wait3A_327 = tpu.memref_slice %arg70[%dma_wait3A_326] : memref<7504xf32, #tpu.memory_space<vmem>> -> memref<6272xf32, #tpu.memory_space<vmem>>
      %dma_wait3A_328 = tpu.memref_slice %arg60[%mul3A_85] : memref<100352xf32, #tpu.memory_space<vmem_shared>> -> memref<6272xf32, #tpu.memory_space<vmem_shared>>
      %dma_wait3A_329 = tpu.memref_slice %arg60[%mul3A_85] : memref<100352xf32, #tpu.memory_space<vmem_shared>> -> memref<6272xf32, #tpu.memory_space<vmem_shared>>
      %dma_wait3A_330 = arith.constant 0 : i32
      %dma_wait3A_331 = tpu.memref_slice %arg70[%dma_wait3A_330] : memref<7504xf32, #tpu.memory_space<vmem>> -> memref<6272xf32, #tpu.memory_space<vmem>>
      tpu.wait_dma2 semaphore(%run_scoped3A : memref<!tpu.dma_semaphore, #tpu.memory_space<semaphore_mem>>) src(%dma_wait3A_331 : memref<6272xf32, #tpu.memory_space<vmem>>) dst(%dma_wait3A_329 : memref<6272xf32, #tpu.memory_space<vmem_shared>>)
      tpu.yield
    }) : () -> ()
    "tpu.region"() ({
      %run_scoped3A = tpu.sem_alloc : memref<!tpu.dma_semaphore, #tpu.memory_space<semaphore_mem>>
      %dma_start3A_320 = arith.constant 0 : i32
      %dma_start3A_321 = tpu.memref_slice %arg70[%dma_start3A_320] : memref<7504xf32, #tpu.memory_space<vmem>> -> memref<6272xf32, #tpu.memory_space<vmem>>
      %dma_start3A_322 = tpu.memref_slice %arg4[%mul3A_85] : memref<100352xf32, #tpu.memory_space<hbm>> -> memref<6272xf32, #tpu.memory_space<hbm>>
      %dma_start3A_323 = arith.constant 0 : i32
      %dma_start3A_324 = tpu.memref_slice %arg70[%dma_start3A_323] : memref<7504xf32, #tpu.memory_space<vmem>> -> memref<6272xf32, #tpu.memory_space<vmem>>
      %dma_start3A_325 = tpu.memref_slice %arg4[%mul3A_85] : memref<100352xf32, #tpu.memory_space<hbm>> -> memref<6272xf32, #tpu.memory_space<hbm>>
      tpu.enqueue_dma source(%dma_start3A_325 : memref<6272xf32, #tpu.memory_space<hbm>>) target(%dma_start3A_324 : memref<6272xf32, #tpu.memory_space<vmem>>) target_semaphore(%run_scoped3A : memref<!tpu.dma_semaphore, #tpu.memory_space<semaphore_mem>>)
      %dma_wait3A_326 = arith.constant 0 : i32
      %dma_wait3A_327 = tpu.memref_slice %arg70[%dma_wait3A_326] : memref<7504xf32, #tpu.memory_space<vmem>> -> memref<6272xf32, #tpu.memory_space<vmem>>
      %dma_wait3A_328 = tpu.memref_slice %arg4[%mul3A_85] : memref<100352xf32, #tpu.memory_space<hbm>> -> memref<6272xf32, #tpu.memory_space<hbm>>
      %dma_wait3A_329 = arith.constant 0 : i32
      %dma_wait3A_330 = tpu.memref_slice %arg70[%dma_wait3A_329] : memref<7504xf32, #tpu.memory_space<vmem>> -> memref<6272xf32, #tpu.memory_space<vmem>>
      %dma_wait3A_331 = tpu.memref_slice %arg4[%mul3A_85] : memref<100352xf32, #tpu.memory_space<hbm>> -> memref<6272xf32, #tpu.memory_space<hbm>>
      tpu.wait_dma2 semaphore(%run_scoped3A : memref<!tpu.dma_semaphore, #tpu.memory_space<semaphore_mem>>) src(%dma_wait3A_331 : memref<6272xf32, #tpu.memory_space<hbm>>) dst(%dma_wait3A_330 : memref<6272xf32, #tpu.memory_space<vmem>>)
      tpu.yield
    }) : () -> ()
    "tpu.region"() ({
      %run_scoped3A = tpu.sem_alloc : memref<!tpu.dma_semaphore, #tpu.memory_space<semaphore_mem>>
      %dma_start3A_320 = arith.constant 0 : i32
      %dma_start3A_321 = tpu.memref_slice %arg70[%dma_start3A_320] : memref<7504xf32, #tpu.memory_space<vmem>> -> memref<6272xf32, #tpu.memory_space<vmem>>
      %dma_start3A_322 = tpu.memref_slice %arg61[%mul3A_85] : memref<100352xf32, #tpu.memory_space<vmem_shared>> -> memref<6272xf32, #tpu.memory_space<vmem_shared>>
      %dma_start3A_323 = tpu.memref_slice %arg61[%mul3A_85] : memref<100352xf32, #tpu.memory_space<vmem_shared>> -> memref<6272xf32, #tpu.memory_space<vmem_shared>>
      %dma_start3A_324 = arith.constant 0 : i32
      %dma_start3A_325 = tpu.memref_slice %arg70[%dma_start3A_324] : memref<7504xf32, #tpu.memory_space<vmem>> -> memref<6272xf32, #tpu.memory_space<vmem>>
      tpu.enqueue_dma source(%dma_start3A_325 : memref<6272xf32, #tpu.memory_space<vmem>>) target(%dma_start3A_323 : memref<6272xf32, #tpu.memory_space<vmem_shared>>) target_semaphore(%run_scoped3A : memref<!tpu.dma_semaphore, #tpu.memory_space<semaphore_mem>>)
      %dma_wait3A_326 = arith.constant 0 : i32
      %dma_wait3A_327 = tpu.memref_slice %arg70[%dma_wait3A_326] : memref<7504xf32, #tpu.memory_space<vmem>> -> memref<6272xf32, #tpu.memory_space<vmem>>
      %dma_wait3A_328 = tpu.memref_slice %arg61[%mul3A_85] : memref<100352xf32, #tpu.memory_space<vmem_shared>> -> memref<6272xf32, #tpu.memory_space<vmem_shared>>
      %dma_wait3A_329 = tpu.memref_slice %arg61[%mul3A_85] : memref<100352xf32, #tpu.memory_space<vmem_shared>> -> memref<6272xf32, #tpu.memory_space<vmem_shared>>
      %dma_wait3A_330 = arith.constant 0 : i32
      %dma_wait3A_331 = tpu.memref_slice %arg70[%dma_wait3A_330] : memref<7504xf32, #tpu.memory_space<vmem>> -> memref<6272xf32, #tpu.memory_space<vmem>>
      tpu.wait_dma2 semaphore(%run_scoped3A : memref<!tpu.dma_semaphore, #tpu.memory_space<semaphore_mem>>) src(%dma_wait3A_331 : memref<6272xf32, #tpu.memory_space<vmem>>) dst(%dma_wait3A_329 : memref<6272xf32, #tpu.memory_space<vmem_shared>>)
      tpu.yield
    }) : () -> ()
    "tpu.region"() ({
      %run_scoped3A = tpu.sem_alloc : memref<!tpu.dma_semaphore, #tpu.memory_space<semaphore_mem>>
      %dma_start3A_320 = arith.constant 0 : i32
      %dma_start3A_321 = tpu.memref_slice %arg70[%dma_start3A_320] : memref<7504xf32, #tpu.memory_space<vmem>> -> memref<7504xf32, #tpu.memory_space<vmem>>
      %dma_start3A_322 = tpu.memref_slice %arg5[%mul3A_87] : memref<120064xf32, #tpu.memory_space<hbm>> -> memref<7504xf32, #tpu.memory_space<hbm>>
      %dma_start3A_323 = arith.constant 0 : i32
      %dma_start3A_324 = tpu.memref_slice %arg70[%dma_start3A_323] : memref<7504xf32, #tpu.memory_space<vmem>> -> memref<7504xf32, #tpu.memory_space<vmem>>
      %dma_start3A_325 = tpu.memref_slice %arg5[%mul3A_87] : memref<120064xf32, #tpu.memory_space<hbm>> -> memref<7504xf32, #tpu.memory_space<hbm>>
      tpu.enqueue_dma source(%dma_start3A_325 : memref<7504xf32, #tpu.memory_space<hbm>>) target(%dma_start3A_324 : memref<7504xf32, #tpu.memory_space<vmem>>) target_semaphore(%run_scoped3A : memref<!tpu.dma_semaphore, #tpu.memory_space<semaphore_mem>>)
      %dma_wait3A_326 = arith.constant 0 : i32
      %dma_wait3A_327 = tpu.memref_slice %arg70[%dma_wait3A_326] : memref<7504xf32, #tpu.memory_space<vmem>> -> memref<7504xf32, #tpu.memory_space<vmem>>
      %dma_wait3A_328 = tpu.memref_slice %arg5[%mul3A_87] : memref<120064xf32, #tpu.memory_space<hbm>> -> memref<7504xf32, #tpu.memory_space<hbm>>
      %dma_wait3A_329 = arith.constant 0 : i32
      %dma_wait3A_330 = tpu.memref_slice %arg70[%dma_wait3A_329] : memref<7504xf32, #tpu.memory_space<vmem>> -> memref<7504xf32, #tpu.memory_space<vmem>>
      %dma_wait3A_331 = tpu.memref_slice %arg5[%mul3A_87] : memref<120064xf32, #tpu.memory_space<hbm>> -> memref<7504xf32, #tpu.memory_space<hbm>>
      tpu.wait_dma2 semaphore(%run_scoped3A : memref<!tpu.dma_semaphore, #tpu.memory_space<semaphore_mem>>) src(%dma_wait3A_331 : memref<7504xf32, #tpu.memory_space<hbm>>) dst(%dma_wait3A_330 : memref<7504xf32, #tpu.memory_space<vmem>>)
      tpu.yield
    }) : () -> ()
    "tpu.region"() ({
      %run_scoped3A = tpu.sem_alloc : memref<!tpu.dma_semaphore, #tpu.memory_space<semaphore_mem>>
      %dma_start3A_320 = arith.constant 0 : i32
      %dma_start3A_321 = tpu.memref_slice %arg70[%dma_start3A_320] : memref<7504xf32, #tpu.memory_space<vmem>> -> memref<7504xf32, #tpu.memory_space<vmem>>
      %dma_start3A_322 = tpu.memref_slice %arg62[%mul3A_87] : memref<120064xf32, #tpu.memory_space<vmem_shared>> -> memref<7504xf32, #tpu.memory_space<vmem_shared>>
      %dma_start3A_323 = tpu.memref_slice %arg62[%mul3A_87] : memref<120064xf32, #tpu.memory_space<vmem_shared>> -> memref<7504xf32, #tpu.memory_space<vmem_shared>>
      %dma_start3A_324 = arith.constant 0 : i32
      %dma_start3A_325 = tpu.memref_slice %arg70[%dma_start3A_324] : memref<7504xf32, #tpu.memory_space<vmem>> -> memref<7504xf32, #tpu.memory_space<vmem>>
      tpu.enqueue_dma source(%dma_start3A_325 : memref<7504xf32, #tpu.memory_space<vmem>>) target(%dma_start3A_323 : memref<7504xf32, #tpu.memory_space<vmem_shared>>) target_semaphore(%run_scoped3A : memref<!tpu.dma_semaphore, #tpu.memory_space<semaphore_mem>>)
      %dma_wait3A_326 = arith.constant 0 : i32
      %dma_wait3A_327 = tpu.memref_slice %arg70[%dma_wait3A_326] : memref<7504xf32, #tpu.memory_space<vmem>> -> memref<7504xf32, #tpu.memory_space<vmem>>
      %dma_wait3A_328 = tpu.memref_slice %arg62[%mul3A_87] : memref<120064xf32, #tpu.memory_space<vmem_shared>> -> memref<7504xf32, #tpu.memory_space<vmem_shared>>
      %dma_wait3A_329 = tpu.memref_slice %arg62[%mul3A_87] : memref<120064xf32, #tpu.memory_space<vmem_shared>> -> memref<7504xf32, #tpu.memory_space<vmem_shared>>
      %dma_wait3A_330 = arith.constant 0 : i32
      %dma_wait3A_331 = tpu.memref_slice %arg70[%dma_wait3A_330] : memref<7504xf32, #tpu.memory_space<vmem>> -> memref<7504xf32, #tpu.memory_space<vmem>>
      tpu.wait_dma2 semaphore(%run_scoped3A : memref<!tpu.dma_semaphore, #tpu.memory_space<semaphore_mem>>) src(%dma_wait3A_331 : memref<7504xf32, #tpu.memory_space<vmem>>) dst(%dma_wait3A_329 : memref<7504xf32, #tpu.memory_space<vmem_shared>>)
      tpu.yield
    }) : () -> ()
    "tpu.region"() ({
      %run_scoped3A = tpu.sem_alloc : memref<!tpu.dma_semaphore, #tpu.memory_space<semaphore_mem>>
      %dma_start3A_320 = arith.constant 0 : i32
      %dma_start3A_321 = tpu.memref_slice %arg70[%dma_start3A_320] : memref<7504xf32, #tpu.memory_space<vmem>> -> memref<7504xf32, #tpu.memory_space<vmem>>
      %dma_start3A_322 = tpu.memref_slice %arg6[%mul3A_87] : memref<120064xf32, #tpu.memory_space<hbm>> -> memref<7504xf32, #tpu.memory_space<hbm>>
      %dma_start3A_323 = arith.constant 0 : i32
      %dma_start3A_324 = tpu.memref_slice %arg70[%dma_start3A_323] : memref<7504xf32, #tpu.memory_space<vmem>> -> memref<7504xf32, #tpu.memory_space<vmem>>
      %dma_start3A_325 = tpu.memref_slice %arg6[%mul3A_87] : memref<120064xf32, #tpu.memory_space<hbm>> -> memref<7504xf32, #tpu.memory_space<hbm>>
      tpu.enqueue_dma source(%dma_start3A_325 : memref<7504xf32, #tpu.memory_space<hbm>>) target(%dma_start3A_324 : memref<7504xf32, #tpu.memory_space<vmem>>) target_semaphore(%run_scoped3A : memref<!tpu.dma_semaphore, #tpu.memory_space<semaphore_mem>>)
      %dma_wait3A_326 = arith.constant 0 : i32
      %dma_wait3A_327 = tpu.memref_slice %arg70[%dma_wait3A_326] : memref<7504xf32, #tpu.memory_space<vmem>> -> memref<7504xf32, #tpu.memory_space<vmem>>
      %dma_wait3A_328 = tpu.memref_slice %arg6[%mul3A_87] : memref<120064xf32, #tpu.memory_space<hbm>> -> memref<7504xf32, #tpu.memory_space<hbm>>
      %dma_wait3A_329 = arith.constant 0 : i32
      %dma_wait3A_330 = tpu.memref_slice %arg70[%dma_wait3A_329] : memref<7504xf32, #tpu.memory_space<vmem>> -> memref<7504xf32, #tpu.memory_space<vmem>>
      %dma_wait3A_331 = tpu.memref_slice %arg6[%mul3A_87] : memref<120064xf32, #tpu.memory_space<hbm>> -> memref<7504xf32, #tpu.memory_space<hbm>>
      tpu.wait_dma2 semaphore(%run_scoped3A : memref<!tpu.dma_semaphore, #tpu.memory_space<semaphore_mem>>) src(%dma_wait3A_331 : memref<7504xf32, #tpu.memory_space<hbm>>) dst(%dma_wait3A_330 : memref<7504xf32, #tpu.memory_space<vmem>>)
      tpu.yield
    }) : () -> ()
    "tpu.region"() ({
      %run_scoped3A = tpu.sem_alloc : memref<!tpu.dma_semaphore, #tpu.memory_space<semaphore_mem>>
      %dma_start3A_320 = arith.constant 0 : i32
      %dma_start3A_321 = tpu.memref_slice %arg70[%dma_start3A_320] : memref<7504xf32, #tpu.memory_space<vmem>> -> memref<7504xf32, #tpu.memory_space<vmem>>
      %dma_start3A_322 = tpu.memref_slice %arg63[%mul3A_87] : memref<120064xf32, #tpu.memory_space<vmem_shared>> -> memref<7504xf32, #tpu.memory_space<vmem_shared>>
      %dma_start3A_323 = tpu.memref_slice %arg63[%mul3A_87] : memref<120064xf32, #tpu.memory_space<vmem_shared>> -> memref<7504xf32, #tpu.memory_space<vmem_shared>>
      %dma_start3A_324 = arith.constant 0 : i32
      %dma_start3A_325 = tpu.memref_slice %arg70[%dma_start3A_324] : memref<7504xf32, #tpu.memory_space<vmem>> -> memref<7504xf32, #tpu.memory_space<vmem>>
      tpu.enqueue_dma source(%dma_start3A_325 : memref<7504xf32, #tpu.memory_space<vmem>>) target(%dma_start3A_323 : memref<7504xf32, #tpu.memory_space<vmem_shared>>) target_semaphore(%run_scoped3A : memref<!tpu.dma_semaphore, #tpu.memory_space<semaphore_mem>>)
      %dma_wait3A_326 = arith.constant 0 : i32
      %dma_wait3A_327 = tpu.memref_slice %arg70[%dma_wait3A_326] : memref<7504xf32, #tpu.memory_space<vmem>> -> memref<7504xf32, #tpu.memory_space<vmem>>
      %dma_wait3A_328 = tpu.memref_slice %arg63[%mul3A_87] : memref<120064xf32, #tpu.memory_space<vmem_shared>> -> memref<7504xf32, #tpu.memory_space<vmem_shared>>
      %dma_wait3A_329 = tpu.memref_slice %arg63[%mul3A_87] : memref<120064xf32, #tpu.memory_space<vmem_shared>> -> memref<7504xf32, #tpu.memory_space<vmem_shared>>
      %dma_wait3A_330 = arith.constant 0 : i32
      %dma_wait3A_331 = tpu.memref_slice %arg70[%dma_wait3A_330] : memref<7504xf32, #tpu.memory_space<vmem>> -> memref<7504xf32, #tpu.memory_space<vmem>>
      tpu.wait_dma2 semaphore(%run_scoped3A : memref<!tpu.dma_semaphore, #tpu.memory_space<semaphore_mem>>) src(%dma_wait3A_331 : memref<7504xf32, #tpu.memory_space<vmem>>) dst(%dma_wait3A_329 : memref<7504xf32, #tpu.memory_space<vmem_shared>>)
      tpu.yield
    }) : () -> ()
    %dma_wait3A = tpu.memref_slice %arg64[%mul3A_2] : memref<100352xf32, #tpu.memory_space<vmem_shared>> -> memref<6272xf32, #tpu.memory_space<vmem_shared>>
    %dma_wait3A_88 = arith.constant 0 : i32
    %dma_wait3A_89 = tpu.memref_slice %arg9[%dma_wait3A_88] : memref<7504xf32, #tpu.memory_space<hbm>> -> memref<6272xf32, #tpu.memory_space<hbm>>
    tpu.wait_dma2 semaphore(%arg72 : memref<!tpu.dma_semaphore, #tpu.memory_space<semaphore_mem>>) src(%dma_wait3A_89 : memref<6272xf32, #tpu.memory_space<hbm>>) dst(%dma_wait3A : memref<6272xf32, #tpu.memory_space<vmem_shared>>)
    %dma_wait3A_90 = tpu.memref_slice %arg65[%mul3A_6] : memref<100352xf32, #tpu.memory_space<vmem_shared>> -> memref<6272xf32, #tpu.memory_space<vmem_shared>>
    %dma_wait3A_91 = arith.constant 0 : i32
    %dma_wait3A_92 = tpu.memref_slice %arg9[%dma_wait3A_91] : memref<7504xf32, #tpu.memory_space<hbm>> -> memref<6272xf32, #tpu.memory_space<hbm>>
    tpu.wait_dma2 semaphore(%arg72 : memref<!tpu.dma_semaphore, #tpu.memory_space<semaphore_mem>>) src(%dma_wait3A_92 : memref<6272xf32, #tpu.memory_space<hbm>>) dst(%dma_wait3A_90 : memref<6272xf32, #tpu.memory_space<vmem_shared>>)
    %dma_wait3A_93 = tpu.memref_slice %arg66[%mul3A_11] : memref<100352xf32, #tpu.memory_space<vmem_shared>> -> memref<6272xf32, #tpu.memory_space<vmem_shared>>
    %dma_wait3A_94 = arith.constant 0 : i32
    %dma_wait3A_95 = tpu.memref_slice %arg9[%dma_wait3A_94] : memref<7504xf32, #tpu.memory_space<hbm>> -> memref<6272xf32, #tpu.memory_space<hbm>>
    tpu.wait_dma2 semaphore(%arg72 : memref<!tpu.dma_semaphore, #tpu.memory_space<semaphore_mem>>) src(%dma_wait3A_95 : memref<6272xf32, #tpu.memory_space<hbm>>) dst(%dma_wait3A_93 : memref<6272xf32, #tpu.memory_space<vmem_shared>>)
    %dma_wait3A_96 = tpu.memref_slice %arg67[%mul3A_16] : memref<100352xf32, #tpu.memory_space<vmem_shared>> -> memref<6272xf32, #tpu.memory_space<vmem_shared>>
    %dma_wait3A_97 = arith.constant 0 : i32
    %dma_wait3A_98 = tpu.memref_slice %arg9[%dma_wait3A_97] : memref<7504xf32, #tpu.memory_space<hbm>> -> memref<6272xf32, #tpu.memory_space<hbm>>
    tpu.wait_dma2 semaphore(%arg72 : memref<!tpu.dma_semaphore, #tpu.memory_space<semaphore_mem>>) src(%dma_wait3A_98 : memref<6272xf32, #tpu.memory_space<hbm>>) dst(%dma_wait3A_96 : memref<6272xf32, #tpu.memory_space<vmem_shared>>)
    %dma_wait3A_99 = tpu.memref_slice %arg68[%mul3A_21] : memref<100352xf32, #tpu.memory_space<vmem_shared>> -> memref<6272xf32, #tpu.memory_space<vmem_shared>>
    %dma_wait3A_100 = arith.constant 0 : i32
    %dma_wait3A_101 = tpu.memref_slice %arg9[%dma_wait3A_100] : memref<7504xf32, #tpu.memory_space<hbm>> -> memref<6272xf32, #tpu.memory_space<hbm>>
    tpu.wait_dma2 semaphore(%arg72 : memref<!tpu.dma_semaphore, #tpu.memory_space<semaphore_mem>>) src(%dma_wait3A_101 : memref<6272xf32, #tpu.memory_space<hbm>>) dst(%dma_wait3A_99 : memref<6272xf32, #tpu.memory_space<vmem_shared>>)
    %dma_wait3A_102 = tpu.memref_slice %arg69[%mul3A_26] : memref<100352xf32, #tpu.memory_space<vmem_shared>> -> memref<6272xf32, #tpu.memory_space<vmem_shared>>
    %dma_wait3A_103 = arith.constant 0 : i32
    %dma_wait3A_104 = tpu.memref_slice %arg9[%dma_wait3A_103] : memref<7504xf32, #tpu.memory_space<hbm>> -> memref<6272xf32, #tpu.memory_space<hbm>>
    tpu.wait_dma2 semaphore(%arg72 : memref<!tpu.dma_semaphore, #tpu.memory_space<semaphore_mem>>) src(%dma_wait3A_104 : memref<6272xf32, #tpu.memory_space<hbm>>) dst(%dma_wait3A_102 : memref<6272xf32, #tpu.memory_space<vmem_shared>>)
    %dma_wait3A_105 = arith.constant 0 : i32
    %dma_wait3A_106 = arith.constant 0 : i32
    %dma_wait3A_107 = arith.constant 0 : i32
    %dma_wait3A_108 = tpu.memref_slice %arg7[%dma_wait3A_105, %add3A, %dma_wait3A_106, %dma_wait3A_107] : memref<3x32x50x128xi32, #tpu.memory_space<hbm>> -> memref<1x1x50x128xi32, #tpu.memory_space<hbm>>
    %dma_wait3A_109 = tpu.memref_squeeze %dma_wait3A_108 : memref<1x1x50x128xi32, #tpu.memory_space<hbm>> -> memref<50x128xi32, #tpu.memory_space<hbm>>
    %dma_wait3A_110 = arith.constant 0 : i32
    %dma_wait3A_111 = arith.constant 0 : i32
    %dma_wait3A_112 = tpu.memref_slice %arg7[%dma_wait3A_105, %add3A, %dma_wait3A_110, %dma_wait3A_111] : memref<3x32x50x128xi32, #tpu.memory_space<hbm>> -> memref<1x1x50x128xi32, #tpu.memory_space<hbm>>
    %dma_wait3A_113 = tpu.memref_squeeze %dma_wait3A_112 : memref<1x1x50x128xi32, #tpu.memory_space<hbm>> -> memref<50x128xi32, #tpu.memory_space<hbm>>
    tpu.wait_dma2 semaphore(%arg72 : memref<!tpu.dma_semaphore, #tpu.memory_space<semaphore_mem>>) src(%dma_wait3A_113 : memref<50x128xi32, #tpu.memory_space<hbm>>) dst(%arg11 : memref<50x128xi32, #tpu.memory_space<vmem>>)
    %dma_wait3A_114 = arith.constant 0 : i32
    %dma_wait3A_115 = arith.constant 0 : i32
    %dma_wait3A_116 = arith.constant 0 : i32
    %dma_wait3A_117 = tpu.memref_slice %arg8[%dma_wait3A_114, %add3A, %dma_wait3A_115, %dma_wait3A_116] : memref<3x32x50x128xi32, #tpu.memory_space<hbm>> -> memref<1x1x50x128xi32, #tpu.memory_space<hbm>>
    %dma_wait3A_118 = tpu.memref_squeeze %dma_wait3A_117 : memref<1x1x50x128xi32, #tpu.memory_space<hbm>> -> memref<50x128xi32, #tpu.memory_space<hbm>>
    %dma_wait3A_119 = arith.constant 0 : i32
    %dma_wait3A_120 = arith.constant 0 : i32
    %dma_wait3A_121 = tpu.memref_slice %arg8[%dma_wait3A_114, %add3A, %dma_wait3A_119, %dma_wait3A_120] : memref<3x32x50x128xi32, #tpu.memory_space<hbm>> -> memref<1x1x50x128xi32, #tpu.memory_space<hbm>>
    %dma_wait3A_122 = tpu.memref_squeeze %dma_wait3A_121 : memref<1x1x50x128xi32, #tpu.memory_space<hbm>> -> memref<50x128xi32, #tpu.memory_space<hbm>>
    tpu.wait_dma2 semaphore(%arg72 : memref<!tpu.dma_semaphore, #tpu.memory_space<semaphore_mem>>) src(%dma_wait3A_122 : memref<50x128xi32, #tpu.memory_space<hbm>>) dst(%arg14 : memref<50x128xi32, #tpu.memory_space<vmem>>)
    %dma_wait3A_123 = arith.constant 1 : i32
    %dma_wait3A_124 = arith.constant 0 : i32
    %dma_wait3A_125 = arith.constant 0 : i32
    %dma_wait3A_126 = tpu.memref_slice %arg7[%dma_wait3A_123, %add3A, %dma_wait3A_124, %dma_wait3A_125] : memref<3x32x50x128xi32, #tpu.memory_space<hbm>> -> memref<1x1x50x128xi32, #tpu.memory_space<hbm>>
    %dma_wait3A_127 = tpu.memref_squeeze %dma_wait3A_126 : memref<1x1x50x128xi32, #tpu.memory_space<hbm>> -> memref<50x128xi32, #tpu.memory_space<hbm>>
    %dma_wait3A_128 = arith.constant 0 : i32
    %dma_wait3A_129 = arith.constant 0 : i32
    %dma_wait3A_130 = tpu.memref_slice %arg7[%dma_wait3A_123, %add3A, %dma_wait3A_128, %dma_wait3A_129] : memref<3x32x50x128xi32, #tpu.memory_space<hbm>> -> memref<1x1x50x128xi32, #tpu.memory_space<hbm>>
    %dma_wait3A_131 = tpu.memref_squeeze %dma_wait3A_130 : memref<1x1x50x128xi32, #tpu.memory_space<hbm>> -> memref<50x128xi32, #tpu.memory_space<hbm>>
    tpu.wait_dma2 semaphore(%arg72 : memref<!tpu.dma_semaphore, #tpu.memory_space<semaphore_mem>>) src(%dma_wait3A_131 : memref<50x128xi32, #tpu.memory_space<hbm>>) dst(%arg12 : memref<50x128xi32, #tpu.memory_space<vmem>>)
    %dma_wait3A_132 = arith.constant 1 : i32
    %dma_wait3A_133 = arith.constant 0 : i32
    %dma_wait3A_134 = arith.constant 0 : i32
    %dma_wait3A_135 = tpu.memref_slice %arg8[%dma_wait3A_132, %add3A, %dma_wait3A_133, %dma_wait3A_134] : memref<3x32x50x128xi32, #tpu.memory_space<hbm>> -> memref<1x1x50x128xi32, #tpu.memory_space<hbm>>
    %dma_wait3A_136 = tpu.memref_squeeze %dma_wait3A_135 : memref<1x1x50x128xi32, #tpu.memory_space<hbm>> -> memref<50x128xi32, #tpu.memory_space<hbm>>
    %dma_wait3A_137 = arith.constant 0 : i32
    %dma_wait3A_138 = arith.constant 0 : i32
    %dma_wait3A_139 = tpu.memref_slice %arg8[%dma_wait3A_132, %add3A, %dma_wait3A_137, %dma_wait3A_138] : memref<3x32x50x128xi32, #tpu.memory_space<hbm>> -> memref<1x1x50x128xi32, #tpu.memory_space<hbm>>
    %dma_wait3A_140 = tpu.memref_squeeze %dma_wait3A_139 : memref<1x1x50x128xi32, #tpu.memory_space<hbm>> -> memref<50x128xi32, #tpu.memory_space<hbm>>
    tpu.wait_dma2 semaphore(%arg72 : memref<!tpu.dma_semaphore, #tpu.memory_space<semaphore_mem>>) src(%dma_wait3A_140 : memref<50x128xi32, #tpu.memory_space<hbm>>) dst(%arg15 : memref<50x128xi32, #tpu.memory_space<vmem>>)
    %dma_wait3A_141 = arith.constant 2 : i32
    %dma_wait3A_142 = arith.constant 0 : i32
    %dma_wait3A_143 = arith.constant 0 : i32
    %dma_wait3A_144 = tpu.memref_slice %arg7[%dma_wait3A_141, %add3A, %dma_wait3A_142, %dma_wait3A_143] : memref<3x32x50x128xi32, #tpu.memory_space<hbm>> -> memref<1x1x50x128xi32, #tpu.memory_space<hbm>>
    %dma_wait3A_145 = tpu.memref_squeeze %dma_wait3A_144 : memref<1x1x50x128xi32, #tpu.memory_space<hbm>> -> memref<50x128xi32, #tpu.memory_space<hbm>>
    %dma_wait3A_146 = arith.constant 0 : i32
    %dma_wait3A_147 = arith.constant 0 : i32
    %dma_wait3A_148 = tpu.memref_slice %arg7[%dma_wait3A_141, %add3A, %dma_wait3A_146, %dma_wait3A_147] : memref<3x32x50x128xi32, #tpu.memory_space<hbm>> -> memref<1x1x50x128xi32, #tpu.memory_space<hbm>>
    %dma_wait3A_149 = tpu.memref_squeeze %dma_wait3A_148 : memref<1x1x50x128xi32, #tpu.memory_space<hbm>> -> memref<50x128xi32, #tpu.memory_space<hbm>>
    tpu.wait_dma2 semaphore(%arg72 : memref<!tpu.dma_semaphore, #tpu.memory_space<semaphore_mem>>) src(%dma_wait3A_149 : memref<50x128xi32, #tpu.memory_space<hbm>>) dst(%arg13 : memref<50x128xi32, #tpu.memory_space<vmem>>)
    %dma_wait3A_150 = arith.constant 2 : i32
    %dma_wait3A_151 = arith.constant 0 : i32
    %dma_wait3A_152 = arith.constant 0 : i32
    %dma_wait3A_153 = tpu.memref_slice %arg8[%dma_wait3A_150, %add3A, %dma_wait3A_151, %dma_wait3A_152] : memref<3x32x50x128xi32, #tpu.memory_space<hbm>> -> memref<1x1x50x128xi32, #tpu.memory_space<hbm>>
    %dma_wait3A_154 = tpu.memref_squeeze %dma_wait3A_153 : memref<1x1x50x128xi32, #tpu.memory_space<hbm>> -> memref<50x128xi32, #tpu.memory_space<hbm>>
    %dma_wait3A_155 = arith.constant 0 : i32
    %dma_wait3A_156 = arith.constant 0 : i32
    %dma_wait3A_157 = tpu.memref_slice %arg8[%dma_wait3A_150, %add3A, %dma_wait3A_155, %dma_wait3A_156] : memref<3x32x50x128xi32, #tpu.memory_space<hbm>> -> memref<1x1x50x128xi32, #tpu.memory_space<hbm>>
    %dma_wait3A_158 = tpu.memref_squeeze %dma_wait3A_157 : memref<1x1x50x128xi32, #tpu.memory_space<hbm>> -> memref<50x128xi32, #tpu.memory_space<hbm>>
    tpu.wait_dma2 semaphore(%arg72 : memref<!tpu.dma_semaphore, #tpu.memory_space<semaphore_mem>>) src(%dma_wait3A_158 : memref<50x128xi32, #tpu.memory_space<hbm>>) dst(%arg16 : memref<50x128xi32, #tpu.memory_space<vmem>>)
    %barrier3A = arith.constant 0 : index
    tpu.barrier barrier_id(%barrier3A)
    %dma_start3A_159 = arith.constant 0 : i32
    %dma_start3A_160 = arith.constant 0 : i32
    %dma_start3A_161 = tpu.memref_slice %arg11[%dma_start3A_159, %dma_start3A_160] : memref<50x128xi32, #tpu.memory_space<vmem>> -> memref<1x128xi32, #tpu.memory_space<vmem>>
    %dma_start3A_162 = tpu.memref_squeeze %dma_start3A_161 : memref<1x128xi32, #tpu.memory_space<vmem>> -> memref<128xi32, #tpu.memory_space<vmem>>
    %dma_start3A_163 = arith.constant 0 : i32
    %dma_start3A_164 = tpu.memref_slice %arg59[%dma_start3A_163] : memref<100352xf32, #tpu.memory_space<vmem_shared>> -> memref<100352xf32, #tpu.memory_space<vmem_shared>>
    tpu.enqueue_indirect_dma source(%dma_start3A_164 : memref<100352xf32, #tpu.memory_space<vmem_shared>>) target(%arg17 : memref<128xf32, #tpu.memory_space<vmem>>) offsets(%dma_start3A_162 : memref<128xi32, #tpu.memory_space<vmem>>) semaphore(%arg71 : memref<!tpu.dma_semaphore, #tpu.memory_space<semaphore_mem>>)
    %dma_start3A_165 = arith.constant 0 : i32
    %dma_start3A_166 = arith.constant 0 : i32
    %dma_start3A_167 = tpu.memref_slice %arg11[%dma_start3A_165, %dma_start3A_166] : memref<50x128xi32, #tpu.memory_space<vmem>> -> memref<1x128xi32, #tpu.memory_space<vmem>>
    %dma_start3A_168 = tpu.memref_squeeze %dma_start3A_167 : memref<1x128xi32, #tpu.memory_space<vmem>> -> memref<128xi32, #tpu.memory_space<vmem>>
    %dma_start3A_169 = arith.constant 0 : i32
    %dma_start3A_170 = tpu.memref_slice %arg60[%dma_start3A_169] : memref<100352xf32, #tpu.memory_space<vmem_shared>> -> memref<100352xf32, #tpu.memory_space<vmem_shared>>
    tpu.enqueue_indirect_dma source(%dma_start3A_170 : memref<100352xf32, #tpu.memory_space<vmem_shared>>) target(%arg18 : memref<128xf32, #tpu.memory_space<vmem>>) offsets(%dma_start3A_168 : memref<128xi32, #tpu.memory_space<vmem>>) semaphore(%arg71 : memref<!tpu.dma_semaphore, #tpu.memory_space<semaphore_mem>>)
    %dma_start3A_171 = arith.constant 0 : i32
    %dma_start3A_172 = arith.constant 0 : i32
    %dma_start3A_173 = tpu.memref_slice %arg11[%dma_start3A_171, %dma_start3A_172] : memref<50x128xi32, #tpu.memory_space<vmem>> -> memref<1x128xi32, #tpu.memory_space<vmem>>
    %dma_start3A_174 = tpu.memref_squeeze %dma_start3A_173 : memref<1x128xi32, #tpu.memory_space<vmem>> -> memref<128xi32, #tpu.memory_space<vmem>>
    %dma_start3A_175 = arith.constant 0 : i32
    %dma_start3A_176 = tpu.memref_slice %arg61[%dma_start3A_175] : memref<100352xf32, #tpu.memory_space<vmem_shared>> -> memref<100352xf32, #tpu.memory_space<vmem_shared>>
    tpu.enqueue_indirect_dma source(%dma_start3A_176 : memref<100352xf32, #tpu.memory_space<vmem_shared>>) target(%arg19 : memref<128xf32, #tpu.memory_space<vmem>>) offsets(%dma_start3A_174 : memref<128xi32, #tpu.memory_space<vmem>>) semaphore(%arg71 : memref<!tpu.dma_semaphore, #tpu.memory_space<semaphore_mem>>)
    %dma_start3A_177 = arith.constant 0 : i32
    %dma_start3A_178 = arith.constant 0 : i32
    %dma_start3A_179 = tpu.memref_slice %arg12[%dma_start3A_177, %dma_start3A_178] : memref<50x128xi32, #tpu.memory_space<vmem>> -> memref<1x128xi32, #tpu.memory_space<vmem>>
    %dma_start3A_180 = tpu.memref_squeeze %dma_start3A_179 : memref<1x128xi32, #tpu.memory_space<vmem>> -> memref<128xi32, #tpu.memory_space<vmem>>
    %dma_start3A_181 = arith.constant 0 : i32
    %dma_start3A_182 = tpu.memref_slice %arg59[%dma_start3A_181] : memref<100352xf32, #tpu.memory_space<vmem_shared>> -> memref<100352xf32, #tpu.memory_space<vmem_shared>>
    tpu.enqueue_indirect_dma source(%dma_start3A_182 : memref<100352xf32, #tpu.memory_space<vmem_shared>>) target(%arg20 : memref<128xf32, #tpu.memory_space<vmem>>) offsets(%dma_start3A_180 : memref<128xi32, #tpu.memory_space<vmem>>) semaphore(%arg71 : memref<!tpu.dma_semaphore, #tpu.memory_space<semaphore_mem>>)
    %dma_start3A_183 = arith.constant 0 : i32
    %dma_start3A_184 = arith.constant 0 : i32
    %dma_start3A_185 = tpu.memref_slice %arg12[%dma_start3A_183, %dma_start3A_184] : memref<50x128xi32, #tpu.memory_space<vmem>> -> memref<1x128xi32, #tpu.memory_space<vmem>>
    %dma_start3A_186 = tpu.memref_squeeze %dma_start3A_185 : memref<1x128xi32, #tpu.memory_space<vmem>> -> memref<128xi32, #tpu.memory_space<vmem>>
    %dma_start3A_187 = arith.constant 0 : i32
    %dma_start3A_188 = tpu.memref_slice %arg60[%dma_start3A_187] : memref<100352xf32, #tpu.memory_space<vmem_shared>> -> memref<100352xf32, #tpu.memory_space<vmem_shared>>
    tpu.enqueue_indirect_dma source(%dma_start3A_188 : memref<100352xf32, #tpu.memory_space<vmem_shared>>) target(%arg21 : memref<128xf32, #tpu.memory_space<vmem>>) offsets(%dma_start3A_186 : memref<128xi32, #tpu.memory_space<vmem>>) semaphore(%arg71 : memref<!tpu.dma_semaphore, #tpu.memory_space<semaphore_mem>>)
    %dma_start3A_189 = arith.constant 0 : i32
    %dma_start3A_190 = arith.constant 0 : i32
    %dma_start3A_191 = tpu.memref_slice %arg12[%dma_start3A_189, %dma_start3A_190] : memref<50x128xi32, #tpu.memory_space<vmem>> -> memref<1x128xi32, #tpu.memory_space<vmem>>
    %dma_start3A_192 = tpu.memref_squeeze %dma_start3A_191 : memref<1x128xi32, #tpu.memory_space<vmem>> -> memref<128xi32, #tpu.memory_space<vmem>>
    %dma_start3A_193 = arith.constant 0 : i32
    %dma_start3A_194 = tpu.memref_slice %arg61[%dma_start3A_193] : memref<100352xf32, #tpu.memory_space<vmem_shared>> -> memref<100352xf32, #tpu.memory_space<vmem_shared>>
    tpu.enqueue_indirect_dma source(%dma_start3A_194 : memref<100352xf32, #tpu.memory_space<vmem_shared>>) target(%arg22 : memref<128xf32, #tpu.memory_space<vmem>>) offsets(%dma_start3A_192 : memref<128xi32, #tpu.memory_space<vmem>>) semaphore(%arg71 : memref<!tpu.dma_semaphore, #tpu.memory_space<semaphore_mem>>)
    %dma_start3A_195 = arith.constant 0 : i32
    %dma_start3A_196 = arith.constant 0 : i32
    %dma_start3A_197 = tpu.memref_slice %arg13[%dma_start3A_195, %dma_start3A_196] : memref<50x128xi32, #tpu.memory_space<vmem>> -> memref<1x128xi32, #tpu.memory_space<vmem>>
    %dma_start3A_198 = tpu.memref_squeeze %dma_start3A_197 : memref<1x128xi32, #tpu.memory_space<vmem>> -> memref<128xi32, #tpu.memory_space<vmem>>
    %dma_start3A_199 = arith.constant 0 : i32
    %dma_start3A_200 = tpu.memref_slice %arg59[%dma_start3A_199] : memref<100352xf32, #tpu.memory_space<vmem_shared>> -> memref<100352xf32, #tpu.memory_space<vmem_shared>>
    tpu.enqueue_indirect_dma source(%dma_start3A_200 : memref<100352xf32, #tpu.memory_space<vmem_shared>>) target(%arg23 : memref<128xf32, #tpu.memory_space<vmem>>) offsets(%dma_start3A_198 : memref<128xi32, #tpu.memory_space<vmem>>) semaphore(%arg71 : memref<!tpu.dma_semaphore, #tpu.memory_space<semaphore_mem>>)
    %dma_start3A_201 = arith.constant 0 : i32
    %dma_start3A_202 = arith.constant 0 : i32
    %dma_start3A_203 = tpu.memref_slice %arg13[%dma_start3A_201, %dma_start3A_202] : memref<50x128xi32, #tpu.memory_space<vmem>> -> memref<1x128xi32, #tpu.memory_space<vmem>>
    %dma_start3A_204 = tpu.memref_squeeze %dma_start3A_203 : memref<1x128xi32, #tpu.memory_space<vmem>> -> memref<128xi32, #tpu.memory_space<vmem>>
    %dma_start3A_205 = arith.constant 0 : i32
    %dma_start3A_206 = tpu.memref_slice %arg60[%dma_start3A_205] : memref<100352xf32, #tpu.memory_space<vmem_shared>> -> memref<100352xf32, #tpu.memory_space<vmem_shared>>
    tpu.enqueue_indirect_dma source(%dma_start3A_206 : memref<100352xf32, #tpu.memory_space<vmem_shared>>) target(%arg24 : memref<128xf32, #tpu.memory_space<vmem>>) offsets(%dma_start3A_204 : memref<128xi32, #tpu.memory_space<vmem>>) semaphore(%arg71 : memref<!tpu.dma_semaphore, #tpu.memory_space<semaphore_mem>>)
    %dma_start3A_207 = arith.constant 0 : i32
    %dma_start3A_208 = arith.constant 0 : i32
    %dma_start3A_209 = tpu.memref_slice %arg13[%dma_start3A_207, %dma_start3A_208] : memref<50x128xi32, #tpu.memory_space<vmem>> -> memref<1x128xi32, #tpu.memory_space<vmem>>
    %dma_start3A_210 = tpu.memref_squeeze %dma_start3A_209 : memref<1x128xi32, #tpu.memory_space<vmem>> -> memref<128xi32, #tpu.memory_space<vmem>>
    %dma_start3A_211 = arith.constant 0 : i32
    %dma_start3A_212 = tpu.memref_slice %arg61[%dma_start3A_211] : memref<100352xf32, #tpu.memory_space<vmem_shared>> -> memref<100352xf32, #tpu.memory_space<vmem_shared>>
    tpu.enqueue_indirect_dma source(%dma_start3A_212 : memref<100352xf32, #tpu.memory_space<vmem_shared>>) target(%arg25 : memref<128xf32, #tpu.memory_space<vmem>>) offsets(%dma_start3A_210 : memref<128xi32, #tpu.memory_space<vmem>>) semaphore(%arg71 : memref<!tpu.dma_semaphore, #tpu.memory_space<semaphore_mem>>)
    %dma_start3A_213 = arith.constant 0 : i32
    %dma_start3A_214 = arith.constant 0 : i32
    %dma_start3A_215 = tpu.memref_slice %arg14[%dma_start3A_213, %dma_start3A_214] : memref<50x128xi32, #tpu.memory_space<vmem>> -> memref<1x128xi32, #tpu.memory_space<vmem>>
    %dma_start3A_216 = tpu.memref_squeeze %dma_start3A_215 : memref<1x128xi32, #tpu.memory_space<vmem>> -> memref<128xi32, #tpu.memory_space<vmem>>
    %dma_start3A_217 = arith.constant 0 : i32
    %dma_start3A_218 = tpu.memref_slice %arg62[%dma_start3A_217] : memref<120064xf32, #tpu.memory_space<vmem_shared>> -> memref<120064xf32, #tpu.memory_space<vmem_shared>>
    tpu.enqueue_indirect_dma source(%dma_start3A_218 : memref<120064xf32, #tpu.memory_space<vmem_shared>>) target(%arg35 : memref<128xf32, #tpu.memory_space<vmem>>) offsets(%dma_start3A_216 : memref<128xi32, #tpu.memory_space<vmem>>) semaphore(%arg71 : memref<!tpu.dma_semaphore, #tpu.memory_space<semaphore_mem>>)
    %dma_start3A_219 = arith.constant 0 : i32
    %dma_start3A_220 = arith.constant 0 : i32
    %dma_start3A_221 = tpu.memref_slice %arg14[%dma_start3A_219, %dma_start3A_220] : memref<50x128xi32, #tpu.memory_space<vmem>> -> memref<1x128xi32, #tpu.memory_space<vmem>>
    %dma_start3A_222 = tpu.memref_squeeze %dma_start3A_221 : memref<1x128xi32, #tpu.memory_space<vmem>> -> memref<128xi32, #tpu.memory_space<vmem>>
    %dma_start3A_223 = arith.constant 0 : i32
    %dma_start3A_224 = tpu.memref_slice %arg63[%dma_start3A_223] : memref<120064xf32, #tpu.memory_space<vmem_shared>> -> memref<120064xf32, #tpu.memory_space<vmem_shared>>
    tpu.enqueue_indirect_dma source(%dma_start3A_224 : memref<120064xf32, #tpu.memory_space<vmem_shared>>) target(%arg36 : memref<128xf32, #tpu.memory_space<vmem>>) offsets(%dma_start3A_222 : memref<128xi32, #tpu.memory_space<vmem>>) semaphore(%arg71 : memref<!tpu.dma_semaphore, #tpu.memory_space<semaphore_mem>>)
    %dma_start3A_225 = arith.constant 0 : i32
    %dma_start3A_226 = arith.constant 0 : i32
    %dma_start3A_227 = tpu.memref_slice %arg15[%dma_start3A_225, %dma_start3A_226] : memref<50x128xi32, #tpu.memory_space<vmem>> -> memref<1x128xi32, #tpu.memory_space<vmem>>
    %dma_start3A_228 = tpu.memref_squeeze %dma_start3A_227 : memref<1x128xi32, #tpu.memory_space<vmem>> -> memref<128xi32, #tpu.memory_space<vmem>>
    %dma_start3A_229 = arith.constant 0 : i32
    %dma_start3A_230 = tpu.memref_slice %arg62[%dma_start3A_229] : memref<120064xf32, #tpu.memory_space<vmem_shared>> -> memref<120064xf32, #tpu.memory_space<vmem_shared>>
    tpu.enqueue_indirect_dma source(%dma_start3A_230 : memref<120064xf32, #tpu.memory_space<vmem_shared>>) target(%arg37 : memref<128xf32, #tpu.memory_space<vmem>>) offsets(%dma_start3A_228 : memref<128xi32, #tpu.memory_space<vmem>>) semaphore(%arg71 : memref<!tpu.dma_semaphore, #tpu.memory_space<semaphore_mem>>)
    %dma_start3A_231 = arith.constant 0 : i32
    %dma_start3A_232 = arith.constant 0 : i32
    %dma_start3A_233 = tpu.memref_slice %arg15[%dma_start3A_231, %dma_start3A_232] : memref<50x128xi32, #tpu.memory_space<vmem>> -> memref<1x128xi32, #tpu.memory_space<vmem>>
    %dma_start3A_234 = tpu.memref_squeeze %dma_start3A_233 : memref<1x128xi32, #tpu.memory_space<vmem>> -> memref<128xi32, #tpu.memory_space<vmem>>
    %dma_start3A_235 = arith.constant 0 : i32
    %dma_start3A_236 = tpu.memref_slice %arg63[%dma_start3A_235] : memref<120064xf32, #tpu.memory_space<vmem_shared>> -> memref<120064xf32, #tpu.memory_space<vmem_shared>>
    tpu.enqueue_indirect_dma source(%dma_start3A_236 : memref<120064xf32, #tpu.memory_space<vmem_shared>>) target(%arg38 : memref<128xf32, #tpu.memory_space<vmem>>) offsets(%dma_start3A_234 : memref<128xi32, #tpu.memory_space<vmem>>) semaphore(%arg71 : memref<!tpu.dma_semaphore, #tpu.memory_space<semaphore_mem>>)
    %dma_start3A_237 = arith.constant 0 : i32
    %dma_start3A_238 = arith.constant 0 : i32
    %dma_start3A_239 = tpu.memref_slice %arg16[%dma_start3A_237, %dma_start3A_238] : memref<50x128xi32, #tpu.memory_space<vmem>> -> memref<1x128xi32, #tpu.memory_space<vmem>>
    %dma_start3A_240 = tpu.memref_squeeze %dma_start3A_239 : memref<1x128xi32, #tpu.memory_space<vmem>> -> memref<128xi32, #tpu.memory_space<vmem>>
    %dma_start3A_241 = arith.constant 0 : i32
    %dma_start3A_242 = tpu.memref_slice %arg62[%dma_start3A_241] : memref<120064xf32, #tpu.memory_space<vmem_shared>> -> memref<120064xf32, #tpu.memory_space<vmem_shared>>
    tpu.enqueue_indirect_dma source(%dma_start3A_242 : memref<120064xf32, #tpu.memory_space<vmem_shared>>) target(%arg39 : memref<128xf32, #tpu.memory_space<vmem>>) offsets(%dma_start3A_240 : memref<128xi32, #tpu.memory_space<vmem>>) semaphore(%arg71 : memref<!tpu.dma_semaphore, #tpu.memory_space<semaphore_mem>>)
    %dma_start3A_243 = arith.constant 0 : i32
    %dma_start3A_244 = arith.constant 0 : i32
    %dma_start3A_245 = tpu.memref_slice %arg16[%dma_start3A_243, %dma_start3A_244] : memref<50x128xi32, #tpu.memory_space<vmem>> -> memref<1x128xi32, #tpu.memory_space<vmem>>
    %dma_start3A_246 = tpu.memref_squeeze %dma_start3A_245 : memref<1x128xi32, #tpu.memory_space<vmem>> -> memref<128xi32, #tpu.memory_space<vmem>>
    %dma_start3A_247 = arith.constant 0 : i32
    %dma_start3A_248 = tpu.memref_slice %arg63[%dma_start3A_247] : memref<120064xf32, #tpu.memory_space<vmem_shared>> -> memref<120064xf32, #tpu.memory_space<vmem_shared>>
    tpu.enqueue_indirect_dma source(%dma_start3A_248 : memref<120064xf32, #tpu.memory_space<vmem_shared>>) target(%arg40 : memref<128xf32, #tpu.memory_space<vmem>>) offsets(%dma_start3A_246 : memref<128xi32, #tpu.memory_space<vmem>>) semaphore(%arg71 : memref<!tpu.dma_semaphore, #tpu.memory_space<semaphore_mem>>)
    %scan3A = arith.constant 0 : i32
    %scan3A_249 = arith.constant 25 : i32
    %scan3A_250 = arith.addi %scan3A, %scan3A_249 : i32
    %scan3A_251 = arith.constant 1 : i32
    scf.for %scan3A_320 = %scan3A to %scan3A_250 step %scan3A_251  : i32 {
      %mul3A_321 = arith.constant 2 : i32
      %mul3A_322 = arith.muli %scan3A_320, %mul3A_321 : i32
      %add3A_323 = arith.constant 0 : i32
      %add3A_324 = arith.addi %add3A_323, %mul3A_322 : i32
      %add3A_325 = arith.constant 0 : i32
      %add3A_326 = arith.addi %add3A_324, %add3A_325 : i32
      %dma_wait3A_327 = arith.constant 0 : i32
      %dma_wait3A_328 = tpu.memref_slice %arg70[%dma_wait3A_327] : memref<7504xf32, #tpu.memory_space<vmem>> -> memref<1920xf32, #tpu.memory_space<vmem>>
      %dma_wait3A_329 = arith.constant 0 : i32
      %dma_wait3A_330 = tpu.memref_slice %arg9[%dma_wait3A_329] : memref<7504xf32, #tpu.memory_space<hbm>> -> memref<1920xf32, #tpu.memory_space<hbm>>
      %dma_wait3A_331 = arith.constant 0 : i32
      %dma_wait3A_332 = tpu.memref_slice %arg70[%dma_wait3A_331] : memref<7504xf32, #tpu.memory_space<vmem>> -> memref<1920xf32, #tpu.memory_space<vmem>>
      %dma_wait3A_333 = arith.constant 0 : i32
      %dma_wait3A_334 = tpu.memref_slice %arg9[%dma_wait3A_333] : memref<7504xf32, #tpu.memory_space<hbm>> -> memref<1920xf32, #tpu.memory_space<hbm>>
      tpu.wait_dma2 semaphore(%arg71 : memref<!tpu.dma_semaphore, #tpu.memory_space<semaphore_mem>>) src(%dma_wait3A_334 : memref<1920xf32, #tpu.memory_space<hbm>>) dst(%dma_wait3A_332 : memref<1920xf32, #tpu.memory_space<vmem>>)
      %add3A_335 = arith.constant 1 : i32
      %add3A_336 = arith.addi %add3A_326, %add3A_335 : i32
      %lt3A = arith.constant 50 : i32
      %lt3A_337 = arith.cmpi slt, %add3A_336, %lt3A : i32
      %convert_element_type3A = arith.extui %lt3A_337 : i1 to i32
      %cond3A = arith.constant 0 : i32
      %cond3A_338 = arith.cmpi ne, %convert_element_type3A, %cond3A : i32
      scf.if %cond3A_338 {
        %add3A_2393 = arith.constant 1 : i32
        %add3A_2394 = arith.addi %add3A_326, %add3A_2393 : i32
        %dma_start3A_2395 = arith.constant 0 : i32
        %dma_start3A_2396 = tpu.memref_slice %arg11[%add3A_2394, %dma_start3A_2395] : memref<50x128xi32, #tpu.memory_space<vmem>> -> memref<1x128xi32, #tpu.memory_space<vmem>>
        %dma_start3A_2397 = tpu.memref_squeeze %dma_start3A_2396 : memref<1x128xi32, #tpu.memory_space<vmem>> -> memref<128xi32, #tpu.memory_space<vmem>>
        %dma_start3A_2398 = arith.constant 0 : i32
        %dma_start3A_2399 = tpu.memref_slice %arg59[%dma_start3A_2398] : memref<100352xf32, #tpu.memory_space<vmem_shared>> -> memref<100352xf32, #tpu.memory_space<vmem_shared>>
        tpu.enqueue_indirect_dma source(%dma_start3A_2399 : memref<100352xf32, #tpu.memory_space<vmem_shared>>) target(%arg26 : memref<128xf32, #tpu.memory_space<vmem>>) offsets(%dma_start3A_2397 : memref<128xi32, #tpu.memory_space<vmem>>) semaphore(%arg71 : memref<!tpu.dma_semaphore, #tpu.memory_space<semaphore_mem>>)
        %dma_start3A_2400 = arith.constant 0 : i32
        %dma_start3A_2401 = tpu.memref_slice %arg11[%add3A_2394, %dma_start3A_2400] : memref<50x128xi32, #tpu.memory_space<vmem>> -> memref<1x128xi32, #tpu.memory_space<vmem>>
        %dma_start3A_2402 = tpu.memref_squeeze %dma_start3A_2401 : memref<1x128xi32, #tpu.memory_space<vmem>> -> memref<128xi32, #tpu.memory_space<vmem>>
        %dma_start3A_2403 = arith.constant 0 : i32
        %dma_start3A_2404 = tpu.memref_slice %arg60[%dma_start3A_2403] : memref<100352xf32, #tpu.memory_space<vmem_shared>> -> memref<100352xf32, #tpu.memory_space<vmem_shared>>
        tpu.enqueue_indirect_dma source(%dma_start3A_2404 : memref<100352xf32, #tpu.memory_space<vmem_shared>>) target(%arg27 : memref<128xf32, #tpu.memory_space<vmem>>) offsets(%dma_start3A_2402 : memref<128xi32, #tpu.memory_space<vmem>>) semaphore(%arg71 : memref<!tpu.dma_semaphore, #tpu.memory_space<semaphore_mem>>)
        %dma_start3A_2405 = arith.constant 0 : i32
        %dma_start3A_2406 = tpu.memref_slice %arg11[%add3A_2394, %dma_start3A_2405] : memref<50x128xi32, #tpu.memory_space<vmem>> -> memref<1x128xi32, #tpu.memory_space<vmem>>
        %dma_start3A_2407 = tpu.memref_squeeze %dma_start3A_2406 : memref<1x128xi32, #tpu.memory_space<vmem>> -> memref<128xi32, #tpu.memory_space<vmem>>
        %dma_start3A_2408 = arith.constant 0 : i32
        %dma_start3A_2409 = tpu.memref_slice %arg61[%dma_start3A_2408] : memref<100352xf32, #tpu.memory_space<vmem_shared>> -> memref<100352xf32, #tpu.memory_space<vmem_shared>>
        tpu.enqueue_indirect_dma source(%dma_start3A_2409 : memref<100352xf32, #tpu.memory_space<vmem_shared>>) target(%arg28 : memref<128xf32, #tpu.memory_space<vmem>>) offsets(%dma_start3A_2407 : memref<128xi32, #tpu.memory_space<vmem>>) semaphore(%arg71 : memref<!tpu.dma_semaphore, #tpu.memory_space<semaphore_mem>>)
        %dma_start3A_2410 = arith.constant 0 : i32
        %dma_start3A_2411 = tpu.memref_slice %arg12[%add3A_2394, %dma_start3A_2410] : memref<50x128xi32, #tpu.memory_space<vmem>> -> memref<1x128xi32, #tpu.memory_space<vmem>>
        %dma_start3A_2412 = tpu.memref_squeeze %dma_start3A_2411 : memref<1x128xi32, #tpu.memory_space<vmem>> -> memref<128xi32, #tpu.memory_space<vmem>>
        %dma_start3A_2413 = arith.constant 0 : i32
        %dma_start3A_2414 = tpu.memref_slice %arg59[%dma_start3A_2413] : memref<100352xf32, #tpu.memory_space<vmem_shared>> -> memref<100352xf32, #tpu.memory_space<vmem_shared>>
        tpu.enqueue_indirect_dma source(%dma_start3A_2414 : memref<100352xf32, #tpu.memory_space<vmem_shared>>) target(%arg29 : memref<128xf32, #tpu.memory_space<vmem>>) offsets(%dma_start3A_2412 : memref<128xi32, #tpu.memory_space<vmem>>) semaphore(%arg71 : memref<!tpu.dma_semaphore, #tpu.memory_space<semaphore_mem>>)
        %dma_start3A_2415 = arith.constant 0 : i32
        %dma_start3A_2416 = tpu.memref_slice %arg12[%add3A_2394, %dma_start3A_2415] : memref<50x128xi32, #tpu.memory_space<vmem>> -> memref<1x128xi32, #tpu.memory_space<vmem>>
        %dma_start3A_2417 = tpu.memref_squeeze %dma_start3A_2416 : memref<1x128xi32, #tpu.memory_space<vmem>> -> memref<128xi32, #tpu.memory_space<vmem>>
        %dma_start3A_2418 = arith.constant 0 : i32
        %dma_start3A_2419 = tpu.memref_slice %arg60[%dma_start3A_2418] : memref<100352xf32, #tpu.memory_space<vmem_shared>> -> memref<100352xf32, #tpu.memory_space<vmem_shared>>
        tpu.enqueue_indirect_dma source(%dma_start3A_2419 : memref<100352xf32, #tpu.memory_space<vmem_shared>>) target(%arg30 : memref<128xf32, #tpu.memory_space<vmem>>) offsets(%dma_start3A_2417 : memref<128xi32, #tpu.memory_space<vmem>>) semaphore(%arg71 : memref<!tpu.dma_semaphore, #tpu.memory_space<semaphore_mem>>)
        %dma_start3A_2420 = arith.constant 0 : i32
        %dma_start3A_2421 = tpu.memref_slice %arg12[%add3A_2394, %dma_start3A_2420] : memref<50x128xi32, #tpu.memory_space<vmem>> -> memref<1x128xi32, #tpu.memory_space<vmem>>
        %dma_start3A_2422 = tpu.memref_squeeze %dma_start3A_2421 : memref<1x128xi32, #tpu.memory_space<vmem>> -> memref<128xi32, #tpu.memory_space<vmem>>
        %dma_start3A_2423 = arith.constant 0 : i32
        %dma_start3A_2424 = tpu.memref_slice %arg61[%dma_start3A_2423] : memref<100352xf32, #tpu.memory_space<vmem_shared>> -> memref<100352xf32, #tpu.memory_space<vmem_shared>>
        tpu.enqueue_indirect_dma source(%dma_start3A_2424 : memref<100352xf32, #tpu.memory_space<vmem_shared>>) target(%arg31 : memref<128xf32, #tpu.memory_space<vmem>>) offsets(%dma_start3A_2422 : memref<128xi32, #tpu.memory_space<vmem>>) semaphore(%arg71 : memref<!tpu.dma_semaphore, #tpu.memory_space<semaphore_mem>>)
        %dma_start3A_2425 = arith.constant 0 : i32
        %dma_start3A_2426 = tpu.memref_slice %arg13[%add3A_2394, %dma_start3A_2425] : memref<50x128xi32, #tpu.memory_space<vmem>> -> memref<1x128xi32, #tpu.memory_space<vmem>>
        %dma_start3A_2427 = tpu.memref_squeeze %dma_start3A_2426 : memref<1x128xi32, #tpu.memory_space<vmem>> -> memref<128xi32, #tpu.memory_space<vmem>>
        %dma_start3A_2428 = arith.constant 0 : i32
        %dma_start3A_2429 = tpu.memref_slice %arg59[%dma_start3A_2428] : memref<100352xf32, #tpu.memory_space<vmem_shared>> -> memref<100352xf32, #tpu.memory_space<vmem_shared>>
        tpu.enqueue_indirect_dma source(%dma_start3A_2429 : memref<100352xf32, #tpu.memory_space<vmem_shared>>) target(%arg32 : memref<128xf32, #tpu.memory_space<vmem>>) offsets(%dma_start3A_2427 : memref<128xi32, #tpu.memory_space<vmem>>) semaphore(%arg71 : memref<!tpu.dma_semaphore, #tpu.memory_space<semaphore_mem>>)
        %dma_start3A_2430 = arith.constant 0 : i32
        %dma_start3A_2431 = tpu.memref_slice %arg13[%add3A_2394, %dma_start3A_2430] : memref<50x128xi32, #tpu.memory_space<vmem>> -> memref<1x128xi32, #tpu.memory_space<vmem>>
        %dma_start3A_2432 = tpu.memref_squeeze %dma_start3A_2431 : memref<1x128xi32, #tpu.memory_space<vmem>> -> memref<128xi32, #tpu.memory_space<vmem>>
        %dma_start3A_2433 = arith.constant 0 : i32
        %dma_start3A_2434 = tpu.memref_slice %arg60[%dma_start3A_2433] : memref<100352xf32, #tpu.memory_space<vmem_shared>> -> memref<100352xf32, #tpu.memory_space<vmem_shared>>
        tpu.enqueue_indirect_dma source(%dma_start3A_2434 : memref<100352xf32, #tpu.memory_space<vmem_shared>>) target(%arg33 : memref<128xf32, #tpu.memory_space<vmem>>) offsets(%dma_start3A_2432 : memref<128xi32, #tpu.memory_space<vmem>>) semaphore(%arg71 : memref<!tpu.dma_semaphore, #tpu.memory_space<semaphore_mem>>)
        %dma_start3A_2435 = arith.constant 0 : i32
        %dma_start3A_2436 = tpu.memref_slice %arg13[%add3A_2394, %dma_start3A_2435] : memref<50x128xi32, #tpu.memory_space<vmem>> -> memref<1x128xi32, #tpu.memory_space<vmem>>
        %dma_start3A_2437 = tpu.memref_squeeze %dma_start3A_2436 : memref<1x128xi32, #tpu.memory_space<vmem>> -> memref<128xi32, #tpu.memory_space<vmem>>
        %dma_start3A_2438 = arith.constant 0 : i32
        %dma_start3A_2439 = tpu.memref_slice %arg61[%dma_start3A_2438] : memref<100352xf32, #tpu.memory_space<vmem_shared>> -> memref<100352xf32, #tpu.memory_space<vmem_shared>>
        tpu.enqueue_indirect_dma source(%dma_start3A_2439 : memref<100352xf32, #tpu.memory_space<vmem_shared>>) target(%arg34 : memref<128xf32, #tpu.memory_space<vmem>>) offsets(%dma_start3A_2437 : memref<128xi32, #tpu.memory_space<vmem>>) semaphore(%arg71 : memref<!tpu.dma_semaphore, #tpu.memory_space<semaphore_mem>>)
        %dma_start3A_2440 = arith.constant 0 : i32
        %dma_start3A_2441 = tpu.memref_slice %arg14[%add3A_2394, %dma_start3A_2440] : memref<50x128xi32, #tpu.memory_space<vmem>> -> memref<1x128xi32, #tpu.memory_space<vmem>>
        %dma_start3A_2442 = tpu.memref_squeeze %dma_start3A_2441 : memref<1x128xi32, #tpu.memory_space<vmem>> -> memref<128xi32, #tpu.memory_space<vmem>>
        %dma_start3A_2443 = arith.constant 0 : i32
        %dma_start3A_2444 = tpu.memref_slice %arg62[%dma_start3A_2443] : memref<120064xf32, #tpu.memory_space<vmem_shared>> -> memref<120064xf32, #tpu.memory_space<vmem_shared>>
        tpu.enqueue_indirect_dma source(%dma_start3A_2444 : memref<120064xf32, #tpu.memory_space<vmem_shared>>) target(%arg41 : memref<128xf32, #tpu.memory_space<vmem>>) offsets(%dma_start3A_2442 : memref<128xi32, #tpu.memory_space<vmem>>) semaphore(%arg71 : memref<!tpu.dma_semaphore, #tpu.memory_space<semaphore_mem>>)
        %dma_start3A_2445 = arith.constant 0 : i32
        %dma_start3A_2446 = tpu.memref_slice %arg14[%add3A_2394, %dma_start3A_2445] : memref<50x128xi32, #tpu.memory_space<vmem>> -> memref<1x128xi32, #tpu.memory_space<vmem>>
        %dma_start3A_2447 = tpu.memref_squeeze %dma_start3A_2446 : memref<1x128xi32, #tpu.memory_space<vmem>> -> memref<128xi32, #tpu.memory_space<vmem>>
        %dma_start3A_2448 = arith.constant 0 : i32
        %dma_start3A_2449 = tpu.memref_slice %arg63[%dma_start3A_2448] : memref<120064xf32, #tpu.memory_space<vmem_shared>> -> memref<120064xf32, #tpu.memory_space<vmem_shared>>
        tpu.enqueue_indirect_dma source(%dma_start3A_2449 : memref<120064xf32, #tpu.memory_space<vmem_shared>>) target(%arg42 : memref<128xf32, #tpu.memory_space<vmem>>) offsets(%dma_start3A_2447 : memref<128xi32, #tpu.memory_space<vmem>>) semaphore(%arg71 : memref<!tpu.dma_semaphore, #tpu.memory_space<semaphore_mem>>)
        %dma_start3A_2450 = arith.constant 0 : i32
        %dma_start3A_2451 = tpu.memref_slice %arg15[%add3A_2394, %dma_start3A_2450] : memref<50x128xi32, #tpu.memory_space<vmem>> -> memref<1x128xi32, #tpu.memory_space<vmem>>
        %dma_start3A_2452 = tpu.memref_squeeze %dma_start3A_2451 : memref<1x128xi32, #tpu.memory_space<vmem>> -> memref<128xi32, #tpu.memory_space<vmem>>
        %dma_start3A_2453 = arith.constant 0 : i32
        %dma_start3A_2454 = tpu.memref_slice %arg62[%dma_start3A_2453] : memref<120064xf32, #tpu.memory_space<vmem_shared>> -> memref<120064xf32, #tpu.memory_space<vmem_shared>>
        tpu.enqueue_indirect_dma source(%dma_start3A_2454 : memref<120064xf32, #tpu.memory_space<vmem_shared>>) target(%arg43 : memref<128xf32, #tpu.memory_space<vmem>>) offsets(%dma_start3A_2452 : memref<128xi32, #tpu.memory_space<vmem>>) semaphore(%arg71 : memref<!tpu.dma_semaphore, #tpu.memory_space<semaphore_mem>>)
        %dma_start3A_2455 = arith.constant 0 : i32
        %dma_start3A_2456 = tpu.memref_slice %arg15[%add3A_2394, %dma_start3A_2455] : memref<50x128xi32, #tpu.memory_space<vmem>> -> memref<1x128xi32, #tpu.memory_space<vmem>>
        %dma_start3A_2457 = tpu.memref_squeeze %dma_start3A_2456 : memref<1x128xi32, #tpu.memory_space<vmem>> -> memref<128xi32, #tpu.memory_space<vmem>>
        %dma_start3A_2458 = arith.constant 0 : i32
        %dma_start3A_2459 = tpu.memref_slice %arg63[%dma_start3A_2458] : memref<120064xf32, #tpu.memory_space<vmem_shared>> -> memref<120064xf32, #tpu.memory_space<vmem_shared>>
        tpu.enqueue_indirect_dma source(%dma_start3A_2459 : memref<120064xf32, #tpu.memory_space<vmem_shared>>) target(%arg44 : memref<128xf32, #tpu.memory_space<vmem>>) offsets(%dma_start3A_2457 : memref<128xi32, #tpu.memory_space<vmem>>) semaphore(%arg71 : memref<!tpu.dma_semaphore, #tpu.memory_space<semaphore_mem>>)
        %dma_start3A_2460 = arith.constant 0 : i32
        %dma_start3A_2461 = tpu.memref_slice %arg16[%add3A_2394, %dma_start3A_2460] : memref<50x128xi32, #tpu.memory_space<vmem>> -> memref<1x128xi32, #tpu.memory_space<vmem>>
        %dma_start3A_2462 = tpu.memref_squeeze %dma_start3A_2461 : memref<1x128xi32, #tpu.memory_space<vmem>> -> memref<128xi32, #tpu.memory_space<vmem>>
        %dma_start3A_2463 = arith.constant 0 : i32
        %dma_start3A_2464 = tpu.memref_slice %arg62[%dma_start3A_2463] : memref<120064xf32, #tpu.memory_space<vmem_shared>> -> memref<120064xf32, #tpu.memory_space<vmem_shared>>
        tpu.enqueue_indirect_dma source(%dma_start3A_2464 : memref<120064xf32, #tpu.memory_space<vmem_shared>>) target(%arg45 : memref<128xf32, #tpu.memory_space<vmem>>) offsets(%dma_start3A_2462 : memref<128xi32, #tpu.memory_space<vmem>>) semaphore(%arg71 : memref<!tpu.dma_semaphore, #tpu.memory_space<semaphore_mem>>)
        %dma_start3A_2465 = arith.constant 0 : i32
        %dma_start3A_2466 = tpu.memref_slice %arg16[%add3A_2394, %dma_start3A_2465] : memref<50x128xi32, #tpu.memory_space<vmem>> -> memref<1x128xi32, #tpu.memory_space<vmem>>
        %dma_start3A_2467 = tpu.memref_squeeze %dma_start3A_2466 : memref<1x128xi32, #tpu.memory_space<vmem>> -> memref<128xi32, #tpu.memory_space<vmem>>
        %dma_start3A_2468 = arith.constant 0 : i32
        %dma_start3A_2469 = tpu.memref_slice %arg63[%dma_start3A_2468] : memref<120064xf32, #tpu.memory_space<vmem_shared>> -> memref<120064xf32, #tpu.memory_space<vmem_shared>>
        tpu.enqueue_indirect_dma source(%dma_start3A_2469 : memref<120064xf32, #tpu.memory_space<vmem_shared>>) target(%arg46 : memref<128xf32, #tpu.memory_space<vmem>>) offsets(%dma_start3A_2467 : memref<128xi32, #tpu.memory_space<vmem>>) semaphore(%arg71 : memref<!tpu.dma_semaphore, #tpu.memory_space<semaphore_mem>>)
      } else {
      }
      %ge3A = arith.constant 2 : i32
      %ge3A_339 = arith.cmpi sge, %add3A_326, %ge3A : i32
      %convert_element_type3A_340 = arith.extui %ge3A_339 : i1 to i32
      %cond3A_341 = arith.constant 0 : i32
      %cond3A_342 = arith.cmpi ne, %convert_element_type3A_340, %cond3A_341 : i32
      scf.if %cond3A_342 {
        %dma_wait3A_2393 = arith.constant 0 : i32
        %dma_wait3A_2394 = tpu.memref_slice %arg70[%dma_wait3A_2393] : memref<7504xf32, #tpu.memory_space<vmem>> -> memref<2304xf32, #tpu.memory_space<vmem>>
        %dma_wait3A_2395 = arith.constant 0 : i32
        %dma_wait3A_2396 = tpu.memref_slice %arg9[%dma_wait3A_2395] : memref<7504xf32, #tpu.memory_space<hbm>> -> memref<2304xf32, #tpu.memory_space<hbm>>
        %dma_wait3A_2397 = arith.constant 0 : i32
        %dma_wait3A_2398 = tpu.memref_slice %arg70[%dma_wait3A_2397] : memref<7504xf32, #tpu.memory_space<vmem>> -> memref<2304xf32, #tpu.memory_space<vmem>>
        %dma_wait3A_2399 = arith.constant 0 : i32
        %dma_wait3A_2400 = tpu.memref_slice %arg9[%dma_wait3A_2399] : memref<7504xf32, #tpu.memory_space<hbm>> -> memref<2304xf32, #tpu.memory_space<hbm>>
        tpu.wait_dma2 semaphore(%arg72 : memref<!tpu.dma_semaphore, #tpu.memory_space<semaphore_mem>>) src(%dma_wait3A_2400 : memref<2304xf32, #tpu.memory_space<hbm>>) dst(%dma_wait3A_2398 : memref<2304xf32, #tpu.memory_space<vmem>>)
      } else {
      }
      %get3A = arith.constant 0 : index
      %get3A_343 = tpu.vector_load %arg17[%get3A] {strides = array<i32>} : memref<128xf32, #tpu.memory_space<vmem>>, vector<16xf32>,
      %get3A_344 = vector.shape_cast %get3A_343 : vector<16xf32> to vector<16xf32>
      %get3A_345 = arith.constant 0 : index
      %get3A_346 = tpu.vector_load %arg18[%get3A_345] {strides = array<i32>} : memref<128xf32, #tpu.memory_space<vmem>>, vector<16xf32>,
      %get3A_347 = vector.shape_cast %get3A_346 : vector<16xf32> to vector<16xf32>
      %get3A_348 = arith.constant 0 : index
      %get3A_349 = tpu.vector_load %arg19[%get3A_348] {strides = array<i32>} : memref<128xf32, #tpu.memory_space<vmem>>, vector<16xf32>,
      %get3A_350 = vector.shape_cast %get3A_349 : vector<16xf32> to vector<16xf32>
      %get3A_351 = arith.constant 0 : index
      %get3A_352 = tpu.vector_load %arg20[%get3A_351] {strides = array<i32>} : memref<128xf32, #tpu.memory_space<vmem>>, vector<16xf32>,
      %get3A_353 = vector.shape_cast %get3A_352 : vector<16xf32> to vector<16xf32>
      %get3A_354 = arith.constant 0 : index
      %get3A_355 = tpu.vector_load %arg21[%get3A_354] {strides = array<i32>} : memref<128xf32, #tpu.memory_space<vmem>>, vector<16xf32>,
      %get3A_356 = vector.shape_cast %get3A_355 : vector<16xf32> to vector<16xf32>
      %get3A_357 = arith.constant 0 : index
      %get3A_358 = tpu.vector_load %arg22[%get3A_357] {strides = array<i32>} : memref<128xf32, #tpu.memory_space<vmem>>, vector<16xf32>,
      %get3A_359 = vector.shape_cast %get3A_358 : vector<16xf32> to vector<16xf32>
      %get3A_360 = arith.constant 0 : index
      %get3A_361 = tpu.vector_load %arg23[%get3A_360] {strides = array<i32>} : memref<128xf32, #tpu.memory_space<vmem>>, vector<16xf32>,
      %get3A_362 = vector.shape_cast %get3A_361 : vector<16xf32> to vector<16xf32>
      %get3A_363 = arith.constant 0 : index
      %get3A_364 = tpu.vector_load %arg24[%get3A_363] {strides = array<i32>} : memref<128xf32, #tpu.memory_space<vmem>>, vector<16xf32>,
      %get3A_365 = vector.shape_cast %get3A_364 : vector<16xf32> to vector<16xf32>
      %get3A_366 = arith.constant 0 : index
      %get3A_367 = tpu.vector_load %arg25[%get3A_366] {strides = array<i32>} : memref<128xf32, #tpu.memory_space<vmem>>, vector<16xf32>,
      %get3A_368 = vector.shape_cast %get3A_367 : vector<16xf32> to vector<16xf32>
      %get3A_369 = arith.constant 0 : index
      %get3A_370 = tpu.vector_load %arg35[%get3A_369] {strides = array<i32>} : memref<128xf32, #tpu.memory_space<vmem>>, vector<16xf32>,
      %get3A_371 = vector.shape_cast %get3A_370 : vector<16xf32> to vector<16xf32>
      %get3A_372 = arith.constant 0 : index
      %get3A_373 = tpu.vector_load %arg36[%get3A_372] {strides = array<i32>} : memref<128xf32, #tpu.memory_space<vmem>>, vector<16xf32>,
      %get3A_374 = vector.shape_cast %get3A_373 : vector<16xf32> to vector<16xf32>
      %get3A_375 = arith.constant 0 : index
      %get3A_376 = tpu.vector_load %arg37[%get3A_375] {strides = array<i32>} : memref<128xf32, #tpu.memory_space<vmem>>, vector<16xf32>,
      %get3A_377 = vector.shape_cast %get3A_376 : vector<16xf32> to vector<16xf32>
      %get3A_378 = arith.constant 0 : index
      %get3A_379 = tpu.vector_load %arg38[%get3A_378] {strides = array<i32>} : memref<128xf32, #tpu.memory_space<vmem>>, vector<16xf32>,
      %get3A_380 = vector.shape_cast %get3A_379 : vector<16xf32> to vector<16xf32>
      %get3A_381 = arith.constant 0 : index
      %get3A_382 = tpu.vector_load %arg39[%get3A_381] {strides = array<i32>} : memref<128xf32, #tpu.memory_space<vmem>>, vector<16xf32>,
      %get3A_383 = vector.shape_cast %get3A_382 : vector<16xf32> to vector<16xf32>
      %get3A_384 = arith.constant 0 : index
      %get3A_385 = tpu.vector_load %arg40[%get3A_384] {strides = array<i32>} : memref<128xf32, #tpu.memory_space<vmem>>, vector<16xf32>,
      %get3A_386 = vector.shape_cast %get3A_385 : vector<16xf32> to vector<16xf32>
      %sub3A = arith.subf %get3A_353, %get3A_344 : vector<16xf32>
      %sub3A_387 = arith.subf %get3A_356, %get3A_347 : vector<16xf32>
      %sub3A_388 = arith.subf %get3A_359, %get3A_350 : vector<16xf32>
      %sub3A_389 = arith.subf %get3A_362, %get3A_344 : vector<16xf32>
      %sub3A_390 = arith.subf %get3A_365, %get3A_347 : vector<16xf32>
      %sub3A_391 = arith.subf %get3A_368, %get3A_350 : vector<16xf32>
      %sub3A_392 = arith.subf %get3A_377, %get3A_371 : vector<16xf32>
      %sub3A_393 = arith.subf %get3A_380, %get3A_374 : vector<16xf32>
      %sub3A_394 = arith.subf %get3A_383, %get3A_371 : vector<16xf32>
      %sub3A_395 = arith.subf %get3A_386, %get3A_374 : vector<16xf32>
      %mul3A_396 = arith.mulf %sub3A_392, %sub3A_395 : vector<16xf32>
      %mul3A_397 = arith.mulf %sub3A_393, %sub3A_394 : vector<16xf32>
      %sub3A_398 = arith.subf %mul3A_396, %mul3A_397 : vector<16xf32>
      %gt3A = arith.constant 0.000000e+00 : f32
      %gt3A_399 = vector.broadcast %gt3A : f32 to vector<16xf32>
      %gt3A_400 = arith.cmpf ogt, %sub3A_398, %gt3A_399 : vector<16xf32>
      %max3A = arith.constant 9.99999997E-7 : f32
      %max3A_401 = vector.broadcast %max3A : f32 to vector<16xf32>
      %max3A_402 = arith.maximumf %sub3A_398, %max3A_401 : vector<16xf32>
      %min3A = arith.constant -9.99999997E-7 : f32
      %min3A_403 = vector.broadcast %min3A : f32 to vector<16xf32>
      %min3A_404 = arith.minimumf %sub3A_398, %min3A_403 : vector<16xf32>
      %select_n3A = arith.select %gt3A_400, %max3A_402, %min3A_404 : vector<16xi1>, vector<16xf32>
      %div3A = arith.constant 1.000000e+00 : f32
      %div3A_405 = vector.broadcast %div3A : f32 to vector<16xf32>
      %div3A_406 = arith.divf %div3A_405, %select_n3A : vector<16xf32>
      %mul3A_407 = arith.mulf %sub3A_387, %sub3A_391 : vector<16xf32>
      %mul3A_408 = arith.mulf %sub3A_388, %sub3A_390 : vector<16xf32>
      %sub3A_409 = arith.subf %mul3A_407, %mul3A_408 : vector<16xf32>
      %swap3A = arith.constant 0 : index
      %swap3A_410 = tpu.vector_load %arg47[%swap3A] {strides = array<i32>} : memref<128xf32, #tpu.memory_space<vmem>>, vector<16xf32>,
      %swap3A_411 = vector.shape_cast %swap3A_410 : vector<16xf32> to vector<16xf32>
      %swap3A_412 = vector.shape_cast %sub3A_409 : vector<16xf32> to vector<16xf32>
      tpu.vector_store %arg47[%swap3A], %swap3A_412 {strides = array<i32>} : memref<128xf32, #tpu.memory_space<vmem>>, vector<16xf32>,
      %mul3A_413 = arith.mulf %sub3A_388, %sub3A_389 : vector<16xf32>
      %mul3A_414 = arith.mulf %sub3A, %sub3A_391 : vector<16xf32>
      %sub3A_415 = arith.subf %mul3A_413, %mul3A_414 : vector<16xf32>
      %swap3A_416 = arith.constant 0 : index
      %swap3A_417 = tpu.vector_load %arg48[%swap3A_416] {strides = array<i32>} : memref<128xf32, #tpu.memory_space<vmem>>, vector<16xf32>,
      %swap3A_418 = vector.shape_cast %swap3A_417 : vector<16xf32> to vector<16xf32>
      %swap3A_419 = vector.shape_cast %sub3A_415 : vector<16xf32> to vector<16xf32>
      tpu.vector_store %arg48[%swap3A_416], %swap3A_419 {strides = array<i32>} : memref<128xf32, #tpu.memory_space<vmem>>, vector<16xf32>,
      %mul3A_420 = arith.mulf %sub3A, %sub3A_390 : vector<16xf32>
      %mul3A_421 = arith.mulf %sub3A_387, %sub3A_389 : vector<16xf32>
      %sub3A_422 = arith.subf %mul3A_420, %mul3A_421 : vector<16xf32>
      %swap3A_423 = arith.constant 0 : index
      %swap3A_424 = tpu.vector_load %arg49[%swap3A_423] {strides = array<i32>} : memref<128xf32, #tpu.memory_space<vmem>>, vector<16xf32>,
      %swap3A_425 = vector.shape_cast %swap3A_424 : vector<16xf32> to vector<16xf32>
      %swap3A_426 = vector.shape_cast %sub3A_422 : vector<16xf32> to vector<16xf32>
      tpu.vector_store %arg49[%swap3A_423], %swap3A_426 {strides = array<i32>} : memref<128xf32, #tpu.memory_space<vmem>>, vector<16xf32>,
      %mul3A_427 = arith.mulf %sub3A, %sub3A_395 : vector<16xf32>
      %mul3A_428 = arith.mulf %sub3A_389, %sub3A_393 : vector<16xf32>
      %sub3A_429 = arith.subf %mul3A_427, %mul3A_428 : vector<16xf32>
      %mul3A_430 = arith.mulf %sub3A_429, %div3A_406 : vector<16xf32>
      %swap3A_431 = arith.constant 0 : index
      %swap3A_432 = tpu.vector_load %arg50[%swap3A_431] {strides = array<i32>} : memref<128xf32, #tpu.memory_space<vmem>>, vector<16xf32>,
      %swap3A_433 = vector.shape_cast %swap3A_432 : vector<16xf32> to vector<16xf32>
      %swap3A_434 = vector.shape_cast %mul3A_430 : vector<16xf32> to vector<16xf32>
      tpu.vector_store %arg50[%swap3A_431], %swap3A_434 {strides = array<i32>} : memref<128xf32, #tpu.memory_space<vmem>>, vector<16xf32>,
      %mul3A_435 = arith.mulf %sub3A_387, %sub3A_395 : vector<16xf32>
      %mul3A_436 = arith.mulf %sub3A_390, %sub3A_393 : vector<16xf32>
      %sub3A_437 = arith.subf %mul3A_435, %mul3A_436 : vector<16xf32>
      %mul3A_438 = arith.mulf %sub3A_437, %div3A_406 : vector<16xf32>
      %swap3A_439 = arith.constant 0 : index
      %swap3A_440 = tpu.vector_load %arg51[%swap3A_439] {strides = array<i32>} : memref<128xf32, #tpu.memory_space<vmem>>, vector<16xf32>,
      %swap3A_441 = vector.shape_cast %swap3A_440 : vector<16xf32> to vector<16xf32>
      %swap3A_442 = vector.shape_cast %mul3A_438 : vector<16xf32> to vector<16xf32>
      tpu.vector_store %arg51[%swap3A_439], %swap3A_442 {strides = array<i32>} : memref<128xf32, #tpu.memory_space<vmem>>, vector<16xf32>,
      %mul3A_443 = arith.mulf %sub3A_388, %sub3A_395 : vector<16xf32>
      %mul3A_444 = arith.mulf %sub3A_391, %sub3A_393 : vector<16xf32>
      %sub3A_445 = arith.subf %mul3A_443, %mul3A_444 : vector<16xf32>
      %mul3A_446 = arith.mulf %sub3A_445, %div3A_406 : vector<16xf32>
      %swap3A_447 = arith.constant 0 : index
      %swap3A_448 = tpu.vector_load %arg52[%swap3A_447] {strides = array<i32>} : memref<128xf32, #tpu.memory_space<vmem>>, vector<16xf32>,
      %swap3A_449 = vector.shape_cast %swap3A_448 : vector<16xf32> to vector<16xf32>
      %swap3A_450 = vector.shape_cast %mul3A_446 : vector<16xf32> to vector<16xf32>
      tpu.vector_store %arg52[%swap3A_447], %swap3A_450 {strides = array<i32>} : memref<128xf32, #tpu.memory_space<vmem>>, vector<16xf32>,
      %get3A_451 = arith.constant 16 : index
      %get3A_452 = tpu.vector_load %arg17[%get3A_451] {strides = array<i32>} : memref<128xf32, #tpu.memory_space<vmem>>, vector<16xf32>,
      %get3A_453 = vector.shape_cast %get3A_452 : vector<16xf32> to vector<16xf32>
      %get3A_454 = arith.constant 16 : index
      %get3A_455 = tpu.vector_load %arg18[%get3A_454] {strides = array<i32>} : memref<128xf32, #tpu.memory_space<vmem>>, vector<16xf32>,
      %get3A_456 = vector.shape_cast %get3A_455 : vector<16xf32> to vector<16xf32>
      %get3A_457 = arith.constant 16 : index
      %get3A_458 = tpu.vector_load %arg19[%get3A_457] {strides = array<i32>} : memref<128xf32, #tpu.memory_space<vmem>>, vector<16xf32>,
      %get3A_459 = vector.shape_cast %get3A_458 : vector<16xf32> to vector<16xf32>
      %get3A_460 = arith.constant 16 : index
      %get3A_461 = tpu.vector_load %arg20[%get3A_460] {strides = array<i32>} : memref<128xf32, #tpu.memory_space<vmem>>, vector<16xf32>,
      %get3A_462 = vector.shape_cast %get3A_461 : vector<16xf32> to vector<16xf32>
      %get3A_463 = arith.constant 16 : index
      %get3A_464 = tpu.vector_load %arg21[%get3A_463] {strides = array<i32>} : memref<128xf32, #tpu.memory_space<vmem>>, vector<16xf32>,
      %get3A_465 = vector.shape_cast %get3A_464 : vector<16xf32> to vector<16xf32>
      %get3A_466 = arith.constant 16 : index
      %get3A_467 = tpu.vector_load %arg22[%get3A_466] {strides = array<i32>} : memref<128xf32, #tpu.memory_space<vmem>>, vector<16xf32>,
      %get3A_468 = vector.shape_cast %get3A_467 : vector<16xf32> to vector<16xf32>
      %get3A_469 = arith.constant 16 : index
      %get3A_470 = tpu.vector_load %arg23[%get3A_469] {strides = array<i32>} : memref<128xf32, #tpu.memory_space<vmem>>, vector<16xf32>,
      %get3A_471 = vector.shape_cast %get3A_470 : vector<16xf32> to vector<16xf32>
      %get3A_472 = arith.constant 16 : index
      %get3A_473 = tpu.vector_load %arg24[%get3A_472] {strides = array<i32>} : memref<128xf32, #tpu.memory_space<vmem>>, vector<16xf32>,
      %get3A_474 = vector.shape_cast %get3A_473 : vector<16xf32> to vector<16xf32>
      %get3A_475 = arith.constant 16 : index
      %get3A_476 = tpu.vector_load %arg25[%get3A_475] {strides = array<i32>} : memref<128xf32, #tpu.memory_space<vmem>>, vector<16xf32>,
      %get3A_477 = vector.shape_cast %get3A_476 : vector<16xf32> to vector<16xf32>
      %get3A_478 = arith.constant 16 : index
      %get3A_479 = tpu.vector_load %arg35[%get3A_478] {strides = array<i32>} : memref<128xf32, #tpu.memory_space<vmem>>, vector<16xf32>,
      %get3A_480 = vector.shape_cast %get3A_479 : vector<16xf32> to vector<16xf32>
      %get3A_481 = arith.constant 16 : index
      %get3A_482 = tpu.vector_load %arg36[%get3A_481] {strides = array<i32>} : memref<128xf32, #tpu.memory_space<vmem>>, vector<16xf32>,
      %get3A_483 = vector.shape_cast %get3A_482 : vector<16xf32> to vector<16xf32>
      %get3A_484 = arith.constant 16 : index
      %get3A_485 = tpu.vector_load %arg37[%get3A_484] {strides = array<i32>} : memref<128xf32, #tpu.memory_space<vmem>>, vector<16xf32>,
      %get3A_486 = vector.shape_cast %get3A_485 : vector<16xf32> to vector<16xf32>
      %get3A_487 = arith.constant 16 : index
      %get3A_488 = tpu.vector_load %arg38[%get3A_487] {strides = array<i32>} : memref<128xf32, #tpu.memory_space<vmem>>, vector<16xf32>,
      %get3A_489 = vector.shape_cast %get3A_488 : vector<16xf32> to vector<16xf32>
      %get3A_490 = arith.constant 16 : index
      %get3A_491 = tpu.vector_load %arg39[%get3A_490] {strides = array<i32>} : memref<128xf32, #tpu.memory_space<vmem>>, vector<16xf32>,
      %get3A_492 = vector.shape_cast %get3A_491 : vector<16xf32> to vector<16xf32>
      %get3A_493 = arith.constant 16 : index
      %get3A_494 = tpu.vector_load %arg40[%get3A_493] {strides = array<i32>} : memref<128xf32, #tpu.memory_space<vmem>>, vector<16xf32>,
      %get3A_495 = vector.shape_cast %get3A_494 : vector<16xf32> to vector<16xf32>
      %sub3A_496 = arith.subf %get3A_462, %get3A_453 : vector<16xf32>
      %sub3A_497 = arith.subf %get3A_465, %get3A_456 : vector<16xf32>
      %sub3A_498 = arith.subf %get3A_468, %get3A_459 : vector<16xf32>
      %sub3A_499 = arith.subf %get3A_471, %get3A_453 : vector<16xf32>
      %sub3A_500 = arith.subf %get3A_474, %get3A_456 : vector<16xf32>
      %sub3A_501 = arith.subf %get3A_477, %get3A_459 : vector<16xf32>
      %sub3A_502 = arith.subf %get3A_486, %get3A_480 : vector<16xf32>
      %sub3A_503 = arith.subf %get3A_489, %get3A_483 : vector<16xf32>
      %sub3A_504 = arith.subf %get3A_492, %get3A_480 : vector<16xf32>
      %sub3A_505 = arith.subf %get3A_495, %get3A_483 : vector<16xf32>
      %mul3A_506 = arith.mulf %sub3A_502, %sub3A_505 : vector<16xf32>
      %mul3A_507 = arith.mulf %sub3A_503, %sub3A_504 : vector<16xf32>
      %sub3A_508 = arith.subf %mul3A_506, %mul3A_507 : vector<16xf32>
      %gt3A_509 = arith.constant 0.000000e+00 : f32
      %gt3A_510 = vector.broadcast %gt3A_509 : f32 to vector<16xf32>
      %gt3A_511 = arith.cmpf ogt, %sub3A_508, %gt3A_510 : vector<16xf32>
      %max3A_512 = arith.constant 9.99999997E-7 : f32
      %max3A_513 = vector.broadcast %max3A_512 : f32 to vector<16xf32>
      %max3A_514 = arith.maximumf %sub3A_508, %max3A_513 : vector<16xf32>
      %min3A_515 = arith.constant -9.99999997E-7 : f32
      %min3A_516 = vector.broadcast %min3A_515 : f32 to vector<16xf32>
      %min3A_517 = arith.minimumf %sub3A_508, %min3A_516 : vector<16xf32>
      %select_n3A_518 = arith.select %gt3A_511, %max3A_514, %min3A_517 : vector<16xi1>, vector<16xf32>
      %div3A_519 = arith.constant 1.000000e+00 : f32
      %div3A_520 = vector.broadcast %div3A_519 : f32 to vector<16xf32>
      %div3A_521 = arith.divf %div3A_520, %select_n3A_518 : vector<16xf32>
      %mul3A_522 = arith.mulf %sub3A_497, %sub3A_501 : vector<16xf32>
      %mul3A_523 = arith.mulf %sub3A_498, %sub3A_500 : vector<16xf32>
      %sub3A_524 = arith.subf %mul3A_522, %mul3A_523 : vector<16xf32>
      %swap3A_525 = arith.constant 16 : index
      %swap3A_526 = tpu.vector_load %arg47[%swap3A_525] {strides = array<i32>} : memref<128xf32, #tpu.memory_space<vmem>>, vector<16xf32>,
      %swap3A_527 = vector.shape_cast %swap3A_526 : vector<16xf32> to vector<16xf32>
      %swap3A_528 = vector.shape_cast %sub3A_524 : vector<16xf32> to vector<16xf32>
      tpu.vector_store %arg47[%swap3A_525], %swap3A_528 {strides = array<i32>} : memref<128xf32, #tpu.memory_space<vmem>>, vector<16xf32>,
      %mul3A_529 = arith.mulf %sub3A_498, %sub3A_499 : vector<16xf32>
      %mul3A_530 = arith.mulf %sub3A_496, %sub3A_501 : vector<16xf32>
      %sub3A_531 = arith.subf %mul3A_529, %mul3A_530 : vector<16xf32>
      %swap3A_532 = arith.constant 16 : index
      %swap3A_533 = tpu.vector_load %arg48[%swap3A_532] {strides = array<i32>} : memref<128xf32, #tpu.memory_space<vmem>>, vector<16xf32>,
      %swap3A_534 = vector.shape_cast %swap3A_533 : vector<16xf32> to vector<16xf32>
      %swap3A_535 = vector.shape_cast %sub3A_531 : vector<16xf32> to vector<16xf32>
      tpu.vector_store %arg48[%swap3A_532], %swap3A_535 {strides = array<i32>} : memref<128xf32, #tpu.memory_space<vmem>>, vector<16xf32>,
      %mul3A_536 = arith.mulf %sub3A_496, %sub3A_500 : vector<16xf32>
      %mul3A_537 = arith.mulf %sub3A_497, %sub3A_499 : vector<16xf32>
      %sub3A_538 = arith.subf %mul3A_536, %mul3A_537 : vector<16xf32>
      %swap3A_539 = arith.constant 16 : index
      %swap3A_540 = tpu.vector_load %arg49[%swap3A_539] {strides = array<i32>} : memref<128xf32, #tpu.memory_space<vmem>>, vector<16xf32>,
      %swap3A_541 = vector.shape_cast %swap3A_540 : vector<16xf32> to vector<16xf32>
      %swap3A_542 = vector.shape_cast %sub3A_538 : vector<16xf32> to vector<16xf32>
      tpu.vector_store %arg49[%swap3A_539], %swap3A_542 {strides = array<i32>} : memref<128xf32, #tpu.memory_space<vmem>>, vector<16xf32>,
      %mul3A_543 = arith.mulf %sub3A_496, %sub3A_505 : vector<16xf32>
      %mul3A_544 = arith.mulf %sub3A_499, %sub3A_503 : vector<16xf32>
      %sub3A_545 = arith.subf %mul3A_543, %mul3A_544 : vector<16xf32>
      %mul3A_546 = arith.mulf %sub3A_545, %div3A_521 : vector<16xf32>
      %swap3A_547 = arith.constant 16 : index
      %swap3A_548 = tpu.vector_load %arg50[%swap3A_547] {strides = array<i32>} : memref<128xf32, #tpu.memory_space<vmem>>, vector<16xf32>,
      %swap3A_549 = vector.shape_cast %swap3A_548 : vector<16xf32> to vector<16xf32>
      %swap3A_550 = vector.shape_cast %mul3A_546 : vector<16xf32> to vector<16xf32>
      tpu.vector_store %arg50[%swap3A_547], %swap3A_550 {strides = array<i32>} : memref<128xf32, #tpu.memory_space<vmem>>, vector<16xf32>,
      %mul3A_551 = arith.mulf %sub3A_497, %sub3A_505 : vector<16xf32>
      %mul3A_552 = arith.mulf %sub3A_500, %sub3A_503 : vector<16xf32>
      %sub3A_553 = arith.subf %mul3A_551, %mul3A_552 : vector<16xf32>
      %mul3A_554 = arith.mulf %sub3A_553, %div3A_521 : vector<16xf32>
      %swap3A_555 = arith.constant 16 : index
      %swap3A_556 = tpu.vector_load %arg51[%swap3A_555] {strides = array<i32>} : memref<128xf32, #tpu.memory_space<vmem>>, vector<16xf32>,
      %swap3A_557 = vector.shape_cast %swap3A_556 : vector<16xf32> to vector<16xf32>
      %swap3A_558 = vector.shape_cast %mul3A_554 : vector<16xf32> to vector<16xf32>
      tpu.vector_store %arg51[%swap3A_555], %swap3A_558 {strides = array<i32>} : memref<128xf32, #tpu.memory_space<vmem>>, vector<16xf32>,
      %mul3A_559 = arith.mulf %sub3A_498, %sub3A_505 : vector<16xf32>
      %mul3A_560 = arith.mulf %sub3A_501, %sub3A_503 : vector<16xf32>
      %sub3A_561 = arith.subf %mul3A_559, %mul3A_560 : vector<16xf32>
      %mul3A_562 = arith.mulf %sub3A_561, %div3A_521 : vector<16xf32>
      %swap3A_563 = arith.constant 16 : index
      %swap3A_564 = tpu.vector_load %arg52[%swap3A_563] {strides = array<i32>} : memref<128xf32, #tpu.memory_space<vmem>>, vector<16xf32>,
      %swap3A_565 = vector.shape_cast %swap3A_564 : vector<16xf32> to vector<16xf32>
      %swap3A_566 = vector.shape_cast %mul3A_562 : vector<16xf32> to vector<16xf32>
      tpu.vector_store %arg52[%swap3A_563], %swap3A_566 {strides = array<i32>} : memref<128xf32, #tpu.memory_space<vmem>>, vector<16xf32>,
      %get3A_567 = arith.constant 32 : index
      %get3A_568 = tpu.vector_load %arg17[%get3A_567] {strides = array<i32>} : memref<128xf32, #tpu.memory_space<vmem>>, vector<16xf32>,
      %get3A_569 = vector.shape_cast %get3A_568 : vector<16xf32> to vector<16xf32>
      %get3A_570 = arith.constant 32 : index
      %get3A_571 = tpu.vector_load %arg18[%get3A_570] {strides = array<i32>} : memref<128xf32, #tpu.memory_space<vmem>>, vector<16xf32>,
      %get3A_572 = vector.shape_cast %get3A_571 : vector<16xf32> to vector<16xf32>
      %get3A_573 = arith.constant 32 : index
      %get3A_574 = tpu.vector_load %arg19[%get3A_573] {strides = array<i32>} : memref<128xf32, #tpu.memory_space<vmem>>, vector<16xf32>,
      %get3A_575 = vector.shape_cast %get3A_574 : vector<16xf32> to vector<16xf32>
      %get3A_576 = arith.constant 32 : index
      %get3A_577 = tpu.vector_load %arg20[%get3A_576] {strides = array<i32>} : memref<128xf32, #tpu.memory_space<vmem>>, vector<16xf32>,
      %get3A_578 = vector.shape_cast %get3A_577 : vector<16xf32> to vector<16xf32>
      %get3A_579 = arith.constant 32 : index
      %get3A_580 = tpu.vector_load %arg21[%get3A_579] {strides = array<i32>} : memref<128xf32, #tpu.memory_space<vmem>>, vector<16xf32>,
      %get3A_581 = vector.shape_cast %get3A_580 : vector<16xf32> to vector<16xf32>
      %get3A_582 = arith.constant 32 : index
      %get3A_583 = tpu.vector_load %arg22[%get3A_582] {strides = array<i32>} : memref<128xf32, #tpu.memory_space<vmem>>, vector<16xf32>,
      %get3A_584 = vector.shape_cast %get3A_583 : vector<16xf32> to vector<16xf32>
      %get3A_585 = arith.constant 32 : index
      %get3A_586 = tpu.vector_load %arg23[%get3A_585] {strides = array<i32>} : memref<128xf32, #tpu.memory_space<vmem>>, vector<16xf32>,
      %get3A_587 = vector.shape_cast %get3A_586 : vector<16xf32> to vector<16xf32>
      %get3A_588 = arith.constant 32 : index
      %get3A_589 = tpu.vector_load %arg24[%get3A_588] {strides = array<i32>} : memref<128xf32, #tpu.memory_space<vmem>>, vector<16xf32>,
      %get3A_590 = vector.shape_cast %get3A_589 : vector<16xf32> to vector<16xf32>
      %get3A_591 = arith.constant 32 : index
      %get3A_592 = tpu.vector_load %arg25[%get3A_591] {strides = array<i32>} : memref<128xf32, #tpu.memory_space<vmem>>, vector<16xf32>,
      %get3A_593 = vector.shape_cast %get3A_592 : vector<16xf32> to vector<16xf32>
      %get3A_594 = arith.constant 32 : index
      %get3A_595 = tpu.vector_load %arg35[%get3A_594] {strides = array<i32>} : memref<128xf32, #tpu.memory_space<vmem>>, vector<16xf32>,
      %get3A_596 = vector.shape_cast %get3A_595 : vector<16xf32> to vector<16xf32>
      %get3A_597 = arith.constant 32 : index
      %get3A_598 = tpu.vector_load %arg36[%get3A_597] {strides = array<i32>} : memref<128xf32, #tpu.memory_space<vmem>>, vector<16xf32>,
      %get3A_599 = vector.shape_cast %get3A_598 : vector<16xf32> to vector<16xf32>
      %get3A_600 = arith.constant 32 : index
      %get3A_601 = tpu.vector_load %arg37[%get3A_600] {strides = array<i32>} : memref<128xf32, #tpu.memory_space<vmem>>, vector<16xf32>,
      %get3A_602 = vector.shape_cast %get3A_601 : vector<16xf32> to vector<16xf32>
      %get3A_603 = arith.constant 32 : index
      %get3A_604 = tpu.vector_load %arg38[%get3A_603] {strides = array<i32>} : memref<128xf32, #tpu.memory_space<vmem>>, vector<16xf32>,
      %get3A_605 = vector.shape_cast %get3A_604 : vector<16xf32> to vector<16xf32>
      %get3A_606 = arith.constant 32 : index
      %get3A_607 = tpu.vector_load %arg39[%get3A_606] {strides = array<i32>} : memref<128xf32, #tpu.memory_space<vmem>>, vector<16xf32>,
      %get3A_608 = vector.shape_cast %get3A_607 : vector<16xf32> to vector<16xf32>
      %get3A_609 = arith.constant 32 : index
      %get3A_610 = tpu.vector_load %arg40[%get3A_609] {strides = array<i32>} : memref<128xf32, #tpu.memory_space<vmem>>, vector<16xf32>,
      %get3A_611 = vector.shape_cast %get3A_610 : vector<16xf32> to vector<16xf32>
      %sub3A_612 = arith.subf %get3A_578, %get3A_569 : vector<16xf32>
      %sub3A_613 = arith.subf %get3A_581, %get3A_572 : vector<16xf32>
      %sub3A_614 = arith.subf %get3A_584, %get3A_575 : vector<16xf32>
      %sub3A_615 = arith.subf %get3A_587, %get3A_569 : vector<16xf32>
      %sub3A_616 = arith.subf %get3A_590, %get3A_572 : vector<16xf32>
      %sub3A_617 = arith.subf %get3A_593, %get3A_575 : vector<16xf32>
      %sub3A_618 = arith.subf %get3A_602, %get3A_596 : vector<16xf32>
      %sub3A_619 = arith.subf %get3A_605, %get3A_599 : vector<16xf32>
      %sub3A_620 = arith.subf %get3A_608, %get3A_596 : vector<16xf32>
      %sub3A_621 = arith.subf %get3A_611, %get3A_599 : vector<16xf32>
      %mul3A_622 = arith.mulf %sub3A_618, %sub3A_621 : vector<16xf32>
      %mul3A_623 = arith.mulf %sub3A_619, %sub3A_620 : vector<16xf32>
      %sub3A_624 = arith.subf %mul3A_622, %mul3A_623 : vector<16xf32>
      %gt3A_625 = arith.constant 0.000000e+00 : f32
      %gt3A_626 = vector.broadcast %gt3A_625 : f32 to vector<16xf32>
      %gt3A_627 = arith.cmpf ogt, %sub3A_624, %gt3A_626 : vector<16xf32>
      %max3A_628 = arith.constant 9.99999997E-7 : f32
      %max3A_629 = vector.broadcast %max3A_628 : f32 to vector<16xf32>
      %max3A_630 = arith.maximumf %sub3A_624, %max3A_629 : vector<16xf32>
      %min3A_631 = arith.constant -9.99999997E-7 : f32
      %min3A_632 = vector.broadcast %min3A_631 : f32 to vector<16xf32>
      %min3A_633 = arith.minimumf %sub3A_624, %min3A_632 : vector<16xf32>
      %select_n3A_634 = arith.select %gt3A_627, %max3A_630, %min3A_633 : vector<16xi1>, vector<16xf32>
      %div3A_635 = arith.constant 1.000000e+00 : f32
      %div3A_636 = vector.broadcast %div3A_635 : f32 to vector<16xf32>
      %div3A_637 = arith.divf %div3A_636, %select_n3A_634 : vector<16xf32>
      %mul3A_638 = arith.mulf %sub3A_613, %sub3A_617 : vector<16xf32>
      %mul3A_639 = arith.mulf %sub3A_614, %sub3A_616 : vector<16xf32>
      %sub3A_640 = arith.subf %mul3A_638, %mul3A_639 : vector<16xf32>
      %swap3A_641 = arith.constant 32 : index
      %swap3A_642 = tpu.vector_load %arg47[%swap3A_641] {strides = array<i32>} : memref<128xf32, #tpu.memory_space<vmem>>, vector<16xf32>,
      %swap3A_643 = vector.shape_cast %swap3A_642 : vector<16xf32> to vector<16xf32>
      %swap3A_644 = vector.shape_cast %sub3A_640 : vector<16xf32> to vector<16xf32>
      tpu.vector_store %arg47[%swap3A_641], %swap3A_644 {strides = array<i32>} : memref<128xf32, #tpu.memory_space<vmem>>, vector<16xf32>,
      %mul3A_645 = arith.mulf %sub3A_614, %sub3A_615 : vector<16xf32>
      %mul3A_646 = arith.mulf %sub3A_612, %sub3A_617 : vector<16xf32>
      %sub3A_647 = arith.subf %mul3A_645, %mul3A_646 : vector<16xf32>
      %swap3A_648 = arith.constant 32 : index
      %swap3A_649 = tpu.vector_load %arg48[%swap3A_648] {strides = array<i32>} : memref<128xf32, #tpu.memory_space<vmem>>, vector<16xf32>,
      %swap3A_650 = vector.shape_cast %swap3A_649 : vector<16xf32> to vector<16xf32>
      %swap3A_651 = vector.shape_cast %sub3A_647 : vector<16xf32> to vector<16xf32>
      tpu.vector_store %arg48[%swap3A_648], %swap3A_651 {strides = array<i32>} : memref<128xf32, #tpu.memory_space<vmem>>, vector<16xf32>,
      %mul3A_652 = arith.mulf %sub3A_612, %sub3A_616 : vector<16xf32>
      %mul3A_653 = arith.mulf %sub3A_613, %sub3A_615 : vector<16xf32>
      %sub3A_654 = arith.subf %mul3A_652, %mul3A_653 : vector<16xf32>
      %swap3A_655 = arith.constant 32 : index
      %swap3A_656 = tpu.vector_load %arg49[%swap3A_655] {strides = array<i32>} : memref<128xf32, #tpu.memory_space<vmem>>, vector<16xf32>,
      %swap3A_657 = vector.shape_cast %swap3A_656 : vector<16xf32> to vector<16xf32>
      %swap3A_658 = vector.shape_cast %sub3A_654 : vector<16xf32> to vector<16xf32>
      tpu.vector_store %arg49[%swap3A_655], %swap3A_658 {strides = array<i32>} : memref<128xf32, #tpu.memory_space<vmem>>, vector<16xf32>,
      %mul3A_659 = arith.mulf %sub3A_612, %sub3A_621 : vector<16xf32>
      %mul3A_660 = arith.mulf %sub3A_615, %sub3A_619 : vector<16xf32>
      %sub3A_661 = arith.subf %mul3A_659, %mul3A_660 : vector<16xf32>
      %mul3A_662 = arith.mulf %sub3A_661, %div3A_637 : vector<16xf32>
      %swap3A_663 = arith.constant 32 : index
      %swap3A_664 = tpu.vector_load %arg50[%swap3A_663] {strides = array<i32>} : memref<128xf32, #tpu.memory_space<vmem>>, vector<16xf32>,
      %swap3A_665 = vector.shape_cast %swap3A_664 : vector<16xf32> to vector<16xf32>
      %swap3A_666 = vector.shape_cast %mul3A_662 : vector<16xf32> to vector<16xf32>
      tpu.vector_store %arg50[%swap3A_663], %swap3A_666 {strides = array<i32>} : memref<128xf32, #tpu.memory_space<vmem>>, vector<16xf32>,
      %mul3A_667 = arith.mulf %sub3A_613, %sub3A_621 : vector<16xf32>
      %mul3A_668 = arith.mulf %sub3A_616, %sub3A_619 : vector<16xf32>
      %sub3A_669 = arith.subf %mul3A_667, %mul3A_668 : vector<16xf32>
      %mul3A_670 = arith.mulf %sub3A_669, %div3A_637 : vector<16xf32>
      %swap3A_671 = arith.constant 32 : index
      %swap3A_672 = tpu.vector_load %arg51[%swap3A_671] {strides = array<i32>} : memref<128xf32, #tpu.memory_space<vmem>>, vector<16xf32>,
      %swap3A_673 = vector.shape_cast %swap3A_672 : vector<16xf32> to vector<16xf32>
      %swap3A_674 = vector.shape_cast %mul3A_670 : vector<16xf32> to vector<16xf32>
      tpu.vector_store %arg51[%swap3A_671], %swap3A_674 {strides = array<i32>} : memref<128xf32, #tpu.memory_space<vmem>>, vector<16xf32>,
      %mul3A_675 = arith.mulf %sub3A_614, %sub3A_621 : vector<16xf32>
      %mul3A_676 = arith.mulf %sub3A_617, %sub3A_619 : vector<16xf32>
      %sub3A_677 = arith.subf %mul3A_675, %mul3A_676 : vector<16xf32>
      %mul3A_678 = arith.mulf %sub3A_677, %div3A_637 : vector<16xf32>
      %swap3A_679 = arith.constant 32 : index
      %swap3A_680 = tpu.vector_load %arg52[%swap3A_679] {strides = array<i32>} : memref<128xf32, #tpu.memory_space<vmem>>, vector<16xf32>,
      %swap3A_681 = vector.shape_cast %swap3A_680 : vector<16xf32> to vector<16xf32>
      %swap3A_682 = vector.shape_cast %mul3A_678 : vector<16xf32> to vector<16xf32>
      tpu.vector_store %arg52[%swap3A_679], %swap3A_682 {strides = array<i32>} : memref<128xf32, #tpu.memory_space<vmem>>, vector<16xf32>,
      %get3A_683 = arith.constant 48 : index
      %get3A_684 = tpu.vector_load %arg17[%get3A_683] {strides = array<i32>} : memref<128xf32, #tpu.memory_space<vmem>>, vector<16xf32>,
      %get3A_685 = vector.shape_cast %get3A_684 : vector<16xf32> to vector<16xf32>
      %get3A_686 = arith.constant 48 : index
      %get3A_687 = tpu.vector_load %arg18[%get3A_686] {strides = array<i32>} : memref<128xf32, #tpu.memory_space<vmem>>, vector<16xf32>,
      %get3A_688 = vector.shape_cast %get3A_687 : vector<16xf32> to vector<16xf32>
      %get3A_689 = arith.constant 48 : index
      %get3A_690 = tpu.vector_load %arg19[%get3A_689] {strides = array<i32>} : memref<128xf32, #tpu.memory_space<vmem>>, vector<16xf32>,
      %get3A_691 = vector.shape_cast %get3A_690 : vector<16xf32> to vector<16xf32>
      %get3A_692 = arith.constant 48 : index
      %get3A_693 = tpu.vector_load %arg20[%get3A_692] {strides = array<i32>} : memref<128xf32, #tpu.memory_space<vmem>>, vector<16xf32>,
      %get3A_694 = vector.shape_cast %get3A_693 : vector<16xf32> to vector<16xf32>
      %get3A_695 = arith.constant 48 : index
      %get3A_696 = tpu.vector_load %arg21[%get3A_695] {strides = array<i32>} : memref<128xf32, #tpu.memory_space<vmem>>, vector<16xf32>,
      %get3A_697 = vector.shape_cast %get3A_696 : vector<16xf32> to vector<16xf32>
      %get3A_698 = arith.constant 48 : index
      %get3A_699 = tpu.vector_load %arg22[%get3A_698] {strides = array<i32>} : memref<128xf32, #tpu.memory_space<vmem>>, vector<16xf32>,
      %get3A_700 = vector.shape_cast %get3A_699 : vector<16xf32> to vector<16xf32>
      %get3A_701 = arith.constant 48 : index
      %get3A_702 = tpu.vector_load %arg23[%get3A_701] {strides = array<i32>} : memref<128xf32, #tpu.memory_space<vmem>>, vector<16xf32>,
      %get3A_703 = vector.shape_cast %get3A_702 : vector<16xf32> to vector<16xf32>
      %get3A_704 = arith.constant 48 : index
      %get3A_705 = tpu.vector_load %arg24[%get3A_704] {strides = array<i32>} : memref<128xf32, #tpu.memory_space<vmem>>, vector<16xf32>,
      %get3A_706 = vector.shape_cast %get3A_705 : vector<16xf32> to vector<16xf32>
      %get3A_707 = arith.constant 48 : index
      %get3A_708 = tpu.vector_load %arg25[%get3A_707] {strides = array<i32>} : memref<128xf32, #tpu.memory_space<vmem>>, vector<16xf32>,
      %get3A_709 = vector.shape_cast %get3A_708 : vector<16xf32> to vector<16xf32>
      %get3A_710 = arith.constant 48 : index
      %get3A_711 = tpu.vector_load %arg35[%get3A_710] {strides = array<i32>} : memref<128xf32, #tpu.memory_space<vmem>>, vector<16xf32>,
      %get3A_712 = vector.shape_cast %get3A_711 : vector<16xf32> to vector<16xf32>
      %get3A_713 = arith.constant 48 : index
      %get3A_714 = tpu.vector_load %arg36[%get3A_713] {strides = array<i32>} : memref<128xf32, #tpu.memory_space<vmem>>, vector<16xf32>,
      %get3A_715 = vector.shape_cast %get3A_714 : vector<16xf32> to vector<16xf32>
      %get3A_716 = arith.constant 48 : index
      %get3A_717 = tpu.vector_load %arg37[%get3A_716] {strides = array<i32>} : memref<128xf32, #tpu.memory_space<vmem>>, vector<16xf32>,
      %get3A_718 = vector.shape_cast %get3A_717 : vector<16xf32> to vector<16xf32>
      %get3A_719 = arith.constant 48 : index
      %get3A_720 = tpu.vector_load %arg38[%get3A_719] {strides = array<i32>} : memref<128xf32, #tpu.memory_space<vmem>>, vector<16xf32>,
      %get3A_721 = vector.shape_cast %get3A_720 : vector<16xf32> to vector<16xf32>
      %get3A_722 = arith.constant 48 : index
      %get3A_723 = tpu.vector_load %arg39[%get3A_722] {strides = array<i32>} : memref<128xf32, #tpu.memory_space<vmem>>, vector<16xf32>,
      %get3A_724 = vector.shape_cast %get3A_723 : vector<16xf32> to vector<16xf32>
      %get3A_725 = arith.constant 48 : index
      %get3A_726 = tpu.vector_load %arg40[%get3A_725] {strides = array<i32>} : memref<128xf32, #tpu.memory_space<vmem>>, vector<16xf32>,
      %get3A_727 = vector.shape_cast %get3A_726 : vector<16xf32> to vector<16xf32>
      %sub3A_728 = arith.subf %get3A_694, %get3A_685 : vector<16xf32>
      %sub3A_729 = arith.subf %get3A_697, %get3A_688 : vector<16xf32>
      %sub3A_730 = arith.subf %get3A_700, %get3A_691 : vector<16xf32>
      %sub3A_731 = arith.subf %get3A_703, %get3A_685 : vector<16xf32>
      %sub3A_732 = arith.subf %get3A_706, %get3A_688 : vector<16xf32>
      %sub3A_733 = arith.subf %get3A_709, %get3A_691 : vector<16xf32>
      %sub3A_734 = arith.subf %get3A_718, %get3A_712 : vector<16xf32>
      %sub3A_735 = arith.subf %get3A_721, %get3A_715 : vector<16xf32>
      %sub3A_736 = arith.subf %get3A_724, %get3A_712 : vector<16xf32>
      %sub3A_737 = arith.subf %get3A_727, %get3A_715 : vector<16xf32>
      %mul3A_738 = arith.mulf %sub3A_734, %sub3A_737 : vector<16xf32>
      %mul3A_739 = arith.mulf %sub3A_735, %sub3A_736 : vector<16xf32>
      %sub3A_740 = arith.subf %mul3A_738, %mul3A_739 : vector<16xf32>
      %gt3A_741 = arith.constant 0.000000e+00 : f32
      %gt3A_742 = vector.broadcast %gt3A_741 : f32 to vector<16xf32>
      %gt3A_743 = arith.cmpf ogt, %sub3A_740, %gt3A_742 : vector<16xf32>
      %max3A_744 = arith.constant 9.99999997E-7 : f32
      %max3A_745 = vector.broadcast %max3A_744 : f32 to vector<16xf32>
      %max3A_746 = arith.maximumf %sub3A_740, %max3A_745 : vector<16xf32>
      %min3A_747 = arith.constant -9.99999997E-7 : f32
      %min3A_748 = vector.broadcast %min3A_747 : f32 to vector<16xf32>
      %min3A_749 = arith.minimumf %sub3A_740, %min3A_748 : vector<16xf32>
      %select_n3A_750 = arith.select %gt3A_743, %max3A_746, %min3A_749 : vector<16xi1>, vector<16xf32>
      %div3A_751 = arith.constant 1.000000e+00 : f32
      %div3A_752 = vector.broadcast %div3A_751 : f32 to vector<16xf32>
      %div3A_753 = arith.divf %div3A_752, %select_n3A_750 : vector<16xf32>
      %mul3A_754 = arith.mulf %sub3A_729, %sub3A_733 : vector<16xf32>
      %mul3A_755 = arith.mulf %sub3A_730, %sub3A_732 : vector<16xf32>
      %sub3A_756 = arith.subf %mul3A_754, %mul3A_755 : vector<16xf32>
      %swap3A_757 = arith.constant 48 : index
      %swap3A_758 = tpu.vector_load %arg47[%swap3A_757] {strides = array<i32>} : memref<128xf32, #tpu.memory_space<vmem>>, vector<16xf32>,
      %swap3A_759 = vector.shape_cast %swap3A_758 : vector<16xf32> to vector<16xf32>
      %swap3A_760 = vector.shape_cast %sub3A_756 : vector<16xf32> to vector<16xf32>
      tpu.vector_store %arg47[%swap3A_757], %swap3A_760 {strides = array<i32>} : memref<128xf32, #tpu.memory_space<vmem>>, vector<16xf32>,
      %mul3A_761 = arith.mulf %sub3A_730, %sub3A_731 : vector<16xf32>
      %mul3A_762 = arith.mulf %sub3A_728, %sub3A_733 : vector<16xf32>
      %sub3A_763 = arith.subf %mul3A_761, %mul3A_762 : vector<16xf32>
      %swap3A_764 = arith.constant 48 : index
      %swap3A_765 = tpu.vector_load %arg48[%swap3A_764] {strides = array<i32>} : memref<128xf32, #tpu.memory_space<vmem>>, vector<16xf32>,
      %swap3A_766 = vector.shape_cast %swap3A_765 : vector<16xf32> to vector<16xf32>
      %swap3A_767 = vector.shape_cast %sub3A_763 : vector<16xf32> to vector<16xf32>
      tpu.vector_store %arg48[%swap3A_764], %swap3A_767 {strides = array<i32>} : memref<128xf32, #tpu.memory_space<vmem>>, vector<16xf32>,
      %mul3A_768 = arith.mulf %sub3A_728, %sub3A_732 : vector<16xf32>
      %mul3A_769 = arith.mulf %sub3A_729, %sub3A_731 : vector<16xf32>
      %sub3A_770 = arith.subf %mul3A_768, %mul3A_769 : vector<16xf32>
      %swap3A_771 = arith.constant 48 : index
      %swap3A_772 = tpu.vector_load %arg49[%swap3A_771] {strides = array<i32>} : memref<128xf32, #tpu.memory_space<vmem>>, vector<16xf32>,
      %swap3A_773 = vector.shape_cast %swap3A_772 : vector<16xf32> to vector<16xf32>
      %swap3A_774 = vector.shape_cast %sub3A_770 : vector<16xf32> to vector<16xf32>
      tpu.vector_store %arg49[%swap3A_771], %swap3A_774 {strides = array<i32>} : memref<128xf32, #tpu.memory_space<vmem>>, vector<16xf32>,
      %mul3A_775 = arith.mulf %sub3A_728, %sub3A_737 : vector<16xf32>
      %mul3A_776 = arith.mulf %sub3A_731, %sub3A_735 : vector<16xf32>
      %sub3A_777 = arith.subf %mul3A_775, %mul3A_776 : vector<16xf32>
      %mul3A_778 = arith.mulf %sub3A_777, %div3A_753 : vector<16xf32>
      %swap3A_779 = arith.constant 48 : index
      %swap3A_780 = tpu.vector_load %arg50[%swap3A_779] {strides = array<i32>} : memref<128xf32, #tpu.memory_space<vmem>>, vector<16xf32>,
      %swap3A_781 = vector.shape_cast %swap3A_780 : vector<16xf32> to vector<16xf32>
      %swap3A_782 = vector.shape_cast %mul3A_778 : vector<16xf32> to vector<16xf32>
      tpu.vector_store %arg50[%swap3A_779], %swap3A_782 {strides = array<i32>} : memref<128xf32, #tpu.memory_space<vmem>>, vector<16xf32>,
      %mul3A_783 = arith.mulf %sub3A_729, %sub3A_737 : vector<16xf32>
      %mul3A_784 = arith.mulf %sub3A_732, %sub3A_735 : vector<16xf32>
      %sub3A_785 = arith.subf %mul3A_783, %mul3A_784 : vector<16xf32>
      %mul3A_786 = arith.mulf %sub3A_785, %div3A_753 : vector<16xf32>
      %swap3A_787 = arith.constant 48 : index
      %swap3A_788 = tpu.vector_load %arg51[%swap3A_787] {strides = array<i32>} : memref<128xf32, #tpu.memory_space<vmem>>, vector<16xf32>,
      %swap3A_789 = vector.shape_cast %swap3A_788 : vector<16xf32> to vector<16xf32>
      %swap3A_790 = vector.shape_cast %mul3A_786 : vector<16xf32> to vector<16xf32>
      tpu.vector_store %arg51[%swap3A_787], %swap3A_790 {strides = array<i32>} : memref<128xf32, #tpu.memory_space<vmem>>, vector<16xf32>,
      %mul3A_791 = arith.mulf %sub3A_730, %sub3A_737 : vector<16xf32>
      %mul3A_792 = arith.mulf %sub3A_733, %sub3A_735 : vector<16xf32>
      %sub3A_793 = arith.subf %mul3A_791, %mul3A_792 : vector<16xf32>
      %mul3A_794 = arith.mulf %sub3A_793, %div3A_753 : vector<16xf32>
      %swap3A_795 = arith.constant 48 : index
      %swap3A_796 = tpu.vector_load %arg52[%swap3A_795] {strides = array<i32>} : memref<128xf32, #tpu.memory_space<vmem>>, vector<16xf32>,
      %swap3A_797 = vector.shape_cast %swap3A_796 : vector<16xf32> to vector<16xf32>
      %swap3A_798 = vector.shape_cast %mul3A_794 : vector<16xf32> to vector<16xf32>
      tpu.vector_store %arg52[%swap3A_795], %swap3A_798 {strides = array<i32>} : memref<128xf32, #tpu.memory_space<vmem>>, vector<16xf32>,
      %get3A_799 = arith.constant 64 : index
      %get3A_800 = tpu.vector_load %arg17[%get3A_799] {strides = array<i32>} : memref<128xf32, #tpu.memory_space<vmem>>, vector<16xf32>,
      %get3A_801 = vector.shape_cast %get3A_800 : vector<16xf32> to vector<16xf32>
      %get3A_802 = arith.constant 64 : index
      %get3A_803 = tpu.vector_load %arg18[%get3A_802] {strides = array<i32>} : memref<128xf32, #tpu.memory_space<vmem>>, vector<16xf32>,
      %get3A_804 = vector.shape_cast %get3A_803 : vector<16xf32> to vector<16xf32>
      %get3A_805 = arith.constant 64 : index
      %get3A_806 = tpu.vector_load %arg19[%get3A_805] {strides = array<i32>} : memref<128xf32, #tpu.memory_space<vmem>>, vector<16xf32>,
      %get3A_807 = vector.shape_cast %get3A_806 : vector<16xf32> to vector<16xf32>
      %get3A_808 = arith.constant 64 : index
      %get3A_809 = tpu.vector_load %arg20[%get3A_808] {strides = array<i32>} : memref<128xf32, #tpu.memory_space<vmem>>, vector<16xf32>,
      %get3A_810 = vector.shape_cast %get3A_809 : vector<16xf32> to vector<16xf32>
      %get3A_811 = arith.constant 64 : index
      %get3A_812 = tpu.vector_load %arg21[%get3A_811] {strides = array<i32>} : memref<128xf32, #tpu.memory_space<vmem>>, vector<16xf32>,
      %get3A_813 = vector.shape_cast %get3A_812 : vector<16xf32> to vector<16xf32>
      %get3A_814 = arith.constant 64 : index
      %get3A_815 = tpu.vector_load %arg22[%get3A_814] {strides = array<i32>} : memref<128xf32, #tpu.memory_space<vmem>>, vector<16xf32>,
      %get3A_816 = vector.shape_cast %get3A_815 : vector<16xf32> to vector<16xf32>
      %get3A_817 = arith.constant 64 : index
      %get3A_818 = tpu.vector_load %arg23[%get3A_817] {strides = array<i32>} : memref<128xf32, #tpu.memory_space<vmem>>, vector<16xf32>,
      %get3A_819 = vector.shape_cast %get3A_818 : vector<16xf32> to vector<16xf32>
      %get3A_820 = arith.constant 64 : index
      %get3A_821 = tpu.vector_load %arg24[%get3A_820] {strides = array<i32>} : memref<128xf32, #tpu.memory_space<vmem>>, vector<16xf32>,
      %get3A_822 = vector.shape_cast %get3A_821 : vector<16xf32> to vector<16xf32>
      %get3A_823 = arith.constant 64 : index
      %get3A_824 = tpu.vector_load %arg25[%get3A_823] {strides = array<i32>} : memref<128xf32, #tpu.memory_space<vmem>>, vector<16xf32>,
      %get3A_825 = vector.shape_cast %get3A_824 : vector<16xf32> to vector<16xf32>
      %get3A_826 = arith.constant 64 : index
      %get3A_827 = tpu.vector_load %arg35[%get3A_826] {strides = array<i32>} : memref<128xf32, #tpu.memory_space<vmem>>, vector<16xf32>,
      %get3A_828 = vector.shape_cast %get3A_827 : vector<16xf32> to vector<16xf32>
      %get3A_829 = arith.constant 64 : index
      %get3A_830 = tpu.vector_load %arg36[%get3A_829] {strides = array<i32>} : memref<128xf32, #tpu.memory_space<vmem>>, vector<16xf32>,
      %get3A_831 = vector.shape_cast %get3A_830 : vector<16xf32> to vector<16xf32>
      %get3A_832 = arith.constant 64 : index
      %get3A_833 = tpu.vector_load %arg37[%get3A_832] {strides = array<i32>} : memref<128xf32, #tpu.memory_space<vmem>>, vector<16xf32>,
      %get3A_834 = vector.shape_cast %get3A_833 : vector<16xf32> to vector<16xf32>
      %get3A_835 = arith.constant 64 : index
      %get3A_836 = tpu.vector_load %arg38[%get3A_835] {strides = array<i32>} : memref<128xf32, #tpu.memory_space<vmem>>, vector<16xf32>,
      %get3A_837 = vector.shape_cast %get3A_836 : vector<16xf32> to vector<16xf32>
      %get3A_838 = arith.constant 64 : index
      %get3A_839 = tpu.vector_load %arg39[%get3A_838] {strides = array<i32>} : memref<128xf32, #tpu.memory_space<vmem>>, vector<16xf32>,
      %get3A_840 = vector.shape_cast %get3A_839 : vector<16xf32> to vector<16xf32>
      %get3A_841 = arith.constant 64 : index
      %get3A_842 = tpu.vector_load %arg40[%get3A_841] {strides = array<i32>} : memref<128xf32, #tpu.memory_space<vmem>>, vector<16xf32>,
      %get3A_843 = vector.shape_cast %get3A_842 : vector<16xf32> to vector<16xf32>
      %sub3A_844 = arith.subf %get3A_810, %get3A_801 : vector<16xf32>
      %sub3A_845 = arith.subf %get3A_813, %get3A_804 : vector<16xf32>
      %sub3A_846 = arith.subf %get3A_816, %get3A_807 : vector<16xf32>
      %sub3A_847 = arith.subf %get3A_819, %get3A_801 : vector<16xf32>
      %sub3A_848 = arith.subf %get3A_822, %get3A_804 : vector<16xf32>
      %sub3A_849 = arith.subf %get3A_825, %get3A_807 : vector<16xf32>
      %sub3A_850 = arith.subf %get3A_834, %get3A_828 : vector<16xf32>
      %sub3A_851 = arith.subf %get3A_837, %get3A_831 : vector<16xf32>
      %sub3A_852 = arith.subf %get3A_840, %get3A_828 : vector<16xf32>
      %sub3A_853 = arith.subf %get3A_843, %get3A_831 : vector<16xf32>
      %mul3A_854 = arith.mulf %sub3A_850, %sub3A_853 : vector<16xf32>
      %mul3A_855 = arith.mulf %sub3A_851, %sub3A_852 : vector<16xf32>
      %sub3A_856 = arith.subf %mul3A_854, %mul3A_855 : vector<16xf32>
      %gt3A_857 = arith.constant 0.000000e+00 : f32
      %gt3A_858 = vector.broadcast %gt3A_857 : f32 to vector<16xf32>
      %gt3A_859 = arith.cmpf ogt, %sub3A_856, %gt3A_858 : vector<16xf32>
      %max3A_860 = arith.constant 9.99999997E-7 : f32
      %max3A_861 = vector.broadcast %max3A_860 : f32 to vector<16xf32>
      %max3A_862 = arith.maximumf %sub3A_856, %max3A_861 : vector<16xf32>
      %min3A_863 = arith.constant -9.99999997E-7 : f32
      %min3A_864 = vector.broadcast %min3A_863 : f32 to vector<16xf32>
      %min3A_865 = arith.minimumf %sub3A_856, %min3A_864 : vector<16xf32>
      %select_n3A_866 = arith.select %gt3A_859, %max3A_862, %min3A_865 : vector<16xi1>, vector<16xf32>
      %div3A_867 = arith.constant 1.000000e+00 : f32
      %div3A_868 = vector.broadcast %div3A_867 : f32 to vector<16xf32>
      %div3A_869 = arith.divf %div3A_868, %select_n3A_866 : vector<16xf32>
      %mul3A_870 = arith.mulf %sub3A_845, %sub3A_849 : vector<16xf32>
      %mul3A_871 = arith.mulf %sub3A_846, %sub3A_848 : vector<16xf32>
      %sub3A_872 = arith.subf %mul3A_870, %mul3A_871 : vector<16xf32>
      %swap3A_873 = arith.constant 64 : index
      %swap3A_874 = tpu.vector_load %arg47[%swap3A_873] {strides = array<i32>} : memref<128xf32, #tpu.memory_space<vmem>>, vector<16xf32>,
      %swap3A_875 = vector.shape_cast %swap3A_874 : vector<16xf32> to vector<16xf32>
      %swap3A_876 = vector.shape_cast %sub3A_872 : vector<16xf32> to vector<16xf32>
      tpu.vector_store %arg47[%swap3A_873], %swap3A_876 {strides = array<i32>} : memref<128xf32, #tpu.memory_space<vmem>>, vector<16xf32>,
      %mul3A_877 = arith.mulf %sub3A_846, %sub3A_847 : vector<16xf32>
      %mul3A_878 = arith.mulf %sub3A_844, %sub3A_849 : vector<16xf32>
      %sub3A_879 = arith.subf %mul3A_877, %mul3A_878 : vector<16xf32>
      %swap3A_880 = arith.constant 64 : index
      %swap3A_881 = tpu.vector_load %arg48[%swap3A_880] {strides = array<i32>} : memref<128xf32, #tpu.memory_space<vmem>>, vector<16xf32>,
      %swap3A_882 = vector.shape_cast %swap3A_881 : vector<16xf32> to vector<16xf32>
      %swap3A_883 = vector.shape_cast %sub3A_879 : vector<16xf32> to vector<16xf32>
      tpu.vector_store %arg48[%swap3A_880], %swap3A_883 {strides = array<i32>} : memref<128xf32, #tpu.memory_space<vmem>>, vector<16xf32>,
      %mul3A_884 = arith.mulf %sub3A_844, %sub3A_848 : vector<16xf32>
      %mul3A_885 = arith.mulf %sub3A_845, %sub3A_847 : vector<16xf32>
      %sub3A_886 = arith.subf %mul3A_884, %mul3A_885 : vector<16xf32>
      %swap3A_887 = arith.constant 64 : index
      %swap3A_888 = tpu.vector_load %arg49[%swap3A_887] {strides = array<i32>} : memref<128xf32, #tpu.memory_space<vmem>>, vector<16xf32>,
      %swap3A_889 = vector.shape_cast %swap3A_888 : vector<16xf32> to vector<16xf32>
      %swap3A_890 = vector.shape_cast %sub3A_886 : vector<16xf32> to vector<16xf32>
      tpu.vector_store %arg49[%swap3A_887], %swap3A_890 {strides = array<i32>} : memref<128xf32, #tpu.memory_space<vmem>>, vector<16xf32>,
      %mul3A_891 = arith.mulf %sub3A_844, %sub3A_853 : vector<16xf32>
      %mul3A_892 = arith.mulf %sub3A_847, %sub3A_851 : vector<16xf32>
      %sub3A_893 = arith.subf %mul3A_891, %mul3A_892 : vector<16xf32>
      %mul3A_894 = arith.mulf %sub3A_893, %div3A_869 : vector<16xf32>
      %swap3A_895 = arith.constant 64 : index
      %swap3A_896 = tpu.vector_load %arg50[%swap3A_895] {strides = array<i32>} : memref<128xf32, #tpu.memory_space<vmem>>, vector<16xf32>,
      %swap3A_897 = vector.shape_cast %swap3A_896 : vector<16xf32> to vector<16xf32>
      %swap3A_898 = vector.shape_cast %mul3A_894 : vector<16xf32> to vector<16xf32>
      tpu.vector_store %arg50[%swap3A_895], %swap3A_898 {strides = array<i32>} : memref<128xf32, #tpu.memory_space<vmem>>, vector<16xf32>,
      %mul3A_899 = arith.mulf %sub3A_845, %sub3A_853 : vector<16xf32>
      %mul3A_900 = arith.mulf %sub3A_848, %sub3A_851 : vector<16xf32>
      %sub3A_901 = arith.subf %mul3A_899, %mul3A_900 : vector<16xf32>
      %mul3A_902 = arith.mulf %sub3A_901, %div3A_869 : vector<16xf32>
      %swap3A_903 = arith.constant 64 : index
      %swap3A_904 = tpu.vector_load %arg51[%swap3A_903] {strides = array<i32>} : memref<128xf32, #tpu.memory_space<vmem>>, vector<16xf32>,
      %swap3A_905 = vector.shape_cast %swap3A_904 : vector<16xf32> to vector<16xf32>
      %swap3A_906 = vector.shape_cast %mul3A_902 : vector<16xf32> to vector<16xf32>
      tpu.vector_store %arg51[%swap3A_903], %swap3A_906 {strides = array<i32>} : memref<128xf32, #tpu.memory_space<vmem>>, vector<16xf32>,
      %mul3A_907 = arith.mulf %sub3A_846, %sub3A_853 : vector<16xf32>
      %mul3A_908 = arith.mulf %sub3A_849, %sub3A_851 : vector<16xf32>
      %sub3A_909 = arith.subf %mul3A_907, %mul3A_908 : vector<16xf32>
      %mul3A_910 = arith.mulf %sub3A_909, %div3A_869 : vector<16xf32>
      %swap3A_911 = arith.constant 64 : index
      %swap3A_912 = tpu.vector_load %arg52[%swap3A_911] {strides = array<i32>} : memref<128xf32, #tpu.memory_space<vmem>>, vector<16xf32>,
      %swap3A_913 = vector.shape_cast %swap3A_912 : vector<16xf32> to vector<16xf32>
      %swap3A_914 = vector.shape_cast %mul3A_910 : vector<16xf32> to vector<16xf32>
      tpu.vector_store %arg52[%swap3A_911], %swap3A_914 {strides = array<i32>} : memref<128xf32, #tpu.memory_space<vmem>>, vector<16xf32>,
      %get3A_915 = arith.constant 80 : index
      %get3A_916 = tpu.vector_load %arg17[%get3A_915] {strides = array<i32>} : memref<128xf32, #tpu.memory_space<vmem>>, vector<16xf32>,
      %get3A_917 = vector.shape_cast %get3A_916 : vector<16xf32> to vector<16xf32>
      %get3A_918 = arith.constant 80 : index
      %get3A_919 = tpu.vector_load %arg18[%get3A_918] {strides = array<i32>} : memref<128xf32, #tpu.memory_space<vmem>>, vector<16xf32>,
      %get3A_920 = vector.shape_cast %get3A_919 : vector<16xf32> to vector<16xf32>
      %get3A_921 = arith.constant 80 : index
      %get3A_922 = tpu.vector_load %arg19[%get3A_921] {strides = array<i32>} : memref<128xf32, #tpu.memory_space<vmem>>, vector<16xf32>,
      %get3A_923 = vector.shape_cast %get3A_922 : vector<16xf32> to vector<16xf32>
      %get3A_924 = arith.constant 80 : index
      %get3A_925 = tpu.vector_load %arg20[%get3A_924] {strides = array<i32>} : memref<128xf32, #tpu.memory_space<vmem>>, vector<16xf32>,
      %get3A_926 = vector.shape_cast %get3A_925 : vector<16xf32> to vector<16xf32>
      %get3A_927 = arith.constant 80 : index
      %get3A_928 = tpu.vector_load %arg21[%get3A_927] {strides = array<i32>} : memref<128xf32, #tpu.memory_space<vmem>>, vector<16xf32>,
      %get3A_929 = vector.shape_cast %get3A_928 : vector<16xf32> to vector<16xf32>
      %get3A_930 = arith.constant 80 : index
      %get3A_931 = tpu.vector_load %arg22[%get3A_930] {strides = array<i32>} : memref<128xf32, #tpu.memory_space<vmem>>, vector<16xf32>,
      %get3A_932 = vector.shape_cast %get3A_931 : vector<16xf32> to vector<16xf32>
      %get3A_933 = arith.constant 80 : index
      %get3A_934 = tpu.vector_load %arg23[%get3A_933] {strides = array<i32>} : memref<128xf32, #tpu.memory_space<vmem>>, vector<16xf32>,
      %get3A_935 = vector.shape_cast %get3A_934 : vector<16xf32> to vector<16xf32>
      %get3A_936 = arith.constant 80 : index
      %get3A_937 = tpu.vector_load %arg24[%get3A_936] {strides = array<i32>} : memref<128xf32, #tpu.memory_space<vmem>>, vector<16xf32>,
      %get3A_938 = vector.shape_cast %get3A_937 : vector<16xf32> to vector<16xf32>
      %get3A_939 = arith.constant 80 : index
      %get3A_940 = tpu.vector_load %arg25[%get3A_939] {strides = array<i32>} : memref<128xf32, #tpu.memory_space<vmem>>, vector<16xf32>,
      %get3A_941 = vector.shape_cast %get3A_940 : vector<16xf32> to vector<16xf32>
      %get3A_942 = arith.constant 80 : index
      %get3A_943 = tpu.vector_load %arg35[%get3A_942] {strides = array<i32>} : memref<128xf32, #tpu.memory_space<vmem>>, vector<16xf32>,
      %get3A_944 = vector.shape_cast %get3A_943 : vector<16xf32> to vector<16xf32>
      %get3A_945 = arith.constant 80 : index
      %get3A_946 = tpu.vector_load %arg36[%get3A_945] {strides = array<i32>} : memref<128xf32, #tpu.memory_space<vmem>>, vector<16xf32>,
      %get3A_947 = vector.shape_cast %get3A_946 : vector<16xf32> to vector<16xf32>
      %get3A_948 = arith.constant 80 : index
      %get3A_949 = tpu.vector_load %arg37[%get3A_948] {strides = array<i32>} : memref<128xf32, #tpu.memory_space<vmem>>, vector<16xf32>,
      %get3A_950 = vector.shape_cast %get3A_949 : vector<16xf32> to vector<16xf32>
      %get3A_951 = arith.constant 80 : index
      %get3A_952 = tpu.vector_load %arg38[%get3A_951] {strides = array<i32>} : memref<128xf32, #tpu.memory_space<vmem>>, vector<16xf32>,
      %get3A_953 = vector.shape_cast %get3A_952 : vector<16xf32> to vector<16xf32>
      %get3A_954 = arith.constant 80 : index
      %get3A_955 = tpu.vector_load %arg39[%get3A_954] {strides = array<i32>} : memref<128xf32, #tpu.memory_space<vmem>>, vector<16xf32>,
      %get3A_956 = vector.shape_cast %get3A_955 : vector<16xf32> to vector<16xf32>
      %get3A_957 = arith.constant 80 : index
      %get3A_958 = tpu.vector_load %arg40[%get3A_957] {strides = array<i32>} : memref<128xf32, #tpu.memory_space<vmem>>, vector<16xf32>,
      %get3A_959 = vector.shape_cast %get3A_958 : vector<16xf32> to vector<16xf32>
      %sub3A_960 = arith.subf %get3A_926, %get3A_917 : vector<16xf32>
      %sub3A_961 = arith.subf %get3A_929, %get3A_920 : vector<16xf32>
      %sub3A_962 = arith.subf %get3A_932, %get3A_923 : vector<16xf32>
      %sub3A_963 = arith.subf %get3A_935, %get3A_917 : vector<16xf32>
      %sub3A_964 = arith.subf %get3A_938, %get3A_920 : vector<16xf32>
      %sub3A_965 = arith.subf %get3A_941, %get3A_923 : vector<16xf32>
      %sub3A_966 = arith.subf %get3A_950, %get3A_944 : vector<16xf32>
      %sub3A_967 = arith.subf %get3A_953, %get3A_947 : vector<16xf32>
      %sub3A_968 = arith.subf %get3A_956, %get3A_944 : vector<16xf32>
      %sub3A_969 = arith.subf %get3A_959, %get3A_947 : vector<16xf32>
      %mul3A_970 = arith.mulf %sub3A_966, %sub3A_969 : vector<16xf32>
      %mul3A_971 = arith.mulf %sub3A_967, %sub3A_968 : vector<16xf32>
      %sub3A_972 = arith.subf %mul3A_970, %mul3A_971 : vector<16xf32>
      %gt3A_973 = arith.constant 0.000000e+00 : f32
      %gt3A_974 = vector.broadcast %gt3A_973 : f32 to vector<16xf32>
      %gt3A_975 = arith.cmpf ogt, %sub3A_972, %gt3A_974 : vector<16xf32>
      %max3A_976 = arith.constant 9.99999997E-7 : f32
      %max3A_977 = vector.broadcast %max3A_976 : f32 to vector<16xf32>
      %max3A_978 = arith.maximumf %sub3A_972, %max3A_977 : vector<16xf32>
      %min3A_979 = arith.constant -9.99999997E-7 : f32
      %min3A_980 = vector.broadcast %min3A_979 : f32 to vector<16xf32>
      %min3A_981 = arith.minimumf %sub3A_972, %min3A_980 : vector<16xf32>
      %select_n3A_982 = arith.select %gt3A_975, %max3A_978, %min3A_981 : vector<16xi1>, vector<16xf32>
      %div3A_983 = arith.constant 1.000000e+00 : f32
      %div3A_984 = vector.broadcast %div3A_983 : f32 to vector<16xf32>
      %div3A_985 = arith.divf %div3A_984, %select_n3A_982 : vector<16xf32>
      %mul3A_986 = arith.mulf %sub3A_961, %sub3A_965 : vector<16xf32>
      %mul3A_987 = arith.mulf %sub3A_962, %sub3A_964 : vector<16xf32>
      %sub3A_988 = arith.subf %mul3A_986, %mul3A_987 : vector<16xf32>
      %swap3A_989 = arith.constant 80 : index
      %swap3A_990 = tpu.vector_load %arg47[%swap3A_989] {strides = array<i32>} : memref<128xf32, #tpu.memory_space<vmem>>, vector<16xf32>,
      %swap3A_991 = vector.shape_cast %swap3A_990 : vector<16xf32> to vector<16xf32>
      %swap3A_992 = vector.shape_cast %sub3A_988 : vector<16xf32> to vector<16xf32>
      tpu.vector_store %arg47[%swap3A_989], %swap3A_992 {strides = array<i32>} : memref<128xf32, #tpu.memory_space<vmem>>, vector<16xf32>,
      %mul3A_993 = arith.mulf %sub3A_962, %sub3A_963 : vector<16xf32>
      %mul3A_994 = arith.mulf %sub3A_960, %sub3A_965 : vector<16xf32>
      %sub3A_995 = arith.subf %mul3A_993, %mul3A_994 : vector<16xf32>
      %swap3A_996 = arith.constant 80 : index
      %swap3A_997 = tpu.vector_load %arg48[%swap3A_996] {strides = array<i32>} : memref<128xf32, #tpu.memory_space<vmem>>, vector<16xf32>,
      %swap3A_998 = vector.shape_cast %swap3A_997 : vector<16xf32> to vector<16xf32>
      %swap3A_999 = vector.shape_cast %sub3A_995 : vector<16xf32> to vector<16xf32>
      tpu.vector_store %arg48[%swap3A_996], %swap3A_999 {strides = array<i32>} : memref<128xf32, #tpu.memory_space<vmem>>, vector<16xf32>,
      %mul3A_1000 = arith.mulf %sub3A_960, %sub3A_964 : vector<16xf32>
      %mul3A_1001 = arith.mulf %sub3A_961, %sub3A_963 : vector<16xf32>
      %sub3A_1002 = arith.subf %mul3A_1000, %mul3A_1001 : vector<16xf32>
      %swap3A_1003 = arith.constant 80 : index
      %swap3A_1004 = tpu.vector_load %arg49[%swap3A_1003] {strides = array<i32>} : memref<128xf32, #tpu.memory_space<vmem>>, vector<16xf32>,
      %swap3A_1005 = vector.shape_cast %swap3A_1004 : vector<16xf32> to vector<16xf32>
      %swap3A_1006 = vector.shape_cast %sub3A_1002 : vector<16xf32> to vector<16xf32>
      tpu.vector_store %arg49[%swap3A_1003], %swap3A_1006 {strides = array<i32>} : memref<128xf32, #tpu.memory_space<vmem>>, vector<16xf32>,
      %mul3A_1007 = arith.mulf %sub3A_960, %sub3A_969 : vector<16xf32>
      %mul3A_1008 = arith.mulf %sub3A_963, %sub3A_967 : vector<16xf32>
      %sub3A_1009 = arith.subf %mul3A_1007, %mul3A_1008 : vector<16xf32>
      %mul3A_1010 = arith.mulf %sub3A_1009, %div3A_985 : vector<16xf32>
      %swap3A_1011 = arith.constant 80 : index
      %swap3A_1012 = tpu.vector_load %arg50[%swap3A_1011] {strides = array<i32>} : memref<128xf32, #tpu.memory_space<vmem>>, vector<16xf32>,
      %swap3A_1013 = vector.shape_cast %swap3A_1012 : vector<16xf32> to vector<16xf32>
      %swap3A_1014 = vector.shape_cast %mul3A_1010 : vector<16xf32> to vector<16xf32>
      tpu.vector_store %arg50[%swap3A_1011], %swap3A_1014 {strides = array<i32>} : memref<128xf32, #tpu.memory_space<vmem>>, vector<16xf32>,
      %mul3A_1015 = arith.mulf %sub3A_961, %sub3A_969 : vector<16xf32>
      %mul3A_1016 = arith.mulf %sub3A_964, %sub3A_967 : vector<16xf32>
      %sub3A_1017 = arith.subf %mul3A_1015, %mul3A_1016 : vector<16xf32>
      %mul3A_1018 = arith.mulf %sub3A_1017, %div3A_985 : vector<16xf32>
      %swap3A_1019 = arith.constant 80 : index
      %swap3A_1020 = tpu.vector_load %arg51[%swap3A_1019] {strides = array<i32>} : memref<128xf32, #tpu.memory_space<vmem>>, vector<16xf32>,
      %swap3A_1021 = vector.shape_cast %swap3A_1020 : vector<16xf32> to vector<16xf32>
      %swap3A_1022 = vector.shape_cast %mul3A_1018 : vector<16xf32> to vector<16xf32>
      tpu.vector_store %arg51[%swap3A_1019], %swap3A_1022 {strides = array<i32>} : memref<128xf32, #tpu.memory_space<vmem>>, vector<16xf32>,
      %mul3A_1023 = arith.mulf %sub3A_962, %sub3A_969 : vector<16xf32>
      %mul3A_1024 = arith.mulf %sub3A_965, %sub3A_967 : vector<16xf32>
      %sub3A_1025 = arith.subf %mul3A_1023, %mul3A_1024 : vector<16xf32>
      %mul3A_1026 = arith.mulf %sub3A_1025, %div3A_985 : vector<16xf32>
      %swap3A_1027 = arith.constant 80 : index
      %swap3A_1028 = tpu.vector_load %arg52[%swap3A_1027] {strides = array<i32>} : memref<128xf32, #tpu.memory_space<vmem>>, vector<16xf32>,
      %swap3A_1029 = vector.shape_cast %swap3A_1028 : vector<16xf32> to vector<16xf32>
      %swap3A_1030 = vector.shape_cast %mul3A_1026 : vector<16xf32> to vector<16xf32>
      tpu.vector_store %arg52[%swap3A_1027], %swap3A_1030 {strides = array<i32>} : memref<128xf32, #tpu.memory_space<vmem>>, vector<16xf32>,
      %get3A_1031 = arith.constant 96 : index
      %get3A_1032 = tpu.vector_load %arg17[%get3A_1031] {strides = array<i32>} : memref<128xf32, #tpu.memory_space<vmem>>, vector<16xf32>,
      %get3A_1033 = vector.shape_cast %get3A_1032 : vector<16xf32> to vector<16xf32>
      %get3A_1034 = arith.constant 96 : index
      %get3A_1035 = tpu.vector_load %arg18[%get3A_1034] {strides = array<i32>} : memref<128xf32, #tpu.memory_space<vmem>>, vector<16xf32>,
      %get3A_1036 = vector.shape_cast %get3A_1035 : vector<16xf32> to vector<16xf32>
      %get3A_1037 = arith.constant 96 : index
      %get3A_1038 = tpu.vector_load %arg19[%get3A_1037] {strides = array<i32>} : memref<128xf32, #tpu.memory_space<vmem>>, vector<16xf32>,
      %get3A_1039 = vector.shape_cast %get3A_1038 : vector<16xf32> to vector<16xf32>
      %get3A_1040 = arith.constant 96 : index
      %get3A_1041 = tpu.vector_load %arg20[%get3A_1040] {strides = array<i32>} : memref<128xf32, #tpu.memory_space<vmem>>, vector<16xf32>,
      %get3A_1042 = vector.shape_cast %get3A_1041 : vector<16xf32> to vector<16xf32>
      %get3A_1043 = arith.constant 96 : index
      %get3A_1044 = tpu.vector_load %arg21[%get3A_1043] {strides = array<i32>} : memref<128xf32, #tpu.memory_space<vmem>>, vector<16xf32>,
      %get3A_1045 = vector.shape_cast %get3A_1044 : vector<16xf32> to vector<16xf32>
      %get3A_1046 = arith.constant 96 : index
      %get3A_1047 = tpu.vector_load %arg22[%get3A_1046] {strides = array<i32>} : memref<128xf32, #tpu.memory_space<vmem>>, vector<16xf32>,
      %get3A_1048 = vector.shape_cast %get3A_1047 : vector<16xf32> to vector<16xf32>
      %get3A_1049 = arith.constant 96 : index
      %get3A_1050 = tpu.vector_load %arg23[%get3A_1049] {strides = array<i32>} : memref<128xf32, #tpu.memory_space<vmem>>, vector<16xf32>,
      %get3A_1051 = vector.shape_cast %get3A_1050 : vector<16xf32> to vector<16xf32>
      %get3A_1052 = arith.constant 96 : index
      %get3A_1053 = tpu.vector_load %arg24[%get3A_1052] {strides = array<i32>} : memref<128xf32, #tpu.memory_space<vmem>>, vector<16xf32>,
      %get3A_1054 = vector.shape_cast %get3A_1053 : vector<16xf32> to vector<16xf32>
      %get3A_1055 = arith.constant 96 : index
      %get3A_1056 = tpu.vector_load %arg25[%get3A_1055] {strides = array<i32>} : memref<128xf32, #tpu.memory_space<vmem>>, vector<16xf32>,
      %get3A_1057 = vector.shape_cast %get3A_1056 : vector<16xf32> to vector<16xf32>
      %get3A_1058 = arith.constant 96 : index
      %get3A_1059 = tpu.vector_load %arg35[%get3A_1058] {strides = array<i32>} : memref<128xf32, #tpu.memory_space<vmem>>, vector<16xf32>,
      %get3A_1060 = vector.shape_cast %get3A_1059 : vector<16xf32> to vector<16xf32>
      %get3A_1061 = arith.constant 96 : index
      %get3A_1062 = tpu.vector_load %arg36[%get3A_1061] {strides = array<i32>} : memref<128xf32, #tpu.memory_space<vmem>>, vector<16xf32>,
      %get3A_1063 = vector.shape_cast %get3A_1062 : vector<16xf32> to vector<16xf32>
      %get3A_1064 = arith.constant 96 : index
      %get3A_1065 = tpu.vector_load %arg37[%get3A_1064] {strides = array<i32>} : memref<128xf32, #tpu.memory_space<vmem>>, vector<16xf32>,
      %get3A_1066 = vector.shape_cast %get3A_1065 : vector<16xf32> to vector<16xf32>
      %get3A_1067 = arith.constant 96 : index
      %get3A_1068 = tpu.vector_load %arg38[%get3A_1067] {strides = array<i32>} : memref<128xf32, #tpu.memory_space<vmem>>, vector<16xf32>,
      %get3A_1069 = vector.shape_cast %get3A_1068 : vector<16xf32> to vector<16xf32>
      %get3A_1070 = arith.constant 96 : index
      %get3A_1071 = tpu.vector_load %arg39[%get3A_1070] {strides = array<i32>} : memref<128xf32, #tpu.memory_space<vmem>>, vector<16xf32>,
      %get3A_1072 = vector.shape_cast %get3A_1071 : vector<16xf32> to vector<16xf32>
      %get3A_1073 = arith.constant 96 : index
      %get3A_1074 = tpu.vector_load %arg40[%get3A_1073] {strides = array<i32>} : memref<128xf32, #tpu.memory_space<vmem>>, vector<16xf32>,
      %get3A_1075 = vector.shape_cast %get3A_1074 : vector<16xf32> to vector<16xf32>
      %sub3A_1076 = arith.subf %get3A_1042, %get3A_1033 : vector<16xf32>
      %sub3A_1077 = arith.subf %get3A_1045, %get3A_1036 : vector<16xf32>
      %sub3A_1078 = arith.subf %get3A_1048, %get3A_1039 : vector<16xf32>
      %sub3A_1079 = arith.subf %get3A_1051, %get3A_1033 : vector<16xf32>
      %sub3A_1080 = arith.subf %get3A_1054, %get3A_1036 : vector<16xf32>
      %sub3A_1081 = arith.subf %get3A_1057, %get3A_1039 : vector<16xf32>
      %sub3A_1082 = arith.subf %get3A_1066, %get3A_1060 : vector<16xf32>
      %sub3A_1083 = arith.subf %get3A_1069, %get3A_1063 : vector<16xf32>
      %sub3A_1084 = arith.subf %get3A_1072, %get3A_1060 : vector<16xf32>
      %sub3A_1085 = arith.subf %get3A_1075, %get3A_1063 : vector<16xf32>
      %mul3A_1086 = arith.mulf %sub3A_1082, %sub3A_1085 : vector<16xf32>
      %mul3A_1087 = arith.mulf %sub3A_1083, %sub3A_1084 : vector<16xf32>
      %sub3A_1088 = arith.subf %mul3A_1086, %mul3A_1087 : vector<16xf32>
      %gt3A_1089 = arith.constant 0.000000e+00 : f32
      %gt3A_1090 = vector.broadcast %gt3A_1089 : f32 to vector<16xf32>
      %gt3A_1091 = arith.cmpf ogt, %sub3A_1088, %gt3A_1090 : vector<16xf32>
      %max3A_1092 = arith.constant 9.99999997E-7 : f32
      %max3A_1093 = vector.broadcast %max3A_1092 : f32 to vector<16xf32>
      %max3A_1094 = arith.maximumf %sub3A_1088, %max3A_1093 : vector<16xf32>
      %min3A_1095 = arith.constant -9.99999997E-7 : f32
      %min3A_1096 = vector.broadcast %min3A_1095 : f32 to vector<16xf32>
      %min3A_1097 = arith.minimumf %sub3A_1088, %min3A_1096 : vector<16xf32>
      %select_n3A_1098 = arith.select %gt3A_1091, %max3A_1094, %min3A_1097 : vector<16xi1>, vector<16xf32>
      %div3A_1099 = arith.constant 1.000000e+00 : f32
      %div3A_1100 = vector.broadcast %div3A_1099 : f32 to vector<16xf32>
      %div3A_1101 = arith.divf %div3A_1100, %select_n3A_1098 : vector<16xf32>
      %mul3A_1102 = arith.mulf %sub3A_1077, %sub3A_1081 : vector<16xf32>
      %mul3A_1103 = arith.mulf %sub3A_1078, %sub3A_1080 : vector<16xf32>
      %sub3A_1104 = arith.subf %mul3A_1102, %mul3A_1103 : vector<16xf32>
      %swap3A_1105 = arith.constant 96 : index
      %swap3A_1106 = tpu.vector_load %arg47[%swap3A_1105] {strides = array<i32>} : memref<128xf32, #tpu.memory_space<vmem>>, vector<16xf32>,
      %swap3A_1107 = vector.shape_cast %swap3A_1106 : vector<16xf32> to vector<16xf32>
      %swap3A_1108 = vector.shape_cast %sub3A_1104 : vector<16xf32> to vector<16xf32>
      tpu.vector_store %arg47[%swap3A_1105], %swap3A_1108 {strides = array<i32>} : memref<128xf32, #tpu.memory_space<vmem>>, vector<16xf32>,
      %mul3A_1109 = arith.mulf %sub3A_1078, %sub3A_1079 : vector<16xf32>
      %mul3A_1110 = arith.mulf %sub3A_1076, %sub3A_1081 : vector<16xf32>
      %sub3A_1111 = arith.subf %mul3A_1109, %mul3A_1110 : vector<16xf32>
      %swap3A_1112 = arith.constant 96 : index
      %swap3A_1113 = tpu.vector_load %arg48[%swap3A_1112] {strides = array<i32>} : memref<128xf32, #tpu.memory_space<vmem>>, vector<16xf32>,
      %swap3A_1114 = vector.shape_cast %swap3A_1113 : vector<16xf32> to vector<16xf32>
      %swap3A_1115 = vector.shape_cast %sub3A_1111 : vector<16xf32> to vector<16xf32>
      tpu.vector_store %arg48[%swap3A_1112], %swap3A_1115 {strides = array<i32>} : memref<128xf32, #tpu.memory_space<vmem>>, vector<16xf32>,
      %mul3A_1116 = arith.mulf %sub3A_1076, %sub3A_1080 : vector<16xf32>
      %mul3A_1117 = arith.mulf %sub3A_1077, %sub3A_1079 : vector<16xf32>
      %sub3A_1118 = arith.subf %mul3A_1116, %mul3A_1117 : vector<16xf32>
      %swap3A_1119 = arith.constant 96 : index
      %swap3A_1120 = tpu.vector_load %arg49[%swap3A_1119] {strides = array<i32>} : memref<128xf32, #tpu.memory_space<vmem>>, vector<16xf32>,
      %swap3A_1121 = vector.shape_cast %swap3A_1120 : vector<16xf32> to vector<16xf32>
      %swap3A_1122 = vector.shape_cast %sub3A_1118 : vector<16xf32> to vector<16xf32>
      tpu.vector_store %arg49[%swap3A_1119], %swap3A_1122 {strides = array<i32>} : memref<128xf32, #tpu.memory_space<vmem>>, vector<16xf32>,
      %mul3A_1123 = arith.mulf %sub3A_1076, %sub3A_1085 : vector<16xf32>
      %mul3A_1124 = arith.mulf %sub3A_1079, %sub3A_1083 : vector<16xf32>
      %sub3A_1125 = arith.subf %mul3A_1123, %mul3A_1124 : vector<16xf32>
      %mul3A_1126 = arith.mulf %sub3A_1125, %div3A_1101 : vector<16xf32>
      %swap3A_1127 = arith.constant 96 : index
      %swap3A_1128 = tpu.vector_load %arg50[%swap3A_1127] {strides = array<i32>} : memref<128xf32, #tpu.memory_space<vmem>>, vector<16xf32>,
      %swap3A_1129 = vector.shape_cast %swap3A_1128 : vector<16xf32> to vector<16xf32>
      %swap3A_1130 = vector.shape_cast %mul3A_1126 : vector<16xf32> to vector<16xf32>
      tpu.vector_store %arg50[%swap3A_1127], %swap3A_1130 {strides = array<i32>} : memref<128xf32, #tpu.memory_space<vmem>>, vector<16xf32>,
      %mul3A_1131 = arith.mulf %sub3A_1077, %sub3A_1085 : vector<16xf32>
      %mul3A_1132 = arith.mulf %sub3A_1080, %sub3A_1083 : vector<16xf32>
      %sub3A_1133 = arith.subf %mul3A_1131, %mul3A_1132 : vector<16xf32>
      %mul3A_1134 = arith.mulf %sub3A_1133, %div3A_1101 : vector<16xf32>
      %swap3A_1135 = arith.constant 96 : index
      %swap3A_1136 = tpu.vector_load %arg51[%swap3A_1135] {strides = array<i32>} : memref<128xf32, #tpu.memory_space<vmem>>, vector<16xf32>,
      %swap3A_1137 = vector.shape_cast %swap3A_1136 : vector<16xf32> to vector<16xf32>
      %swap3A_1138 = vector.shape_cast %mul3A_1134 : vector<16xf32> to vector<16xf32>
      tpu.vector_store %arg51[%swap3A_1135], %swap3A_1138 {strides = array<i32>} : memref<128xf32, #tpu.memory_space<vmem>>, vector<16xf32>,
      %mul3A_1139 = arith.mulf %sub3A_1078, %sub3A_1085 : vector<16xf32>
      %mul3A_1140 = arith.mulf %sub3A_1081, %sub3A_1083 : vector<16xf32>
      %sub3A_1141 = arith.subf %mul3A_1139, %mul3A_1140 : vector<16xf32>
      %mul3A_1142 = arith.mulf %sub3A_1141, %div3A_1101 : vector<16xf32>
      %swap3A_1143 = arith.constant 96 : index
      %swap3A_1144 = tpu.vector_load %arg52[%swap3A_1143] {strides = array<i32>} : memref<128xf32, #tpu.memory_space<vmem>>, vector<16xf32>,
      %swap3A_1145 = vector.shape_cast %swap3A_1144 : vector<16xf32> to vector<16xf32>
      %swap3A_1146 = vector.shape_cast %mul3A_1142 : vector<16xf32> to vector<16xf32>
      tpu.vector_store %arg52[%swap3A_1143], %swap3A_1146 {strides = array<i32>} : memref<128xf32, #tpu.memory_space<vmem>>, vector<16xf32>,
      %get3A_1147 = arith.constant 112 : index
      %get3A_1148 = tpu.vector_load %arg17[%get3A_1147] {strides = array<i32>} : memref<128xf32, #tpu.memory_space<vmem>>, vector<16xf32>,
      %get3A_1149 = vector.shape_cast %get3A_1148 : vector<16xf32> to vector<16xf32>
      %get3A_1150 = arith.constant 112 : index
      %get3A_1151 = tpu.vector_load %arg18[%get3A_1150] {strides = array<i32>} : memref<128xf32, #tpu.memory_space<vmem>>, vector<16xf32>,
      %get3A_1152 = vector.shape_cast %get3A_1151 : vector<16xf32> to vector<16xf32>
      %get3A_1153 = arith.constant 112 : index
      %get3A_1154 = tpu.vector_load %arg19[%get3A_1153] {strides = array<i32>} : memref<128xf32, #tpu.memory_space<vmem>>, vector<16xf32>,
      %get3A_1155 = vector.shape_cast %get3A_1154 : vector<16xf32> to vector<16xf32>
      %get3A_1156 = arith.constant 112 : index
      %get3A_1157 = tpu.vector_load %arg20[%get3A_1156] {strides = array<i32>} : memref<128xf32, #tpu.memory_space<vmem>>, vector<16xf32>,
      %get3A_1158 = vector.shape_cast %get3A_1157 : vector<16xf32> to vector<16xf32>
      %get3A_1159 = arith.constant 112 : index
      %get3A_1160 = tpu.vector_load %arg21[%get3A_1159] {strides = array<i32>} : memref<128xf32, #tpu.memory_space<vmem>>, vector<16xf32>,
      %get3A_1161 = vector.shape_cast %get3A_1160 : vector<16xf32> to vector<16xf32>
      %get3A_1162 = arith.constant 112 : index
      %get3A_1163 = tpu.vector_load %arg22[%get3A_1162] {strides = array<i32>} : memref<128xf32, #tpu.memory_space<vmem>>, vector<16xf32>,
      %get3A_1164 = vector.shape_cast %get3A_1163 : vector<16xf32> to vector<16xf32>
      %get3A_1165 = arith.constant 112 : index
      %get3A_1166 = tpu.vector_load %arg23[%get3A_1165] {strides = array<i32>} : memref<128xf32, #tpu.memory_space<vmem>>, vector<16xf32>,
      %get3A_1167 = vector.shape_cast %get3A_1166 : vector<16xf32> to vector<16xf32>
      %get3A_1168 = arith.constant 112 : index
      %get3A_1169 = tpu.vector_load %arg24[%get3A_1168] {strides = array<i32>} : memref<128xf32, #tpu.memory_space<vmem>>, vector<16xf32>,
      %get3A_1170 = vector.shape_cast %get3A_1169 : vector<16xf32> to vector<16xf32>
      %get3A_1171 = arith.constant 112 : index
      %get3A_1172 = tpu.vector_load %arg25[%get3A_1171] {strides = array<i32>} : memref<128xf32, #tpu.memory_space<vmem>>, vector<16xf32>,
      %get3A_1173 = vector.shape_cast %get3A_1172 : vector<16xf32> to vector<16xf32>
      %get3A_1174 = arith.constant 112 : index
      %get3A_1175 = tpu.vector_load %arg35[%get3A_1174] {strides = array<i32>} : memref<128xf32, #tpu.memory_space<vmem>>, vector<16xf32>,
      %get3A_1176 = vector.shape_cast %get3A_1175 : vector<16xf32> to vector<16xf32>
      %get3A_1177 = arith.constant 112 : index
      %get3A_1178 = tpu.vector_load %arg36[%get3A_1177] {strides = array<i32>} : memref<128xf32, #tpu.memory_space<vmem>>, vector<16xf32>,
      %get3A_1179 = vector.shape_cast %get3A_1178 : vector<16xf32> to vector<16xf32>
      %get3A_1180 = arith.constant 112 : index
      %get3A_1181 = tpu.vector_load %arg37[%get3A_1180] {strides = array<i32>} : memref<128xf32, #tpu.memory_space<vmem>>, vector<16xf32>,
      %get3A_1182 = vector.shape_cast %get3A_1181 : vector<16xf32> to vector<16xf32>
      %get3A_1183 = arith.constant 112 : index
      %get3A_1184 = tpu.vector_load %arg38[%get3A_1183] {strides = array<i32>} : memref<128xf32, #tpu.memory_space<vmem>>, vector<16xf32>,
      %get3A_1185 = vector.shape_cast %get3A_1184 : vector<16xf32> to vector<16xf32>
      %get3A_1186 = arith.constant 112 : index
      %get3A_1187 = tpu.vector_load %arg39[%get3A_1186] {strides = array<i32>} : memref<128xf32, #tpu.memory_space<vmem>>, vector<16xf32>,
      %get3A_1188 = vector.shape_cast %get3A_1187 : vector<16xf32> to vector<16xf32>
      %get3A_1189 = arith.constant 112 : index
      %get3A_1190 = tpu.vector_load %arg40[%get3A_1189] {strides = array<i32>} : memref<128xf32, #tpu.memory_space<vmem>>, vector<16xf32>,
      %get3A_1191 = vector.shape_cast %get3A_1190 : vector<16xf32> to vector<16xf32>
      %sub3A_1192 = arith.subf %get3A_1158, %get3A_1149 : vector<16xf32>
      %sub3A_1193 = arith.subf %get3A_1161, %get3A_1152 : vector<16xf32>
      %sub3A_1194 = arith.subf %get3A_1164, %get3A_1155 : vector<16xf32>
      %sub3A_1195 = arith.subf %get3A_1167, %get3A_1149 : vector<16xf32>
      %sub3A_1196 = arith.subf %get3A_1170, %get3A_1152 : vector<16xf32>
      %sub3A_1197 = arith.subf %get3A_1173, %get3A_1155 : vector<16xf32>
      %sub3A_1198 = arith.subf %get3A_1182, %get3A_1176 : vector<16xf32>
      %sub3A_1199 = arith.subf %get3A_1185, %get3A_1179 : vector<16xf32>
      %sub3A_1200 = arith.subf %get3A_1188, %get3A_1176 : vector<16xf32>
      %sub3A_1201 = arith.subf %get3A_1191, %get3A_1179 : vector<16xf32>
      %mul3A_1202 = arith.mulf %sub3A_1198, %sub3A_1201 : vector<16xf32>
      %mul3A_1203 = arith.mulf %sub3A_1199, %sub3A_1200 : vector<16xf32>
      %sub3A_1204 = arith.subf %mul3A_1202, %mul3A_1203 : vector<16xf32>
      %gt3A_1205 = arith.constant 0.000000e+00 : f32
      %gt3A_1206 = vector.broadcast %gt3A_1205 : f32 to vector<16xf32>
      %gt3A_1207 = arith.cmpf ogt, %sub3A_1204, %gt3A_1206 : vector<16xf32>
      %max3A_1208 = arith.constant 9.99999997E-7 : f32
      %max3A_1209 = vector.broadcast %max3A_1208 : f32 to vector<16xf32>
      %max3A_1210 = arith.maximumf %sub3A_1204, %max3A_1209 : vector<16xf32>
      %min3A_1211 = arith.constant -9.99999997E-7 : f32
      %min3A_1212 = vector.broadcast %min3A_1211 : f32 to vector<16xf32>
      %min3A_1213 = arith.minimumf %sub3A_1204, %min3A_1212 : vector<16xf32>
      %select_n3A_1214 = arith.select %gt3A_1207, %max3A_1210, %min3A_1213 : vector<16xi1>, vector<16xf32>
      %div3A_1215 = arith.constant 1.000000e+00 : f32
      %div3A_1216 = vector.broadcast %div3A_1215 : f32 to vector<16xf32>
      %div3A_1217 = arith.divf %div3A_1216, %select_n3A_1214 : vector<16xf32>
      %mul3A_1218 = arith.mulf %sub3A_1193, %sub3A_1197 : vector<16xf32>
      %mul3A_1219 = arith.mulf %sub3A_1194, %sub3A_1196 : vector<16xf32>
      %sub3A_1220 = arith.subf %mul3A_1218, %mul3A_1219 : vector<16xf32>
      %swap3A_1221 = arith.constant 112 : index
      %swap3A_1222 = tpu.vector_load %arg47[%swap3A_1221] {strides = array<i32>} : memref<128xf32, #tpu.memory_space<vmem>>, vector<16xf32>,
      %swap3A_1223 = vector.shape_cast %swap3A_1222 : vector<16xf32> to vector<16xf32>
      %swap3A_1224 = vector.shape_cast %sub3A_1220 : vector<16xf32> to vector<16xf32>
      tpu.vector_store %arg47[%swap3A_1221], %swap3A_1224 {strides = array<i32>} : memref<128xf32, #tpu.memory_space<vmem>>, vector<16xf32>,
      %mul3A_1225 = arith.mulf %sub3A_1194, %sub3A_1195 : vector<16xf32>
      %mul3A_1226 = arith.mulf %sub3A_1192, %sub3A_1197 : vector<16xf32>
      %sub3A_1227 = arith.subf %mul3A_1225, %mul3A_1226 : vector<16xf32>
      %swap3A_1228 = arith.constant 112 : index
      %swap3A_1229 = tpu.vector_load %arg48[%swap3A_1228] {strides = array<i32>} : memref<128xf32, #tpu.memory_space<vmem>>, vector<16xf32>,
      %swap3A_1230 = vector.shape_cast %swap3A_1229 : vector<16xf32> to vector<16xf32>
      %swap3A_1231 = vector.shape_cast %sub3A_1227 : vector<16xf32> to vector<16xf32>
      tpu.vector_store %arg48[%swap3A_1228], %swap3A_1231 {strides = array<i32>} : memref<128xf32, #tpu.memory_space<vmem>>, vector<16xf32>,
      %mul3A_1232 = arith.mulf %sub3A_1192, %sub3A_1196 : vector<16xf32>
      %mul3A_1233 = arith.mulf %sub3A_1193, %sub3A_1195 : vector<16xf32>
      %sub3A_1234 = arith.subf %mul3A_1232, %mul3A_1233 : vector<16xf32>
      %swap3A_1235 = arith.constant 112 : index
      %swap3A_1236 = tpu.vector_load %arg49[%swap3A_1235] {strides = array<i32>} : memref<128xf32, #tpu.memory_space<vmem>>, vector<16xf32>,
      %swap3A_1237 = vector.shape_cast %swap3A_1236 : vector<16xf32> to vector<16xf32>
      %swap3A_1238 = vector.shape_cast %sub3A_1234 : vector<16xf32> to vector<16xf32>
      tpu.vector_store %arg49[%swap3A_1235], %swap3A_1238 {strides = array<i32>} : memref<128xf32, #tpu.memory_space<vmem>>, vector<16xf32>,
      %mul3A_1239 = arith.mulf %sub3A_1192, %sub3A_1201 : vector<16xf32>
      %mul3A_1240 = arith.mulf %sub3A_1195, %sub3A_1199 : vector<16xf32>
      %sub3A_1241 = arith.subf %mul3A_1239, %mul3A_1240 : vector<16xf32>
      %mul3A_1242 = arith.mulf %sub3A_1241, %div3A_1217 : vector<16xf32>
      %swap3A_1243 = arith.constant 112 : index
      %swap3A_1244 = tpu.vector_load %arg50[%swap3A_1243] {strides = array<i32>} : memref<128xf32, #tpu.memory_space<vmem>>, vector<16xf32>,
      %swap3A_1245 = vector.shape_cast %swap3A_1244 : vector<16xf32> to vector<16xf32>
      %swap3A_1246 = vector.shape_cast %mul3A_1242 : vector<16xf32> to vector<16xf32>
      tpu.vector_store %arg50[%swap3A_1243], %swap3A_1246 {strides = array<i32>} : memref<128xf32, #tpu.memory_space<vmem>>, vector<16xf32>,
      %mul3A_1247 = arith.mulf %sub3A_1193, %sub3A_1201 : vector<16xf32>
      %mul3A_1248 = arith.mulf %sub3A_1196, %sub3A_1199 : vector<16xf32>
      %sub3A_1249 = arith.subf %mul3A_1247, %mul3A_1248 : vector<16xf32>
      %mul3A_1250 = arith.mulf %sub3A_1249, %div3A_1217 : vector<16xf32>
      %swap3A_1251 = arith.constant 112 : index
      %swap3A_1252 = tpu.vector_load %arg51[%swap3A_1251] {strides = array<i32>} : memref<128xf32, #tpu.memory_space<vmem>>, vector<16xf32>,
      %swap3A_1253 = vector.shape_cast %swap3A_1252 : vector<16xf32> to vector<16xf32>
      %swap3A_1254 = vector.shape_cast %mul3A_1250 : vector<16xf32> to vector<16xf32>
      tpu.vector_store %arg51[%swap3A_1251], %swap3A_1254 {strides = array<i32>} : memref<128xf32, #tpu.memory_space<vmem>>, vector<16xf32>,
      %mul3A_1255 = arith.mulf %sub3A_1194, %sub3A_1201 : vector<16xf32>
      %mul3A_1256 = arith.mulf %sub3A_1197, %sub3A_1199 : vector<16xf32>
      %sub3A_1257 = arith.subf %mul3A_1255, %mul3A_1256 : vector<16xf32>
      %mul3A_1258 = arith.mulf %sub3A_1257, %div3A_1217 : vector<16xf32>
      %swap3A_1259 = arith.constant 112 : index
      %swap3A_1260 = tpu.vector_load %arg52[%swap3A_1259] {strides = array<i32>} : memref<128xf32, #tpu.memory_space<vmem>>, vector<16xf32>,
      %swap3A_1261 = vector.shape_cast %swap3A_1260 : vector<16xf32> to vector<16xf32>
      %swap3A_1262 = vector.shape_cast %mul3A_1258 : vector<16xf32> to vector<16xf32>
      tpu.vector_store %arg52[%swap3A_1259], %swap3A_1262 {strides = array<i32>} : memref<128xf32, #tpu.memory_space<vmem>>, vector<16xf32>,
      %dma_start3A_1263 = arith.constant 0 : i32
      %dma_start3A_1264 = tpu.memref_slice %arg11[%add3A_326, %dma_start3A_1263] : memref<50x128xi32, #tpu.memory_space<vmem>> -> memref<1x128xi32, #tpu.memory_space<vmem>>
      %dma_start3A_1265 = tpu.memref_squeeze %dma_start3A_1264 : memref<1x128xi32, #tpu.memory_space<vmem>> -> memref<128xi32, #tpu.memory_space<vmem>>
      %dma_start3A_1266 = arith.constant 0 : i32
      %dma_start3A_1267 = tpu.memref_slice %arg64[%dma_start3A_1266] : memref<100352xf32, #tpu.memory_space<vmem_shared>> -> memref<100352xf32, #tpu.memory_space<vmem_shared>>
      tpu.enqueue_indirect_dma source(%arg47 : memref<128xf32, #tpu.memory_space<vmem>>) target(%dma_start3A_1267 : memref<100352xf32, #tpu.memory_space<vmem_shared>>) offsets(%dma_start3A_1265 : memref<128xi32, #tpu.memory_space<vmem>>) semaphore(%arg72 : memref<!tpu.dma_semaphore, #tpu.memory_space<semaphore_mem>>) {add = true}
      %dma_start3A_1268 = arith.constant 0 : i32
      %dma_start3A_1269 = tpu.memref_slice %arg11[%add3A_326, %dma_start3A_1268] : memref<50x128xi32, #tpu.memory_space<vmem>> -> memref<1x128xi32, #tpu.memory_space<vmem>>
      %dma_start3A_1270 = tpu.memref_squeeze %dma_start3A_1269 : memref<1x128xi32, #tpu.memory_space<vmem>> -> memref<128xi32, #tpu.memory_space<vmem>>
      %dma_start3A_1271 = arith.constant 0 : i32
      %dma_start3A_1272 = tpu.memref_slice %arg65[%dma_start3A_1271] : memref<100352xf32, #tpu.memory_space<vmem_shared>> -> memref<100352xf32, #tpu.memory_space<vmem_shared>>
      tpu.enqueue_indirect_dma source(%arg48 : memref<128xf32, #tpu.memory_space<vmem>>) target(%dma_start3A_1272 : memref<100352xf32, #tpu.memory_space<vmem_shared>>) offsets(%dma_start3A_1270 : memref<128xi32, #tpu.memory_space<vmem>>) semaphore(%arg72 : memref<!tpu.dma_semaphore, #tpu.memory_space<semaphore_mem>>) {add = true}
      %dma_start3A_1273 = arith.constant 0 : i32
      %dma_start3A_1274 = tpu.memref_slice %arg11[%add3A_326, %dma_start3A_1273] : memref<50x128xi32, #tpu.memory_space<vmem>> -> memref<1x128xi32, #tpu.memory_space<vmem>>
      %dma_start3A_1275 = tpu.memref_squeeze %dma_start3A_1274 : memref<1x128xi32, #tpu.memory_space<vmem>> -> memref<128xi32, #tpu.memory_space<vmem>>
      %dma_start3A_1276 = arith.constant 0 : i32
      %dma_start3A_1277 = tpu.memref_slice %arg66[%dma_start3A_1276] : memref<100352xf32, #tpu.memory_space<vmem_shared>> -> memref<100352xf32, #tpu.memory_space<vmem_shared>>
      tpu.enqueue_indirect_dma source(%arg49 : memref<128xf32, #tpu.memory_space<vmem>>) target(%dma_start3A_1277 : memref<100352xf32, #tpu.memory_space<vmem_shared>>) offsets(%dma_start3A_1275 : memref<128xi32, #tpu.memory_space<vmem>>) semaphore(%arg72 : memref<!tpu.dma_semaphore, #tpu.memory_space<semaphore_mem>>) {add = true}
      %dma_start3A_1278 = arith.constant 0 : i32
      %dma_start3A_1279 = tpu.memref_slice %arg11[%add3A_326, %dma_start3A_1278] : memref<50x128xi32, #tpu.memory_space<vmem>> -> memref<1x128xi32, #tpu.memory_space<vmem>>
      %dma_start3A_1280 = tpu.memref_squeeze %dma_start3A_1279 : memref<1x128xi32, #tpu.memory_space<vmem>> -> memref<128xi32, #tpu.memory_space<vmem>>
      %dma_start3A_1281 = arith.constant 0 : i32
      %dma_start3A_1282 = tpu.memref_slice %arg67[%dma_start3A_1281] : memref<100352xf32, #tpu.memory_space<vmem_shared>> -> memref<100352xf32, #tpu.memory_space<vmem_shared>>
      tpu.enqueue_indirect_dma source(%arg50 : memref<128xf32, #tpu.memory_space<vmem>>) target(%dma_start3A_1282 : memref<100352xf32, #tpu.memory_space<vmem_shared>>) offsets(%dma_start3A_1280 : memref<128xi32, #tpu.memory_space<vmem>>) semaphore(%arg72 : memref<!tpu.dma_semaphore, #tpu.memory_space<semaphore_mem>>) {add = true}
      %dma_start3A_1283 = arith.constant 0 : i32
      %dma_start3A_1284 = tpu.memref_slice %arg11[%add3A_326, %dma_start3A_1283] : memref<50x128xi32, #tpu.memory_space<vmem>> -> memref<1x128xi32, #tpu.memory_space<vmem>>
      %dma_start3A_1285 = tpu.memref_squeeze %dma_start3A_1284 : memref<1x128xi32, #tpu.memory_space<vmem>> -> memref<128xi32, #tpu.memory_space<vmem>>
      %dma_start3A_1286 = arith.constant 0 : i32
      %dma_start3A_1287 = tpu.memref_slice %arg68[%dma_start3A_1286] : memref<100352xf32, #tpu.memory_space<vmem_shared>> -> memref<100352xf32, #tpu.memory_space<vmem_shared>>
      tpu.enqueue_indirect_dma source(%arg51 : memref<128xf32, #tpu.memory_space<vmem>>) target(%dma_start3A_1287 : memref<100352xf32, #tpu.memory_space<vmem_shared>>) offsets(%dma_start3A_1285 : memref<128xi32, #tpu.memory_space<vmem>>) semaphore(%arg72 : memref<!tpu.dma_semaphore, #tpu.memory_space<semaphore_mem>>) {add = true}
      %dma_start3A_1288 = arith.constant 0 : i32
      %dma_start3A_1289 = tpu.memref_slice %arg11[%add3A_326, %dma_start3A_1288] : memref<50x128xi32, #tpu.memory_space<vmem>> -> memref<1x128xi32, #tpu.memory_space<vmem>>
      %dma_start3A_1290 = tpu.memref_squeeze %dma_start3A_1289 : memref<1x128xi32, #tpu.memory_space<vmem>> -> memref<128xi32, #tpu.memory_space<vmem>>
      %dma_start3A_1291 = arith.constant 0 : i32
      %dma_start3A_1292 = tpu.memref_slice %arg69[%dma_start3A_1291] : memref<100352xf32, #tpu.memory_space<vmem_shared>> -> memref<100352xf32, #tpu.memory_space<vmem_shared>>
      tpu.enqueue_indirect_dma source(%arg52 : memref<128xf32, #tpu.memory_space<vmem>>) target(%dma_start3A_1292 : memref<100352xf32, #tpu.memory_space<vmem_shared>>) offsets(%dma_start3A_1290 : memref<128xi32, #tpu.memory_space<vmem>>) semaphore(%arg72 : memref<!tpu.dma_semaphore, #tpu.memory_space<semaphore_mem>>) {add = true}
      %dma_start3A_1293 = arith.constant 0 : i32
      %dma_start3A_1294 = tpu.memref_slice %arg12[%add3A_326, %dma_start3A_1293] : memref<50x128xi32, #tpu.memory_space<vmem>> -> memref<1x128xi32, #tpu.memory_space<vmem>>
      %dma_start3A_1295 = tpu.memref_squeeze %dma_start3A_1294 : memref<1x128xi32, #tpu.memory_space<vmem>> -> memref<128xi32, #tpu.memory_space<vmem>>
      %dma_start3A_1296 = arith.constant 0 : i32
      %dma_start3A_1297 = tpu.memref_slice %arg64[%dma_start3A_1296] : memref<100352xf32, #tpu.memory_space<vmem_shared>> -> memref<100352xf32, #tpu.memory_space<vmem_shared>>
      tpu.enqueue_indirect_dma source(%arg47 : memref<128xf32, #tpu.memory_space<vmem>>) target(%dma_start3A_1297 : memref<100352xf32, #tpu.memory_space<vmem_shared>>) offsets(%dma_start3A_1295 : memref<128xi32, #tpu.memory_space<vmem>>) semaphore(%arg72 : memref<!tpu.dma_semaphore, #tpu.memory_space<semaphore_mem>>) {add = true}
      %dma_start3A_1298 = arith.constant 0 : i32
      %dma_start3A_1299 = tpu.memref_slice %arg12[%add3A_326, %dma_start3A_1298] : memref<50x128xi32, #tpu.memory_space<vmem>> -> memref<1x128xi32, #tpu.memory_space<vmem>>
      %dma_start3A_1300 = tpu.memref_squeeze %dma_start3A_1299 : memref<1x128xi32, #tpu.memory_space<vmem>> -> memref<128xi32, #tpu.memory_space<vmem>>
      %dma_start3A_1301 = arith.constant 0 : i32
      %dma_start3A_1302 = tpu.memref_slice %arg65[%dma_start3A_1301] : memref<100352xf32, #tpu.memory_space<vmem_shared>> -> memref<100352xf32, #tpu.memory_space<vmem_shared>>
      tpu.enqueue_indirect_dma source(%arg48 : memref<128xf32, #tpu.memory_space<vmem>>) target(%dma_start3A_1302 : memref<100352xf32, #tpu.memory_space<vmem_shared>>) offsets(%dma_start3A_1300 : memref<128xi32, #tpu.memory_space<vmem>>) semaphore(%arg72 : memref<!tpu.dma_semaphore, #tpu.memory_space<semaphore_mem>>) {add = true}
      %dma_start3A_1303 = arith.constant 0 : i32
      %dma_start3A_1304 = tpu.memref_slice %arg12[%add3A_326, %dma_start3A_1303] : memref<50x128xi32, #tpu.memory_space<vmem>> -> memref<1x128xi32, #tpu.memory_space<vmem>>
      %dma_start3A_1305 = tpu.memref_squeeze %dma_start3A_1304 : memref<1x128xi32, #tpu.memory_space<vmem>> -> memref<128xi32, #tpu.memory_space<vmem>>
      %dma_start3A_1306 = arith.constant 0 : i32
      %dma_start3A_1307 = tpu.memref_slice %arg66[%dma_start3A_1306] : memref<100352xf32, #tpu.memory_space<vmem_shared>> -> memref<100352xf32, #tpu.memory_space<vmem_shared>>
      tpu.enqueue_indirect_dma source(%arg49 : memref<128xf32, #tpu.memory_space<vmem>>) target(%dma_start3A_1307 : memref<100352xf32, #tpu.memory_space<vmem_shared>>) offsets(%dma_start3A_1305 : memref<128xi32, #tpu.memory_space<vmem>>) semaphore(%arg72 : memref<!tpu.dma_semaphore, #tpu.memory_space<semaphore_mem>>) {add = true}
      %dma_start3A_1308 = arith.constant 0 : i32
      %dma_start3A_1309 = tpu.memref_slice %arg12[%add3A_326, %dma_start3A_1308] : memref<50x128xi32, #tpu.memory_space<vmem>> -> memref<1x128xi32, #tpu.memory_space<vmem>>
      %dma_start3A_1310 = tpu.memref_squeeze %dma_start3A_1309 : memref<1x128xi32, #tpu.memory_space<vmem>> -> memref<128xi32, #tpu.memory_space<vmem>>
      %dma_start3A_1311 = arith.constant 0 : i32
      %dma_start3A_1312 = tpu.memref_slice %arg67[%dma_start3A_1311] : memref<100352xf32, #tpu.memory_space<vmem_shared>> -> memref<100352xf32, #tpu.memory_space<vmem_shared>>
      tpu.enqueue_indirect_dma source(%arg50 : memref<128xf32, #tpu.memory_space<vmem>>) target(%dma_start3A_1312 : memref<100352xf32, #tpu.memory_space<vmem_shared>>) offsets(%dma_start3A_1310 : memref<128xi32, #tpu.memory_space<vmem>>) semaphore(%arg72 : memref<!tpu.dma_semaphore, #tpu.memory_space<semaphore_mem>>) {add = true}
      %dma_start3A_1313 = arith.constant 0 : i32
      %dma_start3A_1314 = tpu.memref_slice %arg12[%add3A_326, %dma_start3A_1313] : memref<50x128xi32, #tpu.memory_space<vmem>> -> memref<1x128xi32, #tpu.memory_space<vmem>>
      %dma_start3A_1315 = tpu.memref_squeeze %dma_start3A_1314 : memref<1x128xi32, #tpu.memory_space<vmem>> -> memref<128xi32, #tpu.memory_space<vmem>>
      %dma_start3A_1316 = arith.constant 0 : i32
      %dma_start3A_1317 = tpu.memref_slice %arg68[%dma_start3A_1316] : memref<100352xf32, #tpu.memory_space<vmem_shared>> -> memref<100352xf32, #tpu.memory_space<vmem_shared>>
      tpu.enqueue_indirect_dma source(%arg51 : memref<128xf32, #tpu.memory_space<vmem>>) target(%dma_start3A_1317 : memref<100352xf32, #tpu.memory_space<vmem_shared>>) offsets(%dma_start3A_1315 : memref<128xi32, #tpu.memory_space<vmem>>) semaphore(%arg72 : memref<!tpu.dma_semaphore, #tpu.memory_space<semaphore_mem>>) {add = true}
      %dma_start3A_1318 = arith.constant 0 : i32
      %dma_start3A_1319 = tpu.memref_slice %arg12[%add3A_326, %dma_start3A_1318] : memref<50x128xi32, #tpu.memory_space<vmem>> -> memref<1x128xi32, #tpu.memory_space<vmem>>
      %dma_start3A_1320 = tpu.memref_squeeze %dma_start3A_1319 : memref<1x128xi32, #tpu.memory_space<vmem>> -> memref<128xi32, #tpu.memory_space<vmem>>
      %dma_start3A_1321 = arith.constant 0 : i32
      %dma_start3A_1322 = tpu.memref_slice %arg69[%dma_start3A_1321] : memref<100352xf32, #tpu.memory_space<vmem_shared>> -> memref<100352xf32, #tpu.memory_space<vmem_shared>>
      tpu.enqueue_indirect_dma source(%arg52 : memref<128xf32, #tpu.memory_space<vmem>>) target(%dma_start3A_1322 : memref<100352xf32, #tpu.memory_space<vmem_shared>>) offsets(%dma_start3A_1320 : memref<128xi32, #tpu.memory_space<vmem>>) semaphore(%arg72 : memref<!tpu.dma_semaphore, #tpu.memory_space<semaphore_mem>>) {add = true}
      %dma_start3A_1323 = arith.constant 0 : i32
      %dma_start3A_1324 = tpu.memref_slice %arg13[%add3A_326, %dma_start3A_1323] : memref<50x128xi32, #tpu.memory_space<vmem>> -> memref<1x128xi32, #tpu.memory_space<vmem>>
      %dma_start3A_1325 = tpu.memref_squeeze %dma_start3A_1324 : memref<1x128xi32, #tpu.memory_space<vmem>> -> memref<128xi32, #tpu.memory_space<vmem>>
      %dma_start3A_1326 = arith.constant 0 : i32
      %dma_start3A_1327 = tpu.memref_slice %arg64[%dma_start3A_1326] : memref<100352xf32, #tpu.memory_space<vmem_shared>> -> memref<100352xf32, #tpu.memory_space<vmem_shared>>
      tpu.enqueue_indirect_dma source(%arg47 : memref<128xf32, #tpu.memory_space<vmem>>) target(%dma_start3A_1327 : memref<100352xf32, #tpu.memory_space<vmem_shared>>) offsets(%dma_start3A_1325 : memref<128xi32, #tpu.memory_space<vmem>>) semaphore(%arg72 : memref<!tpu.dma_semaphore, #tpu.memory_space<semaphore_mem>>) {add = true}
      %dma_start3A_1328 = arith.constant 0 : i32
      %dma_start3A_1329 = tpu.memref_slice %arg13[%add3A_326, %dma_start3A_1328] : memref<50x128xi32, #tpu.memory_space<vmem>> -> memref<1x128xi32, #tpu.memory_space<vmem>>
      %dma_start3A_1330 = tpu.memref_squeeze %dma_start3A_1329 : memref<1x128xi32, #tpu.memory_space<vmem>> -> memref<128xi32, #tpu.memory_space<vmem>>
      %dma_start3A_1331 = arith.constant 0 : i32
      %dma_start3A_1332 = tpu.memref_slice %arg65[%dma_start3A_1331] : memref<100352xf32, #tpu.memory_space<vmem_shared>> -> memref<100352xf32, #tpu.memory_space<vmem_shared>>
      tpu.enqueue_indirect_dma source(%arg48 : memref<128xf32, #tpu.memory_space<vmem>>) target(%dma_start3A_1332 : memref<100352xf32, #tpu.memory_space<vmem_shared>>) offsets(%dma_start3A_1330 : memref<128xi32, #tpu.memory_space<vmem>>) semaphore(%arg72 : memref<!tpu.dma_semaphore, #tpu.memory_space<semaphore_mem>>) {add = true}
      %dma_start3A_1333 = arith.constant 0 : i32
      %dma_start3A_1334 = tpu.memref_slice %arg13[%add3A_326, %dma_start3A_1333] : memref<50x128xi32, #tpu.memory_space<vmem>> -> memref<1x128xi32, #tpu.memory_space<vmem>>
      %dma_start3A_1335 = tpu.memref_squeeze %dma_start3A_1334 : memref<1x128xi32, #tpu.memory_space<vmem>> -> memref<128xi32, #tpu.memory_space<vmem>>
      %dma_start3A_1336 = arith.constant 0 : i32
      %dma_start3A_1337 = tpu.memref_slice %arg66[%dma_start3A_1336] : memref<100352xf32, #tpu.memory_space<vmem_shared>> -> memref<100352xf32, #tpu.memory_space<vmem_shared>>
      tpu.enqueue_indirect_dma source(%arg49 : memref<128xf32, #tpu.memory_space<vmem>>) target(%dma_start3A_1337 : memref<100352xf32, #tpu.memory_space<vmem_shared>>) offsets(%dma_start3A_1335 : memref<128xi32, #tpu.memory_space<vmem>>) semaphore(%arg72 : memref<!tpu.dma_semaphore, #tpu.memory_space<semaphore_mem>>) {add = true}
      %dma_start3A_1338 = arith.constant 0 : i32
      %dma_start3A_1339 = tpu.memref_slice %arg13[%add3A_326, %dma_start3A_1338] : memref<50x128xi32, #tpu.memory_space<vmem>> -> memref<1x128xi32, #tpu.memory_space<vmem>>
      %dma_start3A_1340 = tpu.memref_squeeze %dma_start3A_1339 : memref<1x128xi32, #tpu.memory_space<vmem>> -> memref<128xi32, #tpu.memory_space<vmem>>
      %dma_start3A_1341 = arith.constant 0 : i32
      %dma_start3A_1342 = tpu.memref_slice %arg67[%dma_start3A_1341] : memref<100352xf32, #tpu.memory_space<vmem_shared>> -> memref<100352xf32, #tpu.memory_space<vmem_shared>>
      tpu.enqueue_indirect_dma source(%arg50 : memref<128xf32, #tpu.memory_space<vmem>>) target(%dma_start3A_1342 : memref<100352xf32, #tpu.memory_space<vmem_shared>>) offsets(%dma_start3A_1340 : memref<128xi32, #tpu.memory_space<vmem>>) semaphore(%arg72 : memref<!tpu.dma_semaphore, #tpu.memory_space<semaphore_mem>>) {add = true}
      %dma_start3A_1343 = arith.constant 0 : i32
      %dma_start3A_1344 = tpu.memref_slice %arg13[%add3A_326, %dma_start3A_1343] : memref<50x128xi32, #tpu.memory_space<vmem>> -> memref<1x128xi32, #tpu.memory_space<vmem>>
      %dma_start3A_1345 = tpu.memref_squeeze %dma_start3A_1344 : memref<1x128xi32, #tpu.memory_space<vmem>> -> memref<128xi32, #tpu.memory_space<vmem>>
      %dma_start3A_1346 = arith.constant 0 : i32
      %dma_start3A_1347 = tpu.memref_slice %arg68[%dma_start3A_1346] : memref<100352xf32, #tpu.memory_space<vmem_shared>> -> memref<100352xf32, #tpu.memory_space<vmem_shared>>
      tpu.enqueue_indirect_dma source(%arg51 : memref<128xf32, #tpu.memory_space<vmem>>) target(%dma_start3A_1347 : memref<100352xf32, #tpu.memory_space<vmem_shared>>) offsets(%dma_start3A_1345 : memref<128xi32, #tpu.memory_space<vmem>>) semaphore(%arg72 : memref<!tpu.dma_semaphore, #tpu.memory_space<semaphore_mem>>) {add = true}
      %dma_start3A_1348 = arith.constant 0 : i32
      %dma_start3A_1349 = tpu.memref_slice %arg13[%add3A_326, %dma_start3A_1348] : memref<50x128xi32, #tpu.memory_space<vmem>> -> memref<1x128xi32, #tpu.memory_space<vmem>>
      %dma_start3A_1350 = tpu.memref_squeeze %dma_start3A_1349 : memref<1x128xi32, #tpu.memory_space<vmem>> -> memref<128xi32, #tpu.memory_space<vmem>>
      %dma_start3A_1351 = arith.constant 0 : i32
      %dma_start3A_1352 = tpu.memref_slice %arg69[%dma_start3A_1351] : memref<100352xf32, #tpu.memory_space<vmem_shared>> -> memref<100352xf32, #tpu.memory_space<vmem_shared>>
      tpu.enqueue_indirect_dma source(%arg52 : memref<128xf32, #tpu.memory_space<vmem>>) target(%dma_start3A_1352 : memref<100352xf32, #tpu.memory_space<vmem_shared>>) offsets(%dma_start3A_1350 : memref<128xi32, #tpu.memory_space<vmem>>) semaphore(%arg72 : memref<!tpu.dma_semaphore, #tpu.memory_space<semaphore_mem>>) {add = true}
      %add3A_1353 = arith.constant 1 : i32
      %add3A_1354 = arith.addi %add3A_324, %add3A_1353 : i32
      %dma_wait3A_1355 = arith.constant 0 : i32
      %dma_wait3A_1356 = tpu.memref_slice %arg70[%dma_wait3A_1355] : memref<7504xf32, #tpu.memory_space<vmem>> -> memref<1920xf32, #tpu.memory_space<vmem>>
      %dma_wait3A_1357 = arith.constant 0 : i32
      %dma_wait3A_1358 = tpu.memref_slice %arg9[%dma_wait3A_1357] : memref<7504xf32, #tpu.memory_space<hbm>> -> memref<1920xf32, #tpu.memory_space<hbm>>
      %dma_wait3A_1359 = arith.constant 0 : i32
      %dma_wait3A_1360 = tpu.memref_slice %arg70[%dma_wait3A_1359] : memref<7504xf32, #tpu.memory_space<vmem>> -> memref<1920xf32, #tpu.memory_space<vmem>>
      %dma_wait3A_1361 = arith.constant 0 : i32
      %dma_wait3A_1362 = tpu.memref_slice %arg9[%dma_wait3A_1361] : memref<7504xf32, #tpu.memory_space<hbm>> -> memref<1920xf32, #tpu.memory_space<hbm>>
      tpu.wait_dma2 semaphore(%arg71 : memref<!tpu.dma_semaphore, #tpu.memory_space<semaphore_mem>>) src(%dma_wait3A_1362 : memref<1920xf32, #tpu.memory_space<hbm>>) dst(%dma_wait3A_1360 : memref<1920xf32, #tpu.memory_space<vmem>>)
      %add3A_1363 = arith.constant 1 : i32
      %add3A_1364 = arith.addi %add3A_1354, %add3A_1363 : i32
      %lt3A_1365 = arith.constant 50 : i32
      %lt3A_1366 = arith.cmpi slt, %add3A_1364, %lt3A_1365 : i32
      %convert_element_type3A_1367 = arith.extui %lt3A_1366 : i1 to i32
      %cond3A_1368 = arith.constant 0 : i32
      %cond3A_1369 = arith.cmpi ne, %convert_element_type3A_1367, %cond3A_1368 : i32
      scf.if %cond3A_1369 {
        %add3A_2393 = arith.constant 1 : i32
        %add3A_2394 = arith.addi %add3A_1354, %add3A_2393 : i32
        %dma_start3A_2395 = arith.constant 0 : i32
        %dma_start3A_2396 = tpu.memref_slice %arg11[%add3A_2394, %dma_start3A_2395] : memref<50x128xi32, #tpu.memory_space<vmem>> -> memref<1x128xi32, #tpu.memory_space<vmem>>
        %dma_start3A_2397 = tpu.memref_squeeze %dma_start3A_2396 : memref<1x128xi32, #tpu.memory_space<vmem>> -> memref<128xi32, #tpu.memory_space<vmem>>
        %dma_start3A_2398 = arith.constant 0 : i32
        %dma_start3A_2399 = tpu.memref_slice %arg59[%dma_start3A_2398] : memref<100352xf32, #tpu.memory_space<vmem_shared>> -> memref<100352xf32, #tpu.memory_space<vmem_shared>>
        tpu.enqueue_indirect_dma source(%dma_start3A_2399 : memref<100352xf32, #tpu.memory_space<vmem_shared>>) target(%arg17 : memref<128xf32, #tpu.memory_space<vmem>>) offsets(%dma_start3A_2397 : memref<128xi32, #tpu.memory_space<vmem>>) semaphore(%arg71 : memref<!tpu.dma_semaphore, #tpu.memory_space<semaphore_mem>>)
        %dma_start3A_2400 = arith.constant 0 : i32
        %dma_start3A_2401 = tpu.memref_slice %arg11[%add3A_2394, %dma_start3A_2400] : memref<50x128xi32, #tpu.memory_space<vmem>> -> memref<1x128xi32, #tpu.memory_space<vmem>>
        %dma_start3A_2402 = tpu.memref_squeeze %dma_start3A_2401 : memref<1x128xi32, #tpu.memory_space<vmem>> -> memref<128xi32, #tpu.memory_space<vmem>>
        %dma_start3A_2403 = arith.constant 0 : i32
        %dma_start3A_2404 = tpu.memref_slice %arg60[%dma_start3A_2403] : memref<100352xf32, #tpu.memory_space<vmem_shared>> -> memref<100352xf32, #tpu.memory_space<vmem_shared>>
        tpu.enqueue_indirect_dma source(%dma_start3A_2404 : memref<100352xf32, #tpu.memory_space<vmem_shared>>) target(%arg18 : memref<128xf32, #tpu.memory_space<vmem>>) offsets(%dma_start3A_2402 : memref<128xi32, #tpu.memory_space<vmem>>) semaphore(%arg71 : memref<!tpu.dma_semaphore, #tpu.memory_space<semaphore_mem>>)
        %dma_start3A_2405 = arith.constant 0 : i32
        %dma_start3A_2406 = tpu.memref_slice %arg11[%add3A_2394, %dma_start3A_2405] : memref<50x128xi32, #tpu.memory_space<vmem>> -> memref<1x128xi32, #tpu.memory_space<vmem>>
        %dma_start3A_2407 = tpu.memref_squeeze %dma_start3A_2406 : memref<1x128xi32, #tpu.memory_space<vmem>> -> memref<128xi32, #tpu.memory_space<vmem>>
        %dma_start3A_2408 = arith.constant 0 : i32
        %dma_start3A_2409 = tpu.memref_slice %arg61[%dma_start3A_2408] : memref<100352xf32, #tpu.memory_space<vmem_shared>> -> memref<100352xf32, #tpu.memory_space<vmem_shared>>
        tpu.enqueue_indirect_dma source(%dma_start3A_2409 : memref<100352xf32, #tpu.memory_space<vmem_shared>>) target(%arg19 : memref<128xf32, #tpu.memory_space<vmem>>) offsets(%dma_start3A_2407 : memref<128xi32, #tpu.memory_space<vmem>>) semaphore(%arg71 : memref<!tpu.dma_semaphore, #tpu.memory_space<semaphore_mem>>)
        %dma_start3A_2410 = arith.constant 0 : i32
        %dma_start3A_2411 = tpu.memref_slice %arg12[%add3A_2394, %dma_start3A_2410] : memref<50x128xi32, #tpu.memory_space<vmem>> -> memref<1x128xi32, #tpu.memory_space<vmem>>
        %dma_start3A_2412 = tpu.memref_squeeze %dma_start3A_2411 : memref<1x128xi32, #tpu.memory_space<vmem>> -> memref<128xi32, #tpu.memory_space<vmem>>
        %dma_start3A_2413 = arith.constant 0 : i32
        %dma_start3A_2414 = tpu.memref_slice %arg59[%dma_start3A_2413] : memref<100352xf32, #tpu.memory_space<vmem_shared>> -> memref<100352xf32, #tpu.memory_space<vmem_shared>>
        tpu.enqueue_indirect_dma source(%dma_start3A_2414 : memref<100352xf32, #tpu.memory_space<vmem_shared>>) target(%arg20 : memref<128xf32, #tpu.memory_space<vmem>>) offsets(%dma_start3A_2412 : memref<128xi32, #tpu.memory_space<vmem>>) semaphore(%arg71 : memref<!tpu.dma_semaphore, #tpu.memory_space<semaphore_mem>>)
        %dma_start3A_2415 = arith.constant 0 : i32
        %dma_start3A_2416 = tpu.memref_slice %arg12[%add3A_2394, %dma_start3A_2415] : memref<50x128xi32, #tpu.memory_space<vmem>> -> memref<1x128xi32, #tpu.memory_space<vmem>>
        %dma_start3A_2417 = tpu.memref_squeeze %dma_start3A_2416 : memref<1x128xi32, #tpu.memory_space<vmem>> -> memref<128xi32, #tpu.memory_space<vmem>>
        %dma_start3A_2418 = arith.constant 0 : i32
        %dma_start3A_2419 = tpu.memref_slice %arg60[%dma_start3A_2418] : memref<100352xf32, #tpu.memory_space<vmem_shared>> -> memref<100352xf32, #tpu.memory_space<vmem_shared>>
        tpu.enqueue_indirect_dma source(%dma_start3A_2419 : memref<100352xf32, #tpu.memory_space<vmem_shared>>) target(%arg21 : memref<128xf32, #tpu.memory_space<vmem>>) offsets(%dma_start3A_2417 : memref<128xi32, #tpu.memory_space<vmem>>) semaphore(%arg71 : memref<!tpu.dma_semaphore, #tpu.memory_space<semaphore_mem>>)
        %dma_start3A_2420 = arith.constant 0 : i32
        %dma_start3A_2421 = tpu.memref_slice %arg12[%add3A_2394, %dma_start3A_2420] : memref<50x128xi32, #tpu.memory_space<vmem>> -> memref<1x128xi32, #tpu.memory_space<vmem>>
        %dma_start3A_2422 = tpu.memref_squeeze %dma_start3A_2421 : memref<1x128xi32, #tpu.memory_space<vmem>> -> memref<128xi32, #tpu.memory_space<vmem>>
        %dma_start3A_2423 = arith.constant 0 : i32
        %dma_start3A_2424 = tpu.memref_slice %arg61[%dma_start3A_2423] : memref<100352xf32, #tpu.memory_space<vmem_shared>> -> memref<100352xf32, #tpu.memory_space<vmem_shared>>
        tpu.enqueue_indirect_dma source(%dma_start3A_2424 : memref<100352xf32, #tpu.memory_space<vmem_shared>>) target(%arg22 : memref<128xf32, #tpu.memory_space<vmem>>) offsets(%dma_start3A_2422 : memref<128xi32, #tpu.memory_space<vmem>>) semaphore(%arg71 : memref<!tpu.dma_semaphore, #tpu.memory_space<semaphore_mem>>)
        %dma_start3A_2425 = arith.constant 0 : i32
        %dma_start3A_2426 = tpu.memref_slice %arg13[%add3A_2394, %dma_start3A_2425] : memref<50x128xi32, #tpu.memory_space<vmem>> -> memref<1x128xi32, #tpu.memory_space<vmem>>
        %dma_start3A_2427 = tpu.memref_squeeze %dma_start3A_2426 : memref<1x128xi32, #tpu.memory_space<vmem>> -> memref<128xi32, #tpu.memory_space<vmem>>
        %dma_start3A_2428 = arith.constant 0 : i32
        %dma_start3A_2429 = tpu.memref_slice %arg59[%dma_start3A_2428] : memref<100352xf32, #tpu.memory_space<vmem_shared>> -> memref<100352xf32, #tpu.memory_space<vmem_shared>>
        tpu.enqueue_indirect_dma source(%dma_start3A_2429 : memref<100352xf32, #tpu.memory_space<vmem_shared>>) target(%arg23 : memref<128xf32, #tpu.memory_space<vmem>>) offsets(%dma_start3A_2427 : memref<128xi32, #tpu.memory_space<vmem>>) semaphore(%arg71 : memref<!tpu.dma_semaphore, #tpu.memory_space<semaphore_mem>>)
        %dma_start3A_2430 = arith.constant 0 : i32
        %dma_start3A_2431 = tpu.memref_slice %arg13[%add3A_2394, %dma_start3A_2430] : memref<50x128xi32, #tpu.memory_space<vmem>> -> memref<1x128xi32, #tpu.memory_space<vmem>>
        %dma_start3A_2432 = tpu.memref_squeeze %dma_start3A_2431 : memref<1x128xi32, #tpu.memory_space<vmem>> -> memref<128xi32, #tpu.memory_space<vmem>>
        %dma_start3A_2433 = arith.constant 0 : i32
        %dma_start3A_2434 = tpu.memref_slice %arg60[%dma_start3A_2433] : memref<100352xf32, #tpu.memory_space<vmem_shared>> -> memref<100352xf32, #tpu.memory_space<vmem_shared>>
        tpu.enqueue_indirect_dma source(%dma_start3A_2434 : memref<100352xf32, #tpu.memory_space<vmem_shared>>) target(%arg24 : memref<128xf32, #tpu.memory_space<vmem>>) offsets(%dma_start3A_2432 : memref<128xi32, #tpu.memory_space<vmem>>) semaphore(%arg71 : memref<!tpu.dma_semaphore, #tpu.memory_space<semaphore_mem>>)
        %dma_start3A_2435 = arith.constant 0 : i32
        %dma_start3A_2436 = tpu.memref_slice %arg13[%add3A_2394, %dma_start3A_2435] : memref<50x128xi32, #tpu.memory_space<vmem>> -> memref<1x128xi32, #tpu.memory_space<vmem>>
        %dma_start3A_2437 = tpu.memref_squeeze %dma_start3A_2436 : memref<1x128xi32, #tpu.memory_space<vmem>> -> memref<128xi32, #tpu.memory_space<vmem>>
        %dma_start3A_2438 = arith.constant 0 : i32
        %dma_start3A_2439 = tpu.memref_slice %arg61[%dma_start3A_2438] : memref<100352xf32, #tpu.memory_space<vmem_shared>> -> memref<100352xf32, #tpu.memory_space<vmem_shared>>
        tpu.enqueue_indirect_dma source(%dma_start3A_2439 : memref<100352xf32, #tpu.memory_space<vmem_shared>>) target(%arg25 : memref<128xf32, #tpu.memory_space<vmem>>) offsets(%dma_start3A_2437 : memref<128xi32, #tpu.memory_space<vmem>>) semaphore(%arg71 : memref<!tpu.dma_semaphore, #tpu.memory_space<semaphore_mem>>)
        %dma_start3A_2440 = arith.constant 0 : i32
        %dma_start3A_2441 = tpu.memref_slice %arg14[%add3A_2394, %dma_start3A_2440] : memref<50x128xi32, #tpu.memory_space<vmem>> -> memref<1x128xi32, #tpu.memory_space<vmem>>
        %dma_start3A_2442 = tpu.memref_squeeze %dma_start3A_2441 : memref<1x128xi32, #tpu.memory_space<vmem>> -> memref<128xi32, #tpu.memory_space<vmem>>
        %dma_start3A_2443 = arith.constant 0 : i32
        %dma_start3A_2444 = tpu.memref_slice %arg62[%dma_start3A_2443] : memref<120064xf32, #tpu.memory_space<vmem_shared>> -> memref<120064xf32, #tpu.memory_space<vmem_shared>>
        tpu.enqueue_indirect_dma source(%dma_start3A_2444 : memref<120064xf32, #tpu.memory_space<vmem_shared>>) target(%arg35 : memref<128xf32, #tpu.memory_space<vmem>>) offsets(%dma_start3A_2442 : memref<128xi32, #tpu.memory_space<vmem>>) semaphore(%arg71 : memref<!tpu.dma_semaphore, #tpu.memory_space<semaphore_mem>>)
        %dma_start3A_2445 = arith.constant 0 : i32
        %dma_start3A_2446 = tpu.memref_slice %arg14[%add3A_2394, %dma_start3A_2445] : memref<50x128xi32, #tpu.memory_space<vmem>> -> memref<1x128xi32, #tpu.memory_space<vmem>>
        %dma_start3A_2447 = tpu.memref_squeeze %dma_start3A_2446 : memref<1x128xi32, #tpu.memory_space<vmem>> -> memref<128xi32, #tpu.memory_space<vmem>>
        %dma_start3A_2448 = arith.constant 0 : i32
        %dma_start3A_2449 = tpu.memref_slice %arg63[%dma_start3A_2448] : memref<120064xf32, #tpu.memory_space<vmem_shared>> -> memref<120064xf32, #tpu.memory_space<vmem_shared>>
        tpu.enqueue_indirect_dma source(%dma_start3A_2449 : memref<120064xf32, #tpu.memory_space<vmem_shared>>) target(%arg36 : memref<128xf32, #tpu.memory_space<vmem>>) offsets(%dma_start3A_2447 : memref<128xi32, #tpu.memory_space<vmem>>) semaphore(%arg71 : memref<!tpu.dma_semaphore, #tpu.memory_space<semaphore_mem>>)
        %dma_start3A_2450 = arith.constant 0 : i32
        %dma_start3A_2451 = tpu.memref_slice %arg15[%add3A_2394, %dma_start3A_2450] : memref<50x128xi32, #tpu.memory_space<vmem>> -> memref<1x128xi32, #tpu.memory_space<vmem>>
        %dma_start3A_2452 = tpu.memref_squeeze %dma_start3A_2451 : memref<1x128xi32, #tpu.memory_space<vmem>> -> memref<128xi32, #tpu.memory_space<vmem>>
        %dma_start3A_2453 = arith.constant 0 : i32
        %dma_start3A_2454 = tpu.memref_slice %arg62[%dma_start3A_2453] : memref<120064xf32, #tpu.memory_space<vmem_shared>> -> memref<120064xf32, #tpu.memory_space<vmem_shared>>
        tpu.enqueue_indirect_dma source(%dma_start3A_2454 : memref<120064xf32, #tpu.memory_space<vmem_shared>>) target(%arg37 : memref<128xf32, #tpu.memory_space<vmem>>) offsets(%dma_start3A_2452 : memref<128xi32, #tpu.memory_space<vmem>>) semaphore(%arg71 : memref<!tpu.dma_semaphore, #tpu.memory_space<semaphore_mem>>)
        %dma_start3A_2455 = arith.constant 0 : i32
        %dma_start3A_2456 = tpu.memref_slice %arg15[%add3A_2394, %dma_start3A_2455] : memref<50x128xi32, #tpu.memory_space<vmem>> -> memref<1x128xi32, #tpu.memory_space<vmem>>
        %dma_start3A_2457 = tpu.memref_squeeze %dma_start3A_2456 : memref<1x128xi32, #tpu.memory_space<vmem>> -> memref<128xi32, #tpu.memory_space<vmem>>
        %dma_start3A_2458 = arith.constant 0 : i32
        %dma_start3A_2459 = tpu.memref_slice %arg63[%dma_start3A_2458] : memref<120064xf32, #tpu.memory_space<vmem_shared>> -> memref<120064xf32, #tpu.memory_space<vmem_shared>>
        tpu.enqueue_indirect_dma source(%dma_start3A_2459 : memref<120064xf32, #tpu.memory_space<vmem_shared>>) target(%arg38 : memref<128xf32, #tpu.memory_space<vmem>>) offsets(%dma_start3A_2457 : memref<128xi32, #tpu.memory_space<vmem>>) semaphore(%arg71 : memref<!tpu.dma_semaphore, #tpu.memory_space<semaphore_mem>>)
        %dma_start3A_2460 = arith.constant 0 : i32
        %dma_start3A_2461 = tpu.memref_slice %arg16[%add3A_2394, %dma_start3A_2460] : memref<50x128xi32, #tpu.memory_space<vmem>> -> memref<1x128xi32, #tpu.memory_space<vmem>>
        %dma_start3A_2462 = tpu.memref_squeeze %dma_start3A_2461 : memref<1x128xi32, #tpu.memory_space<vmem>> -> memref<128xi32, #tpu.memory_space<vmem>>
        %dma_start3A_2463 = arith.constant 0 : i32
        %dma_start3A_2464 = tpu.memref_slice %arg62[%dma_start3A_2463] : memref<120064xf32, #tpu.memory_space<vmem_shared>> -> memref<120064xf32, #tpu.memory_space<vmem_shared>>
        tpu.enqueue_indirect_dma source(%dma_start3A_2464 : memref<120064xf32, #tpu.memory_space<vmem_shared>>) target(%arg39 : memref<128xf32, #tpu.memory_space<vmem>>) offsets(%dma_start3A_2462 : memref<128xi32, #tpu.memory_space<vmem>>) semaphore(%arg71 : memref<!tpu.dma_semaphore, #tpu.memory_space<semaphore_mem>>)
        %dma_start3A_2465 = arith.constant 0 : i32
        %dma_start3A_2466 = tpu.memref_slice %arg16[%add3A_2394, %dma_start3A_2465] : memref<50x128xi32, #tpu.memory_space<vmem>> -> memref<1x128xi32, #tpu.memory_space<vmem>>
        %dma_start3A_2467 = tpu.memref_squeeze %dma_start3A_2466 : memref<1x128xi32, #tpu.memory_space<vmem>> -> memref<128xi32, #tpu.memory_space<vmem>>
        %dma_start3A_2468 = arith.constant 0 : i32
        %dma_start3A_2469 = tpu.memref_slice %arg63[%dma_start3A_2468] : memref<120064xf32, #tpu.memory_space<vmem_shared>> -> memref<120064xf32, #tpu.memory_space<vmem_shared>>
        tpu.enqueue_indirect_dma source(%dma_start3A_2469 : memref<120064xf32, #tpu.memory_space<vmem_shared>>) target(%arg40 : memref<128xf32, #tpu.memory_space<vmem>>) offsets(%dma_start3A_2467 : memref<128xi32, #tpu.memory_space<vmem>>) semaphore(%arg71 : memref<!tpu.dma_semaphore, #tpu.memory_space<semaphore_mem>>)
      } else {
      }
      %ge3A_1370 = arith.constant 2 : i32
      %ge3A_1371 = arith.cmpi sge, %add3A_1354, %ge3A_1370 : i32
      %convert_element_type3A_1372 = arith.extui %ge3A_1371 : i1 to i32
      %cond3A_1373 = arith.constant 0 : i32
      %cond3A_1374 = arith.cmpi ne, %convert_element_type3A_1372, %cond3A_1373 : i32
      scf.if %cond3A_1374 {
        %dma_wait3A_2393 = arith.constant 0 : i32
        %dma_wait3A_2394 = tpu.memref_slice %arg70[%dma_wait3A_2393] : memref<7504xf32, #tpu.memory_space<vmem>> -> memref<2304xf32, #tpu.memory_space<vmem>>
        %dma_wait3A_2395 = arith.constant 0 : i32
        %dma_wait3A_2396 = tpu.memref_slice %arg9[%dma_wait3A_2395] : memref<7504xf32, #tpu.memory_space<hbm>> -> memref<2304xf32, #tpu.memory_space<hbm>>
        %dma_wait3A_2397 = arith.constant 0 : i32
        %dma_wait3A_2398 = tpu.memref_slice %arg70[%dma_wait3A_2397] : memref<7504xf32, #tpu.memory_space<vmem>> -> memref<2304xf32, #tpu.memory_space<vmem>>
        %dma_wait3A_2399 = arith.constant 0 : i32
        %dma_wait3A_2400 = tpu.memref_slice %arg9[%dma_wait3A_2399] : memref<7504xf32, #tpu.memory_space<hbm>> -> memref<2304xf32, #tpu.memory_space<hbm>>
        tpu.wait_dma2 semaphore(%arg73 : memref<!tpu.dma_semaphore, #tpu.memory_space<semaphore_mem>>) src(%dma_wait3A_2400 : memref<2304xf32, #tpu.memory_space<hbm>>) dst(%dma_wait3A_2398 : memref<2304xf32, #tpu.memory_space<vmem>>)
      } else {
      }
      %get3A_1375 = arith.constant 0 : index
      %get3A_1376 = tpu.vector_load %arg26[%get3A_1375] {strides = array<i32>} : memref<128xf32, #tpu.memory_space<vmem>>, vector<16xf32>,
      %get3A_1377 = vector.shape_cast %get3A_1376 : vector<16xf32> to vector<16xf32>
      %get3A_1378 = arith.constant 0 : index
      %get3A_1379 = tpu.vector_load %arg27[%get3A_1378] {strides = array<i32>} : memref<128xf32, #tpu.memory_space<vmem>>, vector<16xf32>,
      %get3A_1380 = vector.shape_cast %get3A_1379 : vector<16xf32> to vector<16xf32>
      %get3A_1381 = arith.constant 0 : index
      %get3A_1382 = tpu.vector_load %arg28[%get3A_1381] {strides = array<i32>} : memref<128xf32, #tpu.memory_space<vmem>>, vector<16xf32>,
      %get3A_1383 = vector.shape_cast %get3A_1382 : vector<16xf32> to vector<16xf32>
      %get3A_1384 = arith.constant 0 : index
      %get3A_1385 = tpu.vector_load %arg29[%get3A_1384] {strides = array<i32>} : memref<128xf32, #tpu.memory_space<vmem>>, vector<16xf32>,
      %get3A_1386 = vector.shape_cast %get3A_1385 : vector<16xf32> to vector<16xf32>
      %get3A_1387 = arith.constant 0 : index
      %get3A_1388 = tpu.vector_load %arg30[%get3A_1387] {strides = array<i32>} : memref<128xf32, #tpu.memory_space<vmem>>, vector<16xf32>,
      %get3A_1389 = vector.shape_cast %get3A_1388 : vector<16xf32> to vector<16xf32>
      %get3A_1390 = arith.constant 0 : index
      %get3A_1391 = tpu.vector_load %arg31[%get3A_1390] {strides = array<i32>} : memref<128xf32, #tpu.memory_space<vmem>>, vector<16xf32>,
      %get3A_1392 = vector.shape_cast %get3A_1391 : vector<16xf32> to vector<16xf32>
      %get3A_1393 = arith.constant 0 : index
      %get3A_1394 = tpu.vector_load %arg32[%get3A_1393] {strides = array<i32>} : memref<128xf32, #tpu.memory_space<vmem>>, vector<16xf32>,
      %get3A_1395 = vector.shape_cast %get3A_1394 : vector<16xf32> to vector<16xf32>
      %get3A_1396 = arith.constant 0 : index
      %get3A_1397 = tpu.vector_load %arg33[%get3A_1396] {strides = array<i32>} : memref<128xf32, #tpu.memory_space<vmem>>, vector<16xf32>,
      %get3A_1398 = vector.shape_cast %get3A_1397 : vector<16xf32> to vector<16xf32>
      %get3A_1399 = arith.constant 0 : index
      %get3A_1400 = tpu.vector_load %arg34[%get3A_1399] {strides = array<i32>} : memref<128xf32, #tpu.memory_space<vmem>>, vector<16xf32>,
      %get3A_1401 = vector.shape_cast %get3A_1400 : vector<16xf32> to vector<16xf32>
      %get3A_1402 = arith.constant 0 : index
      %get3A_1403 = tpu.vector_load %arg41[%get3A_1402] {strides = array<i32>} : memref<128xf32, #tpu.memory_space<vmem>>, vector<16xf32>,
      %get3A_1404 = vector.shape_cast %get3A_1403 : vector<16xf32> to vector<16xf32>
      %get3A_1405 = arith.constant 0 : index
      %get3A_1406 = tpu.vector_load %arg42[%get3A_1405] {strides = array<i32>} : memref<128xf32, #tpu.memory_space<vmem>>, vector<16xf32>,
      %get3A_1407 = vector.shape_cast %get3A_1406 : vector<16xf32> to vector<16xf32>
      %get3A_1408 = arith.constant 0 : index
      %get3A_1409 = tpu.vector_load %arg43[%get3A_1408] {strides = array<i32>} : memref<128xf32, #tpu.memory_space<vmem>>, vector<16xf32>,
      %get3A_1410 = vector.shape_cast %get3A_1409 : vector<16xf32> to vector<16xf32>
      %get3A_1411 = arith.constant 0 : index
      %get3A_1412 = tpu.vector_load %arg44[%get3A_1411] {strides = array<i32>} : memref<128xf32, #tpu.memory_space<vmem>>, vector<16xf32>,
      %get3A_1413 = vector.shape_cast %get3A_1412 : vector<16xf32> to vector<16xf32>
      %get3A_1414 = arith.constant 0 : index
      %get3A_1415 = tpu.vector_load %arg45[%get3A_1414] {strides = array<i32>} : memref<128xf32, #tpu.memory_space<vmem>>, vector<16xf32>,
      %get3A_1416 = vector.shape_cast %get3A_1415 : vector<16xf32> to vector<16xf32>
      %get3A_1417 = arith.constant 0 : index
      %get3A_1418 = tpu.vector_load %arg46[%get3A_1417] {strides = array<i32>} : memref<128xf32, #tpu.memory_space<vmem>>, vector<16xf32>,
      %get3A_1419 = vector.shape_cast %get3A_1418 : vector<16xf32> to vector<16xf32>
      %sub3A_1420 = arith.subf %get3A_1386, %get3A_1377 : vector<16xf32>
      %sub3A_1421 = arith.subf %get3A_1389, %get3A_1380 : vector<16xf32>
      %sub3A_1422 = arith.subf %get3A_1392, %get3A_1383 : vector<16xf32>
      %sub3A_1423 = arith.subf %get3A_1395, %get3A_1377 : vector<16xf32>
      %sub3A_1424 = arith.subf %get3A_1398, %get3A_1380 : vector<16xf32>
      %sub3A_1425 = arith.subf %get3A_1401, %get3A_1383 : vector<16xf32>
      %sub3A_1426 = arith.subf %get3A_1410, %get3A_1404 : vector<16xf32>
      %sub3A_1427 = arith.subf %get3A_1413, %get3A_1407 : vector<16xf32>
      %sub3A_1428 = arith.subf %get3A_1416, %get3A_1404 : vector<16xf32>
      %sub3A_1429 = arith.subf %get3A_1419, %get3A_1407 : vector<16xf32>
      %mul3A_1430 = arith.mulf %sub3A_1426, %sub3A_1429 : vector<16xf32>
      %mul3A_1431 = arith.mulf %sub3A_1427, %sub3A_1428 : vector<16xf32>
      %sub3A_1432 = arith.subf %mul3A_1430, %mul3A_1431 : vector<16xf32>
      %gt3A_1433 = arith.constant 0.000000e+00 : f32
      %gt3A_1434 = vector.broadcast %gt3A_1433 : f32 to vector<16xf32>
      %gt3A_1435 = arith.cmpf ogt, %sub3A_1432, %gt3A_1434 : vector<16xf32>
      %max3A_1436 = arith.constant 9.99999997E-7 : f32
      %max3A_1437 = vector.broadcast %max3A_1436 : f32 to vector<16xf32>
      %max3A_1438 = arith.maximumf %sub3A_1432, %max3A_1437 : vector<16xf32>
      %min3A_1439 = arith.constant -9.99999997E-7 : f32
      %min3A_1440 = vector.broadcast %min3A_1439 : f32 to vector<16xf32>
      %min3A_1441 = arith.minimumf %sub3A_1432, %min3A_1440 : vector<16xf32>
      %select_n3A_1442 = arith.select %gt3A_1435, %max3A_1438, %min3A_1441 : vector<16xi1>, vector<16xf32>
      %div3A_1443 = arith.constant 1.000000e+00 : f32
      %div3A_1444 = vector.broadcast %div3A_1443 : f32 to vector<16xf32>
      %div3A_1445 = arith.divf %div3A_1444, %select_n3A_1442 : vector<16xf32>
      %mul3A_1446 = arith.mulf %sub3A_1421, %sub3A_1425 : vector<16xf32>
      %mul3A_1447 = arith.mulf %sub3A_1422, %sub3A_1424 : vector<16xf32>
      %sub3A_1448 = arith.subf %mul3A_1446, %mul3A_1447 : vector<16xf32>
      %swap3A_1449 = arith.constant 0 : index
      %swap3A_1450 = tpu.vector_load %arg53[%swap3A_1449] {strides = array<i32>} : memref<128xf32, #tpu.memory_space<vmem>>, vector<16xf32>,
      %swap3A_1451 = vector.shape_cast %swap3A_1450 : vector<16xf32> to vector<16xf32>
      %swap3A_1452 = vector.shape_cast %sub3A_1448 : vector<16xf32> to vector<16xf32>
      tpu.vector_store %arg53[%swap3A_1449], %swap3A_1452 {strides = array<i32>} : memref<128xf32, #tpu.memory_space<vmem>>, vector<16xf32>,
      %mul3A_1453 = arith.mulf %sub3A_1422, %sub3A_1423 : vector<16xf32>
      %mul3A_1454 = arith.mulf %sub3A_1420, %sub3A_1425 : vector<16xf32>
      %sub3A_1455 = arith.subf %mul3A_1453, %mul3A_1454 : vector<16xf32>
      %swap3A_1456 = arith.constant 0 : index
      %swap3A_1457 = tpu.vector_load %arg54[%swap3A_1456] {strides = array<i32>} : memref<128xf32, #tpu.memory_space<vmem>>, vector<16xf32>,
      %swap3A_1458 = vector.shape_cast %swap3A_1457 : vector<16xf32> to vector<16xf32>
      %swap3A_1459 = vector.shape_cast %sub3A_1455 : vector<16xf32> to vector<16xf32>
      tpu.vector_store %arg54[%swap3A_1456], %swap3A_1459 {strides = array<i32>} : memref<128xf32, #tpu.memory_space<vmem>>, vector<16xf32>,
      %mul3A_1460 = arith.mulf %sub3A_1420, %sub3A_1424 : vector<16xf32>
      %mul3A_1461 = arith.mulf %sub3A_1421, %sub3A_1423 : vector<16xf32>
      %sub3A_1462 = arith.subf %mul3A_1460, %mul3A_1461 : vector<16xf32>
      %swap3A_1463 = arith.constant 0 : index
      %swap3A_1464 = tpu.vector_load %arg55[%swap3A_1463] {strides = array<i32>} : memref<128xf32, #tpu.memory_space<vmem>>, vector<16xf32>,
      %swap3A_1465 = vector.shape_cast %swap3A_1464 : vector<16xf32> to vector<16xf32>
      %swap3A_1466 = vector.shape_cast %sub3A_1462 : vector<16xf32> to vector<16xf32>
      tpu.vector_store %arg55[%swap3A_1463], %swap3A_1466 {strides = array<i32>} : memref<128xf32, #tpu.memory_space<vmem>>, vector<16xf32>,
      %mul3A_1467 = arith.mulf %sub3A_1420, %sub3A_1429 : vector<16xf32>
      %mul3A_1468 = arith.mulf %sub3A_1423, %sub3A_1427 : vector<16xf32>
      %sub3A_1469 = arith.subf %mul3A_1467, %mul3A_1468 : vector<16xf32>
      %mul3A_1470 = arith.mulf %sub3A_1469, %div3A_1445 : vector<16xf32>
      %swap3A_1471 = arith.constant 0 : index
      %swap3A_1472 = tpu.vector_load %arg56[%swap3A_1471] {strides = array<i32>} : memref<128xf32, #tpu.memory_space<vmem>>, vector<16xf32>,
      %swap3A_1473 = vector.shape_cast %swap3A_1472 : vector<16xf32> to vector<16xf32>
      %swap3A_1474 = vector.shape_cast %mul3A_1470 : vector<16xf32> to vector<16xf32>
      tpu.vector_store %arg56[%swap3A_1471], %swap3A_1474 {strides = array<i32>} : memref<128xf32, #tpu.memory_space<vmem>>, vector<16xf32>,
      %mul3A_1475 = arith.mulf %sub3A_1421, %sub3A_1429 : vector<16xf32>
      %mul3A_1476 = arith.mulf %sub3A_1424, %sub3A_1427 : vector<16xf32>
      %sub3A_1477 = arith.subf %mul3A_1475, %mul3A_1476 : vector<16xf32>
      %mul3A_1478 = arith.mulf %sub3A_1477, %div3A_1445 : vector<16xf32>
      %swap3A_1479 = arith.constant 0 : index
      %swap3A_1480 = tpu.vector_load %arg57[%swap3A_1479] {strides = array<i32>} : memref<128xf32, #tpu.memory_space<vmem>>, vector<16xf32>,
      %swap3A_1481 = vector.shape_cast %swap3A_1480 : vector<16xf32> to vector<16xf32>
      %swap3A_1482 = vector.shape_cast %mul3A_1478 : vector<16xf32> to vector<16xf32>
      tpu.vector_store %arg57[%swap3A_1479], %swap3A_1482 {strides = array<i32>} : memref<128xf32, #tpu.memory_space<vmem>>, vector<16xf32>,
      %mul3A_1483 = arith.mulf %sub3A_1422, %sub3A_1429 : vector<16xf32>
      %mul3A_1484 = arith.mulf %sub3A_1425, %sub3A_1427 : vector<16xf32>
      %sub3A_1485 = arith.subf %mul3A_1483, %mul3A_1484 : vector<16xf32>
      %mul3A_1486 = arith.mulf %sub3A_1485, %div3A_1445 : vector<16xf32>
      %swap3A_1487 = arith.constant 0 : index
      %swap3A_1488 = tpu.vector_load %arg58[%swap3A_1487] {strides = array<i32>} : memref<128xf32, #tpu.memory_space<vmem>>, vector<16xf32>,
      %swap3A_1489 = vector.shape_cast %swap3A_1488 : vector<16xf32> to vector<16xf32>
      %swap3A_1490 = vector.shape_cast %mul3A_1486 : vector<16xf32> to vector<16xf32>
      tpu.vector_store %arg58[%swap3A_1487], %swap3A_1490 {strides = array<i32>} : memref<128xf32, #tpu.memory_space<vmem>>, vector<16xf32>,
      %get3A_1491 = arith.constant 16 : index
      %get3A_1492 = tpu.vector_load %arg26[%get3A_1491] {strides = array<i32>} : memref<128xf32, #tpu.memory_space<vmem>>, vector<16xf32>,
      %get3A_1493 = vector.shape_cast %get3A_1492 : vector<16xf32> to vector<16xf32>
      %get3A_1494 = arith.constant 16 : index
      %get3A_1495 = tpu.vector_load %arg27[%get3A_1494] {strides = array<i32>} : memref<128xf32, #tpu.memory_space<vmem>>, vector<16xf32>,
      %get3A_1496 = vector.shape_cast %get3A_1495 : vector<16xf32> to vector<16xf32>
      %get3A_1497 = arith.constant 16 : index
      %get3A_1498 = tpu.vector_load %arg28[%get3A_1497] {strides = array<i32>} : memref<128xf32, #tpu.memory_space<vmem>>, vector<16xf32>,
      %get3A_1499 = vector.shape_cast %get3A_1498 : vector<16xf32> to vector<16xf32>
      %get3A_1500 = arith.constant 16 : index
      %get3A_1501 = tpu.vector_load %arg29[%get3A_1500] {strides = array<i32>} : memref<128xf32, #tpu.memory_space<vmem>>, vector<16xf32>,
      %get3A_1502 = vector.shape_cast %get3A_1501 : vector<16xf32> to vector<16xf32>
      %get3A_1503 = arith.constant 16 : index
      %get3A_1504 = tpu.vector_load %arg30[%get3A_1503] {strides = array<i32>} : memref<128xf32, #tpu.memory_space<vmem>>, vector<16xf32>,
      %get3A_1505 = vector.shape_cast %get3A_1504 : vector<16xf32> to vector<16xf32>
      %get3A_1506 = arith.constant 16 : index
      %get3A_1507 = tpu.vector_load %arg31[%get3A_1506] {strides = array<i32>} : memref<128xf32, #tpu.memory_space<vmem>>, vector<16xf32>,
      %get3A_1508 = vector.shape_cast %get3A_1507 : vector<16xf32> to vector<16xf32>
      %get3A_1509 = arith.constant 16 : index
      %get3A_1510 = tpu.vector_load %arg32[%get3A_1509] {strides = array<i32>} : memref<128xf32, #tpu.memory_space<vmem>>, vector<16xf32>,
      %get3A_1511 = vector.shape_cast %get3A_1510 : vector<16xf32> to vector<16xf32>
      %get3A_1512 = arith.constant 16 : index
      %get3A_1513 = tpu.vector_load %arg33[%get3A_1512] {strides = array<i32>} : memref<128xf32, #tpu.memory_space<vmem>>, vector<16xf32>,
      %get3A_1514 = vector.shape_cast %get3A_1513 : vector<16xf32> to vector<16xf32>
      %get3A_1515 = arith.constant 16 : index
      %get3A_1516 = tpu.vector_load %arg34[%get3A_1515] {strides = array<i32>} : memref<128xf32, #tpu.memory_space<vmem>>, vector<16xf32>,
      %get3A_1517 = vector.shape_cast %get3A_1516 : vector<16xf32> to vector<16xf32>
      %get3A_1518 = arith.constant 16 : index
      %get3A_1519 = tpu.vector_load %arg41[%get3A_1518] {strides = array<i32>} : memref<128xf32, #tpu.memory_space<vmem>>, vector<16xf32>,
      %get3A_1520 = vector.shape_cast %get3A_1519 : vector<16xf32> to vector<16xf32>
      %get3A_1521 = arith.constant 16 : index
      %get3A_1522 = tpu.vector_load %arg42[%get3A_1521] {strides = array<i32>} : memref<128xf32, #tpu.memory_space<vmem>>, vector<16xf32>,
      %get3A_1523 = vector.shape_cast %get3A_1522 : vector<16xf32> to vector<16xf32>
      %get3A_1524 = arith.constant 16 : index
      %get3A_1525 = tpu.vector_load %arg43[%get3A_1524] {strides = array<i32>} : memref<128xf32, #tpu.memory_space<vmem>>, vector<16xf32>,
      %get3A_1526 = vector.shape_cast %get3A_1525 : vector<16xf32> to vector<16xf32>
      %get3A_1527 = arith.constant 16 : index
      %get3A_1528 = tpu.vector_load %arg44[%get3A_1527] {strides = array<i32>} : memref<128xf32, #tpu.memory_space<vmem>>, vector<16xf32>,
      %get3A_1529 = vector.shape_cast %get3A_1528 : vector<16xf32> to vector<16xf32>
      %get3A_1530 = arith.constant 16 : index
      %get3A_1531 = tpu.vector_load %arg45[%get3A_1530] {strides = array<i32>} : memref<128xf32, #tpu.memory_space<vmem>>, vector<16xf32>,
      %get3A_1532 = vector.shape_cast %get3A_1531 : vector<16xf32> to vector<16xf32>
      %get3A_1533 = arith.constant 16 : index
      %get3A_1534 = tpu.vector_load %arg46[%get3A_1533] {strides = array<i32>} : memref<128xf32, #tpu.memory_space<vmem>>, vector<16xf32>,
      %get3A_1535 = vector.shape_cast %get3A_1534 : vector<16xf32> to vector<16xf32>
      %sub3A_1536 = arith.subf %get3A_1502, %get3A_1493 : vector<16xf32>
      %sub3A_1537 = arith.subf %get3A_1505, %get3A_1496 : vector<16xf32>
      %sub3A_1538 = arith.subf %get3A_1508, %get3A_1499 : vector<16xf32>
      %sub3A_1539 = arith.subf %get3A_1511, %get3A_1493 : vector<16xf32>
      %sub3A_1540 = arith.subf %get3A_1514, %get3A_1496 : vector<16xf32>
      %sub3A_1541 = arith.subf %get3A_1517, %get3A_1499 : vector<16xf32>
      %sub3A_1542 = arith.subf %get3A_1526, %get3A_1520 : vector<16xf32>
      %sub3A_1543 = arith.subf %get3A_1529, %get3A_1523 : vector<16xf32>
      %sub3A_1544 = arith.subf %get3A_1532, %get3A_1520 : vector<16xf32>
      %sub3A_1545 = arith.subf %get3A_1535, %get3A_1523 : vector<16xf32>
      %mul3A_1546 = arith.mulf %sub3A_1542, %sub3A_1545 : vector<16xf32>
      %mul3A_1547 = arith.mulf %sub3A_1543, %sub3A_1544 : vector<16xf32>
      %sub3A_1548 = arith.subf %mul3A_1546, %mul3A_1547 : vector<16xf32>
      %gt3A_1549 = arith.constant 0.000000e+00 : f32
      %gt3A_1550 = vector.broadcast %gt3A_1549 : f32 to vector<16xf32>
      %gt3A_1551 = arith.cmpf ogt, %sub3A_1548, %gt3A_1550 : vector<16xf32>
      %max3A_1552 = arith.constant 9.99999997E-7 : f32
      %max3A_1553 = vector.broadcast %max3A_1552 : f32 to vector<16xf32>
      %max3A_1554 = arith.maximumf %sub3A_1548, %max3A_1553 : vector<16xf32>
      %min3A_1555 = arith.constant -9.99999997E-7 : f32
      %min3A_1556 = vector.broadcast %min3A_1555 : f32 to vector<16xf32>
      %min3A_1557 = arith.minimumf %sub3A_1548, %min3A_1556 : vector<16xf32>
      %select_n3A_1558 = arith.select %gt3A_1551, %max3A_1554, %min3A_1557 : vector<16xi1>, vector<16xf32>
      %div3A_1559 = arith.constant 1.000000e+00 : f32
      %div3A_1560 = vector.broadcast %div3A_1559 : f32 to vector<16xf32>
      %div3A_1561 = arith.divf %div3A_1560, %select_n3A_1558 : vector<16xf32>
      %mul3A_1562 = arith.mulf %sub3A_1537, %sub3A_1541 : vector<16xf32>
      %mul3A_1563 = arith.mulf %sub3A_1538, %sub3A_1540 : vector<16xf32>
      %sub3A_1564 = arith.subf %mul3A_1562, %mul3A_1563 : vector<16xf32>
      %swap3A_1565 = arith.constant 16 : index
      %swap3A_1566 = tpu.vector_load %arg53[%swap3A_1565] {strides = array<i32>} : memref<128xf32, #tpu.memory_space<vmem>>, vector<16xf32>,
      %swap3A_1567 = vector.shape_cast %swap3A_1566 : vector<16xf32> to vector<16xf32>
      %swap3A_1568 = vector.shape_cast %sub3A_1564 : vector<16xf32> to vector<16xf32>
      tpu.vector_store %arg53[%swap3A_1565], %swap3A_1568 {strides = array<i32>} : memref<128xf32, #tpu.memory_space<vmem>>, vector<16xf32>,
      %mul3A_1569 = arith.mulf %sub3A_1538, %sub3A_1539 : vector<16xf32>
      %mul3A_1570 = arith.mulf %sub3A_1536, %sub3A_1541 : vector<16xf32>
      %sub3A_1571 = arith.subf %mul3A_1569, %mul3A_1570 : vector<16xf32>
      %swap3A_1572 = arith.constant 16 : index
      %swap3A_1573 = tpu.vector_load %arg54[%swap3A_1572] {strides = array<i32>} : memref<128xf32, #tpu.memory_space<vmem>>, vector<16xf32>,
      %swap3A_1574 = vector.shape_cast %swap3A_1573 : vector<16xf32> to vector<16xf32>
      %swap3A_1575 = vector.shape_cast %sub3A_1571 : vector<16xf32> to vector<16xf32>
      tpu.vector_store %arg54[%swap3A_1572], %swap3A_1575 {strides = array<i32>} : memref<128xf32, #tpu.memory_space<vmem>>, vector<16xf32>,
      %mul3A_1576 = arith.mulf %sub3A_1536, %sub3A_1540 : vector<16xf32>
      %mul3A_1577 = arith.mulf %sub3A_1537, %sub3A_1539 : vector<16xf32>
      %sub3A_1578 = arith.subf %mul3A_1576, %mul3A_1577 : vector<16xf32>
      %swap3A_1579 = arith.constant 16 : index
      %swap3A_1580 = tpu.vector_load %arg55[%swap3A_1579] {strides = array<i32>} : memref<128xf32, #tpu.memory_space<vmem>>, vector<16xf32>,
      %swap3A_1581 = vector.shape_cast %swap3A_1580 : vector<16xf32> to vector<16xf32>
      %swap3A_1582 = vector.shape_cast %sub3A_1578 : vector<16xf32> to vector<16xf32>
      tpu.vector_store %arg55[%swap3A_1579], %swap3A_1582 {strides = array<i32>} : memref<128xf32, #tpu.memory_space<vmem>>, vector<16xf32>,
      %mul3A_1583 = arith.mulf %sub3A_1536, %sub3A_1545 : vector<16xf32>
      %mul3A_1584 = arith.mulf %sub3A_1539, %sub3A_1543 : vector<16xf32>
      %sub3A_1585 = arith.subf %mul3A_1583, %mul3A_1584 : vector<16xf32>
      %mul3A_1586 = arith.mulf %sub3A_1585, %div3A_1561 : vector<16xf32>
      %swap3A_1587 = arith.constant 16 : index
      %swap3A_1588 = tpu.vector_load %arg56[%swap3A_1587] {strides = array<i32>} : memref<128xf32, #tpu.memory_space<vmem>>, vector<16xf32>,
      %swap3A_1589 = vector.shape_cast %swap3A_1588 : vector<16xf32> to vector<16xf32>
      %swap3A_1590 = vector.shape_cast %mul3A_1586 : vector<16xf32> to vector<16xf32>
      tpu.vector_store %arg56[%swap3A_1587], %swap3A_1590 {strides = array<i32>} : memref<128xf32, #tpu.memory_space<vmem>>, vector<16xf32>,
      %mul3A_1591 = arith.mulf %sub3A_1537, %sub3A_1545 : vector<16xf32>
      %mul3A_1592 = arith.mulf %sub3A_1540, %sub3A_1543 : vector<16xf32>
      %sub3A_1593 = arith.subf %mul3A_1591, %mul3A_1592 : vector<16xf32>
      %mul3A_1594 = arith.mulf %sub3A_1593, %div3A_1561 : vector<16xf32>
      %swap3A_1595 = arith.constant 16 : index
      %swap3A_1596 = tpu.vector_load %arg57[%swap3A_1595] {strides = array<i32>} : memref<128xf32, #tpu.memory_space<vmem>>, vector<16xf32>,
      %swap3A_1597 = vector.shape_cast %swap3A_1596 : vector<16xf32> to vector<16xf32>
      %swap3A_1598 = vector.shape_cast %mul3A_1594 : vector<16xf32> to vector<16xf32>
      tpu.vector_store %arg57[%swap3A_1595], %swap3A_1598 {strides = array<i32>} : memref<128xf32, #tpu.memory_space<vmem>>, vector<16xf32>,
      %mul3A_1599 = arith.mulf %sub3A_1538, %sub3A_1545 : vector<16xf32>
      %mul3A_1600 = arith.mulf %sub3A_1541, %sub3A_1543 : vector<16xf32>
      %sub3A_1601 = arith.subf %mul3A_1599, %mul3A_1600 : vector<16xf32>
      %mul3A_1602 = arith.mulf %sub3A_1601, %div3A_1561 : vector<16xf32>
      %swap3A_1603 = arith.constant 16 : index
      %swap3A_1604 = tpu.vector_load %arg58[%swap3A_1603] {strides = array<i32>} : memref<128xf32, #tpu.memory_space<vmem>>, vector<16xf32>,
      %swap3A_1605 = vector.shape_cast %swap3A_1604 : vector<16xf32> to vector<16xf32>
      %swap3A_1606 = vector.shape_cast %mul3A_1602 : vector<16xf32> to vector<16xf32>
      tpu.vector_store %arg58[%swap3A_1603], %swap3A_1606 {strides = array<i32>} : memref<128xf32, #tpu.memory_space<vmem>>, vector<16xf32>,
      %get3A_1607 = arith.constant 32 : index
      %get3A_1608 = tpu.vector_load %arg26[%get3A_1607] {strides = array<i32>} : memref<128xf32, #tpu.memory_space<vmem>>, vector<16xf32>,
      %get3A_1609 = vector.shape_cast %get3A_1608 : vector<16xf32> to vector<16xf32>
      %get3A_1610 = arith.constant 32 : index
      %get3A_1611 = tpu.vector_load %arg27[%get3A_1610] {strides = array<i32>} : memref<128xf32, #tpu.memory_space<vmem>>, vector<16xf32>,
      %get3A_1612 = vector.shape_cast %get3A_1611 : vector<16xf32> to vector<16xf32>
      %get3A_1613 = arith.constant 32 : index
      %get3A_1614 = tpu.vector_load %arg28[%get3A_1613] {strides = array<i32>} : memref<128xf32, #tpu.memory_space<vmem>>, vector<16xf32>,
      %get3A_1615 = vector.shape_cast %get3A_1614 : vector<16xf32> to vector<16xf32>
      %get3A_1616 = arith.constant 32 : index
      %get3A_1617 = tpu.vector_load %arg29[%get3A_1616] {strides = array<i32>} : memref<128xf32, #tpu.memory_space<vmem>>, vector<16xf32>,
      %get3A_1618 = vector.shape_cast %get3A_1617 : vector<16xf32> to vector<16xf32>
      %get3A_1619 = arith.constant 32 : index
      %get3A_1620 = tpu.vector_load %arg30[%get3A_1619] {strides = array<i32>} : memref<128xf32, #tpu.memory_space<vmem>>, vector<16xf32>,
      %get3A_1621 = vector.shape_cast %get3A_1620 : vector<16xf32> to vector<16xf32>
      %get3A_1622 = arith.constant 32 : index
      %get3A_1623 = tpu.vector_load %arg31[%get3A_1622] {strides = array<i32>} : memref<128xf32, #tpu.memory_space<vmem>>, vector<16xf32>,
      %get3A_1624 = vector.shape_cast %get3A_1623 : vector<16xf32> to vector<16xf32>
      %get3A_1625 = arith.constant 32 : index
      %get3A_1626 = tpu.vector_load %arg32[%get3A_1625] {strides = array<i32>} : memref<128xf32, #tpu.memory_space<vmem>>, vector<16xf32>,
      %get3A_1627 = vector.shape_cast %get3A_1626 : vector<16xf32> to vector<16xf32>
      %get3A_1628 = arith.constant 32 : index
      %get3A_1629 = tpu.vector_load %arg33[%get3A_1628] {strides = array<i32>} : memref<128xf32, #tpu.memory_space<vmem>>, vector<16xf32>,
      %get3A_1630 = vector.shape_cast %get3A_1629 : vector<16xf32> to vector<16xf32>
      %get3A_1631 = arith.constant 32 : index
      %get3A_1632 = tpu.vector_load %arg34[%get3A_1631] {strides = array<i32>} : memref<128xf32, #tpu.memory_space<vmem>>, vector<16xf32>,
      %get3A_1633 = vector.shape_cast %get3A_1632 : vector<16xf32> to vector<16xf32>
      %get3A_1634 = arith.constant 32 : index
      %get3A_1635 = tpu.vector_load %arg41[%get3A_1634] {strides = array<i32>} : memref<128xf32, #tpu.memory_space<vmem>>, vector<16xf32>,
      %get3A_1636 = vector.shape_cast %get3A_1635 : vector<16xf32> to vector<16xf32>
      %get3A_1637 = arith.constant 32 : index
      %get3A_1638 = tpu.vector_load %arg42[%get3A_1637] {strides = array<i32>} : memref<128xf32, #tpu.memory_space<vmem>>, vector<16xf32>,
      %get3A_1639 = vector.shape_cast %get3A_1638 : vector<16xf32> to vector<16xf32>
      %get3A_1640 = arith.constant 32 : index
      %get3A_1641 = tpu.vector_load %arg43[%get3A_1640] {strides = array<i32>} : memref<128xf32, #tpu.memory_space<vmem>>, vector<16xf32>,
      %get3A_1642 = vector.shape_cast %get3A_1641 : vector<16xf32> to vector<16xf32>
      %get3A_1643 = arith.constant 32 : index
      %get3A_1644 = tpu.vector_load %arg44[%get3A_1643] {strides = array<i32>} : memref<128xf32, #tpu.memory_space<vmem>>, vector<16xf32>,
      %get3A_1645 = vector.shape_cast %get3A_1644 : vector<16xf32> to vector<16xf32>
      %get3A_1646 = arith.constant 32 : index
      %get3A_1647 = tpu.vector_load %arg45[%get3A_1646] {strides = array<i32>} : memref<128xf32, #tpu.memory_space<vmem>>, vector<16xf32>,
      %get3A_1648 = vector.shape_cast %get3A_1647 : vector<16xf32> to vector<16xf32>
      %get3A_1649 = arith.constant 32 : index
      %get3A_1650 = tpu.vector_load %arg46[%get3A_1649] {strides = array<i32>} : memref<128xf32, #tpu.memory_space<vmem>>, vector<16xf32>,
      %get3A_1651 = vector.shape_cast %get3A_1650 : vector<16xf32> to vector<16xf32>
      %sub3A_1652 = arith.subf %get3A_1618, %get3A_1609 : vector<16xf32>
      %sub3A_1653 = arith.subf %get3A_1621, %get3A_1612 : vector<16xf32>
      %sub3A_1654 = arith.subf %get3A_1624, %get3A_1615 : vector<16xf32>
      %sub3A_1655 = arith.subf %get3A_1627, %get3A_1609 : vector<16xf32>
      %sub3A_1656 = arith.subf %get3A_1630, %get3A_1612 : vector<16xf32>
      %sub3A_1657 = arith.subf %get3A_1633, %get3A_1615 : vector<16xf32>
      %sub3A_1658 = arith.subf %get3A_1642, %get3A_1636 : vector<16xf32>
      %sub3A_1659 = arith.subf %get3A_1645, %get3A_1639 : vector<16xf32>
      %sub3A_1660 = arith.subf %get3A_1648, %get3A_1636 : vector<16xf32>
      %sub3A_1661 = arith.subf %get3A_1651, %get3A_1639 : vector<16xf32>
      %mul3A_1662 = arith.mulf %sub3A_1658, %sub3A_1661 : vector<16xf32>
      %mul3A_1663 = arith.mulf %sub3A_1659, %sub3A_1660 : vector<16xf32>
      %sub3A_1664 = arith.subf %mul3A_1662, %mul3A_1663 : vector<16xf32>
      %gt3A_1665 = arith.constant 0.000000e+00 : f32
      %gt3A_1666 = vector.broadcast %gt3A_1665 : f32 to vector<16xf32>
      %gt3A_1667 = arith.cmpf ogt, %sub3A_1664, %gt3A_1666 : vector<16xf32>
      %max3A_1668 = arith.constant 9.99999997E-7 : f32
      %max3A_1669 = vector.broadcast %max3A_1668 : f32 to vector<16xf32>
      %max3A_1670 = arith.maximumf %sub3A_1664, %max3A_1669 : vector<16xf32>
      %min3A_1671 = arith.constant -9.99999997E-7 : f32
      %min3A_1672 = vector.broadcast %min3A_1671 : f32 to vector<16xf32>
      %min3A_1673 = arith.minimumf %sub3A_1664, %min3A_1672 : vector<16xf32>
      %select_n3A_1674 = arith.select %gt3A_1667, %max3A_1670, %min3A_1673 : vector<16xi1>, vector<16xf32>
      %div3A_1675 = arith.constant 1.000000e+00 : f32
      %div3A_1676 = vector.broadcast %div3A_1675 : f32 to vector<16xf32>
      %div3A_1677 = arith.divf %div3A_1676, %select_n3A_1674 : vector<16xf32>
      %mul3A_1678 = arith.mulf %sub3A_1653, %sub3A_1657 : vector<16xf32>
      %mul3A_1679 = arith.mulf %sub3A_1654, %sub3A_1656 : vector<16xf32>
      %sub3A_1680 = arith.subf %mul3A_1678, %mul3A_1679 : vector<16xf32>
      %swap3A_1681 = arith.constant 32 : index
      %swap3A_1682 = tpu.vector_load %arg53[%swap3A_1681] {strides = array<i32>} : memref<128xf32, #tpu.memory_space<vmem>>, vector<16xf32>,
      %swap3A_1683 = vector.shape_cast %swap3A_1682 : vector<16xf32> to vector<16xf32>
      %swap3A_1684 = vector.shape_cast %sub3A_1680 : vector<16xf32> to vector<16xf32>
      tpu.vector_store %arg53[%swap3A_1681], %swap3A_1684 {strides = array<i32>} : memref<128xf32, #tpu.memory_space<vmem>>, vector<16xf32>,
      %mul3A_1685 = arith.mulf %sub3A_1654, %sub3A_1655 : vector<16xf32>
      %mul3A_1686 = arith.mulf %sub3A_1652, %sub3A_1657 : vector<16xf32>
      %sub3A_1687 = arith.subf %mul3A_1685, %mul3A_1686 : vector<16xf32>
      %swap3A_1688 = arith.constant 32 : index
      %swap3A_1689 = tpu.vector_load %arg54[%swap3A_1688] {strides = array<i32>} : memref<128xf32, #tpu.memory_space<vmem>>, vector<16xf32>,
      %swap3A_1690 = vector.shape_cast %swap3A_1689 : vector<16xf32> to vector<16xf32>
      %swap3A_1691 = vector.shape_cast %sub3A_1687 : vector<16xf32> to vector<16xf32>
      tpu.vector_store %arg54[%swap3A_1688], %swap3A_1691 {strides = array<i32>} : memref<128xf32, #tpu.memory_space<vmem>>, vector<16xf32>,
      %mul3A_1692 = arith.mulf %sub3A_1652, %sub3A_1656 : vector<16xf32>
      %mul3A_1693 = arith.mulf %sub3A_1653, %sub3A_1655 : vector<16xf32>
      %sub3A_1694 = arith.subf %mul3A_1692, %mul3A_1693 : vector<16xf32>
      %swap3A_1695 = arith.constant 32 : index
      %swap3A_1696 = tpu.vector_load %arg55[%swap3A_1695] {strides = array<i32>} : memref<128xf32, #tpu.memory_space<vmem>>, vector<16xf32>,
      %swap3A_1697 = vector.shape_cast %swap3A_1696 : vector<16xf32> to vector<16xf32>
      %swap3A_1698 = vector.shape_cast %sub3A_1694 : vector<16xf32> to vector<16xf32>
      tpu.vector_store %arg55[%swap3A_1695], %swap3A_1698 {strides = array<i32>} : memref<128xf32, #tpu.memory_space<vmem>>, vector<16xf32>,
      %mul3A_1699 = arith.mulf %sub3A_1652, %sub3A_1661 : vector<16xf32>
      %mul3A_1700 = arith.mulf %sub3A_1655, %sub3A_1659 : vector<16xf32>
      %sub3A_1701 = arith.subf %mul3A_1699, %mul3A_1700 : vector<16xf32>
      %mul3A_1702 = arith.mulf %sub3A_1701, %div3A_1677 : vector<16xf32>
      %swap3A_1703 = arith.constant 32 : index
      %swap3A_1704 = tpu.vector_load %arg56[%swap3A_1703] {strides = array<i32>} : memref<128xf32, #tpu.memory_space<vmem>>, vector<16xf32>,
      %swap3A_1705 = vector.shape_cast %swap3A_1704 : vector<16xf32> to vector<16xf32>
      %swap3A_1706 = vector.shape_cast %mul3A_1702 : vector<16xf32> to vector<16xf32>
      tpu.vector_store %arg56[%swap3A_1703], %swap3A_1706 {strides = array<i32>} : memref<128xf32, #tpu.memory_space<vmem>>, vector<16xf32>,
      %mul3A_1707 = arith.mulf %sub3A_1653, %sub3A_1661 : vector<16xf32>
      %mul3A_1708 = arith.mulf %sub3A_1656, %sub3A_1659 : vector<16xf32>
      %sub3A_1709 = arith.subf %mul3A_1707, %mul3A_1708 : vector<16xf32>
      %mul3A_1710 = arith.mulf %sub3A_1709, %div3A_1677 : vector<16xf32>
      %swap3A_1711 = arith.constant 32 : index
      %swap3A_1712 = tpu.vector_load %arg57[%swap3A_1711] {strides = array<i32>} : memref<128xf32, #tpu.memory_space<vmem>>, vector<16xf32>,
      %swap3A_1713 = vector.shape_cast %swap3A_1712 : vector<16xf32> to vector<16xf32>
      %swap3A_1714 = vector.shape_cast %mul3A_1710 : vector<16xf32> to vector<16xf32>
      tpu.vector_store %arg57[%swap3A_1711], %swap3A_1714 {strides = array<i32>} : memref<128xf32, #tpu.memory_space<vmem>>, vector<16xf32>,
      %mul3A_1715 = arith.mulf %sub3A_1654, %sub3A_1661 : vector<16xf32>
      %mul3A_1716 = arith.mulf %sub3A_1657, %sub3A_1659 : vector<16xf32>
      %sub3A_1717 = arith.subf %mul3A_1715, %mul3A_1716 : vector<16xf32>
      %mul3A_1718 = arith.mulf %sub3A_1717, %div3A_1677 : vector<16xf32>
      %swap3A_1719 = arith.constant 32 : index
      %swap3A_1720 = tpu.vector_load %arg58[%swap3A_1719] {strides = array<i32>} : memref<128xf32, #tpu.memory_space<vmem>>, vector<16xf32>,
      %swap3A_1721 = vector.shape_cast %swap3A_1720 : vector<16xf32> to vector<16xf32>
      %swap3A_1722 = vector.shape_cast %mul3A_1718 : vector<16xf32> to vector<16xf32>
      tpu.vector_store %arg58[%swap3A_1719], %swap3A_1722 {strides = array<i32>} : memref<128xf32, #tpu.memory_space<vmem>>, vector<16xf32>,
      %get3A_1723 = arith.constant 48 : index
      %get3A_1724 = tpu.vector_load %arg26[%get3A_1723] {strides = array<i32>} : memref<128xf32, #tpu.memory_space<vmem>>, vector<16xf32>,
      %get3A_1725 = vector.shape_cast %get3A_1724 : vector<16xf32> to vector<16xf32>
      %get3A_1726 = arith.constant 48 : index
      %get3A_1727 = tpu.vector_load %arg27[%get3A_1726] {strides = array<i32>} : memref<128xf32, #tpu.memory_space<vmem>>, vector<16xf32>,
      %get3A_1728 = vector.shape_cast %get3A_1727 : vector<16xf32> to vector<16xf32>
      %get3A_1729 = arith.constant 48 : index
      %get3A_1730 = tpu.vector_load %arg28[%get3A_1729] {strides = array<i32>} : memref<128xf32, #tpu.memory_space<vmem>>, vector<16xf32>,
      %get3A_1731 = vector.shape_cast %get3A_1730 : vector<16xf32> to vector<16xf32>
      %get3A_1732 = arith.constant 48 : index
      %get3A_1733 = tpu.vector_load %arg29[%get3A_1732] {strides = array<i32>} : memref<128xf32, #tpu.memory_space<vmem>>, vector<16xf32>,
      %get3A_1734 = vector.shape_cast %get3A_1733 : vector<16xf32> to vector<16xf32>
      %get3A_1735 = arith.constant 48 : index
      %get3A_1736 = tpu.vector_load %arg30[%get3A_1735] {strides = array<i32>} : memref<128xf32, #tpu.memory_space<vmem>>, vector<16xf32>,
      %get3A_1737 = vector.shape_cast %get3A_1736 : vector<16xf32> to vector<16xf32>
      %get3A_1738 = arith.constant 48 : index
      %get3A_1739 = tpu.vector_load %arg31[%get3A_1738] {strides = array<i32>} : memref<128xf32, #tpu.memory_space<vmem>>, vector<16xf32>,
      %get3A_1740 = vector.shape_cast %get3A_1739 : vector<16xf32> to vector<16xf32>
      %get3A_1741 = arith.constant 48 : index
      %get3A_1742 = tpu.vector_load %arg32[%get3A_1741] {strides = array<i32>} : memref<128xf32, #tpu.memory_space<vmem>>, vector<16xf32>,
      %get3A_1743 = vector.shape_cast %get3A_1742 : vector<16xf32> to vector<16xf32>
      %get3A_1744 = arith.constant 48 : index
      %get3A_1745 = tpu.vector_load %arg33[%get3A_1744] {strides = array<i32>} : memref<128xf32, #tpu.memory_space<vmem>>, vector<16xf32>,
      %get3A_1746 = vector.shape_cast %get3A_1745 : vector<16xf32> to vector<16xf32>
      %get3A_1747 = arith.constant 48 : index
      %get3A_1748 = tpu.vector_load %arg34[%get3A_1747] {strides = array<i32>} : memref<128xf32, #tpu.memory_space<vmem>>, vector<16xf32>,
      %get3A_1749 = vector.shape_cast %get3A_1748 : vector<16xf32> to vector<16xf32>
      %get3A_1750 = arith.constant 48 : index
      %get3A_1751 = tpu.vector_load %arg41[%get3A_1750] {strides = array<i32>} : memref<128xf32, #tpu.memory_space<vmem>>, vector<16xf32>,
      %get3A_1752 = vector.shape_cast %get3A_1751 : vector<16xf32> to vector<16xf32>
      %get3A_1753 = arith.constant 48 : index
      %get3A_1754 = tpu.vector_load %arg42[%get3A_1753] {strides = array<i32>} : memref<128xf32, #tpu.memory_space<vmem>>, vector<16xf32>,
      %get3A_1755 = vector.shape_cast %get3A_1754 : vector<16xf32> to vector<16xf32>
      %get3A_1756 = arith.constant 48 : index
      %get3A_1757 = tpu.vector_load %arg43[%get3A_1756] {strides = array<i32>} : memref<128xf32, #tpu.memory_space<vmem>>, vector<16xf32>,
      %get3A_1758 = vector.shape_cast %get3A_1757 : vector<16xf32> to vector<16xf32>
      %get3A_1759 = arith.constant 48 : index
      %get3A_1760 = tpu.vector_load %arg44[%get3A_1759] {strides = array<i32>} : memref<128xf32, #tpu.memory_space<vmem>>, vector<16xf32>,
      %get3A_1761 = vector.shape_cast %get3A_1760 : vector<16xf32> to vector<16xf32>
      %get3A_1762 = arith.constant 48 : index
      %get3A_1763 = tpu.vector_load %arg45[%get3A_1762] {strides = array<i32>} : memref<128xf32, #tpu.memory_space<vmem>>, vector<16xf32>,
      %get3A_1764 = vector.shape_cast %get3A_1763 : vector<16xf32> to vector<16xf32>
      %get3A_1765 = arith.constant 48 : index
      %get3A_1766 = tpu.vector_load %arg46[%get3A_1765] {strides = array<i32>} : memref<128xf32, #tpu.memory_space<vmem>>, vector<16xf32>,
      %get3A_1767 = vector.shape_cast %get3A_1766 : vector<16xf32> to vector<16xf32>
      %sub3A_1768 = arith.subf %get3A_1734, %get3A_1725 : vector<16xf32>
      %sub3A_1769 = arith.subf %get3A_1737, %get3A_1728 : vector<16xf32>
      %sub3A_1770 = arith.subf %get3A_1740, %get3A_1731 : vector<16xf32>
      %sub3A_1771 = arith.subf %get3A_1743, %get3A_1725 : vector<16xf32>
      %sub3A_1772 = arith.subf %get3A_1746, %get3A_1728 : vector<16xf32>
      %sub3A_1773 = arith.subf %get3A_1749, %get3A_1731 : vector<16xf32>
      %sub3A_1774 = arith.subf %get3A_1758, %get3A_1752 : vector<16xf32>
      %sub3A_1775 = arith.subf %get3A_1761, %get3A_1755 : vector<16xf32>
      %sub3A_1776 = arith.subf %get3A_1764, %get3A_1752 : vector<16xf32>
      %sub3A_1777 = arith.subf %get3A_1767, %get3A_1755 : vector<16xf32>
      %mul3A_1778 = arith.mulf %sub3A_1774, %sub3A_1777 : vector<16xf32>
      %mul3A_1779 = arith.mulf %sub3A_1775, %sub3A_1776 : vector<16xf32>
      %sub3A_1780 = arith.subf %mul3A_1778, %mul3A_1779 : vector<16xf32>
      %gt3A_1781 = arith.constant 0.000000e+00 : f32
      %gt3A_1782 = vector.broadcast %gt3A_1781 : f32 to vector<16xf32>
      %gt3A_1783 = arith.cmpf ogt, %sub3A_1780, %gt3A_1782 : vector<16xf32>
      %max3A_1784 = arith.constant 9.99999997E-7 : f32
      %max3A_1785 = vector.broadcast %max3A_1784 : f32 to vector<16xf32>
      %max3A_1786 = arith.maximumf %sub3A_1780, %max3A_1785 : vector<16xf32>
      %min3A_1787 = arith.constant -9.99999997E-7 : f32
      %min3A_1788 = vector.broadcast %min3A_1787 : f32 to vector<16xf32>
      %min3A_1789 = arith.minimumf %sub3A_1780, %min3A_1788 : vector<16xf32>
      %select_n3A_1790 = arith.select %gt3A_1783, %max3A_1786, %min3A_1789 : vector<16xi1>, vector<16xf32>
      %div3A_1791 = arith.constant 1.000000e+00 : f32
      %div3A_1792 = vector.broadcast %div3A_1791 : f32 to vector<16xf32>
      %div3A_1793 = arith.divf %div3A_1792, %select_n3A_1790 : vector<16xf32>
      %mul3A_1794 = arith.mulf %sub3A_1769, %sub3A_1773 : vector<16xf32>
      %mul3A_1795 = arith.mulf %sub3A_1770, %sub3A_1772 : vector<16xf32>
      %sub3A_1796 = arith.subf %mul3A_1794, %mul3A_1795 : vector<16xf32>
      %swap3A_1797 = arith.constant 48 : index
      %swap3A_1798 = tpu.vector_load %arg53[%swap3A_1797] {strides = array<i32>} : memref<128xf32, #tpu.memory_space<vmem>>, vector<16xf32>,
      %swap3A_1799 = vector.shape_cast %swap3A_1798 : vector<16xf32> to vector<16xf32>
      %swap3A_1800 = vector.shape_cast %sub3A_1796 : vector<16xf32> to vector<16xf32>
      tpu.vector_store %arg53[%swap3A_1797], %swap3A_1800 {strides = array<i32>} : memref<128xf32, #tpu.memory_space<vmem>>, vector<16xf32>,
      %mul3A_1801 = arith.mulf %sub3A_1770, %sub3A_1771 : vector<16xf32>
      %mul3A_1802 = arith.mulf %sub3A_1768, %sub3A_1773 : vector<16xf32>
      %sub3A_1803 = arith.subf %mul3A_1801, %mul3A_1802 : vector<16xf32>
      %swap3A_1804 = arith.constant 48 : index
      %swap3A_1805 = tpu.vector_load %arg54[%swap3A_1804] {strides = array<i32>} : memref<128xf32, #tpu.memory_space<vmem>>, vector<16xf32>,
      %swap3A_1806 = vector.shape_cast %swap3A_1805 : vector<16xf32> to vector<16xf32>
      %swap3A_1807 = vector.shape_cast %sub3A_1803 : vector<16xf32> to vector<16xf32>
      tpu.vector_store %arg54[%swap3A_1804], %swap3A_1807 {strides = array<i32>} : memref<128xf32, #tpu.memory_space<vmem>>, vector<16xf32>,
      %mul3A_1808 = arith.mulf %sub3A_1768, %sub3A_1772 : vector<16xf32>
      %mul3A_1809 = arith.mulf %sub3A_1769, %sub3A_1771 : vector<16xf32>
      %sub3A_1810 = arith.subf %mul3A_1808, %mul3A_1809 : vector<16xf32>
      %swap3A_1811 = arith.constant 48 : index
      %swap3A_1812 = tpu.vector_load %arg55[%swap3A_1811] {strides = array<i32>} : memref<128xf32, #tpu.memory_space<vmem>>, vector<16xf32>,
      %swap3A_1813 = vector.shape_cast %swap3A_1812 : vector<16xf32> to vector<16xf32>
      %swap3A_1814 = vector.shape_cast %sub3A_1810 : vector<16xf32> to vector<16xf32>
      tpu.vector_store %arg55[%swap3A_1811], %swap3A_1814 {strides = array<i32>} : memref<128xf32, #tpu.memory_space<vmem>>, vector<16xf32>,
      %mul3A_1815 = arith.mulf %sub3A_1768, %sub3A_1777 : vector<16xf32>
      %mul3A_1816 = arith.mulf %sub3A_1771, %sub3A_1775 : vector<16xf32>
      %sub3A_1817 = arith.subf %mul3A_1815, %mul3A_1816 : vector<16xf32>
      %mul3A_1818 = arith.mulf %sub3A_1817, %div3A_1793 : vector<16xf32>
      %swap3A_1819 = arith.constant 48 : index
      %swap3A_1820 = tpu.vector_load %arg56[%swap3A_1819] {strides = array<i32>} : memref<128xf32, #tpu.memory_space<vmem>>, vector<16xf32>,
      %swap3A_1821 = vector.shape_cast %swap3A_1820 : vector<16xf32> to vector<16xf32>
      %swap3A_1822 = vector.shape_cast %mul3A_1818 : vector<16xf32> to vector<16xf32>
      tpu.vector_store %arg56[%swap3A_1819], %swap3A_1822 {strides = array<i32>} : memref<128xf32, #tpu.memory_space<vmem>>, vector<16xf32>,
      %mul3A_1823 = arith.mulf %sub3A_1769, %sub3A_1777 : vector<16xf32>
      %mul3A_1824 = arith.mulf %sub3A_1772, %sub3A_1775 : vector<16xf32>
      %sub3A_1825 = arith.subf %mul3A_1823, %mul3A_1824 : vector<16xf32>
      %mul3A_1826 = arith.mulf %sub3A_1825, %div3A_1793 : vector<16xf32>
      %swap3A_1827 = arith.constant 48 : index
      %swap3A_1828 = tpu.vector_load %arg57[%swap3A_1827] {strides = array<i32>} : memref<128xf32, #tpu.memory_space<vmem>>, vector<16xf32>,
      %swap3A_1829 = vector.shape_cast %swap3A_1828 : vector<16xf32> to vector<16xf32>
      %swap3A_1830 = vector.shape_cast %mul3A_1826 : vector<16xf32> to vector<16xf32>
      tpu.vector_store %arg57[%swap3A_1827], %swap3A_1830 {strides = array<i32>} : memref<128xf32, #tpu.memory_space<vmem>>, vector<16xf32>,
      %mul3A_1831 = arith.mulf %sub3A_1770, %sub3A_1777 : vector<16xf32>
      %mul3A_1832 = arith.mulf %sub3A_1773, %sub3A_1775 : vector<16xf32>
      %sub3A_1833 = arith.subf %mul3A_1831, %mul3A_1832 : vector<16xf32>
      %mul3A_1834 = arith.mulf %sub3A_1833, %div3A_1793 : vector<16xf32>
      %swap3A_1835 = arith.constant 48 : index
      %swap3A_1836 = tpu.vector_load %arg58[%swap3A_1835] {strides = array<i32>} : memref<128xf32, #tpu.memory_space<vmem>>, vector<16xf32>,
      %swap3A_1837 = vector.shape_cast %swap3A_1836 : vector<16xf32> to vector<16xf32>
      %swap3A_1838 = vector.shape_cast %mul3A_1834 : vector<16xf32> to vector<16xf32>
      tpu.vector_store %arg58[%swap3A_1835], %swap3A_1838 {strides = array<i32>} : memref<128xf32, #tpu.memory_space<vmem>>, vector<16xf32>,
      %get3A_1839 = arith.constant 64 : index
      %get3A_1840 = tpu.vector_load %arg26[%get3A_1839] {strides = array<i32>} : memref<128xf32, #tpu.memory_space<vmem>>, vector<16xf32>,
      %get3A_1841 = vector.shape_cast %get3A_1840 : vector<16xf32> to vector<16xf32>
      %get3A_1842 = arith.constant 64 : index
      %get3A_1843 = tpu.vector_load %arg27[%get3A_1842] {strides = array<i32>} : memref<128xf32, #tpu.memory_space<vmem>>, vector<16xf32>,
      %get3A_1844 = vector.shape_cast %get3A_1843 : vector<16xf32> to vector<16xf32>
      %get3A_1845 = arith.constant 64 : index
      %get3A_1846 = tpu.vector_load %arg28[%get3A_1845] {strides = array<i32>} : memref<128xf32, #tpu.memory_space<vmem>>, vector<16xf32>,
      %get3A_1847 = vector.shape_cast %get3A_1846 : vector<16xf32> to vector<16xf32>
      %get3A_1848 = arith.constant 64 : index
      %get3A_1849 = tpu.vector_load %arg29[%get3A_1848] {strides = array<i32>} : memref<128xf32, #tpu.memory_space<vmem>>, vector<16xf32>,
      %get3A_1850 = vector.shape_cast %get3A_1849 : vector<16xf32> to vector<16xf32>
      %get3A_1851 = arith.constant 64 : index
      %get3A_1852 = tpu.vector_load %arg30[%get3A_1851] {strides = array<i32>} : memref<128xf32, #tpu.memory_space<vmem>>, vector<16xf32>,
      %get3A_1853 = vector.shape_cast %get3A_1852 : vector<16xf32> to vector<16xf32>
      %get3A_1854 = arith.constant 64 : index
      %get3A_1855 = tpu.vector_load %arg31[%get3A_1854] {strides = array<i32>} : memref<128xf32, #tpu.memory_space<vmem>>, vector<16xf32>,
      %get3A_1856 = vector.shape_cast %get3A_1855 : vector<16xf32> to vector<16xf32>
      %get3A_1857 = arith.constant 64 : index
      %get3A_1858 = tpu.vector_load %arg32[%get3A_1857] {strides = array<i32>} : memref<128xf32, #tpu.memory_space<vmem>>, vector<16xf32>,
      %get3A_1859 = vector.shape_cast %get3A_1858 : vector<16xf32> to vector<16xf32>
      %get3A_1860 = arith.constant 64 : index
      %get3A_1861 = tpu.vector_load %arg33[%get3A_1860] {strides = array<i32>} : memref<128xf32, #tpu.memory_space<vmem>>, vector<16xf32>,
      %get3A_1862 = vector.shape_cast %get3A_1861 : vector<16xf32> to vector<16xf32>
      %get3A_1863 = arith.constant 64 : index
      %get3A_1864 = tpu.vector_load %arg34[%get3A_1863] {strides = array<i32>} : memref<128xf32, #tpu.memory_space<vmem>>, vector<16xf32>,
      %get3A_1865 = vector.shape_cast %get3A_1864 : vector<16xf32> to vector<16xf32>
      %get3A_1866 = arith.constant 64 : index
      %get3A_1867 = tpu.vector_load %arg41[%get3A_1866] {strides = array<i32>} : memref<128xf32, #tpu.memory_space<vmem>>, vector<16xf32>,
      %get3A_1868 = vector.shape_cast %get3A_1867 : vector<16xf32> to vector<16xf32>
      %get3A_1869 = arith.constant 64 : index
      %get3A_1870 = tpu.vector_load %arg42[%get3A_1869] {strides = array<i32>} : memref<128xf32, #tpu.memory_space<vmem>>, vector<16xf32>,
      %get3A_1871 = vector.shape_cast %get3A_1870 : vector<16xf32> to vector<16xf32>
      %get3A_1872 = arith.constant 64 : index
      %get3A_1873 = tpu.vector_load %arg43[%get3A_1872] {strides = array<i32>} : memref<128xf32, #tpu.memory_space<vmem>>, vector<16xf32>,
      %get3A_1874 = vector.shape_cast %get3A_1873 : vector<16xf32> to vector<16xf32>
      %get3A_1875 = arith.constant 64 : index
      %get3A_1876 = tpu.vector_load %arg44[%get3A_1875] {strides = array<i32>} : memref<128xf32, #tpu.memory_space<vmem>>, vector<16xf32>,
      %get3A_1877 = vector.shape_cast %get3A_1876 : vector<16xf32> to vector<16xf32>
      %get3A_1878 = arith.constant 64 : index
      %get3A_1879 = tpu.vector_load %arg45[%get3A_1878] {strides = array<i32>} : memref<128xf32, #tpu.memory_space<vmem>>, vector<16xf32>,
      %get3A_1880 = vector.shape_cast %get3A_1879 : vector<16xf32> to vector<16xf32>
      %get3A_1881 = arith.constant 64 : index
      %get3A_1882 = tpu.vector_load %arg46[%get3A_1881] {strides = array<i32>} : memref<128xf32, #tpu.memory_space<vmem>>, vector<16xf32>,
      %get3A_1883 = vector.shape_cast %get3A_1882 : vector<16xf32> to vector<16xf32>
      %sub3A_1884 = arith.subf %get3A_1850, %get3A_1841 : vector<16xf32>
      %sub3A_1885 = arith.subf %get3A_1853, %get3A_1844 : vector<16xf32>
      %sub3A_1886 = arith.subf %get3A_1856, %get3A_1847 : vector<16xf32>
      %sub3A_1887 = arith.subf %get3A_1859, %get3A_1841 : vector<16xf32>
      %sub3A_1888 = arith.subf %get3A_1862, %get3A_1844 : vector<16xf32>
      %sub3A_1889 = arith.subf %get3A_1865, %get3A_1847 : vector<16xf32>
      %sub3A_1890 = arith.subf %get3A_1874, %get3A_1868 : vector<16xf32>
      %sub3A_1891 = arith.subf %get3A_1877, %get3A_1871 : vector<16xf32>
      %sub3A_1892 = arith.subf %get3A_1880, %get3A_1868 : vector<16xf32>
      %sub3A_1893 = arith.subf %get3A_1883, %get3A_1871 : vector<16xf32>
      %mul3A_1894 = arith.mulf %sub3A_1890, %sub3A_1893 : vector<16xf32>
      %mul3A_1895 = arith.mulf %sub3A_1891, %sub3A_1892 : vector<16xf32>
      %sub3A_1896 = arith.subf %mul3A_1894, %mul3A_1895 : vector<16xf32>
      %gt3A_1897 = arith.constant 0.000000e+00 : f32
      %gt3A_1898 = vector.broadcast %gt3A_1897 : f32 to vector<16xf32>
      %gt3A_1899 = arith.cmpf ogt, %sub3A_1896, %gt3A_1898 : vector<16xf32>
      %max3A_1900 = arith.constant 9.99999997E-7 : f32
      %max3A_1901 = vector.broadcast %max3A_1900 : f32 to vector<16xf32>
      %max3A_1902 = arith.maximumf %sub3A_1896, %max3A_1901 : vector<16xf32>
      %min3A_1903 = arith.constant -9.99999997E-7 : f32
      %min3A_1904 = vector.broadcast %min3A_1903 : f32 to vector<16xf32>
      %min3A_1905 = arith.minimumf %sub3A_1896, %min3A_1904 : vector<16xf32>
      %select_n3A_1906 = arith.select %gt3A_1899, %max3A_1902, %min3A_1905 : vector<16xi1>, vector<16xf32>
      %div3A_1907 = arith.constant 1.000000e+00 : f32
      %div3A_1908 = vector.broadcast %div3A_1907 : f32 to vector<16xf32>
      %div3A_1909 = arith.divf %div3A_1908, %select_n3A_1906 : vector<16xf32>
      %mul3A_1910 = arith.mulf %sub3A_1885, %sub3A_1889 : vector<16xf32>
      %mul3A_1911 = arith.mulf %sub3A_1886, %sub3A_1888 : vector<16xf32>
      %sub3A_1912 = arith.subf %mul3A_1910, %mul3A_1911 : vector<16xf32>
      %swap3A_1913 = arith.constant 64 : index
      %swap3A_1914 = tpu.vector_load %arg53[%swap3A_1913] {strides = array<i32>} : memref<128xf32, #tpu.memory_space<vmem>>, vector<16xf32>,
      %swap3A_1915 = vector.shape_cast %swap3A_1914 : vector<16xf32> to vector<16xf32>
      %swap3A_1916 = vector.shape_cast %sub3A_1912 : vector<16xf32> to vector<16xf32>
      tpu.vector_store %arg53[%swap3A_1913], %swap3A_1916 {strides = array<i32>} : memref<128xf32, #tpu.memory_space<vmem>>, vector<16xf32>,
      %mul3A_1917 = arith.mulf %sub3A_1886, %sub3A_1887 : vector<16xf32>
      %mul3A_1918 = arith.mulf %sub3A_1884, %sub3A_1889 : vector<16xf32>
      %sub3A_1919 = arith.subf %mul3A_1917, %mul3A_1918 : vector<16xf32>
      %swap3A_1920 = arith.constant 64 : index
      %swap3A_1921 = tpu.vector_load %arg54[%swap3A_1920] {strides = array<i32>} : memref<128xf32, #tpu.memory_space<vmem>>, vector<16xf32>,
      %swap3A_1922 = vector.shape_cast %swap3A_1921 : vector<16xf32> to vector<16xf32>
      %swap3A_1923 = vector.shape_cast %sub3A_1919 : vector<16xf32> to vector<16xf32>
      tpu.vector_store %arg54[%swap3A_1920], %swap3A_1923 {strides = array<i32>} : memref<128xf32, #tpu.memory_space<vmem>>, vector<16xf32>,
      %mul3A_1924 = arith.mulf %sub3A_1884, %sub3A_1888 : vector<16xf32>
      %mul3A_1925 = arith.mulf %sub3A_1885, %sub3A_1887 : vector<16xf32>
      %sub3A_1926 = arith.subf %mul3A_1924, %mul3A_1925 : vector<16xf32>
      %swap3A_1927 = arith.constant 64 : index
      %swap3A_1928 = tpu.vector_load %arg55[%swap3A_1927] {strides = array<i32>} : memref<128xf32, #tpu.memory_space<vmem>>, vector<16xf32>,
      %swap3A_1929 = vector.shape_cast %swap3A_1928 : vector<16xf32> to vector<16xf32>
      %swap3A_1930 = vector.shape_cast %sub3A_1926 : vector<16xf32> to vector<16xf32>
      tpu.vector_store %arg55[%swap3A_1927], %swap3A_1930 {strides = array<i32>} : memref<128xf32, #tpu.memory_space<vmem>>, vector<16xf32>,
      %mul3A_1931 = arith.mulf %sub3A_1884, %sub3A_1893 : vector<16xf32>
      %mul3A_1932 = arith.mulf %sub3A_1887, %sub3A_1891 : vector<16xf32>
      %sub3A_1933 = arith.subf %mul3A_1931, %mul3A_1932 : vector<16xf32>
      %mul3A_1934 = arith.mulf %sub3A_1933, %div3A_1909 : vector<16xf32>
      %swap3A_1935 = arith.constant 64 : index
      %swap3A_1936 = tpu.vector_load %arg56[%swap3A_1935] {strides = array<i32>} : memref<128xf32, #tpu.memory_space<vmem>>, vector<16xf32>,
      %swap3A_1937 = vector.shape_cast %swap3A_1936 : vector<16xf32> to vector<16xf32>
      %swap3A_1938 = vector.shape_cast %mul3A_1934 : vector<16xf32> to vector<16xf32>
      tpu.vector_store %arg56[%swap3A_1935], %swap3A_1938 {strides = array<i32>} : memref<128xf32, #tpu.memory_space<vmem>>, vector<16xf32>,
      %mul3A_1939 = arith.mulf %sub3A_1885, %sub3A_1893 : vector<16xf32>
      %mul3A_1940 = arith.mulf %sub3A_1888, %sub3A_1891 : vector<16xf32>
      %sub3A_1941 = arith.subf %mul3A_1939, %mul3A_1940 : vector<16xf32>
      %mul3A_1942 = arith.mulf %sub3A_1941, %div3A_1909 : vector<16xf32>
      %swap3A_1943 = arith.constant 64 : index
      %swap3A_1944 = tpu.vector_load %arg57[%swap3A_1943] {strides = array<i32>} : memref<128xf32, #tpu.memory_space<vmem>>, vector<16xf32>,
      %swap3A_1945 = vector.shape_cast %swap3A_1944 : vector<16xf32> to vector<16xf32>
      %swap3A_1946 = vector.shape_cast %mul3A_1942 : vector<16xf32> to vector<16xf32>
      tpu.vector_store %arg57[%swap3A_1943], %swap3A_1946 {strides = array<i32>} : memref<128xf32, #tpu.memory_space<vmem>>, vector<16xf32>,
      %mul3A_1947 = arith.mulf %sub3A_1886, %sub3A_1893 : vector<16xf32>
      %mul3A_1948 = arith.mulf %sub3A_1889, %sub3A_1891 : vector<16xf32>
      %sub3A_1949 = arith.subf %mul3A_1947, %mul3A_1948 : vector<16xf32>
      %mul3A_1950 = arith.mulf %sub3A_1949, %div3A_1909 : vector<16xf32>
      %swap3A_1951 = arith.constant 64 : index
      %swap3A_1952 = tpu.vector_load %arg58[%swap3A_1951] {strides = array<i32>} : memref<128xf32, #tpu.memory_space<vmem>>, vector<16xf32>,
      %swap3A_1953 = vector.shape_cast %swap3A_1952 : vector<16xf32> to vector<16xf32>
      %swap3A_1954 = vector.shape_cast %mul3A_1950 : vector<16xf32> to vector<16xf32>
      tpu.vector_store %arg58[%swap3A_1951], %swap3A_1954 {strides = array<i32>} : memref<128xf32, #tpu.memory_space<vmem>>, vector<16xf32>,
      %get3A_1955 = arith.constant 80 : index
      %get3A_1956 = tpu.vector_load %arg26[%get3A_1955] {strides = array<i32>} : memref<128xf32, #tpu.memory_space<vmem>>, vector<16xf32>,
      %get3A_1957 = vector.shape_cast %get3A_1956 : vector<16xf32> to vector<16xf32>
      %get3A_1958 = arith.constant 80 : index
      %get3A_1959 = tpu.vector_load %arg27[%get3A_1958] {strides = array<i32>} : memref<128xf32, #tpu.memory_space<vmem>>, vector<16xf32>,
      %get3A_1960 = vector.shape_cast %get3A_1959 : vector<16xf32> to vector<16xf32>
      %get3A_1961 = arith.constant 80 : index
      %get3A_1962 = tpu.vector_load %arg28[%get3A_1961] {strides = array<i32>} : memref<128xf32, #tpu.memory_space<vmem>>, vector<16xf32>,
      %get3A_1963 = vector.shape_cast %get3A_1962 : vector<16xf32> to vector<16xf32>
      %get3A_1964 = arith.constant 80 : index
      %get3A_1965 = tpu.vector_load %arg29[%get3A_1964] {strides = array<i32>} : memref<128xf32, #tpu.memory_space<vmem>>, vector<16xf32>,
      %get3A_1966 = vector.shape_cast %get3A_1965 : vector<16xf32> to vector<16xf32>
      %get3A_1967 = arith.constant 80 : index
      %get3A_1968 = tpu.vector_load %arg30[%get3A_1967] {strides = array<i32>} : memref<128xf32, #tpu.memory_space<vmem>>, vector<16xf32>,
      %get3A_1969 = vector.shape_cast %get3A_1968 : vector<16xf32> to vector<16xf32>
      %get3A_1970 = arith.constant 80 : index
      %get3A_1971 = tpu.vector_load %arg31[%get3A_1970] {strides = array<i32>} : memref<128xf32, #tpu.memory_space<vmem>>, vector<16xf32>,
      %get3A_1972 = vector.shape_cast %get3A_1971 : vector<16xf32> to vector<16xf32>
      %get3A_1973 = arith.constant 80 : index
      %get3A_1974 = tpu.vector_load %arg32[%get3A_1973] {strides = array<i32>} : memref<128xf32, #tpu.memory_space<vmem>>, vector<16xf32>,
      %get3A_1975 = vector.shape_cast %get3A_1974 : vector<16xf32> to vector<16xf32>
      %get3A_1976 = arith.constant 80 : index
      %get3A_1977 = tpu.vector_load %arg33[%get3A_1976] {strides = array<i32>} : memref<128xf32, #tpu.memory_space<vmem>>, vector<16xf32>,
      %get3A_1978 = vector.shape_cast %get3A_1977 : vector<16xf32> to vector<16xf32>
      %get3A_1979 = arith.constant 80 : index
      %get3A_1980 = tpu.vector_load %arg34[%get3A_1979] {strides = array<i32>} : memref<128xf32, #tpu.memory_space<vmem>>, vector<16xf32>,
      %get3A_1981 = vector.shape_cast %get3A_1980 : vector<16xf32> to vector<16xf32>
      %get3A_1982 = arith.constant 80 : index
      %get3A_1983 = tpu.vector_load %arg41[%get3A_1982] {strides = array<i32>} : memref<128xf32, #tpu.memory_space<vmem>>, vector<16xf32>,
      %get3A_1984 = vector.shape_cast %get3A_1983 : vector<16xf32> to vector<16xf32>
      %get3A_1985 = arith.constant 80 : index
      %get3A_1986 = tpu.vector_load %arg42[%get3A_1985] {strides = array<i32>} : memref<128xf32, #tpu.memory_space<vmem>>, vector<16xf32>,
      %get3A_1987 = vector.shape_cast %get3A_1986 : vector<16xf32> to vector<16xf32>
      %get3A_1988 = arith.constant 80 : index
      %get3A_1989 = tpu.vector_load %arg43[%get3A_1988] {strides = array<i32>} : memref<128xf32, #tpu.memory_space<vmem>>, vector<16xf32>,
      %get3A_1990 = vector.shape_cast %get3A_1989 : vector<16xf32> to vector<16xf32>
      %get3A_1991 = arith.constant 80 : index
      %get3A_1992 = tpu.vector_load %arg44[%get3A_1991] {strides = array<i32>} : memref<128xf32, #tpu.memory_space<vmem>>, vector<16xf32>,
      %get3A_1993 = vector.shape_cast %get3A_1992 : vector<16xf32> to vector<16xf32>
      %get3A_1994 = arith.constant 80 : index
      %get3A_1995 = tpu.vector_load %arg45[%get3A_1994] {strides = array<i32>} : memref<128xf32, #tpu.memory_space<vmem>>, vector<16xf32>,
      %get3A_1996 = vector.shape_cast %get3A_1995 : vector<16xf32> to vector<16xf32>
      %get3A_1997 = arith.constant 80 : index
      %get3A_1998 = tpu.vector_load %arg46[%get3A_1997] {strides = array<i32>} : memref<128xf32, #tpu.memory_space<vmem>>, vector<16xf32>,
      %get3A_1999 = vector.shape_cast %get3A_1998 : vector<16xf32> to vector<16xf32>
      %sub3A_2000 = arith.subf %get3A_1966, %get3A_1957 : vector<16xf32>
      %sub3A_2001 = arith.subf %get3A_1969, %get3A_1960 : vector<16xf32>
      %sub3A_2002 = arith.subf %get3A_1972, %get3A_1963 : vector<16xf32>
      %sub3A_2003 = arith.subf %get3A_1975, %get3A_1957 : vector<16xf32>
      %sub3A_2004 = arith.subf %get3A_1978, %get3A_1960 : vector<16xf32>
      %sub3A_2005 = arith.subf %get3A_1981, %get3A_1963 : vector<16xf32>
      %sub3A_2006 = arith.subf %get3A_1990, %get3A_1984 : vector<16xf32>
      %sub3A_2007 = arith.subf %get3A_1993, %get3A_1987 : vector<16xf32>
      %sub3A_2008 = arith.subf %get3A_1996, %get3A_1984 : vector<16xf32>
      %sub3A_2009 = arith.subf %get3A_1999, %get3A_1987 : vector<16xf32>
      %mul3A_2010 = arith.mulf %sub3A_2006, %sub3A_2009 : vector<16xf32>
      %mul3A_2011 = arith.mulf %sub3A_2007, %sub3A_2008 : vector<16xf32>
      %sub3A_2012 = arith.subf %mul3A_2010, %mul3A_2011 : vector<16xf32>
      %gt3A_2013 = arith.constant 0.000000e+00 : f32
      %gt3A_2014 = vector.broadcast %gt3A_2013 : f32 to vector<16xf32>
      %gt3A_2015 = arith.cmpf ogt, %sub3A_2012, %gt3A_2014 : vector<16xf32>
      %max3A_2016 = arith.constant 9.99999997E-7 : f32
      %max3A_2017 = vector.broadcast %max3A_2016 : f32 to vector<16xf32>
      %max3A_2018 = arith.maximumf %sub3A_2012, %max3A_2017 : vector<16xf32>
      %min3A_2019 = arith.constant -9.99999997E-7 : f32
      %min3A_2020 = vector.broadcast %min3A_2019 : f32 to vector<16xf32>
      %min3A_2021 = arith.minimumf %sub3A_2012, %min3A_2020 : vector<16xf32>
      %select_n3A_2022 = arith.select %gt3A_2015, %max3A_2018, %min3A_2021 : vector<16xi1>, vector<16xf32>
      %div3A_2023 = arith.constant 1.000000e+00 : f32
      %div3A_2024 = vector.broadcast %div3A_2023 : f32 to vector<16xf32>
      %div3A_2025 = arith.divf %div3A_2024, %select_n3A_2022 : vector<16xf32>
      %mul3A_2026 = arith.mulf %sub3A_2001, %sub3A_2005 : vector<16xf32>
      %mul3A_2027 = arith.mulf %sub3A_2002, %sub3A_2004 : vector<16xf32>
      %sub3A_2028 = arith.subf %mul3A_2026, %mul3A_2027 : vector<16xf32>
      %swap3A_2029 = arith.constant 80 : index
      %swap3A_2030 = tpu.vector_load %arg53[%swap3A_2029] {strides = array<i32>} : memref<128xf32, #tpu.memory_space<vmem>>, vector<16xf32>,
      %swap3A_2031 = vector.shape_cast %swap3A_2030 : vector<16xf32> to vector<16xf32>
      %swap3A_2032 = vector.shape_cast %sub3A_2028 : vector<16xf32> to vector<16xf32>
      tpu.vector_store %arg53[%swap3A_2029], %swap3A_2032 {strides = array<i32>} : memref<128xf32, #tpu.memory_space<vmem>>, vector<16xf32>,
      %mul3A_2033 = arith.mulf %sub3A_2002, %sub3A_2003 : vector<16xf32>
      %mul3A_2034 = arith.mulf %sub3A_2000, %sub3A_2005 : vector<16xf32>
      %sub3A_2035 = arith.subf %mul3A_2033, %mul3A_2034 : vector<16xf32>
      %swap3A_2036 = arith.constant 80 : index
      %swap3A_2037 = tpu.vector_load %arg54[%swap3A_2036] {strides = array<i32>} : memref<128xf32, #tpu.memory_space<vmem>>, vector<16xf32>,
      %swap3A_2038 = vector.shape_cast %swap3A_2037 : vector<16xf32> to vector<16xf32>
      %swap3A_2039 = vector.shape_cast %sub3A_2035 : vector<16xf32> to vector<16xf32>
      tpu.vector_store %arg54[%swap3A_2036], %swap3A_2039 {strides = array<i32>} : memref<128xf32, #tpu.memory_space<vmem>>, vector<16xf32>,
      %mul3A_2040 = arith.mulf %sub3A_2000, %sub3A_2004 : vector<16xf32>
      %mul3A_2041 = arith.mulf %sub3A_2001, %sub3A_2003 : vector<16xf32>
      %sub3A_2042 = arith.subf %mul3A_2040, %mul3A_2041 : vector<16xf32>
      %swap3A_2043 = arith.constant 80 : index
      %swap3A_2044 = tpu.vector_load %arg55[%swap3A_2043] {strides = array<i32>} : memref<128xf32, #tpu.memory_space<vmem>>, vector<16xf32>,
      %swap3A_2045 = vector.shape_cast %swap3A_2044 : vector<16xf32> to vector<16xf32>
      %swap3A_2046 = vector.shape_cast %sub3A_2042 : vector<16xf32> to vector<16xf32>
      tpu.vector_store %arg55[%swap3A_2043], %swap3A_2046 {strides = array<i32>} : memref<128xf32, #tpu.memory_space<vmem>>, vector<16xf32>,
      %mul3A_2047 = arith.mulf %sub3A_2000, %sub3A_2009 : vector<16xf32>
      %mul3A_2048 = arith.mulf %sub3A_2003, %sub3A_2007 : vector<16xf32>
      %sub3A_2049 = arith.subf %mul3A_2047, %mul3A_2048 : vector<16xf32>
      %mul3A_2050 = arith.mulf %sub3A_2049, %div3A_2025 : vector<16xf32>
      %swap3A_2051 = arith.constant 80 : index
      %swap3A_2052 = tpu.vector_load %arg56[%swap3A_2051] {strides = array<i32>} : memref<128xf32, #tpu.memory_space<vmem>>, vector<16xf32>,
      %swap3A_2053 = vector.shape_cast %swap3A_2052 : vector<16xf32> to vector<16xf32>
      %swap3A_2054 = vector.shape_cast %mul3A_2050 : vector<16xf32> to vector<16xf32>
      tpu.vector_store %arg56[%swap3A_2051], %swap3A_2054 {strides = array<i32>} : memref<128xf32, #tpu.memory_space<vmem>>, vector<16xf32>,
      %mul3A_2055 = arith.mulf %sub3A_2001, %sub3A_2009 : vector<16xf32>
      %mul3A_2056 = arith.mulf %sub3A_2004, %sub3A_2007 : vector<16xf32>
      %sub3A_2057 = arith.subf %mul3A_2055, %mul3A_2056 : vector<16xf32>
      %mul3A_2058 = arith.mulf %sub3A_2057, %div3A_2025 : vector<16xf32>
      %swap3A_2059 = arith.constant 80 : index
      %swap3A_2060 = tpu.vector_load %arg57[%swap3A_2059] {strides = array<i32>} : memref<128xf32, #tpu.memory_space<vmem>>, vector<16xf32>,
      %swap3A_2061 = vector.shape_cast %swap3A_2060 : vector<16xf32> to vector<16xf32>
      %swap3A_2062 = vector.shape_cast %mul3A_2058 : vector<16xf32> to vector<16xf32>
      tpu.vector_store %arg57[%swap3A_2059], %swap3A_2062 {strides = array<i32>} : memref<128xf32, #tpu.memory_space<vmem>>, vector<16xf32>,
      %mul3A_2063 = arith.mulf %sub3A_2002, %sub3A_2009 : vector<16xf32>
      %mul3A_2064 = arith.mulf %sub3A_2005, %sub3A_2007 : vector<16xf32>
      %sub3A_2065 = arith.subf %mul3A_2063, %mul3A_2064 : vector<16xf32>
      %mul3A_2066 = arith.mulf %sub3A_2065, %div3A_2025 : vector<16xf32>
      %swap3A_2067 = arith.constant 80 : index
      %swap3A_2068 = tpu.vector_load %arg58[%swap3A_2067] {strides = array<i32>} : memref<128xf32, #tpu.memory_space<vmem>>, vector<16xf32>,
      %swap3A_2069 = vector.shape_cast %swap3A_2068 : vector<16xf32> to vector<16xf32>
      %swap3A_2070 = vector.shape_cast %mul3A_2066 : vector<16xf32> to vector<16xf32>
      tpu.vector_store %arg58[%swap3A_2067], %swap3A_2070 {strides = array<i32>} : memref<128xf32, #tpu.memory_space<vmem>>, vector<16xf32>,
      %get3A_2071 = arith.constant 96 : index
      %get3A_2072 = tpu.vector_load %arg26[%get3A_2071] {strides = array<i32>} : memref<128xf32, #tpu.memory_space<vmem>>, vector<16xf32>,
      %get3A_2073 = vector.shape_cast %get3A_2072 : vector<16xf32> to vector<16xf32>
      %get3A_2074 = arith.constant 96 : index
      %get3A_2075 = tpu.vector_load %arg27[%get3A_2074] {strides = array<i32>} : memref<128xf32, #tpu.memory_space<vmem>>, vector<16xf32>,
      %get3A_2076 = vector.shape_cast %get3A_2075 : vector<16xf32> to vector<16xf32>
      %get3A_2077 = arith.constant 96 : index
      %get3A_2078 = tpu.vector_load %arg28[%get3A_2077] {strides = array<i32>} : memref<128xf32, #tpu.memory_space<vmem>>, vector<16xf32>,
      %get3A_2079 = vector.shape_cast %get3A_2078 : vector<16xf32> to vector<16xf32>
      %get3A_2080 = arith.constant 96 : index
      %get3A_2081 = tpu.vector_load %arg29[%get3A_2080] {strides = array<i32>} : memref<128xf32, #tpu.memory_space<vmem>>, vector<16xf32>,
      %get3A_2082 = vector.shape_cast %get3A_2081 : vector<16xf32> to vector<16xf32>
      %get3A_2083 = arith.constant 96 : index
      %get3A_2084 = tpu.vector_load %arg30[%get3A_2083] {strides = array<i32>} : memref<128xf32, #tpu.memory_space<vmem>>, vector<16xf32>,
      %get3A_2085 = vector.shape_cast %get3A_2084 : vector<16xf32> to vector<16xf32>
      %get3A_2086 = arith.constant 96 : index
      %get3A_2087 = tpu.vector_load %arg31[%get3A_2086] {strides = array<i32>} : memref<128xf32, #tpu.memory_space<vmem>>, vector<16xf32>,
      %get3A_2088 = vector.shape_cast %get3A_2087 : vector<16xf32> to vector<16xf32>
      %get3A_2089 = arith.constant 96 : index
      %get3A_2090 = tpu.vector_load %arg32[%get3A_2089] {strides = array<i32>} : memref<128xf32, #tpu.memory_space<vmem>>, vector<16xf32>,
      %get3A_2091 = vector.shape_cast %get3A_2090 : vector<16xf32> to vector<16xf32>
      %get3A_2092 = arith.constant 96 : index
      %get3A_2093 = tpu.vector_load %arg33[%get3A_2092] {strides = array<i32>} : memref<128xf32, #tpu.memory_space<vmem>>, vector<16xf32>,
      %get3A_2094 = vector.shape_cast %get3A_2093 : vector<16xf32> to vector<16xf32>
      %get3A_2095 = arith.constant 96 : index
      %get3A_2096 = tpu.vector_load %arg34[%get3A_2095] {strides = array<i32>} : memref<128xf32, #tpu.memory_space<vmem>>, vector<16xf32>,
      %get3A_2097 = vector.shape_cast %get3A_2096 : vector<16xf32> to vector<16xf32>
      %get3A_2098 = arith.constant 96 : index
      %get3A_2099 = tpu.vector_load %arg41[%get3A_2098] {strides = array<i32>} : memref<128xf32, #tpu.memory_space<vmem>>, vector<16xf32>,
      %get3A_2100 = vector.shape_cast %get3A_2099 : vector<16xf32> to vector<16xf32>
      %get3A_2101 = arith.constant 96 : index
      %get3A_2102 = tpu.vector_load %arg42[%get3A_2101] {strides = array<i32>} : memref<128xf32, #tpu.memory_space<vmem>>, vector<16xf32>,
      %get3A_2103 = vector.shape_cast %get3A_2102 : vector<16xf32> to vector<16xf32>
      %get3A_2104 = arith.constant 96 : index
      %get3A_2105 = tpu.vector_load %arg43[%get3A_2104] {strides = array<i32>} : memref<128xf32, #tpu.memory_space<vmem>>, vector<16xf32>,
      %get3A_2106 = vector.shape_cast %get3A_2105 : vector<16xf32> to vector<16xf32>
      %get3A_2107 = arith.constant 96 : index
      %get3A_2108 = tpu.vector_load %arg44[%get3A_2107] {strides = array<i32>} : memref<128xf32, #tpu.memory_space<vmem>>, vector<16xf32>,
      %get3A_2109 = vector.shape_cast %get3A_2108 : vector<16xf32> to vector<16xf32>
      %get3A_2110 = arith.constant 96 : index
      %get3A_2111 = tpu.vector_load %arg45[%get3A_2110] {strides = array<i32>} : memref<128xf32, #tpu.memory_space<vmem>>, vector<16xf32>,
      %get3A_2112 = vector.shape_cast %get3A_2111 : vector<16xf32> to vector<16xf32>
      %get3A_2113 = arith.constant 96 : index
      %get3A_2114 = tpu.vector_load %arg46[%get3A_2113] {strides = array<i32>} : memref<128xf32, #tpu.memory_space<vmem>>, vector<16xf32>,
      %get3A_2115 = vector.shape_cast %get3A_2114 : vector<16xf32> to vector<16xf32>
      %sub3A_2116 = arith.subf %get3A_2082, %get3A_2073 : vector<16xf32>
      %sub3A_2117 = arith.subf %get3A_2085, %get3A_2076 : vector<16xf32>
      %sub3A_2118 = arith.subf %get3A_2088, %get3A_2079 : vector<16xf32>
      %sub3A_2119 = arith.subf %get3A_2091, %get3A_2073 : vector<16xf32>
      %sub3A_2120 = arith.subf %get3A_2094, %get3A_2076 : vector<16xf32>
      %sub3A_2121 = arith.subf %get3A_2097, %get3A_2079 : vector<16xf32>
      %sub3A_2122 = arith.subf %get3A_2106, %get3A_2100 : vector<16xf32>
      %sub3A_2123 = arith.subf %get3A_2109, %get3A_2103 : vector<16xf32>
      %sub3A_2124 = arith.subf %get3A_2112, %get3A_2100 : vector<16xf32>
      %sub3A_2125 = arith.subf %get3A_2115, %get3A_2103 : vector<16xf32>
      %mul3A_2126 = arith.mulf %sub3A_2122, %sub3A_2125 : vector<16xf32>
      %mul3A_2127 = arith.mulf %sub3A_2123, %sub3A_2124 : vector<16xf32>
      %sub3A_2128 = arith.subf %mul3A_2126, %mul3A_2127 : vector<16xf32>
      %gt3A_2129 = arith.constant 0.000000e+00 : f32
      %gt3A_2130 = vector.broadcast %gt3A_2129 : f32 to vector<16xf32>
      %gt3A_2131 = arith.cmpf ogt, %sub3A_2128, %gt3A_2130 : vector<16xf32>
      %max3A_2132 = arith.constant 9.99999997E-7 : f32
      %max3A_2133 = vector.broadcast %max3A_2132 : f32 to vector<16xf32>
      %max3A_2134 = arith.maximumf %sub3A_2128, %max3A_2133 : vector<16xf32>
      %min3A_2135 = arith.constant -9.99999997E-7 : f32
      %min3A_2136 = vector.broadcast %min3A_2135 : f32 to vector<16xf32>
      %min3A_2137 = arith.minimumf %sub3A_2128, %min3A_2136 : vector<16xf32>
      %select_n3A_2138 = arith.select %gt3A_2131, %max3A_2134, %min3A_2137 : vector<16xi1>, vector<16xf32>
      %div3A_2139 = arith.constant 1.000000e+00 : f32
      %div3A_2140 = vector.broadcast %div3A_2139 : f32 to vector<16xf32>
      %div3A_2141 = arith.divf %div3A_2140, %select_n3A_2138 : vector<16xf32>
      %mul3A_2142 = arith.mulf %sub3A_2117, %sub3A_2121 : vector<16xf32>
      %mul3A_2143 = arith.mulf %sub3A_2118, %sub3A_2120 : vector<16xf32>
      %sub3A_2144 = arith.subf %mul3A_2142, %mul3A_2143 : vector<16xf32>
      %swap3A_2145 = arith.constant 96 : index
      %swap3A_2146 = tpu.vector_load %arg53[%swap3A_2145] {strides = array<i32>} : memref<128xf32, #tpu.memory_space<vmem>>, vector<16xf32>,
      %swap3A_2147 = vector.shape_cast %swap3A_2146 : vector<16xf32> to vector<16xf32>
      %swap3A_2148 = vector.shape_cast %sub3A_2144 : vector<16xf32> to vector<16xf32>
      tpu.vector_store %arg53[%swap3A_2145], %swap3A_2148 {strides = array<i32>} : memref<128xf32, #tpu.memory_space<vmem>>, vector<16xf32>,
      %mul3A_2149 = arith.mulf %sub3A_2118, %sub3A_2119 : vector<16xf32>
      %mul3A_2150 = arith.mulf %sub3A_2116, %sub3A_2121 : vector<16xf32>
      %sub3A_2151 = arith.subf %mul3A_2149, %mul3A_2150 : vector<16xf32>
      %swap3A_2152 = arith.constant 96 : index
      %swap3A_2153 = tpu.vector_load %arg54[%swap3A_2152] {strides = array<i32>} : memref<128xf32, #tpu.memory_space<vmem>>, vector<16xf32>,
      %swap3A_2154 = vector.shape_cast %swap3A_2153 : vector<16xf32> to vector<16xf32>
      %swap3A_2155 = vector.shape_cast %sub3A_2151 : vector<16xf32> to vector<16xf32>
      tpu.vector_store %arg54[%swap3A_2152], %swap3A_2155 {strides = array<i32>} : memref<128xf32, #tpu.memory_space<vmem>>, vector<16xf32>,
      %mul3A_2156 = arith.mulf %sub3A_2116, %sub3A_2120 : vector<16xf32>
      %mul3A_2157 = arith.mulf %sub3A_2117, %sub3A_2119 : vector<16xf32>
      %sub3A_2158 = arith.subf %mul3A_2156, %mul3A_2157 : vector<16xf32>
      %swap3A_2159 = arith.constant 96 : index
      %swap3A_2160 = tpu.vector_load %arg55[%swap3A_2159] {strides = array<i32>} : memref<128xf32, #tpu.memory_space<vmem>>, vector<16xf32>,
      %swap3A_2161 = vector.shape_cast %swap3A_2160 : vector<16xf32> to vector<16xf32>
      %swap3A_2162 = vector.shape_cast %sub3A_2158 : vector<16xf32> to vector<16xf32>
      tpu.vector_store %arg55[%swap3A_2159], %swap3A_2162 {strides = array<i32>} : memref<128xf32, #tpu.memory_space<vmem>>, vector<16xf32>,
      %mul3A_2163 = arith.mulf %sub3A_2116, %sub3A_2125 : vector<16xf32>
      %mul3A_2164 = arith.mulf %sub3A_2119, %sub3A_2123 : vector<16xf32>
      %sub3A_2165 = arith.subf %mul3A_2163, %mul3A_2164 : vector<16xf32>
      %mul3A_2166 = arith.mulf %sub3A_2165, %div3A_2141 : vector<16xf32>
      %swap3A_2167 = arith.constant 96 : index
      %swap3A_2168 = tpu.vector_load %arg56[%swap3A_2167] {strides = array<i32>} : memref<128xf32, #tpu.memory_space<vmem>>, vector<16xf32>,
      %swap3A_2169 = vector.shape_cast %swap3A_2168 : vector<16xf32> to vector<16xf32>
      %swap3A_2170 = vector.shape_cast %mul3A_2166 : vector<16xf32> to vector<16xf32>
      tpu.vector_store %arg56[%swap3A_2167], %swap3A_2170 {strides = array<i32>} : memref<128xf32, #tpu.memory_space<vmem>>, vector<16xf32>,
      %mul3A_2171 = arith.mulf %sub3A_2117, %sub3A_2125 : vector<16xf32>
      %mul3A_2172 = arith.mulf %sub3A_2120, %sub3A_2123 : vector<16xf32>
      %sub3A_2173 = arith.subf %mul3A_2171, %mul3A_2172 : vector<16xf32>
      %mul3A_2174 = arith.mulf %sub3A_2173, %div3A_2141 : vector<16xf32>
      %swap3A_2175 = arith.constant 96 : index
      %swap3A_2176 = tpu.vector_load %arg57[%swap3A_2175] {strides = array<i32>} : memref<128xf32, #tpu.memory_space<vmem>>, vector<16xf32>,
      %swap3A_2177 = vector.shape_cast %swap3A_2176 : vector<16xf32> to vector<16xf32>
      %swap3A_2178 = vector.shape_cast %mul3A_2174 : vector<16xf32> to vector<16xf32>
      tpu.vector_store %arg57[%swap3A_2175], %swap3A_2178 {strides = array<i32>} : memref<128xf32, #tpu.memory_space<vmem>>, vector<16xf32>,
      %mul3A_2179 = arith.mulf %sub3A_2118, %sub3A_2125 : vector<16xf32>
      %mul3A_2180 = arith.mulf %sub3A_2121, %sub3A_2123 : vector<16xf32>
      %sub3A_2181 = arith.subf %mul3A_2179, %mul3A_2180 : vector<16xf32>
      %mul3A_2182 = arith.mulf %sub3A_2181, %div3A_2141 : vector<16xf32>
      %swap3A_2183 = arith.constant 96 : index
      %swap3A_2184 = tpu.vector_load %arg58[%swap3A_2183] {strides = array<i32>} : memref<128xf32, #tpu.memory_space<vmem>>, vector<16xf32>,
      %swap3A_2185 = vector.shape_cast %swap3A_2184 : vector<16xf32> to vector<16xf32>
      %swap3A_2186 = vector.shape_cast %mul3A_2182 : vector<16xf32> to vector<16xf32>
      tpu.vector_store %arg58[%swap3A_2183], %swap3A_2186 {strides = array<i32>} : memref<128xf32, #tpu.memory_space<vmem>>, vector<16xf32>,
      %get3A_2187 = arith.constant 112 : index
      %get3A_2188 = tpu.vector_load %arg26[%get3A_2187] {strides = array<i32>} : memref<128xf32, #tpu.memory_space<vmem>>, vector<16xf32>,
      %get3A_2189 = vector.shape_cast %get3A_2188 : vector<16xf32> to vector<16xf32>
      %get3A_2190 = arith.constant 112 : index
      %get3A_2191 = tpu.vector_load %arg27[%get3A_2190] {strides = array<i32>} : memref<128xf32, #tpu.memory_space<vmem>>, vector<16xf32>,
      %get3A_2192 = vector.shape_cast %get3A_2191 : vector<16xf32> to vector<16xf32>
      %get3A_2193 = arith.constant 112 : index
      %get3A_2194 = tpu.vector_load %arg28[%get3A_2193] {strides = array<i32>} : memref<128xf32, #tpu.memory_space<vmem>>, vector<16xf32>,
      %get3A_2195 = vector.shape_cast %get3A_2194 : vector<16xf32> to vector<16xf32>
      %get3A_2196 = arith.constant 112 : index
      %get3A_2197 = tpu.vector_load %arg29[%get3A_2196] {strides = array<i32>} : memref<128xf32, #tpu.memory_space<vmem>>, vector<16xf32>,
      %get3A_2198 = vector.shape_cast %get3A_2197 : vector<16xf32> to vector<16xf32>
      %get3A_2199 = arith.constant 112 : index
      %get3A_2200 = tpu.vector_load %arg30[%get3A_2199] {strides = array<i32>} : memref<128xf32, #tpu.memory_space<vmem>>, vector<16xf32>,
      %get3A_2201 = vector.shape_cast %get3A_2200 : vector<16xf32> to vector<16xf32>
      %get3A_2202 = arith.constant 112 : index
      %get3A_2203 = tpu.vector_load %arg31[%get3A_2202] {strides = array<i32>} : memref<128xf32, #tpu.memory_space<vmem>>, vector<16xf32>,
      %get3A_2204 = vector.shape_cast %get3A_2203 : vector<16xf32> to vector<16xf32>
      %get3A_2205 = arith.constant 112 : index
      %get3A_2206 = tpu.vector_load %arg32[%get3A_2205] {strides = array<i32>} : memref<128xf32, #tpu.memory_space<vmem>>, vector<16xf32>,
      %get3A_2207 = vector.shape_cast %get3A_2206 : vector<16xf32> to vector<16xf32>
      %get3A_2208 = arith.constant 112 : index
      %get3A_2209 = tpu.vector_load %arg33[%get3A_2208] {strides = array<i32>} : memref<128xf32, #tpu.memory_space<vmem>>, vector<16xf32>,
      %get3A_2210 = vector.shape_cast %get3A_2209 : vector<16xf32> to vector<16xf32>
      %get3A_2211 = arith.constant 112 : index
      %get3A_2212 = tpu.vector_load %arg34[%get3A_2211] {strides = array<i32>} : memref<128xf32, #tpu.memory_space<vmem>>, vector<16xf32>,
      %get3A_2213 = vector.shape_cast %get3A_2212 : vector<16xf32> to vector<16xf32>
      %get3A_2214 = arith.constant 112 : index
      %get3A_2215 = tpu.vector_load %arg41[%get3A_2214] {strides = array<i32>} : memref<128xf32, #tpu.memory_space<vmem>>, vector<16xf32>,
      %get3A_2216 = vector.shape_cast %get3A_2215 : vector<16xf32> to vector<16xf32>
      %get3A_2217 = arith.constant 112 : index
      %get3A_2218 = tpu.vector_load %arg42[%get3A_2217] {strides = array<i32>} : memref<128xf32, #tpu.memory_space<vmem>>, vector<16xf32>,
      %get3A_2219 = vector.shape_cast %get3A_2218 : vector<16xf32> to vector<16xf32>
      %get3A_2220 = arith.constant 112 : index
      %get3A_2221 = tpu.vector_load %arg43[%get3A_2220] {strides = array<i32>} : memref<128xf32, #tpu.memory_space<vmem>>, vector<16xf32>,
      %get3A_2222 = vector.shape_cast %get3A_2221 : vector<16xf32> to vector<16xf32>
      %get3A_2223 = arith.constant 112 : index
      %get3A_2224 = tpu.vector_load %arg44[%get3A_2223] {strides = array<i32>} : memref<128xf32, #tpu.memory_space<vmem>>, vector<16xf32>,
      %get3A_2225 = vector.shape_cast %get3A_2224 : vector<16xf32> to vector<16xf32>
      %get3A_2226 = arith.constant 112 : index
      %get3A_2227 = tpu.vector_load %arg45[%get3A_2226] {strides = array<i32>} : memref<128xf32, #tpu.memory_space<vmem>>, vector<16xf32>,
      %get3A_2228 = vector.shape_cast %get3A_2227 : vector<16xf32> to vector<16xf32>
      %get3A_2229 = arith.constant 112 : index
      %get3A_2230 = tpu.vector_load %arg46[%get3A_2229] {strides = array<i32>} : memref<128xf32, #tpu.memory_space<vmem>>, vector<16xf32>,
      %get3A_2231 = vector.shape_cast %get3A_2230 : vector<16xf32> to vector<16xf32>
      %sub3A_2232 = arith.subf %get3A_2198, %get3A_2189 : vector<16xf32>
      %sub3A_2233 = arith.subf %get3A_2201, %get3A_2192 : vector<16xf32>
      %sub3A_2234 = arith.subf %get3A_2204, %get3A_2195 : vector<16xf32>
      %sub3A_2235 = arith.subf %get3A_2207, %get3A_2189 : vector<16xf32>
      %sub3A_2236 = arith.subf %get3A_2210, %get3A_2192 : vector<16xf32>
      %sub3A_2237 = arith.subf %get3A_2213, %get3A_2195 : vector<16xf32>
      %sub3A_2238 = arith.subf %get3A_2222, %get3A_2216 : vector<16xf32>
      %sub3A_2239 = arith.subf %get3A_2225, %get3A_2219 : vector<16xf32>
      %sub3A_2240 = arith.subf %get3A_2228, %get3A_2216 : vector<16xf32>
      %sub3A_2241 = arith.subf %get3A_2231, %get3A_2219 : vector<16xf32>
      %mul3A_2242 = arith.mulf %sub3A_2238, %sub3A_2241 : vector<16xf32>
      %mul3A_2243 = arith.mulf %sub3A_2239, %sub3A_2240 : vector<16xf32>
      %sub3A_2244 = arith.subf %mul3A_2242, %mul3A_2243 : vector<16xf32>
      %gt3A_2245 = arith.constant 0.000000e+00 : f32
      %gt3A_2246 = vector.broadcast %gt3A_2245 : f32 to vector<16xf32>
      %gt3A_2247 = arith.cmpf ogt, %sub3A_2244, %gt3A_2246 : vector<16xf32>
      %max3A_2248 = arith.constant 9.99999997E-7 : f32
      %max3A_2249 = vector.broadcast %max3A_2248 : f32 to vector<16xf32>
      %max3A_2250 = arith.maximumf %sub3A_2244, %max3A_2249 : vector<16xf32>
      %min3A_2251 = arith.constant -9.99999997E-7 : f32
      %min3A_2252 = vector.broadcast %min3A_2251 : f32 to vector<16xf32>
      %min3A_2253 = arith.minimumf %sub3A_2244, %min3A_2252 : vector<16xf32>
      %select_n3A_2254 = arith.select %gt3A_2247, %max3A_2250, %min3A_2253 : vector<16xi1>, vector<16xf32>
      %div3A_2255 = arith.constant 1.000000e+00 : f32
      %div3A_2256 = vector.broadcast %div3A_2255 : f32 to vector<16xf32>
      %div3A_2257 = arith.divf %div3A_2256, %select_n3A_2254 : vector<16xf32>
      %mul3A_2258 = arith.mulf %sub3A_2233, %sub3A_2237 : vector<16xf32>
      %mul3A_2259 = arith.mulf %sub3A_2234, %sub3A_2236 : vector<16xf32>
      %sub3A_2260 = arith.subf %mul3A_2258, %mul3A_2259 : vector<16xf32>
      %swap3A_2261 = arith.constant 112 : index
      %swap3A_2262 = tpu.vector_load %arg53[%swap3A_2261] {strides = array<i32>} : memref<128xf32, #tpu.memory_space<vmem>>, vector<16xf32>,
      %swap3A_2263 = vector.shape_cast %swap3A_2262 : vector<16xf32> to vector<16xf32>
      %swap3A_2264 = vector.shape_cast %sub3A_2260 : vector<16xf32> to vector<16xf32>
      tpu.vector_store %arg53[%swap3A_2261], %swap3A_2264 {strides = array<i32>} : memref<128xf32, #tpu.memory_space<vmem>>, vector<16xf32>,
      %mul3A_2265 = arith.mulf %sub3A_2234, %sub3A_2235 : vector<16xf32>
      %mul3A_2266 = arith.mulf %sub3A_2232, %sub3A_2237 : vector<16xf32>
      %sub3A_2267 = arith.subf %mul3A_2265, %mul3A_2266 : vector<16xf32>
      %swap3A_2268 = arith.constant 112 : index
      %swap3A_2269 = tpu.vector_load %arg54[%swap3A_2268] {strides = array<i32>} : memref<128xf32, #tpu.memory_space<vmem>>, vector<16xf32>,
      %swap3A_2270 = vector.shape_cast %swap3A_2269 : vector<16xf32> to vector<16xf32>
      %swap3A_2271 = vector.shape_cast %sub3A_2267 : vector<16xf32> to vector<16xf32>
      tpu.vector_store %arg54[%swap3A_2268], %swap3A_2271 {strides = array<i32>} : memref<128xf32, #tpu.memory_space<vmem>>, vector<16xf32>,
      %mul3A_2272 = arith.mulf %sub3A_2232, %sub3A_2236 : vector<16xf32>
      %mul3A_2273 = arith.mulf %sub3A_2233, %sub3A_2235 : vector<16xf32>
      %sub3A_2274 = arith.subf %mul3A_2272, %mul3A_2273 : vector<16xf32>
      %swap3A_2275 = arith.constant 112 : index
      %swap3A_2276 = tpu.vector_load %arg55[%swap3A_2275] {strides = array<i32>} : memref<128xf32, #tpu.memory_space<vmem>>, vector<16xf32>,
      %swap3A_2277 = vector.shape_cast %swap3A_2276 : vector<16xf32> to vector<16xf32>
      %swap3A_2278 = vector.shape_cast %sub3A_2274 : vector<16xf32> to vector<16xf32>
      tpu.vector_store %arg55[%swap3A_2275], %swap3A_2278 {strides = array<i32>} : memref<128xf32, #tpu.memory_space<vmem>>, vector<16xf32>,
      %mul3A_2279 = arith.mulf %sub3A_2232, %sub3A_2241 : vector<16xf32>
      %mul3A_2280 = arith.mulf %sub3A_2235, %sub3A_2239 : vector<16xf32>
      %sub3A_2281 = arith.subf %mul3A_2279, %mul3A_2280 : vector<16xf32>
      %mul3A_2282 = arith.mulf %sub3A_2281, %div3A_2257 : vector<16xf32>
      %swap3A_2283 = arith.constant 112 : index
      %swap3A_2284 = tpu.vector_load %arg56[%swap3A_2283] {strides = array<i32>} : memref<128xf32, #tpu.memory_space<vmem>>, vector<16xf32>,
      %swap3A_2285 = vector.shape_cast %swap3A_2284 : vector<16xf32> to vector<16xf32>
      %swap3A_2286 = vector.shape_cast %mul3A_2282 : vector<16xf32> to vector<16xf32>
      tpu.vector_store %arg56[%swap3A_2283], %swap3A_2286 {strides = array<i32>} : memref<128xf32, #tpu.memory_space<vmem>>, vector<16xf32>,
      %mul3A_2287 = arith.mulf %sub3A_2233, %sub3A_2241 : vector<16xf32>
      %mul3A_2288 = arith.mulf %sub3A_2236, %sub3A_2239 : vector<16xf32>
      %sub3A_2289 = arith.subf %mul3A_2287, %mul3A_2288 : vector<16xf32>
      %mul3A_2290 = arith.mulf %sub3A_2289, %div3A_2257 : vector<16xf32>
      %swap3A_2291 = arith.constant 112 : index
      %swap3A_2292 = tpu.vector_load %arg57[%swap3A_2291] {strides = array<i32>} : memref<128xf32, #tpu.memory_space<vmem>>, vector<16xf32>,
      %swap3A_2293 = vector.shape_cast %swap3A_2292 : vector<16xf32> to vector<16xf32>
      %swap3A_2294 = vector.shape_cast %mul3A_2290 : vector<16xf32> to vector<16xf32>
      tpu.vector_store %arg57[%swap3A_2291], %swap3A_2294 {strides = array<i32>} : memref<128xf32, #tpu.memory_space<vmem>>, vector<16xf32>,
      %mul3A_2295 = arith.mulf %sub3A_2234, %sub3A_2241 : vector<16xf32>
      %mul3A_2296 = arith.mulf %sub3A_2237, %sub3A_2239 : vector<16xf32>
      %sub3A_2297 = arith.subf %mul3A_2295, %mul3A_2296 : vector<16xf32>
      %mul3A_2298 = arith.mulf %sub3A_2297, %div3A_2257 : vector<16xf32>
      %swap3A_2299 = arith.constant 112 : index
      %swap3A_2300 = tpu.vector_load %arg58[%swap3A_2299] {strides = array<i32>} : memref<128xf32, #tpu.memory_space<vmem>>, vector<16xf32>,
      %swap3A_2301 = vector.shape_cast %swap3A_2300 : vector<16xf32> to vector<16xf32>
      %swap3A_2302 = vector.shape_cast %mul3A_2298 : vector<16xf32> to vector<16xf32>
      tpu.vector_store %arg58[%swap3A_2299], %swap3A_2302 {strides = array<i32>} : memref<128xf32, #tpu.memory_space<vmem>>, vector<16xf32>,
      %dma_start3A_2303 = arith.constant 0 : i32
      %dma_start3A_2304 = tpu.memref_slice %arg11[%add3A_1354, %dma_start3A_2303] : memref<50x128xi32, #tpu.memory_space<vmem>> -> memref<1x128xi32, #tpu.memory_space<vmem>>
      %dma_start3A_2305 = tpu.memref_squeeze %dma_start3A_2304 : memref<1x128xi32, #tpu.memory_space<vmem>> -> memref<128xi32, #tpu.memory_space<vmem>>
      %dma_start3A_2306 = arith.constant 0 : i32
      %dma_start3A_2307 = tpu.memref_slice %arg64[%dma_start3A_2306] : memref<100352xf32, #tpu.memory_space<vmem_shared>> -> memref<100352xf32, #tpu.memory_space<vmem_shared>>
      tpu.enqueue_indirect_dma source(%arg53 : memref<128xf32, #tpu.memory_space<vmem>>) target(%dma_start3A_2307 : memref<100352xf32, #tpu.memory_space<vmem_shared>>) offsets(%dma_start3A_2305 : memref<128xi32, #tpu.memory_space<vmem>>) semaphore(%arg73 : memref<!tpu.dma_semaphore, #tpu.memory_space<semaphore_mem>>) {add = true}
      %dma_start3A_2308 = arith.constant 0 : i32
      %dma_start3A_2309 = tpu.memref_slice %arg11[%add3A_1354, %dma_start3A_2308] : memref<50x128xi32, #tpu.memory_space<vmem>> -> memref<1x128xi32, #tpu.memory_space<vmem>>
      %dma_start3A_2310 = tpu.memref_squeeze %dma_start3A_2309 : memref<1x128xi32, #tpu.memory_space<vmem>> -> memref<128xi32, #tpu.memory_space<vmem>>
      %dma_start3A_2311 = arith.constant 0 : i32
      %dma_start3A_2312 = tpu.memref_slice %arg65[%dma_start3A_2311] : memref<100352xf32, #tpu.memory_space<vmem_shared>> -> memref<100352xf32, #tpu.memory_space<vmem_shared>>
      tpu.enqueue_indirect_dma source(%arg54 : memref<128xf32, #tpu.memory_space<vmem>>) target(%dma_start3A_2312 : memref<100352xf32, #tpu.memory_space<vmem_shared>>) offsets(%dma_start3A_2310 : memref<128xi32, #tpu.memory_space<vmem>>) semaphore(%arg73 : memref<!tpu.dma_semaphore, #tpu.memory_space<semaphore_mem>>) {add = true}
      %dma_start3A_2313 = arith.constant 0 : i32
      %dma_start3A_2314 = tpu.memref_slice %arg11[%add3A_1354, %dma_start3A_2313] : memref<50x128xi32, #tpu.memory_space<vmem>> -> memref<1x128xi32, #tpu.memory_space<vmem>>
      %dma_start3A_2315 = tpu.memref_squeeze %dma_start3A_2314 : memref<1x128xi32, #tpu.memory_space<vmem>> -> memref<128xi32, #tpu.memory_space<vmem>>
      %dma_start3A_2316 = arith.constant 0 : i32
      %dma_start3A_2317 = tpu.memref_slice %arg66[%dma_start3A_2316] : memref<100352xf32, #tpu.memory_space<vmem_shared>> -> memref<100352xf32, #tpu.memory_space<vmem_shared>>
      tpu.enqueue_indirect_dma source(%arg55 : memref<128xf32, #tpu.memory_space<vmem>>) target(%dma_start3A_2317 : memref<100352xf32, #tpu.memory_space<vmem_shared>>) offsets(%dma_start3A_2315 : memref<128xi32, #tpu.memory_space<vmem>>) semaphore(%arg73 : memref<!tpu.dma_semaphore, #tpu.memory_space<semaphore_mem>>) {add = true}
      %dma_start3A_2318 = arith.constant 0 : i32
      %dma_start3A_2319 = tpu.memref_slice %arg11[%add3A_1354, %dma_start3A_2318] : memref<50x128xi32, #tpu.memory_space<vmem>> -> memref<1x128xi32, #tpu.memory_space<vmem>>
      %dma_start3A_2320 = tpu.memref_squeeze %dma_start3A_2319 : memref<1x128xi32, #tpu.memory_space<vmem>> -> memref<128xi32, #tpu.memory_space<vmem>>
      %dma_start3A_2321 = arith.constant 0 : i32
      %dma_start3A_2322 = tpu.memref_slice %arg67[%dma_start3A_2321] : memref<100352xf32, #tpu.memory_space<vmem_shared>> -> memref<100352xf32, #tpu.memory_space<vmem_shared>>
      tpu.enqueue_indirect_dma source(%arg56 : memref<128xf32, #tpu.memory_space<vmem>>) target(%dma_start3A_2322 : memref<100352xf32, #tpu.memory_space<vmem_shared>>) offsets(%dma_start3A_2320 : memref<128xi32, #tpu.memory_space<vmem>>) semaphore(%arg73 : memref<!tpu.dma_semaphore, #tpu.memory_space<semaphore_mem>>) {add = true}
      %dma_start3A_2323 = arith.constant 0 : i32
      %dma_start3A_2324 = tpu.memref_slice %arg11[%add3A_1354, %dma_start3A_2323] : memref<50x128xi32, #tpu.memory_space<vmem>> -> memref<1x128xi32, #tpu.memory_space<vmem>>
      %dma_start3A_2325 = tpu.memref_squeeze %dma_start3A_2324 : memref<1x128xi32, #tpu.memory_space<vmem>> -> memref<128xi32, #tpu.memory_space<vmem>>
      %dma_start3A_2326 = arith.constant 0 : i32
      %dma_start3A_2327 = tpu.memref_slice %arg68[%dma_start3A_2326] : memref<100352xf32, #tpu.memory_space<vmem_shared>> -> memref<100352xf32, #tpu.memory_space<vmem_shared>>
      tpu.enqueue_indirect_dma source(%arg57 : memref<128xf32, #tpu.memory_space<vmem>>) target(%dma_start3A_2327 : memref<100352xf32, #tpu.memory_space<vmem_shared>>) offsets(%dma_start3A_2325 : memref<128xi32, #tpu.memory_space<vmem>>) semaphore(%arg73 : memref<!tpu.dma_semaphore, #tpu.memory_space<semaphore_mem>>) {add = true}
      %dma_start3A_2328 = arith.constant 0 : i32
      %dma_start3A_2329 = tpu.memref_slice %arg11[%add3A_1354, %dma_start3A_2328] : memref<50x128xi32, #tpu.memory_space<vmem>> -> memref<1x128xi32, #tpu.memory_space<vmem>>
      %dma_start3A_2330 = tpu.memref_squeeze %dma_start3A_2329 : memref<1x128xi32, #tpu.memory_space<vmem>> -> memref<128xi32, #tpu.memory_space<vmem>>
      %dma_start3A_2331 = arith.constant 0 : i32
      %dma_start3A_2332 = tpu.memref_slice %arg69[%dma_start3A_2331] : memref<100352xf32, #tpu.memory_space<vmem_shared>> -> memref<100352xf32, #tpu.memory_space<vmem_shared>>
      tpu.enqueue_indirect_dma source(%arg58 : memref<128xf32, #tpu.memory_space<vmem>>) target(%dma_start3A_2332 : memref<100352xf32, #tpu.memory_space<vmem_shared>>) offsets(%dma_start3A_2330 : memref<128xi32, #tpu.memory_space<vmem>>) semaphore(%arg73 : memref<!tpu.dma_semaphore, #tpu.memory_space<semaphore_mem>>) {add = true}
      %dma_start3A_2333 = arith.constant 0 : i32
      %dma_start3A_2334 = tpu.memref_slice %arg12[%add3A_1354, %dma_start3A_2333] : memref<50x128xi32, #tpu.memory_space<vmem>> -> memref<1x128xi32, #tpu.memory_space<vmem>>
      %dma_start3A_2335 = tpu.memref_squeeze %dma_start3A_2334 : memref<1x128xi32, #tpu.memory_space<vmem>> -> memref<128xi32, #tpu.memory_space<vmem>>
      %dma_start3A_2336 = arith.constant 0 : i32
      %dma_start3A_2337 = tpu.memref_slice %arg64[%dma_start3A_2336] : memref<100352xf32, #tpu.memory_space<vmem_shared>> -> memref<100352xf32, #tpu.memory_space<vmem_shared>>
      tpu.enqueue_indirect_dma source(%arg53 : memref<128xf32, #tpu.memory_space<vmem>>) target(%dma_start3A_2337 : memref<100352xf32, #tpu.memory_space<vmem_shared>>) offsets(%dma_start3A_2335 : memref<128xi32, #tpu.memory_space<vmem>>) semaphore(%arg73 : memref<!tpu.dma_semaphore, #tpu.memory_space<semaphore_mem>>) {add = true}
      %dma_start3A_2338 = arith.constant 0 : i32
      %dma_start3A_2339 = tpu.memref_slice %arg12[%add3A_1354, %dma_start3A_2338] : memref<50x128xi32, #tpu.memory_space<vmem>> -> memref<1x128xi32, #tpu.memory_space<vmem>>
      %dma_start3A_2340 = tpu.memref_squeeze %dma_start3A_2339 : memref<1x128xi32, #tpu.memory_space<vmem>> -> memref<128xi32, #tpu.memory_space<vmem>>
      %dma_start3A_2341 = arith.constant 0 : i32
      %dma_start3A_2342 = tpu.memref_slice %arg65[%dma_start3A_2341] : memref<100352xf32, #tpu.memory_space<vmem_shared>> -> memref<100352xf32, #tpu.memory_space<vmem_shared>>
      tpu.enqueue_indirect_dma source(%arg54 : memref<128xf32, #tpu.memory_space<vmem>>) target(%dma_start3A_2342 : memref<100352xf32, #tpu.memory_space<vmem_shared>>) offsets(%dma_start3A_2340 : memref<128xi32, #tpu.memory_space<vmem>>) semaphore(%arg73 : memref<!tpu.dma_semaphore, #tpu.memory_space<semaphore_mem>>) {add = true}
      %dma_start3A_2343 = arith.constant 0 : i32
      %dma_start3A_2344 = tpu.memref_slice %arg12[%add3A_1354, %dma_start3A_2343] : memref<50x128xi32, #tpu.memory_space<vmem>> -> memref<1x128xi32, #tpu.memory_space<vmem>>
      %dma_start3A_2345 = tpu.memref_squeeze %dma_start3A_2344 : memref<1x128xi32, #tpu.memory_space<vmem>> -> memref<128xi32, #tpu.memory_space<vmem>>
      %dma_start3A_2346 = arith.constant 0 : i32
      %dma_start3A_2347 = tpu.memref_slice %arg66[%dma_start3A_2346] : memref<100352xf32, #tpu.memory_space<vmem_shared>> -> memref<100352xf32, #tpu.memory_space<vmem_shared>>
      tpu.enqueue_indirect_dma source(%arg55 : memref<128xf32, #tpu.memory_space<vmem>>) target(%dma_start3A_2347 : memref<100352xf32, #tpu.memory_space<vmem_shared>>) offsets(%dma_start3A_2345 : memref<128xi32, #tpu.memory_space<vmem>>) semaphore(%arg73 : memref<!tpu.dma_semaphore, #tpu.memory_space<semaphore_mem>>) {add = true}
      %dma_start3A_2348 = arith.constant 0 : i32
      %dma_start3A_2349 = tpu.memref_slice %arg12[%add3A_1354, %dma_start3A_2348] : memref<50x128xi32, #tpu.memory_space<vmem>> -> memref<1x128xi32, #tpu.memory_space<vmem>>
      %dma_start3A_2350 = tpu.memref_squeeze %dma_start3A_2349 : memref<1x128xi32, #tpu.memory_space<vmem>> -> memref<128xi32, #tpu.memory_space<vmem>>
      %dma_start3A_2351 = arith.constant 0 : i32
      %dma_start3A_2352 = tpu.memref_slice %arg67[%dma_start3A_2351] : memref<100352xf32, #tpu.memory_space<vmem_shared>> -> memref<100352xf32, #tpu.memory_space<vmem_shared>>
      tpu.enqueue_indirect_dma source(%arg56 : memref<128xf32, #tpu.memory_space<vmem>>) target(%dma_start3A_2352 : memref<100352xf32, #tpu.memory_space<vmem_shared>>) offsets(%dma_start3A_2350 : memref<128xi32, #tpu.memory_space<vmem>>) semaphore(%arg73 : memref<!tpu.dma_semaphore, #tpu.memory_space<semaphore_mem>>) {add = true}
      %dma_start3A_2353 = arith.constant 0 : i32
      %dma_start3A_2354 = tpu.memref_slice %arg12[%add3A_1354, %dma_start3A_2353] : memref<50x128xi32, #tpu.memory_space<vmem>> -> memref<1x128xi32, #tpu.memory_space<vmem>>
      %dma_start3A_2355 = tpu.memref_squeeze %dma_start3A_2354 : memref<1x128xi32, #tpu.memory_space<vmem>> -> memref<128xi32, #tpu.memory_space<vmem>>
      %dma_start3A_2356 = arith.constant 0 : i32
      %dma_start3A_2357 = tpu.memref_slice %arg68[%dma_start3A_2356] : memref<100352xf32, #tpu.memory_space<vmem_shared>> -> memref<100352xf32, #tpu.memory_space<vmem_shared>>
      tpu.enqueue_indirect_dma source(%arg57 : memref<128xf32, #tpu.memory_space<vmem>>) target(%dma_start3A_2357 : memref<100352xf32, #tpu.memory_space<vmem_shared>>) offsets(%dma_start3A_2355 : memref<128xi32, #tpu.memory_space<vmem>>) semaphore(%arg73 : memref<!tpu.dma_semaphore, #tpu.memory_space<semaphore_mem>>) {add = true}
      %dma_start3A_2358 = arith.constant 0 : i32
      %dma_start3A_2359 = tpu.memref_slice %arg12[%add3A_1354, %dma_start3A_2358] : memref<50x128xi32, #tpu.memory_space<vmem>> -> memref<1x128xi32, #tpu.memory_space<vmem>>
      %dma_start3A_2360 = tpu.memref_squeeze %dma_start3A_2359 : memref<1x128xi32, #tpu.memory_space<vmem>> -> memref<128xi32, #tpu.memory_space<vmem>>
      %dma_start3A_2361 = arith.constant 0 : i32
      %dma_start3A_2362 = tpu.memref_slice %arg69[%dma_start3A_2361] : memref<100352xf32, #tpu.memory_space<vmem_shared>> -> memref<100352xf32, #tpu.memory_space<vmem_shared>>
      tpu.enqueue_indirect_dma source(%arg58 : memref<128xf32, #tpu.memory_space<vmem>>) target(%dma_start3A_2362 : memref<100352xf32, #tpu.memory_space<vmem_shared>>) offsets(%dma_start3A_2360 : memref<128xi32, #tpu.memory_space<vmem>>) semaphore(%arg73 : memref<!tpu.dma_semaphore, #tpu.memory_space<semaphore_mem>>) {add = true}
      %dma_start3A_2363 = arith.constant 0 : i32
      %dma_start3A_2364 = tpu.memref_slice %arg13[%add3A_1354, %dma_start3A_2363] : memref<50x128xi32, #tpu.memory_space<vmem>> -> memref<1x128xi32, #tpu.memory_space<vmem>>
      %dma_start3A_2365 = tpu.memref_squeeze %dma_start3A_2364 : memref<1x128xi32, #tpu.memory_space<vmem>> -> memref<128xi32, #tpu.memory_space<vmem>>
      %dma_start3A_2366 = arith.constant 0 : i32
      %dma_start3A_2367 = tpu.memref_slice %arg64[%dma_start3A_2366] : memref<100352xf32, #tpu.memory_space<vmem_shared>> -> memref<100352xf32, #tpu.memory_space<vmem_shared>>
      tpu.enqueue_indirect_dma source(%arg53 : memref<128xf32, #tpu.memory_space<vmem>>) target(%dma_start3A_2367 : memref<100352xf32, #tpu.memory_space<vmem_shared>>) offsets(%dma_start3A_2365 : memref<128xi32, #tpu.memory_space<vmem>>) semaphore(%arg73 : memref<!tpu.dma_semaphore, #tpu.memory_space<semaphore_mem>>) {add = true}
      %dma_start3A_2368 = arith.constant 0 : i32
      %dma_start3A_2369 = tpu.memref_slice %arg13[%add3A_1354, %dma_start3A_2368] : memref<50x128xi32, #tpu.memory_space<vmem>> -> memref<1x128xi32, #tpu.memory_space<vmem>>
      %dma_start3A_2370 = tpu.memref_squeeze %dma_start3A_2369 : memref<1x128xi32, #tpu.memory_space<vmem>> -> memref<128xi32, #tpu.memory_space<vmem>>
      %dma_start3A_2371 = arith.constant 0 : i32
      %dma_start3A_2372 = tpu.memref_slice %arg65[%dma_start3A_2371] : memref<100352xf32, #tpu.memory_space<vmem_shared>> -> memref<100352xf32, #tpu.memory_space<vmem_shared>>
      tpu.enqueue_indirect_dma source(%arg54 : memref<128xf32, #tpu.memory_space<vmem>>) target(%dma_start3A_2372 : memref<100352xf32, #tpu.memory_space<vmem_shared>>) offsets(%dma_start3A_2370 : memref<128xi32, #tpu.memory_space<vmem>>) semaphore(%arg73 : memref<!tpu.dma_semaphore, #tpu.memory_space<semaphore_mem>>) {add = true}
      %dma_start3A_2373 = arith.constant 0 : i32
      %dma_start3A_2374 = tpu.memref_slice %arg13[%add3A_1354, %dma_start3A_2373] : memref<50x128xi32, #tpu.memory_space<vmem>> -> memref<1x128xi32, #tpu.memory_space<vmem>>
      %dma_start3A_2375 = tpu.memref_squeeze %dma_start3A_2374 : memref<1x128xi32, #tpu.memory_space<vmem>> -> memref<128xi32, #tpu.memory_space<vmem>>
      %dma_start3A_2376 = arith.constant 0 : i32
      %dma_start3A_2377 = tpu.memref_slice %arg66[%dma_start3A_2376] : memref<100352xf32, #tpu.memory_space<vmem_shared>> -> memref<100352xf32, #tpu.memory_space<vmem_shared>>
      tpu.enqueue_indirect_dma source(%arg55 : memref<128xf32, #tpu.memory_space<vmem>>) target(%dma_start3A_2377 : memref<100352xf32, #tpu.memory_space<vmem_shared>>) offsets(%dma_start3A_2375 : memref<128xi32, #tpu.memory_space<vmem>>) semaphore(%arg73 : memref<!tpu.dma_semaphore, #tpu.memory_space<semaphore_mem>>) {add = true}
      %dma_start3A_2378 = arith.constant 0 : i32
      %dma_start3A_2379 = tpu.memref_slice %arg13[%add3A_1354, %dma_start3A_2378] : memref<50x128xi32, #tpu.memory_space<vmem>> -> memref<1x128xi32, #tpu.memory_space<vmem>>
      %dma_start3A_2380 = tpu.memref_squeeze %dma_start3A_2379 : memref<1x128xi32, #tpu.memory_space<vmem>> -> memref<128xi32, #tpu.memory_space<vmem>>
      %dma_start3A_2381 = arith.constant 0 : i32
      %dma_start3A_2382 = tpu.memref_slice %arg67[%dma_start3A_2381] : memref<100352xf32, #tpu.memory_space<vmem_shared>> -> memref<100352xf32, #tpu.memory_space<vmem_shared>>
      tpu.enqueue_indirect_dma source(%arg56 : memref<128xf32, #tpu.memory_space<vmem>>) target(%dma_start3A_2382 : memref<100352xf32, #tpu.memory_space<vmem_shared>>) offsets(%dma_start3A_2380 : memref<128xi32, #tpu.memory_space<vmem>>) semaphore(%arg73 : memref<!tpu.dma_semaphore, #tpu.memory_space<semaphore_mem>>) {add = true}
      %dma_start3A_2383 = arith.constant 0 : i32
      %dma_start3A_2384 = tpu.memref_slice %arg13[%add3A_1354, %dma_start3A_2383] : memref<50x128xi32, #tpu.memory_space<vmem>> -> memref<1x128xi32, #tpu.memory_space<vmem>>
      %dma_start3A_2385 = tpu.memref_squeeze %dma_start3A_2384 : memref<1x128xi32, #tpu.memory_space<vmem>> -> memref<128xi32, #tpu.memory_space<vmem>>
      %dma_start3A_2386 = arith.constant 0 : i32
      %dma_start3A_2387 = tpu.memref_slice %arg68[%dma_start3A_2386] : memref<100352xf32, #tpu.memory_space<vmem_shared>> -> memref<100352xf32, #tpu.memory_space<vmem_shared>>
      tpu.enqueue_indirect_dma source(%arg57 : memref<128xf32, #tpu.memory_space<vmem>>) target(%dma_start3A_2387 : memref<100352xf32, #tpu.memory_space<vmem_shared>>) offsets(%dma_start3A_2385 : memref<128xi32, #tpu.memory_space<vmem>>) semaphore(%arg73 : memref<!tpu.dma_semaphore, #tpu.memory_space<semaphore_mem>>) {add = true}
      %dma_start3A_2388 = arith.constant 0 : i32
      %dma_start3A_2389 = tpu.memref_slice %arg13[%add3A_1354, %dma_start3A_2388] : memref<50x128xi32, #tpu.memory_space<vmem>> -> memref<1x128xi32, #tpu.memory_space<vmem>>
      %dma_start3A_2390 = tpu.memref_squeeze %dma_start3A_2389 : memref<1x128xi32, #tpu.memory_space<vmem>> -> memref<128xi32, #tpu.memory_space<vmem>>
      %dma_start3A_2391 = arith.constant 0 : i32
      %dma_start3A_2392 = tpu.memref_slice %arg69[%dma_start3A_2391] : memref<100352xf32, #tpu.memory_space<vmem_shared>> -> memref<100352xf32, #tpu.memory_space<vmem_shared>>
      tpu.enqueue_indirect_dma source(%arg58 : memref<128xf32, #tpu.memory_space<vmem>>) target(%dma_start3A_2392 : memref<100352xf32, #tpu.memory_space<vmem_shared>>) offsets(%dma_start3A_2390 : memref<128xi32, #tpu.memory_space<vmem>>) semaphore(%arg73 : memref<!tpu.dma_semaphore, #tpu.memory_space<semaphore_mem>>) {add = true}
    }
    %scan3A_252 = arith.constant 25 : i32
    %dma_wait3A_253 = arith.constant 0 : i32
    %dma_wait3A_254 = tpu.memref_slice %arg70[%dma_wait3A_253] : memref<7504xf32, #tpu.memory_space<vmem>> -> memref<2304xf32, #tpu.memory_space<vmem>>
    %dma_wait3A_255 = arith.constant 0 : i32
    %dma_wait3A_256 = tpu.memref_slice %arg9[%dma_wait3A_255] : memref<7504xf32, #tpu.memory_space<hbm>> -> memref<2304xf32, #tpu.memory_space<hbm>>
    %dma_wait3A_257 = arith.constant 0 : i32
    %dma_wait3A_258 = tpu.memref_slice %arg70[%dma_wait3A_257] : memref<7504xf32, #tpu.memory_space<vmem>> -> memref<2304xf32, #tpu.memory_space<vmem>>
    %dma_wait3A_259 = arith.constant 0 : i32
    %dma_wait3A_260 = tpu.memref_slice %arg9[%dma_wait3A_259] : memref<7504xf32, #tpu.memory_space<hbm>> -> memref<2304xf32, #tpu.memory_space<hbm>>
    tpu.wait_dma2 semaphore(%arg72 : memref<!tpu.dma_semaphore, #tpu.memory_space<semaphore_mem>>) src(%dma_wait3A_260 : memref<2304xf32, #tpu.memory_space<hbm>>) dst(%dma_wait3A_258 : memref<2304xf32, #tpu.memory_space<vmem>>)
    %dma_wait3A_261 = arith.constant 0 : i32
    %dma_wait3A_262 = tpu.memref_slice %arg70[%dma_wait3A_261] : memref<7504xf32, #tpu.memory_space<vmem>> -> memref<2304xf32, #tpu.memory_space<vmem>>
    %dma_wait3A_263 = arith.constant 0 : i32
    %dma_wait3A_264 = tpu.memref_slice %arg9[%dma_wait3A_263] : memref<7504xf32, #tpu.memory_space<hbm>> -> memref<2304xf32, #tpu.memory_space<hbm>>
    %dma_wait3A_265 = arith.constant 0 : i32
    %dma_wait3A_266 = tpu.memref_slice %arg70[%dma_wait3A_265] : memref<7504xf32, #tpu.memory_space<vmem>> -> memref<2304xf32, #tpu.memory_space<vmem>>
    %dma_wait3A_267 = arith.constant 0 : i32
    %dma_wait3A_268 = tpu.memref_slice %arg9[%dma_wait3A_267] : memref<7504xf32, #tpu.memory_space<hbm>> -> memref<2304xf32, #tpu.memory_space<hbm>>
    tpu.wait_dma2 semaphore(%arg73 : memref<!tpu.dma_semaphore, #tpu.memory_space<semaphore_mem>>) src(%dma_wait3A_268 : memref<2304xf32, #tpu.memory_space<hbm>>) dst(%dma_wait3A_266 : memref<2304xf32, #tpu.memory_space<vmem>>)
    %barrier3A_269 = arith.constant 0 : index
    tpu.barrier barrier_id(%barrier3A_269)
    %mul3A_270 = arith.constant 6272 : i32
    %mul3A_271 = arith.muli %arg1, %mul3A_270 : i32
    %dma_start3A_272 = arith.constant 0 : i32
    %dma_start3A_273 = tpu.memref_slice %arg10[%arg0, %dma_start3A_272, %mul3A_271] : memref<2x6x100352xf32, #tpu.memory_space<hbm>> -> memref<1x1x6272xf32, #tpu.memory_space<hbm>>
    %dma_start3A_274 = tpu.memref_squeeze %dma_start3A_273 : memref<1x1x6272xf32, #tpu.memory_space<hbm>> -> memref<6272xf32, #tpu.memory_space<hbm>>
    %dma_start3A_275 = tpu.memref_slice %arg64[%mul3A_271] : memref<100352xf32, #tpu.memory_space<vmem_shared>> -> memref<6272xf32, #tpu.memory_space<vmem_shared>>
    tpu.enqueue_dma source(%dma_start3A_275 : memref<6272xf32, #tpu.memory_space<vmem_shared>>) target(%dma_start3A_274 : memref<6272xf32, #tpu.memory_space<hbm>>) target_semaphore(%arg72 : memref<!tpu.dma_semaphore, #tpu.memory_space<semaphore_mem>>)
    %dma_start3A_276 = arith.constant 1 : i32
    %dma_start3A_277 = tpu.memref_slice %arg10[%arg0, %dma_start3A_276, %mul3A_271] : memref<2x6x100352xf32, #tpu.memory_space<hbm>> -> memref<1x1x6272xf32, #tpu.memory_space<hbm>>
    %dma_start3A_278 = tpu.memref_squeeze %dma_start3A_277 : memref<1x1x6272xf32, #tpu.memory_space<hbm>> -> memref<6272xf32, #tpu.memory_space<hbm>>
    %dma_start3A_279 = tpu.memref_slice %arg65[%mul3A_271] : memref<100352xf32, #tpu.memory_space<vmem_shared>> -> memref<6272xf32, #tpu.memory_space<vmem_shared>>
    tpu.enqueue_dma source(%dma_start3A_279 : memref<6272xf32, #tpu.memory_space<vmem_shared>>) target(%dma_start3A_278 : memref<6272xf32, #tpu.memory_space<hbm>>) target_semaphore(%arg72 : memref<!tpu.dma_semaphore, #tpu.memory_space<semaphore_mem>>)
    %dma_start3A_280 = arith.constant 2 : i32
    %dma_start3A_281 = tpu.memref_slice %arg10[%arg0, %dma_start3A_280, %mul3A_271] : memref<2x6x100352xf32, #tpu.memory_space<hbm>> -> memref<1x1x6272xf32, #tpu.memory_space<hbm>>
    %dma_start3A_282 = tpu.memref_squeeze %dma_start3A_281 : memref<1x1x6272xf32, #tpu.memory_space<hbm>> -> memref<6272xf32, #tpu.memory_space<hbm>>
    %dma_start3A_283 = tpu.memref_slice %arg66[%mul3A_271] : memref<100352xf32, #tpu.memory_space<vmem_shared>> -> memref<6272xf32, #tpu.memory_space<vmem_shared>>
    tpu.enqueue_dma source(%dma_start3A_283 : memref<6272xf32, #tpu.memory_space<vmem_shared>>) target(%dma_start3A_282 : memref<6272xf32, #tpu.memory_space<hbm>>) target_semaphore(%arg72 : memref<!tpu.dma_semaphore, #tpu.memory_space<semaphore_mem>>)
    %dma_start3A_284 = arith.constant 3 : i32
    %dma_start3A_285 = tpu.memref_slice %arg10[%arg0, %dma_start3A_284, %mul3A_271] : memref<2x6x100352xf32, #tpu.memory_space<hbm>> -> memref<1x1x6272xf32, #tpu.memory_space<hbm>>
    %dma_start3A_286 = tpu.memref_squeeze %dma_start3A_285 : memref<1x1x6272xf32, #tpu.memory_space<hbm>> -> memref<6272xf32, #tpu.memory_space<hbm>>
    %dma_start3A_287 = tpu.memref_slice %arg67[%mul3A_271] : memref<100352xf32, #tpu.memory_space<vmem_shared>> -> memref<6272xf32, #tpu.memory_space<vmem_shared>>
    tpu.enqueue_dma source(%dma_start3A_287 : memref<6272xf32, #tpu.memory_space<vmem_shared>>) target(%dma_start3A_286 : memref<6272xf32, #tpu.memory_space<hbm>>) target_semaphore(%arg72 : memref<!tpu.dma_semaphore, #tpu.memory_space<semaphore_mem>>)
    %dma_start3A_288 = arith.constant 4 : i32
    %dma_start3A_289 = tpu.memref_slice %arg10[%arg0, %dma_start3A_288, %mul3A_271] : memref<2x6x100352xf32, #tpu.memory_space<hbm>> -> memref<1x1x6272xf32, #tpu.memory_space<hbm>>
    %dma_start3A_290 = tpu.memref_squeeze %dma_start3A_289 : memref<1x1x6272xf32, #tpu.memory_space<hbm>> -> memref<6272xf32, #tpu.memory_space<hbm>>
    %dma_start3A_291 = tpu.memref_slice %arg68[%mul3A_271] : memref<100352xf32, #tpu.memory_space<vmem_shared>> -> memref<6272xf32, #tpu.memory_space<vmem_shared>>
    tpu.enqueue_dma source(%dma_start3A_291 : memref<6272xf32, #tpu.memory_space<vmem_shared>>) target(%dma_start3A_290 : memref<6272xf32, #tpu.memory_space<hbm>>) target_semaphore(%arg72 : memref<!tpu.dma_semaphore, #tpu.memory_space<semaphore_mem>>)
    %dma_start3A_292 = arith.constant 5 : i32
    %dma_start3A_293 = tpu.memref_slice %arg10[%arg0, %dma_start3A_292, %mul3A_271] : memref<2x6x100352xf32, #tpu.memory_space<hbm>> -> memref<1x1x6272xf32, #tpu.memory_space<hbm>>
    %dma_start3A_294 = tpu.memref_squeeze %dma_start3A_293 : memref<1x1x6272xf32, #tpu.memory_space<hbm>> -> memref<6272xf32, #tpu.memory_space<hbm>>
    %dma_start3A_295 = tpu.memref_slice %arg69[%mul3A_271] : memref<100352xf32, #tpu.memory_space<vmem_shared>> -> memref<6272xf32, #tpu.memory_space<vmem_shared>>
    tpu.enqueue_dma source(%dma_start3A_295 : memref<6272xf32, #tpu.memory_space<vmem_shared>>) target(%dma_start3A_294 : memref<6272xf32, #tpu.memory_space<hbm>>) target_semaphore(%arg72 : memref<!tpu.dma_semaphore, #tpu.memory_space<semaphore_mem>>)
    %dma_wait3A_296 = arith.constant 0 : i32
    %dma_wait3A_297 = tpu.memref_slice %arg10[%arg0, %dma_wait3A_296, %mul3A_271] : memref<2x6x100352xf32, #tpu.memory_space<hbm>> -> memref<1x1x6272xf32, #tpu.memory_space<hbm>>
    %dma_wait3A_298 = tpu.memref_squeeze %dma_wait3A_297 : memref<1x1x6272xf32, #tpu.memory_space<hbm>> -> memref<6272xf32, #tpu.memory_space<hbm>>
    %dma_wait3A_299 = tpu.memref_slice %arg64[%mul3A_271] : memref<100352xf32, #tpu.memory_space<vmem_shared>> -> memref<6272xf32, #tpu.memory_space<vmem_shared>>
    tpu.wait_dma2 semaphore(%arg72 : memref<!tpu.dma_semaphore, #tpu.memory_space<semaphore_mem>>) src(%dma_wait3A_299 : memref<6272xf32, #tpu.memory_space<vmem_shared>>) dst(%dma_wait3A_298 : memref<6272xf32, #tpu.memory_space<hbm>>)
    %dma_wait3A_300 = arith.constant 1 : i32
    %dma_wait3A_301 = tpu.memref_slice %arg10[%arg0, %dma_wait3A_300, %mul3A_271] : memref<2x6x100352xf32, #tpu.memory_space<hbm>> -> memref<1x1x6272xf32, #tpu.memory_space<hbm>>
    %dma_wait3A_302 = tpu.memref_squeeze %dma_wait3A_301 : memref<1x1x6272xf32, #tpu.memory_space<hbm>> -> memref<6272xf32, #tpu.memory_space<hbm>>
    %dma_wait3A_303 = tpu.memref_slice %arg65[%mul3A_271] : memref<100352xf32, #tpu.memory_space<vmem_shared>> -> memref<6272xf32, #tpu.memory_space<vmem_shared>>
    tpu.wait_dma2 semaphore(%arg72 : memref<!tpu.dma_semaphore, #tpu.memory_space<semaphore_mem>>) src(%dma_wait3A_303 : memref<6272xf32, #tpu.memory_space<vmem_shared>>) dst(%dma_wait3A_302 : memref<6272xf32, #tpu.memory_space<hbm>>)
    %dma_wait3A_304 = arith.constant 2 : i32
    %dma_wait3A_305 = tpu.memref_slice %arg10[%arg0, %dma_wait3A_304, %mul3A_271] : memref<2x6x100352xf32, #tpu.memory_space<hbm>> -> memref<1x1x6272xf32, #tpu.memory_space<hbm>>
    %dma_wait3A_306 = tpu.memref_squeeze %dma_wait3A_305 : memref<1x1x6272xf32, #tpu.memory_space<hbm>> -> memref<6272xf32, #tpu.memory_space<hbm>>
    %dma_wait3A_307 = tpu.memref_slice %arg66[%mul3A_271] : memref<100352xf32, #tpu.memory_space<vmem_shared>> -> memref<6272xf32, #tpu.memory_space<vmem_shared>>
    tpu.wait_dma2 semaphore(%arg72 : memref<!tpu.dma_semaphore, #tpu.memory_space<semaphore_mem>>) src(%dma_wait3A_307 : memref<6272xf32, #tpu.memory_space<vmem_shared>>) dst(%dma_wait3A_306 : memref<6272xf32, #tpu.memory_space<hbm>>)
    %dma_wait3A_308 = arith.constant 3 : i32
    %dma_wait3A_309 = tpu.memref_slice %arg10[%arg0, %dma_wait3A_308, %mul3A_271] : memref<2x6x100352xf32, #tpu.memory_space<hbm>> -> memref<1x1x6272xf32, #tpu.memory_space<hbm>>
    %dma_wait3A_310 = tpu.memref_squeeze %dma_wait3A_309 : memref<1x1x6272xf32, #tpu.memory_space<hbm>> -> memref<6272xf32, #tpu.memory_space<hbm>>
    %dma_wait3A_311 = tpu.memref_slice %arg67[%mul3A_271] : memref<100352xf32, #tpu.memory_space<vmem_shared>> -> memref<6272xf32, #tpu.memory_space<vmem_shared>>
    tpu.wait_dma2 semaphore(%arg72 : memref<!tpu.dma_semaphore, #tpu.memory_space<semaphore_mem>>) src(%dma_wait3A_311 : memref<6272xf32, #tpu.memory_space<vmem_shared>>) dst(%dma_wait3A_310 : memref<6272xf32, #tpu.memory_space<hbm>>)
    %dma_wait3A_312 = arith.constant 4 : i32
    %dma_wait3A_313 = tpu.memref_slice %arg10[%arg0, %dma_wait3A_312, %mul3A_271] : memref<2x6x100352xf32, #tpu.memory_space<hbm>> -> memref<1x1x6272xf32, #tpu.memory_space<hbm>>
    %dma_wait3A_314 = tpu.memref_squeeze %dma_wait3A_313 : memref<1x1x6272xf32, #tpu.memory_space<hbm>> -> memref<6272xf32, #tpu.memory_space<hbm>>
    %dma_wait3A_315 = tpu.memref_slice %arg68[%mul3A_271] : memref<100352xf32, #tpu.memory_space<vmem_shared>> -> memref<6272xf32, #tpu.memory_space<vmem_shared>>
    tpu.wait_dma2 semaphore(%arg72 : memref<!tpu.dma_semaphore, #tpu.memory_space<semaphore_mem>>) src(%dma_wait3A_315 : memref<6272xf32, #tpu.memory_space<vmem_shared>>) dst(%dma_wait3A_314 : memref<6272xf32, #tpu.memory_space<hbm>>)
    %dma_wait3A_316 = arith.constant 5 : i32
    %dma_wait3A_317 = tpu.memref_slice %arg10[%arg0, %dma_wait3A_316, %mul3A_271] : memref<2x6x100352xf32, #tpu.memory_space<hbm>> -> memref<1x1x6272xf32, #tpu.memory_space<hbm>>
    %dma_wait3A_318 = tpu.memref_squeeze %dma_wait3A_317 : memref<1x1x6272xf32, #tpu.memory_space<hbm>> -> memref<6272xf32, #tpu.memory_space<hbm>>
    %dma_wait3A_319 = tpu.memref_slice %arg69[%mul3A_271] : memref<100352xf32, #tpu.memory_space<vmem_shared>> -> memref<6272xf32, #tpu.memory_space<vmem_shared>>
    tpu.wait_dma2 semaphore(%arg72 : memref<!tpu.dma_semaphore, #tpu.memory_space<semaphore_mem>>) src(%dma_wait3A_319 : memref<6272xf32, #tpu.memory_space<vmem_shared>>) dst(%dma_wait3A_318 : memref<6272xf32, #tpu.memory_space<hbm>>)
    return
  }
}

module attributes {stable_mosaic.version = 14 : i64} {
  func.func @body(%arg0: i32, %arg1: memref<2x6x2048xf32, #tpu.memory_space<vmem>>, %arg2: memref<2x4x2048xf32, #tpu.memory_space<vmem>>) attributes {dimension_semantics = [#tpu.dimension_semantics<arbitrary>], iteration_bounds = array<i64: 49>, scalar_prefetch = 0 : i64, scratch_operands = 0 : i64, tpu.core_type = #tpu.core_type<tc>, window_params = [{transform_indices = @transform_0, window_bounds = array<i64: 2, 6, 2048>}, {transform_indices = @transform_1, window_bounds = array<i64: 2, 4, 2048>}]} {
    %get3A = arith.constant 0 : index
    %get3A_0 = arith.constant 0 : index
    %get3A_1 = arith.constant 0 : index
    %get3A_2 = vector.load %arg1[%get3A, %get3A_0, %get3A_1] : memref<2x6x2048xf32, #tpu.memory_space<vmem>>, vector<2x6x2048xf32>
    %slice3A = vector.extract_strided_slice %get3A_2 {offsets = [0, 0, 0], sizes = [1, 6, 2048], strides = [1, 1, 1]} : vector<2x6x2048xf32> to vector<1x6x2048xf32>
    %squeeze3A = vector.shape_cast %slice3A : vector<1x6x2048xf32> to vector<6x2048xf32>
    %slice3A_3 = vector.extract_strided_slice %get3A_2 {offsets = [1, 0, 0], sizes = [1, 6, 2048], strides = [1, 1, 1]} : vector<2x6x2048xf32> to vector<1x6x2048xf32>
    %squeeze3A_4 = vector.shape_cast %slice3A_3 : vector<1x6x2048xf32> to vector<6x2048xf32>
    %add3A = arith.addf %squeeze3A, %squeeze3A_4 : vector<6x2048xf32>
    %slice3A_5 = vector.extract_strided_slice %add3A {offsets = [0, 0], sizes = [1, 2048], strides = [1, 1]} : vector<6x2048xf32> to vector<1x2048xf32>
    %squeeze3A_6 = vector.shape_cast %slice3A_5 : vector<1x2048xf32> to vector<2048xf32>
    %slice3A_7 = vector.extract_strided_slice %add3A {offsets = [1, 0], sizes = [1, 2048], strides = [1, 1]} : vector<6x2048xf32> to vector<1x2048xf32>
    %squeeze3A_8 = vector.shape_cast %slice3A_7 : vector<1x2048xf32> to vector<2048xf32>
    %slice3A_9 = vector.extract_strided_slice %add3A {offsets = [2, 0], sizes = [1, 2048], strides = [1, 1]} : vector<6x2048xf32> to vector<1x2048xf32>
    %squeeze3A_10 = vector.shape_cast %slice3A_9 : vector<1x2048xf32> to vector<2048xf32>
    %slice3A_11 = vector.extract_strided_slice %add3A {offsets = [3, 0], sizes = [1, 2048], strides = [1, 1]} : vector<6x2048xf32> to vector<1x2048xf32>
    %squeeze3A_12 = vector.shape_cast %slice3A_11 : vector<1x2048xf32> to vector<2048xf32>
    %slice3A_13 = vector.extract_strided_slice %add3A {offsets = [4, 0], sizes = [1, 2048], strides = [1, 1]} : vector<6x2048xf32> to vector<1x2048xf32>
    %squeeze3A_14 = vector.shape_cast %slice3A_13 : vector<1x2048xf32> to vector<2048xf32>
    %slice3A_15 = vector.extract_strided_slice %add3A {offsets = [5, 0], sizes = [1, 2048], strides = [1, 1]} : vector<6x2048xf32> to vector<1x2048xf32>
    %squeeze3A_16 = vector.shape_cast %slice3A_15 : vector<1x2048xf32> to vector<2048xf32>
    %mul3A = arith.mulf %squeeze3A_6, %squeeze3A_6 : vector<2048xf32>
    %mul3A_17 = arith.mulf %squeeze3A_8, %squeeze3A_8 : vector<2048xf32>
    %add3A_18 = arith.addf %mul3A, %mul3A_17 : vector<2048xf32>
    %mul3A_19 = arith.mulf %squeeze3A_10, %squeeze3A_10 : vector<2048xf32>
    %add3A_20 = arith.addf %add3A_18, %mul3A_19 : vector<2048xf32>
    %gt3A = arith.constant 9.99999968E-21 : f32
    %gt3A_21 = vector.broadcast %gt3A : f32 to vector<2048xf32>
    %gt3A_22 = arith.cmpf ogt, %add3A_20, %gt3A_21 : vector<2048xf32>
    %jit3A = arith.constant 0.000000e+00 : f32
    %broadcast_in_dim3A = vector.broadcast %jit3A : f32 to vector<2048xf32>
    %select_n3A = arith.select %gt3A_22, %squeeze3A_6, %broadcast_in_dim3A : vector<2048xi1>, vector<2048xf32>
    %jit3A_23 = arith.constant 0.000000e+00 : f32
    %broadcast_in_dim3A_24 = vector.broadcast %jit3A_23 : f32 to vector<2048xf32>
    %select_n3A_25 = arith.select %gt3A_22, %squeeze3A_8, %broadcast_in_dim3A_24 : vector<2048xi1>, vector<2048xf32>
    %jit3A_26 = arith.constant 1.000000e+00 : f32
    %broadcast_in_dim3A_27 = vector.broadcast %jit3A_26 : f32 to vector<2048xf32>
    %select_n3A_28 = arith.select %gt3A_22, %squeeze3A_10, %broadcast_in_dim3A_27 : vector<2048xi1>, vector<2048xf32>
    %mul3A_29 = arith.mulf %select_n3A, %select_n3A : vector<2048xf32>
    %mul3A_30 = arith.mulf %select_n3A_25, %select_n3A_25 : vector<2048xf32>
    %add3A_31 = arith.addf %mul3A_29, %mul3A_30 : vector<2048xf32>
    %mul3A_32 = arith.mulf %select_n3A_28, %select_n3A_28 : vector<2048xf32>
    %add3A_33 = arith.addf %add3A_31, %mul3A_32 : vector<2048xf32>
    %max3A = arith.constant 9.99999968E-21 : f32
    %max3A_34 = vector.broadcast %max3A : f32 to vector<2048xf32>
    %max3A_35 = arith.maximumf %add3A_33, %max3A_34 : vector<2048xf32>
    %sqrt3A = math.sqrt %max3A_35 : vector<2048xf32>
    %div3A = arith.constant 1.000000e+00 : f32
    %div3A_36 = vector.broadcast %div3A : f32 to vector<2048xf32>
    %div3A_37 = arith.divf %div3A_36, %sqrt3A : vector<2048xf32>
    %mul3A_38 = arith.mulf %select_n3A, %div3A_37 : vector<2048xf32>
    %mul3A_39 = arith.mulf %select_n3A_25, %div3A_37 : vector<2048xf32>
    %mul3A_40 = arith.mulf %select_n3A_28, %div3A_37 : vector<2048xf32>
    %mul3A_41 = arith.mulf %squeeze3A_12, %squeeze3A_12 : vector<2048xf32>
    %mul3A_42 = arith.mulf %squeeze3A_14, %squeeze3A_14 : vector<2048xf32>
    %add3A_43 = arith.addf %mul3A_41, %mul3A_42 : vector<2048xf32>
    %mul3A_44 = arith.mulf %squeeze3A_16, %squeeze3A_16 : vector<2048xf32>
    %add3A_45 = arith.addf %add3A_43, %mul3A_44 : vector<2048xf32>
    %max3A_46 = arith.constant 9.99999968E-21 : f32
    %max3A_47 = vector.broadcast %max3A_46 : f32 to vector<2048xf32>
    %max3A_48 = arith.maximumf %add3A_45, %max3A_47 : vector<2048xf32>
    %sqrt3A_49 = math.sqrt %max3A_48 : vector<2048xf32>
    %div3A_50 = arith.constant 1.000000e+00 : f32
    %div3A_51 = vector.broadcast %div3A_50 : f32 to vector<2048xf32>
    %div3A_52 = arith.divf %div3A_51, %sqrt3A_49 : vector<2048xf32>
    %mul3A_53 = arith.mulf %squeeze3A_12, %div3A_52 : vector<2048xf32>
    %mul3A_54 = arith.mulf %squeeze3A_14, %div3A_52 : vector<2048xf32>
    %mul3A_55 = arith.mulf %squeeze3A_16, %div3A_52 : vector<2048xf32>
    %mul3A_56 = arith.mulf %mul3A_53, %mul3A_38 : vector<2048xf32>
    %mul3A_57 = arith.mulf %mul3A_54, %mul3A_39 : vector<2048xf32>
    %add3A_58 = arith.addf %mul3A_56, %mul3A_57 : vector<2048xf32>
    %mul3A_59 = arith.mulf %mul3A_55, %mul3A_40 : vector<2048xf32>
    %add3A_60 = arith.addf %add3A_58, %mul3A_59 : vector<2048xf32>
    %mul3A_61 = arith.mulf %add3A_60, %mul3A_38 : vector<2048xf32>
    %sub3A = arith.subf %mul3A_53, %mul3A_61 : vector<2048xf32>
    %mul3A_62 = arith.mulf %add3A_60, %mul3A_39 : vector<2048xf32>
    %sub3A_63 = arith.subf %mul3A_54, %mul3A_62 : vector<2048xf32>
    %mul3A_64 = arith.mulf %add3A_60, %mul3A_40 : vector<2048xf32>
    %sub3A_65 = arith.subf %mul3A_55, %mul3A_64 : vector<2048xf32>
    %mul3A_66 = arith.mulf %sub3A, %sub3A : vector<2048xf32>
    %mul3A_67 = arith.mulf %sub3A_63, %sub3A_63 : vector<2048xf32>
    %add3A_68 = arith.addf %mul3A_66, %mul3A_67 : vector<2048xf32>
    %mul3A_69 = arith.mulf %sub3A_65, %sub3A_65 : vector<2048xf32>
    %add3A_70 = arith.addf %add3A_68, %mul3A_69 : vector<2048xf32>
    %max3A_71 = arith.constant 9.99999968E-21 : f32
    %max3A_72 = vector.broadcast %max3A_71 : f32 to vector<2048xf32>
    %max3A_73 = arith.maximumf %add3A_70, %max3A_72 : vector<2048xf32>
    %sqrt3A_74 = math.sqrt %max3A_73 : vector<2048xf32>
    %div3A_75 = arith.constant 1.000000e+00 : f32
    %div3A_76 = vector.broadcast %div3A_75 : f32 to vector<2048xf32>
    %div3A_77 = arith.divf %div3A_76, %sqrt3A_74 : vector<2048xf32>
    %mul3A_78 = arith.mulf %sub3A, %div3A_77 : vector<2048xf32>
    %mul3A_79 = arith.mulf %sub3A_63, %div3A_77 : vector<2048xf32>
    %mul3A_80 = arith.mulf %sub3A_65, %div3A_77 : vector<2048xf32>
    %broadcast_in_dim3A_81 = arith.constant 0.000000e+00 : f32
    %broadcast_in_dim3A_82 = vector.broadcast %broadcast_in_dim3A_81 : f32 to vector<2048xf32>
    %stack3A = vector.shape_cast %mul3A_38 : vector<2048xf32> to vector<1x2048xf32>
    %stack3A_83 = vector.shape_cast %mul3A_39 : vector<2048xf32> to vector<1x2048xf32>
    %stack3A_84 = vector.shape_cast %mul3A_40 : vector<2048xf32> to vector<1x2048xf32>
    %stack3A_85 = vector.shape_cast %broadcast_in_dim3A_82 : vector<2048xf32> to vector<1x2048xf32>
    %stack3A_86 = tpu.concatenate %stack3A, %stack3A_83, %stack3A_84, %stack3A_85 in 0 : vector<1x2048xf32>, vector<1x2048xf32>, vector<1x2048xf32>, vector<1x2048xf32> -> vector<4x2048xf32>
    %stack3A_87 = vector.shape_cast %mul3A_78 : vector<2048xf32> to vector<1x2048xf32>
    %stack3A_88 = vector.shape_cast %mul3A_79 : vector<2048xf32> to vector<1x2048xf32>
    %stack3A_89 = vector.shape_cast %mul3A_80 : vector<2048xf32> to vector<1x2048xf32>
    %stack3A_90 = vector.shape_cast %broadcast_in_dim3A_82 : vector<2048xf32> to vector<1x2048xf32>
    %stack3A_91 = tpu.concatenate %stack3A_87, %stack3A_88, %stack3A_89, %stack3A_90 in 0 : vector<1x2048xf32>, vector<1x2048xf32>, vector<1x2048xf32>, vector<1x2048xf32> -> vector<4x2048xf32>
    %stack3A_92 = vector.shape_cast %stack3A_86 : vector<4x2048xf32> to vector<1x4x2048xf32>
    %stack3A_93 = vector.shape_cast %stack3A_91 : vector<4x2048xf32> to vector<1x4x2048xf32>
    %stack3A_94 = tpu.concatenate %stack3A_92, %stack3A_93 in 0 : vector<1x4x2048xf32>, vector<1x4x2048xf32> -> vector<2x4x2048xf32>
    %swap3A = arith.constant 0 : index
    %swap3A_95 = arith.constant 0 : index
    %swap3A_96 = arith.constant 0 : index
    %swap3A_97 = vector.load %arg2[%swap3A, %swap3A_95, %swap3A_96] : memref<2x4x2048xf32, #tpu.memory_space<vmem>>, vector<2x4x2048xf32>
    tpu.vector_store %arg2[%swap3A, %swap3A_95, %swap3A_96], %stack3A_94 {strides = array<i32>} : memref<2x4x2048xf32, #tpu.memory_space<vmem>>, vector<2x4x2048xf32>,
    return
  }
  func.func @transform_0(%arg0: i32) -> (i32, i32, i32) {
    %c0_i32 = arith.constant 0 : i32
    %c0_i32_0 = arith.constant 0 : i32
    %c0_i32_1 = arith.constant 0 : i32
    return %c0_i32, %c0_i32_0, %arg0 : i32, i32, i32
  }
  func.func @transform_1(%arg0: i32) -> (i32, i32, i32) {
    %c0_i32 = arith.constant 0 : i32
    %c0_i32_0 = arith.constant 0 : i32
    %c0_i32_1 = arith.constant 0 : i32
    return %c0_i32, %c0_i32_0, %arg0 : i32, i32, i32
  }
}

</mosaic_0001>

<sc_bundles>
// kernel: kernel.4.cloned.1.call-start
scs
__scs_entry_jumppad:
0x0: {  	(pc) =	sbr.rel $0x88, $3  }
0x1: {  	(tag) =	ssettag $0x0;
	lr =	simm.s32 $0x1  }
0x2: {  	[smem:$0x3F9D] =	sst lr;
	_ =	strace $0xD0000000  }
0x3: {  	_ = 	snop  }
0x4: {  	_ = 	snop  }
0x5: {  	_ = 	snop  }
0x6: {  	_ = 	snop  }
0x7: {  	_ = 	snop  }
__scs_overlays_trampoline_lowered:
0x8: {  	[smem:$0x3FAC] =	sst s0  }
0x9: {  	[smem:$0x3FAD] =	sst s1  }
0xa: {  	[smem:$0x3FAE] =	sst s2  }
0xb: {  	[smem:$0x3FAF] =	sst s3  }
0xc: {  	[smem:$0x3FB0] =	sst s4  }
0xd: {  	[smem:$0x3FB1] =	sst s5  }
0xe: {  	[smem:$0x3FB2] =	sst s6  }
0xf: {  	[smem:$0x3FB3] =	sst s7  }
0x10: {  	[smem:$0x3FB4] =	sst s8  }
0x11: {  	[smem:$0x3FB5] =	sst s9;
	s0 =	simm.s32 @!p0 $0x0  }
0x12: {  	s1 =	sld [smem:$0x3F9B];
	s0 =	simm.s32 @p0 $0x1  }
0x13: {  	[smem:$0x3FB6] =	sst s0;
	s0 =	simm.s32 @!p1 $0x0  }
0x14: {  	s2 =	sld [smem:$0x3F9A];
	s0 =	simm.s32 @p1 $0x1  }
0x15: {  	[smem:$0x3FB7] =	sst s0;
	s0 =	simm.s32 @!p2 $0x0  }
0x16: {  	s3 =	sld [smem:$0x3FDB];
	s0 =	simm.s32 @p2 $0x1  }
0x17: {  	s4 =	simm.s32 $0x1BF5;
	[smem:$0x3FB9] =	sst s0  }
0x18: {  	s0 =	sld [smem:$0x3F9C];
	_ =	swait.ge [sflag:s4], $0x0  }
0x19: {  	s7 =	sld [smem:$0x3F9D]  }
0x1a: {  	s8 =	sadd.s32 $0xFFFFE003, lr  }
0x1b: {  	s9 =	sadd.s32 $0xFFFFFEF7, lr;
	s5 =	simm.s32 $0xFFFFFFFF;
	p2 =	slt.u32 s8, $0xFFFFF086  }
0x1c: {  	p1 =	slt.u32 s9, $0xF7A;
	s5 =	simm.s32 @!p2 $0x0  }
0x1d: {  	s5 =	simm.s32 @p1 $0x1;
	p0 =	seq.s32 s7, s2  }
0x1e: {  	s7 =	smul.u32 @!p0 $0xF7A, s2;
	p2 =	seq.s32 @!p0 s5, $0x0  }
0x1f: {  	s9 =	smul.u32 $0xF7A, s1;
	s8 =	simm.s32 @!p0 $0x1BF5;
	p2 =	por !p2, p0  }
0x20: {  	[sflag:s8] =	ssyncset.s32 @!p0 $0xFFFFF086;
	s6 =	sadd.s32 @!p0 s3, s7;
	s7 =	simm.s32 @!p0 $0x108  }
0x21: {  	s3 =	sadd.s32 s3, s9;
	s6 =	sadd.s32 @!p0 $0x88, s6;
	s7 =	simm.s32 @p2 $0x1082  }
0x22: {  	[simem:s7], [sflag:s8] =	dma.local @!p0 [hbm:s6], $0xF7A  }
0x23: {  	s9 =	sor.u32 $0xD0000000, s2;
	s6 =	simm.s32 $0x108;
	_ =	swait.ge @!p0 [sflag:s8], $0x0  }
0x24: {  	s3 =	sadd.s32 $0x88, s3;
	s6 =	simm.s32 @!p1 $0x1082;
	[sflag:s4] =	ssyncset.s32 $0xFFFFF086  }
0x25: {  	[simem:s6], [sflag:s4] =	dma.local [hbm:s3], $0xF7A  }
0x26: {  	[smem:$0x3F9D] =	sst s1;
	(tag) =	ssettag s2;
	_ =	strace s9  }
0x27: {  	s1 =	sld [smem:$0x3FAD]  }
0x28: {  	s2 =	sld [smem:$0x3FAE]  }
0x29: {  	s4 =	sld [smem:$0x3FB0]  }
0x2a: {  	p0 =	seq.s32 s5, $0x0;
	s5 =	sld [smem:$0x3FB1]  }
0x2b: {  	s6 =	sld [smem:$0x3FB2]  }
0x2c: {  	s7 =	sld [smem:$0x3FB3]  }
0x2d: {  	s3 =	simm.s32 $0x108;
	s8 =	sld [smem:$0x3FB4]  }
0x2e: {  	s3 =	simm.s32 @!p0 $0x1082;
	s9 =	sld [smem:$0x3FB5]  }
0x2f: {  	lr =	sadd.s32 s0, s3;
	s0 =	sld [smem:$0x3FAC]  }
0x30: {  	s3 =	sld [smem:$0x3FAF]  }
0x31: {  	[smem:$0x3FB8] =	sst s10  }
0x32: {  	s10 =	sld [smem:$0x3FB6];
	_ =	sdelay $0x3  }
0x33: {  	p0 =	seq.s32 s10, $0x1;
	s10 =	sld [smem:$0x3FB8];
	_ =	sdelay $0x3  }
0x34: {  	[smem:$0x3FB8] =	sst s10  }
0x35: {  	s10 =	sld [smem:$0x3FB7];
	_ =	sdelay $0x3  }
0x36: {  	p1 =	seq.s32 s10, $0x1;
	s10 =	sld [smem:$0x3FB8];
	_ =	sdelay $0x3  }
0x37: {  	[smem:$0x3FB8] =	sst s10  }
0x38: {  	s10 =	sld [smem:$0x3FB9]  }
0x39: {  	_ = 	snop;
	(pc) =	sbr.ind lr, $3  }
0x3a: {  	_ = 	snop  }
0x3b: {  	_ = 	snop  }
0x3c: {  	p2 =	seq.s32 s10, $0x1;
	s10 =	sld [smem:$0x3FB8]  }
0x3d: {  	_ =	shalt  }
0x3e: {  	_ =	shalt  }
0x3f: {  	_ =	shalt  }
0x40: {  	_ =	shalt  }
0x41: {  	_ =	shalt  }
0x42: {  	_ =	shalt  }
0x43: {  	_ =	shalt  }
0x44: {  	_ =	shalt  }
0x45: {  	_ =	shalt  }
0x46: {  	_ =	shalt  }
0x47: {  	_ =	shalt  }
0x48: {  	_ =	shalt  }
0x49: {  	_ =	shalt  }
0x4a: {  	_ =	shalt  }
0x4b: {  	_ =	shalt  }
0x4c: {  	_ =	shalt  }
0x4d: {  	_ =	shalt  }
0x4e: {  	_ =	shalt  }
0x4f: {  	_ =	shalt  }
0x50: {  	_ =	shalt  }
0x51: {  	_ =	shalt  }
0x52: {  	_ =	shalt  }
0x53: {  	_ =	shalt  }
0x54: {  	_ =	shalt  }
0x55: {  	_ =	shalt  }
0x56: {  	_ =	shalt  }
0x57: {  	_ =	shalt  }
0x58: {  	_ =	shalt  }
0x59: {  	_ =	shalt  }
0x5a: {  	_ =	shalt  }
0x5b: {  	_ =	shalt  }
0x5c: {  	_ =	shalt  }
0x5d: {  	_ =	shalt  }
0x5e: {  	_ =	shalt  }
0x5f: {  	_ =	shalt  }
0x60: {  	_ =	shalt  }
0x61: {  	_ =	shalt  }
0x62: {  	_ =	shalt  }
0x63: {  	_ =	shalt  }
0x64: {  	_ =	shalt  }
0x65: {  	_ =	shalt  }
0x66: {  	_ =	shalt  }
0x67: {  	_ =	shalt  }
0x68: {  	_ =	shalt  }
0x69: {  	_ =	shalt  }
0x6a: {  	_ =	shalt  }
0x6b: {  	_ =	shalt  }
0x6c: {  	_ =	shalt  }
0x6d: {  	_ =	shalt  }
0x6e: {  	_ =	shalt  }
0x6f: {  	_ =	shalt  }
0x70: {  	_ =	shalt  }
0x71: {  	_ =	shalt  }
0x72: {  	_ =	shalt  }
0x73: {  	_ =	shalt  }
0x74: {  	_ =	shalt  }
0x75: {  	_ =	shalt  }
0x76: {  	_ =	shalt  }
0x77: {  	_ =	shalt  }
0x78: {  	_ =	shalt  }
0x79: {  	_ =	shalt  }
0x7a: {  	_ =	shalt  }
0x7b: {  	_ =	shalt  }
0x7c: {  	_ =	shalt  }
0x7d: {  	_ =	shalt  }
0x7e: {  	_ =	shalt  }
0x7f: {  	_ =	shalt  }
0x80: {  	_ =	shalt  }
0x81: {  	_ =	shalt  }
0x82: {  	_ =	shalt  }
0x83: {  	_ =	shalt  }
0x84: {  	_ =	shalt  }
0x85: {  	_ =	shalt  }
0x86: {  	_ =	shalt  }
0x87: {  	_ =	shalt  }
.Lfunc_end0:
.L_simem_size_0:
called_computation_lowered:
.L_overlay_start_0:
0x88: {  	s2 =	sld [smem:$0x3FD9]  }
0x89: {  	s3 =	sld [smem:$0x3FFE];
	_ =	sdelay $0x1  }
0x8a: {  	s1 =	srdreg.scid  }
0x8b: {  	s0 =	sand.u32 $0x1, s1  }
0x8c: {  	s17 =	sshll.u32 s0, $0xA;
	s2 =	sadd.s32 s3, s2  }
0x8d: {  	s2 =	sadd.s32 s2, s17  }
0x8e: {  	[smem:$0x3FC4] =	sst s2  }
0x8f: {  	_ = 	snop  }
0x90: {  	s2 =	sld [smem:$0x3FD0];
	(tm) =	ssettm $0x1  }
0x91: {  	s18 =	sld [smem:$0x3FFB];
	_ =	sdelay $0x3  }
0x92: {  	_ =	strace s18  }
0x93: {  	s3 =	sld [smem:$0x3FFC];
	_ =	sdelay $0x3  }
0x94: {  	_ =	strace s3  }
0x95: {  	s3 =	sld [smem:$0x3FFD];
	_ =	sdelay $0x3  }
0x96: {  	_ =	strace s3  }
0x97: {  	_ =	strace $0x8FFFFFFF  }
0x98: {  	s19 =	sld [smem:$0x3FDB];
	_ =	sdelay $0x1  }
0x99: {  	s4 =	simm.s32 $_scs_section_size  }
0x9a: {  	s5 =	simm.s32 $_size__tile_overlayer_lowered;
	s6 =	simm.s32 $_tile_overlayer_lowered  }
0x9b: {  	s22 =	simm.s32 $0x1BFF;
	s21 =	sshll.u32 s6, $0x1;
	s3 =	sadd.s32 s4, s19  }
0x9c: {  	s7 =	simm.s32 $0x0;
	s20 =	sshll.u32 s5, $0x1;
	s5 =	sadd.s32 s21, s3  }
0x9d: {  	[timem:s7], [sflag:s22] =	dma.local [hbm:s5], s20  }
0x9e: {  	_ =	swait.ge [sflag:s22], s20  }
0x9f: {  	s4 =	ssub.s32 $0x0, s20;
	[sflag:s22] =	ssyncset.done $0x0  }
0xa0: {  	[sflag:s22] =	ssyncadd.s32 s4;
	_ =	sdelay $0x1  }
0xa1: {  	s23 =	simm.s32 $0x1B8B  }
0xa2: {  	_ =	swait.ge [sflag:s23], $0x1  }
0xa3: {  	[sflag:s23] =	ssyncset.done $0x0  }
0xa4: {  	s25 =	simm.s32 $0x1B8E;
	s24 =	sld [smem:$0x3FFE];
	[sflag:s23] =	ssyncadd.s32 $0xFFFFFFFF  }
0xa5: {  	s26 =	simm.s32 $execute0_lowered;
	[smem:$0x3FD2] =	sst s25  }
0xa6: {  	s5 =	sshll.u32 s26, $0x1;
	_ =	strace $0x80000046;
	[dreg:$0x1] =	wrdreg $0xFFFFFFFF  }
0xa7: {  	s28 =	simm.s32 $_size_execute0_lowered;
	s3 =	sadd.s32 s3, s5;
	[dreg:$0x0] =	wrdreg $0x0  }
0xa8: {  	s5 =	sshll.u32 s28, $0x1;
	[dreg:$0x2] =	wrdreg s3  }
0xa9: {  	[dreg:$0x3] =	wrdreg s5  }
0xaa: {  	[dreg:$0x4] =	wrdreg $0xC0  }
0xab: {  	_ =	task [dreg:s7], $0x5FFFF  }
0xac: {  	[dreg:$0x1] =	wrdreg $0xFFFFFFFF  }
0xad: {  	[dreg:$0x0] =	wrdreg $0x60  }
0xae: {  	[dreg:$0x2] =	wrdreg s24  }
0xaf: {  	[dreg:$0x3] =	wrdreg s2  }
0xb0: {  	[dreg:$0x4] =	wrdreg $0x141200  }
0xb1: {  	[dreg:$0x5] =	wrdreg $0x159A00  }
0xb2: {  	[dreg:$0x6] =	wrdreg $0x172200  }
0xb3: {  	[dreg:$0x7] =	wrdreg $0x18AA00  }
0xb4: {  	[dreg:$0x8] =	wrdreg $0x1A3200  }
0xb5: {  	[dreg:$0x9] =	wrdreg $0x1BBA00  }
0xb6: {  	[dreg:$0xa] =	wrdreg $0xBD000  }
0xb7: {  	[dreg:$0xb] =	wrdreg $0xD5800  }
0xb8: {  	[dreg:$0xc] =	wrdreg $0xEE000  }
0xb9: {  	[dreg:$0xd] =	wrdreg $0x106800  }
0xba: {  	[dreg:$0xe] =	wrdreg $0x123D00  }
0xbb: {  	[dreg:$0xf] =	wrdreg $0x9  }
0xbc: {  	_ =	task.clear_ibuf [dreg:s7], $0x10FFFF;
	_ =	strace $0x90000046  }
0xbd: {  	s29 =	simm.s32 $0x9;
	_ =	strace $0x80000048  }
0xbe: {  	_ =	swait.ge [sflag:s29], $0x1  }
0xbf: {  	[sflag:s29] =	ssyncadd.s32 $0xFFFFFFFF  }
0xc0: {  	_ =	strace $0x90000048  }
0xc1: {  	_ =	sfence  }
0xc2: {  	s30 =	sld [smem:$0x0];
	_ =	sdelay $0x2  }
0xc3: {  	s31 =	sshll.u32 s1, $0xD;
	s1 =	sshrl.u32 s1, $0x2  }
0xc4: {  	s3 =	sand.u32 $0x4000, s31;
	s1 =	sadd.s32 s1, s30  }
0xc5: {  	s0 =	sor.u32 s3, s0;
	s1 =	sshll.u32 s1, $0x11  }
0xc6: {  	s0 =	sor.u32 s1, s0  }
0xc7: {  	s0 =	sadd.s32 $0x8F2B, s0  }
0xc8: {  	[sflag:s0] =	ssyncadd.remote.s32 $0x1  }
0xc9: {  	_ =	sfence.sel $0xFFFF  }
0xca: {  	[dreg:$0x0] =	wrdreg $0xFFFFFFFF;
	(pc) =	sbr.abs _section_cstart, $3  }
0xcb: {  	[dreg:$0x1] =	wrdreg $0xFFFFFFFF  }
0xcc: {  	_ =	task.clear_ibuf [dreg:s7], $0x2FFFF;
	_ =	strace $0x9FFFFFFF  }
0xcd: {  	(tm) =	ssettm $0x7FFFFFFF  }
tec
execute0_lowered:
.L_overlay_start_1:
0x0: {  	(tag) =	ssettag $0x1  }
0x1: {  	s4 =	rddreg [dreg:$0x0]  }
0x2: {  	s10 =	rddreg [dreg:$0x1]  }
0x3: {  	s0 =	rddreg [dreg:$0x2]  }
0x4: {  	s1 =	rddreg [dreg:$0x3]  }
0x5: {  	s2 =	rddreg [dreg:$0x4]  }
0x6: {  	s3 =	rddreg [dreg:$0x5]  }
0x7: {  	s5 =	rddreg [dreg:$0x6]  }
0x8: {  	s6 =	rddreg [dreg:$0x7];
	s11 =	srdreg.scid  }
0x9: {  	s7 =	rddreg [dreg:$0x8];
	s14 =	sand.u32 $0x1, s11  }
0xa: {  	s8 =	rddreg [dreg:$0x9];
	s20 =	stileid.u32;
	s16 =	sshll.u32 s14, $0x4  }
0xb: {  	s9 =	rddreg [dreg:$0xa];
	s16 =	sor.u32 s20, s16  }
0xc: {  	s12 =	rddreg [dreg:$0xc];
	s16 =	smul.u32 $0x1C00, s16  }
0xd: {  	s21 =	simm.s32 $0x0;
	s11 =	rddreg [dreg:$0xb];
	s17 =	smul.u32 $0xC400, s20  }
0xe: {  	s18 =	sadd.s32 $0xD600, s4;
	s19 =	sadd.s32 $0x22600, s4;
	s16 =	sshrl.u32 s16, $0x3  }
0xf: {  	[smem:$0x7FF] =	sst s21;
	s15 =	smul.u32 $0xC4000, s14;
	s25 =	sadd.s32 s18, s16  }
0x10: {  	s26 =	sadd.s32 $0x7000, s16;
	s22 =	sadd.s32 s19, s16;
	[dreg:$0xe] =	wrdreg s25  }
0x11: {  	s15 =	sadd.s32 s17, s15;
	[dreg:$0xf] =	wrdreg s22;
	s30 =	sadd.s32 s18, s26  }
0x12: {  	s16 =	sadd.s32 $0xE000, s16;
	s17 =	sadd.s32 s19, s26;
	[dreg:$0x10] =	wrdreg s30  }
0x13: {  	s13 =	smul.u32 $0x1880, s20;
	s22 =	sadd.s32 s18, s16;
	[dreg:$0x11] =	wrdreg s17  }
0x14: {  	s16 =	sadd.s32 s19, s16;
	s25 =	sshll.u32 s20, $0x6;
	[dreg:$0x12] =	wrdreg s22  }
0x15: {  	s19 =	sadd.s32 s13, s0;
	s17 =	smul.u32 $0x1D50, s20;
	[dreg:$0x13] =	wrdreg s16  }
0x16: {  	s20 =	sadd.s32 s13, s1;
	_ =	strace $0x80000047;
	[dreg:$0x1a] =	wrdreg s19  }
0x17: {  	s23 =	sshrl.u32 s13, $0x3;
	s22 =	sadd.s32 s13, s2;
	[dreg:$0x1b] =	wrdreg s20  }
0x18: {  	s16 =	sadd.s32 s23, s4;
	s23 =	sadd.s32 s13, s3;
	[dreg:$0x1c] =	wrdreg s22  }
0x19: {  	s21 =	sor.u32 $0x1C02, s25;
	s25 =	sadd.s32 s13, s6;
	[dreg:$0x1d] =	wrdreg s23  }
0x1a: {  	[dreg:$0x1f] =	wrdreg s25  }
0x1b: {  	s26 =	sadd.s32 $0xA400, s16;
	[dreg:$0x16] =	wrdreg s21  }
0x1c: {  	s15 =	sshrl.u32 s15, $0x3;
	s30 =	sadd.s32 $0x7200, s16;
	[dreg:$0x17] =	wrdreg s26  }
0x1d: {  	s15 =	sadd.s32 s15, s4;
	s18 =	sadd.s32 $0x4000, s16;
	[dreg:$0x18] =	wrdreg s30  }
0x1e: {  	s20 =	sadd.s32 $0x37A00, s15;
	[dreg:$0x19] =	wrdreg s18  }
0x1f: {  	s28 =	simm.s32 $0xBB00;
	s22 =	sadd.s32 $0x37A10, s15;
	[smem:$0x7F7] =	sst s20  }
0x20: {  	s29 =	simm.s32 $0xBB80;
	s23 =	sadd.s32 $0x37A20, s15;
	[smem:$0x7F8] =	sst s22  }
0x21: {  	s31 =	simm.s32 $0xBC00;
	s25 =	sadd.s32 $0x37A40, s15;
	[smem:$0x7F9] =	sst s23  }
0x22: {  	s14 =	ssub.s32 $0x2, s14;
	s26 =	sadd.s32 s13, s7;
	[smem:$0x7FB] =	sst s25  }
0x23: {  	s24 =	sshrl.u32 s14, $0x1;
	s30 =	sadd.s32 s13, s8;
	[smem:$0x7F1] =	sst s26  }
0x24: {  	s14 =	ssub.s32 s14, s24;
	s18 =	sadd.s32 s17, s11;
	[smem:$0x7F2] =	sst s30  }
0x25: {  	s24 =	sshrl.u32 s17, $0x3;
	s19 =	sadd.s32 s17, s12;
	[smem:$0x7F5] =	sst s18  }
0x26: {  	s17 =	simm.s32 $0x80;
	s10 =	sadd.s32 s10, s24;
	[smem:$0x7F6] =	sst s19  }
0x27: {  	s20 =	simm.s32 $0xB880;
	s26 =	sadd.s32 $0x37A50, s15;
	[dreg:$0x14] =	wrdreg s10  }
0x28: {  	s23 =	simm.s32 $0xB900;
	s30 =	smax.u32 s14, $0x1;
	[smem:$0x7FC] =	sst s26  }
0x29: {  	s10 =	sadd.s32 s24, s4;
	s4 =	sadd.s32 $0x37600, s4;
	[smem:$0x7FD] =	sst s30  }
0x2a: {  	s25 =	simm.s32 $0xBA00;
	s24 =	sadd.s32 s13, s5;
	[dreg:$0x15] =	wrdreg s4  }
0x2b: {  	s18 =	simm.s32 $0x1;
	s13 =	sadd.s32 s13, s9;
	[dreg:$0x1e] =	wrdreg s24  }
0x2c: {  	s26 =	simm.s32 $0xBA80;
	[smem:$0x7F3] =	sst s13;
	s16 =	sadd.s32 $0x400, s10  }
0x2d: {  	s24 =	sadd.s32 $0x37A30, s15;
	s4 =	simm.s32 $0xBC80;
	[smem:$0x7F4] =	sst s16  }
0x2e: {  	s13 =	simm.s32 $0x0;
	[smem:$0x7FA] =	sst s24;
	s24 =	simm.s32 $0xB980  }
.LBB2_1:
0x2f: {  	[smem:$0x7EA] =	sst s13  }
0x30: {  	s10 =	rddreg [dreg:$0x1a]  }
0x31: {  	s15 =	rddreg [dreg:$0x15];
	s14 =	sshrl.u32 s10, $0x3  }
0x32: {  	[smem:$0x7EB] =	sst s14  }
0x33: {  	[spmem:s14], [sflag:s21] =	dma.local [hbm:s15], $0x310  }
0x34: {  	s13 =	rddreg [dreg:$0x1b]  }
0x35: {  	s13 =	sshrl.u32 s13, $0x3  }
0x36: {  	[smem:$0x7EC] =	sst s13  }
0x37: {  	[spmem:s13], [sflag:s21] =	dma.local [hbm:s15], $0x310  }
0x38: {  	s13 =	rddreg [dreg:$0x1c]  }
0x39: {  	s13 =	sshrl.u32 s13, $0x3  }
0x3a: {  	[smem:$0x7ED] =	sst s13  }
0x3b: {  	[spmem:s13], [sflag:s21] =	dma.local [hbm:s15], $0x310  }
0x3c: {  	s13 =	rddreg [dreg:$0x1d]  }
0x3d: {  	s13 =	sshrl.u32 s13, $0x3  }
0x3e: {  	[smem:$0x7EE] =	sst s13  }
0x3f: {  	[spmem:s13], [sflag:s21] =	dma.local [hbm:s15], $0x310  }
0x40: {  	s13 =	rddreg [dreg:$0x1e]  }
0x41: {  	s13 =	sshrl.u32 s13, $0x3  }
0x42: {  	[smem:$0x7EF] =	sst s13  }
0x43: {  	[spmem:s13], [sflag:s21] =	dma.local [hbm:s15], $0x310  }
0x44: {  	s13 =	rddreg [dreg:$0x1f]  }
0x45: {  	s13 =	sshrl.u32 s13, $0x3  }
0x46: {  	[smem:$0x7F0] =	sst s13  }
0x47: {  	[spmem:s13], [sflag:s21] =	dma.local [hbm:s15], $0x310  }
0x48: {  	s10 =	simm.s32 $0x0;
	s13 =	rddreg [dreg:$0xe]  }
0x49: {  	[tilespmem:s10], [sflag:$0x2] =	stream.linear.gather [hbm4b:s13+s10], $0x1900, $0x38;
	[tilespmem:$0x1F1A0] =	vst v63  }
0x4a: {  	s14 =	simm.s32 $0x5400;
	s16 =	rddreg [dreg:$0xf]  }
0x4b: {  	[tilespmem:s14], [sflag:$0x2] =	stream.linear.gather [hbm4b:s16+s10], $0x1900, $0x38;
	[tilespmem:$0x1F1A0] =	vst v63  }
0x4c: {  	s15 =	simm.s32 $0x1C00;
	s19 =	rddreg [dreg:$0x10]  }
0x4d: {  	[tilespmem:s15], [sflag:$0x2] =	stream.linear.gather [hbm4b:s19+s10], $0x1900, $0x38;
	[tilespmem:$0x1F1A0] =	vst v63  }
0x4e: {  	s21 =	rddreg [dreg:$0x11];
	s16 =	simm.s32 $0x7000  }
0x4f: {  	[tilespmem:s16], [sflag:$0x2] =	stream.linear.gather [hbm4b:s21+s10], $0x1900, $0x38;
	[tilespmem:$0x1F1A0] =	vst v63  }
0x50: {  	s22 =	rddreg [dreg:$0x12];
	s21 =	simm.s32 $0x3800  }
0x51: {  	[tilespmem:s21], [sflag:$0x2] =	stream.linear.gather [hbm4b:s22+s10], $0x1900, $0x38;
	[tilespmem:$0x1F1A0] =	vst v63  }
0x52: {  	s30 =	rddreg [dreg:$0x13];
	s22 =	simm.s32 $0x8C00  }
0x53: {  	[tilespmem:s22], [sflag:$0x2] =	stream.linear.gather [hbm4b:s30+s10], $0x1900, $0x38;
	[tilespmem:$0x1F1A0] =	vst v63  }
0x54: {  	s19 =	rddreg [dreg:$0x17];
	s30 =	simm.s32 $0x1D420  }
0x55: {  	[tilespmem:s30], [sflag:$0x4] =	stream.linear.gather [hbm4b:s19+s10], $0x1880, $0x38;
	[tilespmem:$0x1F1A0] =	vst v63  }
0x56: {  	s19 =	simm.s32 $0x4  }
0x57: {  	_ =	swait.ge [sflag:s19], $0x1880  }
0x58: {  	s13 =	sld [smem:$0x7F1]  }
0x59: {  	[sflag:s19] =	ssyncset.done $0x0  }
0x5a: {  	[sflag:s19] =	ssyncadd.s32 $0xFFFFE780  }
0x5b: {  	[spmem:s13] =	stream.linear.scatter [tilespmem:s30], [sflag:$0x4], $0x1880, $0x38;
	[tilespmem:$0x1F1A0] =	vst v63  }
0x5c: {  	_ =	swait.ge [sflag:s19], $0x1880  }
0x5d: {  	[sflag:s19] =	ssyncset.done $0x0  }
0x5e: {  	s13 =	rddreg [dreg:$0x18];
	[sflag:s19] =	ssyncadd.s32 $0xFFFFE780  }
0x5f: {  	[tilespmem:s30], [sflag:$0x4] =	stream.linear.gather [hbm4b:s13+s10], $0x1880, $0x38;
	[tilespmem:$0x1F1A0] =	vst v63  }
0x60: {  	_ =	swait.ge [sflag:s19], $0x1880  }
0x61: {  	s13 =	sld [smem:$0x7F2]  }
0x62: {  	[sflag:s19] =	ssyncset.done $0x0  }
0x63: {  	[sflag:s19] =	ssyncadd.s32 $0xFFFFE780  }
0x64: {  	[spmem:s13] =	stream.linear.scatter [tilespmem:s30], [sflag:$0x4], $0x1880, $0x38;
	[tilespmem:$0x1F1A0] =	vst v63  }
0x65: {  	_ =	swait.ge [sflag:s19], $0x1880  }
0x66: {  	[sflag:s19] =	ssyncset.done $0x0  }
0x67: {  	s13 =	rddreg [dreg:$0x19];
	[sflag:s19] =	ssyncadd.s32 $0xFFFFE780  }
0x68: {  	[tilespmem:s30], [sflag:$0x4] =	stream.linear.gather [hbm4b:s13+s10], $0x1880, $0x38;
	[tilespmem:$0x1F1A0] =	vst v63  }
0x69: {  	_ =	swait.ge [sflag:s19], $0x1880  }
0x6a: {  	s13 =	sld [smem:$0x7F3]  }
0x6b: {  	[sflag:s19] =	ssyncset.done $0x0  }
0x6c: {  	[sflag:s19] =	ssyncadd.s32 $0xFFFFE780  }
0x6d: {  	[spmem:s13] =	stream.linear.scatter [tilespmem:s30], [sflag:$0x4], $0x1880, $0x38;
	[tilespmem:$0x1F1A0] =	vst v63  }
0x6e: {  	_ =	swait.ge [sflag:s19], $0x1880  }
0x6f: {  	s13 =	sld [smem:$0x7F4]  }
0x70: {  	[sflag:s19] =	ssyncset.done $0x0  }
0x71: {  	[sflag:s19] =	ssyncadd.s32 $0xFFFFE780  }
0x72: {  	[tilespmem:s30], [sflag:$0x4] =	stream.linear.gather [hbm4b:s13+s10], $0x1D50, $0x38;
	[tilespmem:$0x1F1A0] =	vst v63  }
0x73: {  	_ =	swait.ge [sflag:s19], $0x1D50  }
0x74: {  	s13 =	sld [smem:$0x7F5]  }
0x75: {  	[sflag:s19] =	ssyncset.done $0x0  }
0x76: {  	[sflag:s19] =	ssyncadd.s32 $0xFFFFE2B0  }
0x77: {  	[spmem:s13] =	stream.linear.scatter [tilespmem:s30], [sflag:$0x4], $0x1D50, $0x38;
	[tilespmem:$0x1F1A0] =	vst v63  }
0x78: {  	_ =	swait.ge [sflag:s19], $0x1D50  }
0x79: {  	[sflag:s19] =	ssyncset.done $0x0  }
0x7a: {  	s13 =	rddreg [dreg:$0x14];
	[sflag:s19] =	ssyncadd.s32 $0xFFFFE2B0  }
0x7b: {  	[tilespmem:s30], [sflag:$0x4] =	stream.linear.gather [hbm4b:s13+s10], $0x1D50, $0x38;
	[tilespmem:$0x1F1A0] =	vst v63  }
0x7c: {  	_ =	swait.ge [sflag:s19], $0x1D50  }
0x7d: {  	s13 =	sld [smem:$0x7F6]  }
0x7e: {  	[sflag:s19] =	ssyncset.done $0x0  }
0x7f: {  	[sflag:s19] =	ssyncadd.s32 $0xFFFFE2B0  }
0x80: {  	[spmem:s13] =	stream.linear.scatter [tilespmem:s30], [sflag:$0x4], $0x1D50, $0x38;
	[tilespmem:$0x1F1A0] =	vst v63  }
0x81: {  	_ =	swait.ge [sflag:s19], $0x1D50  }
0x82: {  	[sflag:s19] =	ssyncset.done $0x0  }
0x83: {  	[sflag:s19] =	ssyncadd.s32 $0xFFFFE2B0;
	s19 =	simm.s32 $0x2  }
0x84: {  	_ =	swait.ge [sflag:s19], $0x310  }
0x85: {  	[sflag:s19] =	ssyncset.done $0x0  }
0x86: {  	[sflag:s19] =	ssyncadd.s32 $0xFFFFFCF0  }
0x87: {  	_ =	swait.ge [sflag:s19], $0x310  }
0x88: {  	[sflag:s19] =	ssyncset.done $0x0  }
0x89: {  	[sflag:s19] =	ssyncadd.s32 $0xFFFFFCF0  }
0x8a: {  	_ =	swait.ge [sflag:s19], $0x310  }
0x8b: {  	[sflag:s19] =	ssyncset.done $0x0  }
0x8c: {  	[sflag:s19] =	ssyncadd.s32 $0xFFFFFCF0  }
0x8d: {  	_ =	swait.ge [sflag:s19], $0x310  }
0x8e: {  	[sflag:s19] =	ssyncset.done $0x0  }
0x8f: {  	[sflag:s19] =	ssyncadd.s32 $0xFFFFFCF0  }
0x90: {  	_ =	swait.ge [sflag:s19], $0x310  }
0x91: {  	[sflag:s19] =	ssyncset.done $0x0  }
0x92: {  	[sflag:s19] =	ssyncadd.s32 $0xFFFFFCF0  }
0x93: {  	_ =	swait.ge [sflag:s19], $0x310  }
0x94: {  	[sflag:s19] =	ssyncset.done $0x0  }
0x95: {  	[sflag:s19] =	ssyncadd.s32 $0xFFFFFCF0  }
0x96: {  	_ =	swait.ge [sflag:s19], $0x1900  }
0x97: {  	[sflag:s19] =	ssyncset.done $0x0  }
0x98: {  	[sflag:s19] =	ssyncadd.s32 $0xFFFFE700  }
0x99: {  	_ =	swait.ge [sflag:s19], $0x1900  }
0x9a: {  	[sflag:s19] =	ssyncset.done $0x0  }
0x9b: {  	[sflag:s19] =	ssyncadd.s32 $0xFFFFE700  }
0x9c: {  	_ =	swait.ge [sflag:s19], $0x1900  }
0x9d: {  	[sflag:s19] =	ssyncset.done $0x0  }
0x9e: {  	[sflag:s19] =	ssyncadd.s32 $0xFFFFE700  }
0x9f: {  	_ =	swait.ge [sflag:s19], $0x1900  }
0xa0: {  	[sflag:s19] =	ssyncset.done $0x0  }
0xa1: {  	[sflag:s19] =	ssyncadd.s32 $0xFFFFE700  }
0xa2: {  	_ =	swait.ge [sflag:s19], $0x1900  }
0xa3: {  	[sflag:s19] =	ssyncset.done $0x0  }
0xa4: {  	[sflag:s19] =	ssyncadd.s32 $0xFFFFE700  }
0xa5: {  	_ =	swait.ge [sflag:s19], $0x1900  }
0xa6: {  	[sflag:s19] =	ssyncset.done $0x0  }
0xa7: {  	[sflag:s19] =	ssyncadd.s32 $0xFFFFE700  }
0xa8: {  	s30 =	simm.s32 $0xA800;
	[bflag:$0x0] =	sbarrier.arrive $0xFFFF  }
0xa9: {  	[tilespmem:s30], [sflag:$0x1] =	stream.indirect.gather [spmem:s7], $0x1, s10, s17, $0xb8;
	[tilespmem:$0x1F1A0] =	vst v63  }
0xaa: {  	s19 =	simm.s32 $0xA880  }
0xab: {  	[tilespmem:s19], [sflag:$0x1] =	stream.indirect.gather [spmem:s8], $0x1, s10, s17, $0xb8;
	[tilespmem:$0x1F1A0] =	vst v63  }
0xac: {  	s30 =	simm.s32 $0xA900  }
0xad: {  	[tilespmem:s30], [sflag:$0x1] =	stream.indirect.gather [spmem:s9], $0x1, s10, s17, $0xb8;
	[tilespmem:$0x1F1A0] =	vst v63  }
0xae: {  	s13 =	simm.s32 $0xA980  }
0xaf: {  	[tilespmem:s13], [sflag:$0x1] =	stream.indirect.gather [spmem:s7], $0x1, s15, s17, $0xb8;
	[tilespmem:$0x1F1A0] =	vst v63  }
0xb0: {  	s19 =	simm.s32 $0xAA00  }
0xb1: {  	[tilespmem:s19], [sflag:$0x1] =	stream.indirect.gather [spmem:s8], $0x1, s15, s17, $0xb8;
	[tilespmem:$0x1F1A0] =	vst v63  }
0xb2: {  	s30 =	simm.s32 $0xAA80  }
0xb3: {  	[tilespmem:s30], [sflag:$0x1] =	stream.indirect.gather [spmem:s9], $0x1, s15, s17, $0xb8;
	[tilespmem:$0x1F1A0] =	vst v63  }
0xb4: {  	s13 =	simm.s32 $0xAB00  }
0xb5: {  	[tilespmem:s13], [sflag:$0x1] =	stream.indirect.gather [spmem:s7], $0x1, s21, s17, $0xb8;
	[tilespmem:$0x1F1A0] =	vst v63  }
0xb6: {  	s15 =	simm.s32 $0xAB80  }
0xb7: {  	[tilespmem:s15], [sflag:$0x1] =	stream.indirect.gather [spmem:s8], $0x1, s21, s17, $0xb8;
	[tilespmem:$0x1F1A0] =	vst v63  }
0xb8: {  	s19 =	simm.s32 $0xAC00  }
0xb9: {  	[tilespmem:s19], [sflag:$0x1] =	stream.indirect.gather [spmem:s9], $0x1, s21, s17, $0xb8;
	[tilespmem:$0x1F1A0] =	vst v63  }
0xba: {  	s30 =	simm.s32 $0xB100  }
0xbb: {  	[tilespmem:s30], [sflag:$0x1] =	stream.indirect.gather [spmem:s11], $0x1, s14, s17, $0xb8;
	[tilespmem:$0x1F1A0] =	vst v63  }
0xbc: {  	s13 =	simm.s32 $0xB180  }
0xbd: {  	[tilespmem:s13], [sflag:$0x1] =	stream.indirect.gather [spmem:s12], $0x1, s14, s17, $0xb8;
	[tilespmem:$0x1F1A0] =	vst v63  }
0xbe: {  	s15 =	simm.s32 $0xB200  }
0xbf: {  	[tilespmem:s15], [sflag:$0x1] =	stream.indirect.gather [spmem:s11], $0x1, s16, s17, $0xb8;
	[tilespmem:$0x1F1A0] =	vst v63  }
0xc0: {  	s19 =	simm.s32 $0xB280  }
0xc1: {  	[tilespmem:s19], [sflag:$0x1] =	stream.indirect.gather [spmem:s12], $0x1, s16, s17, $0xb8;
	[tilespmem:$0x1F1A0] =	vst v63  }
0xc2: {  	s21 =	simm.s32 $0xB300  }
0xc3: {  	[tilespmem:s21], [sflag:$0x1] =	stream.indirect.gather [spmem:s11], $0x1, s22, s17, $0xb8;
	[tilespmem:$0x1F1A0] =	vst v63  }
0xc4: {  	s10 =	simm.s32 $0x0;
	s30 =	simm.s32 $0xB380  }
0xc5: {  	[tilespmem:s30], [sflag:$0x1] =	stream.indirect.gather [spmem:s12], $0x1, s22, s17, $0xb8;
	[tilespmem:$0x1F1A0] =	vst v63  }
.LBB2_2:
0xc6: {  	_ =	swait.ge [sflag:s18], $0x780  }
0xc7: {  	s16 =	sshra.s32 s10, $0x2;
	[sflag:s18] =	ssyncset.done $0x0  }
0xc8: {  	s14 =	simm.s32 $0xAC80;
	s13 =	sadd.s32 $0x80, s16;
	[sflag:s18] =	ssyncadd.s32 $0xFFFFF880  }
0xc9: {  	[tilespmem:s14], [sflag:$0x1] =	stream.indirect.gather [spmem:s7], $0x1, s13, s17, $0xb8;
	[tilespmem:$0x1F1A0] =	vst v63  }
0xca: {  	s21 =	simm.s32 $0xAD00  }
0xcb: {  	[tilespmem:s21], [sflag:$0x1] =	stream.indirect.gather [spmem:s8], $0x1, s13, s17, $0xb8;
	[tilespmem:$0x1F1A0] =	vst v63  }
0xcc: {  	s22 =	simm.s32 $0xAD80  }
0xcd: {  	[tilespmem:s22], [sflag:$0x1] =	stream.indirect.gather [spmem:s9], $0x1, s13, s17, $0xb8;
	[tilespmem:$0x1F1A0] =	vst v63  }
0xce: {  	s30 =	simm.s32 $0xAE00;
	s21 =	sadd.s32 $0x1C80, s16  }
0xcf: {  	[tilespmem:s30], [sflag:$0x1] =	stream.indirect.gather [spmem:s7], $0x1, s21, s17, $0xb8;
	[tilespmem:$0x1F1A0] =	vst v63  }
0xd0: {  	s15 =	simm.s32 $0xAE80  }
0xd1: {  	[tilespmem:s15], [sflag:$0x1] =	stream.indirect.gather [spmem:s8], $0x1, s21, s17, $0xb8;
	[tilespmem:$0x1F1A0] =	vst v63  }
0xd2: {  	s19 =	simm.s32 $0xAF00  }
0xd3: {  	[tilespmem:s19], [sflag:$0x1] =	stream.indirect.gather [spmem:s9], $0x1, s21, s17, $0xb8;
	[tilespmem:$0x1F1A0] =	vst v63  }
0xd4: {  	s14 =	sadd.s32 $0x3880, s16;
	s15 =	simm.s32 $0xAF80  }
0xd5: {  	[tilespmem:s15], [sflag:$0x1] =	stream.indirect.gather [spmem:s7], $0x1, s14, s17, $0xb8;
	[tilespmem:$0x1F1A0] =	vst v63  }
0xd6: {  	s22 =	simm.s32 $0xB000  }
0xd7: {  	[tilespmem:s22], [sflag:$0x1] =	stream.indirect.gather [spmem:s8], $0x1, s14, s17, $0xb8;
	[tilespmem:$0x1F1A0] =	vst v63  }
0xd8: {  	s30 =	simm.s32 $0xB080  }
0xd9: {  	[tilespmem:s30], [sflag:$0x1] =	stream.indirect.gather [spmem:s9], $0x1, s14, s17, $0xb8;
	[tilespmem:$0x1F1A0] =	vst v63  }
0xda: {  	s19 =	simm.s32 $0xB400;
	s30 =	sadd.s32 $0x5480, s16  }
0xdb: {  	[tilespmem:s19], [sflag:$0x1] =	stream.indirect.gather [spmem:s11], $0x1, s30, s17, $0xb8;
	[tilespmem:$0x1F1A0] =	vst v63  }
0xdc: {  	s22 =	simm.s32 $0xB480  }
0xdd: {  	[tilespmem:s22], [sflag:$0x1] =	stream.indirect.gather [spmem:s12], $0x1, s30, s17, $0xb8;
	[tilespmem:$0x1F1A0] =	vst v63  }
0xde: {  	s19 =	simm.s32 $0xB500;
	s30 =	sadd.s32 $0x7080, s16  }
0xdf: {  	[tilespmem:s19], [sflag:$0x1] =	stream.indirect.gather [spmem:s11], $0x1, s30, s17, $0xb8;
	[tilespmem:$0x1F1A0] =	vst v63  }
0xe0: {  	s22 =	simm.s32 $0xB580  }
0xe1: {  	[tilespmem:s22], [sflag:$0x1] =	stream.indirect.gather [spmem:s12], $0x1, s30, s17, $0xb8;
	[tilespmem:$0x1F1A0] =	vst v63  }
0xe2: {  	s19 =	simm.s32 $0xB600;
	s30 =	sadd.s32 $0x8C80, s16  }
0xe3: {  	[tilespmem:s19], [sflag:$0x1] =	stream.indirect.gather [spmem:s11], $0x1, s30, s17, $0xb8;
	[tilespmem:$0x1F1A0] =	vst v63  }
0xe4: {  	p0 =	seq.s32 s10, $0x0;
	s22 =	simm.s32 $0xB680  }
0xe5: {  	[tilespmem:s22], [sflag:$0x1] =	stream.indirect.gather [spmem:s12], $0x1, s30, s17, $0xb8;
	[tilespmem:$0x1F1A0] =	vst v63  }
0xe6: {  	s30 =	simm.s32 @!p0 $0x2  }
0xe7: {  	_ =	swait.ge @!p0 [sflag:s30], $0x900  }
0xe8: {  	[sflag:s30] =	ssyncset.done @!p0 $0x0  }
0xe9: {  	[sflag:s30] =	ssyncadd.s32 @!p0 $0xFFFFF700  }
0xea: {  	v0 =	vld [tilespmem:$0xA800]  }
0xeb: {  	v1 =	vld [tilespmem:$0xA880]  }
0xec: {  	v2 =	vld [tilespmem:$0xA900]  }
0xed: {  	v3 =	vld [tilespmem:$0xA980]  }
0xee: {  	v4 =	vld [tilespmem:$0xAA00]  }
0xef: {  	v5 =	vld [tilespmem:$0xAA80]  }
0xf0: {  	v6 =	vld [tilespmem:$0xAB00]  }
0xf1: {  	v7 =	vld [tilespmem:$0xAB80]  }
0xf2: {  	v8 =	vld [tilespmem:$0xAC00]  }
0xf3: {  	v9 =	vld [tilespmem:$0xB100]  }
0xf4: {  	v10 =	vld [tilespmem:$0xB180]  }
0xf5: {  	v11 =	vld [tilespmem:$0xB200]  }
0xf6: {  	v12 =	vld [tilespmem:$0xB280]  }
0xf7: {  	v13 =	vld [tilespmem:$0xB300]  }
0xf8: {  	v14 =	vld [tilespmem:$0xB380]  }
0xf9: {  	v15 =	vld [tilespmem:$0xA810]  }
0xfa: {  	v16 =	vld [tilespmem:$0xA890]  }
0xfb: {  	v17 =	vld [tilespmem:$0xA910]  }
0xfc: {  	v18 =	vld [tilespmem:$0xA990]  }
0xfd: {  	v19 =	vld [tilespmem:$0xAA10]  }
0xfe: {  	v20 =	vld [tilespmem:$0xAA90]  }
0xff: {  	v21 =	vld [tilespmem:$0xAB10]  }
0x100: {  	v22 =	vld [tilespmem:$0xAB90]  }
0x101: {  	v23 =	vld [tilespmem:$0xAC10]  }
0x102: {  	v40 =	vld [tilespmem:$0xB110]  }
0x103: {  	v41 =	vld [tilespmem:$0xB190]  }
0x104: {  	v24 =	vld [tilespmem:$0xB210]  }
0x105: {  	v25 =	vld [tilespmem:$0xB290];
	v11 =	vsub.f32 v11, v9  }
0x106: {  	v26 =	vld [tilespmem:$0xB390];
	v12 =	vsub.f32 v12, v10;
	v9 =	vsub.f32 v13, v9  }
0x107: {  	v42 =	vld [tilespmem:$0xB310];
	v10 =	vsub.f32 v14, v10;
	v4 =	vsub.f32 v4, v1  }
0x108: {  	v28 =	vld [tilespmem:$0xA820];
	v5 =	vsub.f32 v5, v2;
	v1 =	vsub.f32 v7, v1  }
0x109: {  	v29 =	vld [tilespmem:$0xA9A0];
	v2 =	vsub.f32 v8, v2;
	v3 =	vsub.f32 v3, v0  }
0x10a: {  	v30 =	vld [tilespmem:$0xAA20];
	v0 =	vsub.f32 v6, v0;
	v24 =	vsub.f32 v24, v40  }
0x10b: {  	v32 =	vld [tilespmem:$0xAAA0];
	v25 =	vsub.f32 v25, v41;
	v48 =	vsub.f32 v26, v41  }
0x10c: {  	v50 =	vld [tilespmem:$0xB120];
	v58 =	vsub.f32 v19, v16;
	v11 =	vmul.f32 v10, v11;
	v9 =	vmul.f32 v9, v12  }
0x10d: {  	v60 =	vld [tilespmem:$0xB320];
	v59 =	vsub.f32 v20, v17;
	v43 =	vmul.f32 v2, v4;
	v44 =	vmul.f32 v1, v5  }
0x10e: {  	v52 =	vld [tilespmem:$0xB1A0];
	v16 =	vsub.f32 v22, v16;
	v31 =	vmul.f32 v2, v3;
	v33 =	vmul.f32 v10, v3  }
0x10f: {  	v61 =	vld [tilespmem:$0xB3A0];
	v17 =	vsub.f32 v23, v17;
	v34 =	vmul.f32 v12, v0;
	v36 =	vmul.f32 v10, v4  }
0x110: {  	v35 =	vld [tilespmem:$0xAB20];
	v21 =	vsub.f32 v21, v15;
	v38 =	vmul.f32 v12, v1;
	v2 =	vmul.f32 v12, v2  }
0x111: {  	v37 =	vld [tilespmem:$0xABA0];
	v62 =	vsub.f32 v18, v15;
	v24 =	vmul.f32 v48, v24;
	v3 =	vmul.f32 v1, v3  }
0x112: {  	v55 =	vld [tilespmem:$0xB220];
	v20 =	vsub.f32 v60, v50;
	v4 =	vmul.f32 v0, v4;
	v63 =	vmul.f32 v17, v58  }
0x113: {  	v57 =	vld [tilespmem:$0xB2A0];
	v45 =	vmul.f32 v16, v59;
	v46 =	vmul.f32 v21, v59;
	v9 =	vsub.f32 v11, v9  }
0x114: {  	v49 =	vld [tilespmem:$0xAC20];
	v26 =	vsub.f32 v61, v52;
	v47 =	vmul.f32 v17, v62;
	v41 =	vmul.f32 v21, v58  }
0x115: {  	v39 =	vld [tilespmem:$0xA9B0];
	vm0 =	vgt.f32 v9, $0.0e+00;
	v27 =	vmax.f32 v9, $9.999999970e-07;
	v9 =	vmin.f32 v9, $-9.999999970e-07  }
0x116: {  	v23 =	vld [tilespmem:$0xA8B0];
	v12 =	vmul.f32 v48, v58;
	v11 =	vsub.f32 v42, v40;
	v9 =	vsel vm0, v27, v9  }
0x117: {  	v58 =	vld [tilespmem:$0xB1B0];
	v51 =	vsub.f32 v33, v34;
	v54 =	vsub.f32 v36, v38;
	(erf) = vrcp.f32 v9  }
0x118: {  	v13 =	vmul.f32 v48, v59;
	v34 =	vsub.f32 v55, v50;
	v38 =	vsub.f32 v57, v52;
	v36 =	vld [tilespmem:$0xAA30]  }
0x119: {  	v40 =	vmul.f32 v16, v62;
	v8 =	vsub.f32 v3, v4;
	v4 =	vsub.f32 v63, v45;
	v63 =	vld [tilespmem:$0xB2B0]  }
0x11a: {  	v55 =	vmul.f32 v25, v21;
	v21 =	vld [tilespmem:$0xABB0];
	v16 =	vmul.f32 v25, v16;
	v50 =	vsub.f32 v35, v28  }
0x11b: {  	v7 =	vld [tilespmem:$0xA920];
	v52 =	vsub.f32 v29, v28;
	v14 =	vsub.f32 v46, v47;
	v11 =	vmul.f32 v11, v25  }
0x11c: {  	v22 =	vld [tilespmem:$0xA830];
	v20 =	vmul.f32 v20, v38;
	v59 =	vsub.f32 v12, v16;
	v9 =	vmul.f32 v0, v5  }
0x11d: {  	v60 =	vld [tilespmem:$0xB230];
	v5 =	vmul.f32 v10, v5;
	v56 =	vsub.f32 v24, v11;
	v10 =	vsub.f32 v43, v44  }
0x11e: {  	v27 =	vld [tilespmem:$0xA8A0];
	v43 =	vmul.f32 v38, v50;
	v18 =	vsub.f32 v63, v58;
	v28 =	vsub.f32 v36, v23  }
0x11f: {  	v42 =	vld [tilespmem:$0xAAB0];
	v21 =	vsub.f32 v21, v23;
	v2 =	vsub.f32 v5, v2;
	vm13 =	vgt.f32 v56, $0.0e+00  }
0x120: {  	v29 =	vld [tilespmem:$0xA840];
	v24 =	vmax.f32 v56, $9.999999970e-07;
	v5 =	vmin.f32 v56, $-9.999999970e-07;
	v56 =	vmul.f32 v25, v17;
	v53 =	vpop (erf)  }
0x121: {  	v35 =	vld [tilespmem:$0xA8C0];
	v9 =	vsub.f32 v9, v31;
	v1 =	vmul.f32 v53, v51;
	v0 =	vmul.f32 v53, v54  }
0x122: {  	v17 =	vld [tilespmem:$0xB130];
	v5 =	vsel vm13, v24, v5;
	v2 =	vmul.f32 v53, v2;
	v53 =	vmul.f32 v26, v34  }
0x123: {  	v31 =	vld [tilespmem:$0xAB30];
	v54 =	vmul.f32 v48, v62;
	v62 =	vsub.f32 v30, v27;
	v30 =	vsub.f32 v49, v7  }
0x124: {  	v24 =	vld [tilespmem:$0xA930];
	(erf) = vrcp.f32 v5;
	v48 =	vsub.f32 v32, v7;
	v27 =	vsub.f32 v37, v27  }
0x125: {  	v33 =	vld [tilespmem:$0xB1C0];
	v13 =	vsub.f32 v13, v56;
	v6 =	vsub.f32 v53, v20;
	v53 =	vmul.f32 v30, v62  }
0x126: {  	v51 =	vld [tilespmem:$0xB3B0];
	v3 =	vsub.f32 v54, v55;
	v54 =	vmul.f32 v27, v48;
	v55 =	vmul.f32 v50, v48  }
0x127: {  	v44 =	vsub.f32 v60, v17;
	v49 =	vld [tilespmem:$0xB330];
	v56 =	vmul.f32 v30, v52;
	v16 =	vmul.f32 v27, v52  }
0x128: {  	v31 =	vsub.f32 v31, v22;
	v32 =	vld [tilespmem:$0xABC0];
	v15 =	vmul.f32 v50, v62;
	v50 =	vmul.f32 v38, v30  }
0x129: {  	v20 =	vld [tilespmem:$0xAC30];
	v30 =	vsub.f32 v42, v24;
	vm14 =	vgt.f32 v6, $0.0e+00;
	v57 =	vmax.f32 v6, $9.999999970e-07  }
0x12a: {  	v6 =	vmin.f32 v6, $-9.999999970e-07;
	v12 =	vsub.f32 v53, v54;
	v11 =	vsub.f32 v55, v56;
	v54 =	vld [tilespmem:$0xB2C0]  }
0x12b: {  	v55 =	vld [tilespmem:$0xB340];
	v6 =	vsel vm14, v57, v6;
	v57 =	vmul.f32 v26, v52;
	v34 =	vsub.f32 v51, v58  }
0x12c: {  	v27 =	vmul.f32 v38, v27;
	v63 =	vmul.f32 v26, v48;
	v7 =	vsub.f32 v49, v17;
	v49 =	vld [tilespmem:$0xB140]  }
0x12d: {  	v45 =	vld [tilespmem:$0xA9C0];
	v58 =	vsub.f32 v57, v43;
	v60 =	vmul.f32 v34, v44;
	v57 =	vmul.f32 v21, v30;
	v61 =	vpop (erf)  }
0x12e: {  	v46 =	vld [tilespmem:$0xAA40];
	v32 =	vsub.f32 v32, v35;
	(erf) = vrcp.f32 v6;
	v6 =	vmul.f32 v61, v3  }
0x12f: {  	v52 =	vld [tilespmem:$0xB240];
	v20 =	vsub.f32 v20, v24;
	v5 =	vmul.f32 v61, v59;
	v3 =	vmul.f32 v61, v13  }
0x130: {  	v47 =	vld [tilespmem:$0xAB40];
	v13 =	vsub.f32 v40, v41;
	v59 =	vmul.f32 v26, v62;
	v61 =	vmul.f32 v7, v18  }
0x131: {  	v41 =	vld [tilespmem:$0xA940];
	v56 =	vmul.f32 v20, v28;
	v24 =	vsub.f32 v54, v33;
	v23 =	vsub.f32 v55, v49  }
0x132: {  	v40 =	vld [tilespmem:$0xAAC0];
	v62 =	vsub.f32 v59, v27;
	v48 =	vsub.f32 v60, v61;
	v59 =	vmul.f32 v31, v30  }
0x133: {  	v44 =	vld [tilespmem:$0xAC40];
	v27 =	vsub.f32 v63, v50;
	v63 =	vmul.f32 v34, v28;
	v30 =	vmul.f32 v34, v30  }
0x134: {  	v42 =	vld [tilespmem:$0xA8D0];
	v37 =	vsub.f32 v52, v49;
	v28 =	vmul.f32 v31, v28;
	v23 =	vmul.f32 v23, v24  }
0x135: {  	v52 =	vld [tilespmem:$0xB150];
	vm15 =	vgt.f32 v48, $0.0e+00;
	v51 =	vmax.f32 v48, $9.999999970e-07;
	v25 =	vmin.f32 v48, $-9.999999970e-07  }
0x136: {  	v55 =	vld [tilespmem:$0xB250];
	v53 =	vsel vm15, v51, v25;
	v25 =	vsub.f32 v39, v22;
	v22 =	vsub.f32 v16, v15  }
0x137: {  	v48 =	vmul.f32 v18, v21;
	v16 =	vsub.f32 v56, v57;
	v57 =	vld [tilespmem:$0xB2D0];
	v40 =	vsub.f32 v40, v41  }
0x138: {  	v41 =	vsub.f32 v44, v41;
	v60 =	vmul.f32 v20, v25;
	v43 =	vpop (erf);
	(erf) = vrcp.f32 v53;
	v53 =	vld [tilespmem:$0xB1D0]  }
0x139: {  	v54 =	vsub.f32 v63, v48;
	v61 =	vmul.f32 v34, v25;
	v7 =	vmul.f32 v43, v58;
	v58 =	vld [tilespmem:$0xB3C0]  }
0x13a: {  	v25 =	vmul.f32 v21, v25;
	v19 =	vmul.f32 v43, v62;
	v15 =	vsub.f32 v59, v60;
	v60 =	vld [tilespmem:$0xB3D0]  }
0x13b: {  	v44 =	vld [tilespmem:$0xAA50];
	v38 =	vsub.f32 v55, v52;
	v62 =	vmul.f32 v18, v31;
	v18 =	vmul.f32 v18, v20  }
0x13c: {  	v17 =	vmul.f32 v43, v27;
	v27 =	vld [tilespmem:$0xA850];
	v59 =	vsub.f32 v45, v29;
	v29 =	vsub.f32 v47, v29  }
0x13d: {  	v63 =	vmul.f32 v32, v40;
	v45 =	vld [tilespmem:$0xAB50];
	v25 =	vsub.f32 v25, v28;
	v18 =	vsub.f32 v30, v18  }
0x13e: {  	[tilespmem:$0xB800] =	vst v8;
	v26 =	vld [tilespmem:$0xA950];
	v51 =	vmul.f32 v24, v29;
	v8 =	vmul.f32 v32, v59;
	v33 =	vsub.f32 v58, v33  }
0x13f: {  	v48 =	vld [tilespmem:$0xABD0];
	v30 =	vsub.f32 v57, v53;
	v57 =	vmul.f32 v41, v59;
	v34 =	vsub.f32 v60, v53  }
0x140: {  	v36 =	vsub.f32 v61, v62;
	v58 =	vld [tilespmem:$0xB350];
	v37 =	vmul.f32 v33, v37;
	v50 =	vmul.f32 v33, v59  }
0x141: {  	[tilespmem:$0xB790] =	vst v14;
	v49 =	vld [tilespmem:$0xB260];
	v14 =	vsub.f32 v44, v42;
	v53 =	vmul.f32 v34, v38;
	v59 =	vmul.f32 v33, v40;
	v56 =	vpop (erf)  }
0x142: {  	[tilespmem:$0xB810] =	vst v13;
	v39 =	vld [tilespmem:$0xAC60];
	v13 =	vsub.f32 v45, v27;
	v21 =	vmul.f32 v56, v36;
	v20 =	vmul.f32 v56, v54  }
0x143: {  	v47 =	vld [tilespmem:$0xA8E0];
	v23 =	vsub.f32 v37, v23;
	v18 =	vmul.f32 v56, v18;
	v37 =	vsub.f32 v46, v35  }
0x144: {  	v28 =	vld [tilespmem:$0xB1E0];
	v54 =	vsub.f32 v50, v51;
	v56 =	vmul.f32 v24, v32;
	v24 =	vmul.f32 v24, v41  }
0x145: {  	v46 =	vld [tilespmem:$0xA9D0];
	v51 =	vsub.f32 v48, v42;
	v31 =	vsub.f32 v58, v52;
	vm4 =	vgt.f32 v23, $0.0e+00  }
0x146: {  	v38 =	vld [tilespmem:$0xA860];
	v61 =	vmax.f32 v23, $9.999999970e-07;
	v23 =	vmin.f32 v23, $-9.999999970e-07;
	v62 =	vmul.f32 v41, v37  }
0x147: {  	v35 =	vld [tilespmem:$0xA960];
	v55 =	vmul.f32 v33, v37;
	v23 =	vsel vm4, v61, v23;
	v31 =	vmul.f32 v31, v30  }
0x148: {  	[tilespmem:$0xB710] =	vst v4;
	v24 =	vsub.f32 v59, v24;
	v61 =	vmul.f32 v29, v40;
	(erf) = vrcp.f32 v23;
	v23 =	vld [tilespmem:$0xAAD0]  }
0x149: {  	[tilespmem:$0xB700] =	vst v10;
	v52 =	vld [tilespmem:$0xAC50];
	v10 =	vsub.f32 v62, v63;
	v58 =	vsub.f32 v55, v56;
	v62 =	vmul.f32 v29, v37  }
0x14a: {  	[tilespmem:$0xB980] =	vst v2;
	v36 =	vld [tilespmem:$0xB160];
	v37 =	vmul.f32 v30, v51;
	v31 =	vsub.f32 v53, v31;
	v53 =	vsub.f32 v46, v27  }
0x14b: {  	[tilespmem:$0xB990] =	vst v3;
	v2 =	vsub.f32 v61, v57;
	v27 =	vld [tilespmem:$0xAB60];
	v61 =	vmul.f32 v34, v14;
	v3 =	vsub.f32 v8, v62  }
0x14c: {  	[tilespmem:$0xB780] =	vst v9;
	v50 =	vld [tilespmem:$0xB2E0];
	vm5 =	vgt.f32 v31, $0.0e+00;
	v60 =	vmax.f32 v31, $9.999999970e-07;
	v31 =	vmin.f32 v31, $-9.999999970e-07  }
0x14d: {  	[tilespmem:$0xB7A0] =	vst v11;
	v55 =	vld [tilespmem:$0xB3E0];
	v4 =	vmul.f32 v51, v53;
	v11 =	vsub.f32 v61, v37;
	v23 =	vsub.f32 v23, v26  }
0x14e: {  	[tilespmem:$0xB900] =	vst v0;
	v59 =	vld [tilespmem:$0xAAE0];
	v0 =	vsel vm5, v60, v31;
	v60 =	vmul.f32 v30, v13;
	v26 =	vsub.f32 v52, v26  }
0x14f: {  	[tilespmem:$0xB880] =	vst v1;
	v45 =	vld [tilespmem:$0xB170];
	v31 =	vsub.f32 v49, v36;
	v56 =	vmul.f32 v51, v23;
	v32 =	vmul.f32 v13, v23  }
0x150: {  	[tilespmem:$0xB720] =	vst v12;
	v52 =	vld [tilespmem:$0xB360];
	v61 =	vsub.f32 v27, v38;
	v23 =	vmul.f32 v34, v23;
	v44 =	vmul.f32 v30, v26  }
0x151: {  	[tilespmem:$0xB890] =	vst v6;
	v57 =	vld [tilespmem:$0xAA60];
	v43 =	vmul.f32 v26, v53;
	v63 =	vpop (erf);
	(erf) = vrcp.f32 v0;
	v0 =	vsub.f32 v50, v28  }
0x152: {  	[tilespmem:$0xB910] =	vst v5;
	v33 =	vld [tilespmem:$0xA9E0];
	v13 =	vmul.f32 v13, v14;
	v28 =	vsub.f32 v55, v28;
	v12 =	vsub.f32 v23, v44  }
0x153: {  	[tilespmem:$0xB820] =	vst v22;
	v51 =	vld [tilespmem:$0xB270];
	v55 =	vsub.f32 v59, v35;
	v8 =	vsub.f32 v32, v43  }
0x154: {  	[tilespmem:$0xB730] =	vst v16;
	v50 =	vld [tilespmem:$0xB1F0];
	v41 =	vsub.f32 v4, v13;
	v9 =	vmul.f32 v63, v54;
	v1 =	vmul.f32 v63, v58  }
0x155: {  	[tilespmem:$0xB8A0] =	vst v7;
	v59 =	vld [tilespmem:$0xB3F0];
	v54 =	vmul.f32 v26, v14;
	v58 =	vmul.f32 v34, v53;
	v62 =	vsub.f32 v52, v36  }
0x156: {  	[tilespmem:$0xB920] =	vst v19;
	v44 =	vld [tilespmem:$0xAA70];
	v6 =	vmul.f32 v63, v24;
	v52 =	vsub.f32 v57, v47;
	v48 =	vmul.f32 v28, v31  }
0x157: {  	[tilespmem:$0xB9A0] =	vst v17;
	v63 =	vld [tilespmem:$0xABE0];
	v5 =	vsub.f32 v54, v56;
	v42 =	vsub.f32 v58, v60;
	v49 =	vmul.f32 v62, v0  }
0x158: {  	[tilespmem:$0xB7B0] =	vst v15;
	v57 =	vld [tilespmem:$0xB370];
	v43 =	vmul.f32 v0, v61;
	v56 =	vsub.f32 v39, v35;
	v62 =	vsub.f32 v33, v38  }
0x159: {  	[tilespmem:$0xB830] =	vst v25;
	v54 =	vld [tilespmem:$0xB2F0];
	v35 =	vmul.f32 v61, v55;
	v14 =	vsub.f32 v51, v45;
	v53 =	vsub.f32 v48, v49  }
0x15a: {  	[tilespmem:$0xB8B0] =	vst v21;
	v36 =	vld [tilespmem:$0xA8F0];
	v51 =	vmul.f32 v61, v52;
	v37 =	vmul.f32 v56, v62;
	v26 =	vsub.f32 v59, v50  }
0x15b: {  	[tilespmem:$0xB930] =	vst v20;
	vm6 =	vgt.f32 v53, $0.0e+00;
	v58 =	vmax.f32 v53, $9.999999970e-07;
	v17 =	vmin.f32 v53, $-9.999999970e-07  }
0x15c: {  	[tilespmem:$0xB9B0] =	vst v18;
	v40 =	vld [tilespmem:$0xA9F0];
	v49 =	vmul.f32 v28, v52;
	v60 =	vsub.f32 v63, v47;
	v17 =	vsel vm6, v58, v17  }
0x15d: {  	[tilespmem:$0xB740] =	vst v10;
	v33 =	vld [tilespmem:$0xA870];
	v63 =	vmul.f32 v56, v52;
	v23 =	vsub.f32 v57, v45;
	v46 =	vpop (erf);
	(erf) = vrcp.f32 v17  }
0x15e: {  	[tilespmem:$0xB7C0] =	vst v2;
	v38 =	vld [tilespmem:$0xA970];
	v14 =	vmul.f32 v26, v14;
	v34 =	vmul.f32 v60, v55;
	v22 =	vsub.f32 v54, v50  }
0x15f: {  	[tilespmem:$0xB840] =	vst v3;
	v59 =	vsub.f32 v44, v36;
	v53 =	vld [tilespmem:$0xAC70];
	v39 =	vmul.f32 v60, v62;
	v21 =	vmul.f32 v0, v60  }
0x160: {  	[tilespmem:$0xB7D0] =	vst v8;
	v50 =	vld [tilespmem:$0xABF0];
	v55 =	vmul.f32 v28, v55;
	v47 =	vmul.f32 v23, v22  }
0x161: {  	[tilespmem:$0xB850] =	vst v41;
	v48 =	vsub.f32 v35, v37;
	v0 =	vmul.f32 v0, v56;
	v56 =	vld [tilespmem:$0xAB70];
	v29 =	vmul.f32 v26, v59  }
0x162: {  	[tilespmem:$0xB8C0] =	vst v9;
	v7 =	vmul.f32 v46, v42;
	v11 =	vmul.f32 v46, v11;
	v52 =	vsub.f32 v14, v47  }
0x163: {  	[tilespmem:$0xB940] =	vst v1;
	v16 =	vsub.f32 v40, v33;
	v12 =	vmul.f32 v46, v12;
	v42 =	vmul.f32 v28, v62  }
0x164: {  	[tilespmem:$0xB9C0] =	vst v6;
	vm7 =	vgt.f32 v52, $0.0e+00;
	v57 =	vmax.f32 v52, $9.999999970e-07;
	v13 =	vmin.f32 v52, $-9.999999970e-07  }
0x165: {  	[tilespmem:$0xB750] =	vst v5;
	v45 =	vsub.f32 v63, v34;
	v46 =	vld [tilespmem:$0xAAF0];
	v63 =	vsub.f32 v53, v38;
	v58 =	vsel vm7, v57, v13  }
0x166: {  	[tilespmem:$0xB7E0] =	vst v48;
	v60 =	vsub.f32 v50, v36;
	v17 =	vsub.f32 v56, v33;
	v61 =	vpop (erf);
	(erf) = vrcp.f32 v58  }
0x167: {  	v54 =	vsub.f32 v49, v21;
	v27 =	vmul.f32 v26, v16;
	[tilespmem:$0xB8D0] =	vst v7;
	v18 =	vmul.f32 v63, v59  }
0x168: {  	v2 =	vsub.f32 v39, v51;
	[tilespmem:$0xB950] =	vst v11;
	v23 =	vmul.f32 v60, v16;
	v24 =	vmul.f32 v17, v59  }
0x169: {  	v4 =	vsub.f32 v42, v43;
	[tilespmem:$0xB9D0] =	vst v12;
	v21 =	vmul.f32 v63, v16;
	v31 =	vmul.f32 v22, v63  }
0x16a: {  	[tilespmem:$0xB860] =	vst v2;
	v62 =	vsub.f32 v46, v38;
	v28 =	vmul.f32 v22, v17;
	v2 =	vsub.f32 v23, v24  }
0x16b: {  	v0 =	vsub.f32 v55, v0;
	[tilespmem:$0xB760] =	vst v45;
	v7 =	vmul.f32 v22, v60;
	v4 =	vmul.f32 v61, v4  }
0x16c: {  	v19 =	vmul.f32 v60, v62;
	v5 =	vmul.f32 v61, v54;
	[tilespmem:$0xB870] =	vst v2  }
0x16d: {  	v20 =	vmul.f32 v17, v62;
	v0 =	vmul.f32 v61, v0;
	[tilespmem:$0xB8E0] =	vst v4  }
0x16e: {  	v30 =	vsub.f32 v27, v28;
	v3 =	vmul.f32 v26, v62;
	v25 =	vsub.f32 v18, v19;
	[tilespmem:$0xB960] =	vst v5  }
0x16f: {  	v33 =	vsub.f32 v29, v7;
	v1 =	vsub.f32 v20, v21;
	[tilespmem:$0xB9E0] =	vst v0;
	v32 =	vpop (erf)  }
0x170: {  	v34 =	vsub.f32 v3, v31;
	[tilespmem:$0xB770] =	vst v25;
	v0 =	vmul.f32 v32, v30  }
0x171: {  	[tilespmem:$0xB7F0] =	vst v1;
	v35 =	vmul.f32 v32, v33  }
0x172: {  	v36 =	vmul.f32 v32, v34;
	[tilespmem:$0xB8F0] =	vst v0  }
0x173: {  	[tilespmem:$0xB970] =	vst v35  }
0x174: {  	s15 =	simm.s32 $0xB700;
	[tilespmem:$0xB9F0] =	vst v36  }
0x175: {  	[spmem:s0] =	stream.indirect.scatter.add.f32 [tilespmem:s15], [sflag:$0x2], $0x1, s16, s17, $0xb8;
	[tilespmem:$0x1F1A0] =	vst v63  }
0x176: {  	s22 =	simm.s32 $0xB780  }
0x177: {  	[spmem:s1] =	stream.indirect.scatter.add.f32 [tilespmem:s22], [sflag:$0x2], $0x1, s16, s17, $0xb8;
	[tilespmem:$0x1F1A0] =	vst v63  }
0x178: {  	s19 =	simm.s32 $0xB800  }
0x179: {  	[spmem:s2] =	stream.indirect.scatter.add.f32 [tilespmem:s19], [sflag:$0x2], $0x1, s16, s17, $0xb8;
	[tilespmem:$0x1F1A0] =	vst v63  }
0x17a: {  	_ = 	snop  }
0x17b: {  	[spmem:s3] =	stream.indirect.scatter.add.f32 [tilespmem:s20], [sflag:$0x2], $0x1, s16, s17, $0xb8;
	[tilespmem:$0x1F1A0] =	vst v63  }
0x17c: {  	_ = 	snop  }
0x17d: {  	[spmem:s5] =	stream.indirect.scatter.add.f32 [tilespmem:s23], [sflag:$0x2], $0x1, s16, s17, $0xb8;
	[tilespmem:$0x1F1A0] =	vst v63  }
0x17e: {  	_ = 	snop  }
0x17f: {  	[spmem:s6] =	stream.indirect.scatter.add.f32 [tilespmem:s24], [sflag:$0x2], $0x1, s16, s17, $0xb8;
	[tilespmem:$0x1F1A0] =	vst v63  }
0x180: {  	s30 =	sadd.s32 $0x1C00, s16  }
0x181: {  	[spmem:s0] =	stream.indirect.scatter.add.f32 [tilespmem:s15], [sflag:$0x2], $0x1, s30, s17, $0xb8;
	[tilespmem:$0x1F1A0] =	vst v63  }
0x182: {  	_ = 	snop  }
0x183: {  	[spmem:s1] =	stream.indirect.scatter.add.f32 [tilespmem:s22], [sflag:$0x2], $0x1, s30, s17, $0xb8;
	[tilespmem:$0x1F1A0] =	vst v63  }
0x184: {  	_ = 	snop  }
0x185: {  	[spmem:s2] =	stream.indirect.scatter.add.f32 [tilespmem:s19], [sflag:$0x2], $0x1, s30, s17, $0xb8;
	[tilespmem:$0x1F1A0] =	vst v63  }
0x186: {  	_ = 	snop  }
0x187: {  	[spmem:s3] =	stream.indirect.scatter.add.f32 [tilespmem:s20], [sflag:$0x2], $0x1, s30, s17, $0xb8;
	[tilespmem:$0x1F1A0] =	vst v63  }
0x188: {  	_ = 	snop  }
0x189: {  	[spmem:s5] =	stream.indirect.scatter.add.f32 [tilespmem:s23], [sflag:$0x2], $0x1, s30, s17, $0xb8;
	[tilespmem:$0x1F1A0] =	vst v63  }
0x18a: {  	_ = 	snop  }
0x18b: {  	[spmem:s6] =	stream.indirect.scatter.add.f32 [tilespmem:s24], [sflag:$0x2], $0x1, s30, s17, $0xb8;
	[tilespmem:$0x1F1A0] =	vst v63  }
0x18c: {  	s16 =	sadd.s32 $0x3800, s16  }
0x18d: {  	[spmem:s0] =	stream.indirect.scatter.add.f32 [tilespmem:s15], [sflag:$0x2], $0x1, s16, s17, $0xb8;
	[tilespmem:$0x1F1A0] =	vst v63  }
0x18e: {  	_ = 	snop  }
0x18f: {  	[spmem:s1] =	stream.indirect.scatter.add.f32 [tilespmem:s22], [sflag:$0x2], $0x1, s16, s17, $0xb8;
	[tilespmem:$0x1F1A0] =	vst v63  }
0x190: {  	_ = 	snop  }
0x191: {  	[spmem:s2] =	stream.indirect.scatter.add.f32 [tilespmem:s19], [sflag:$0x2], $0x1, s16, s17, $0xb8;
	[tilespmem:$0x1F1A0] =	vst v63  }
0x192: {  	_ = 	snop  }
0x193: {  	[spmem:s3] =	stream.indirect.scatter.add.f32 [tilespmem:s20], [sflag:$0x2], $0x1, s16, s17, $0xb8;
	[tilespmem:$0x1F1A0] =	vst v63  }
0x194: {  	_ = 	snop  }
0x195: {  	[spmem:s5] =	stream.indirect.scatter.add.f32 [tilespmem:s23], [sflag:$0x2], $0x1, s16, s17, $0xb8;
	[tilespmem:$0x1F1A0] =	vst v63  }
0x196: {  	_ = 	snop  }
0x197: {  	[spmem:s6] =	stream.indirect.scatter.add.f32 [tilespmem:s24], [sflag:$0x2], $0x1, s16, s17, $0xb8;
	[tilespmem:$0x1F1A0] =	vst v63  }
0x198: {  	p0 =	seq.s32 s10, $0x6000;
	_ =	swait.ge [sflag:s18], $0x780  }
0x199: {  	s15 =	simm.s32 @!p0 $0xA800;
	s16 =	sshra.s32 @!p0 s10, $0x2;
	[sflag:s18] =	ssyncset.done $0x0  }
0x19a: {  	s22 =	simm.s32 @!p0 $0x80;
	s30 =	sadd.s32 @!p0 $0x100, s16;
	[sflag:s18] =	ssyncadd.s32 $0xFFFFF880  }
0x19b: {  	[tilespmem:s15], [sflag:$0x1] =	stream.indirect.gather @!p0 [spmem:s7], $0x1, s30, s22, $0xb8;
	[tilespmem:$0x1F1A0] =	vst v63  }
0x19c: {  	s15 =	simm.s32 @!p0 $0xA880  }
0x19d: {  	[tilespmem:s15], [sflag:$0x1] =	stream.indirect.gather @!p0 [spmem:s8], $0x1, s30, s22, $0xb8;
	[tilespmem:$0x1F1A0] =	vst v63  }
0x19e: {  	s15 =	simm.s32 @!p0 $0xA900  }
0x19f: {  	[tilespmem:s15], [sflag:$0x1] =	stream.indirect.gather @!p0 [spmem:s9], $0x1, s30, s22, $0xb8;
	[tilespmem:$0x1F1A0] =	vst v63  }
0x1a0: {  	s15 =	sadd.s32 @!p0 $0x1D00, s16;
	s30 =	simm.s32 @!p0 $0xA980  }
0x1a1: {  	[tilespmem:s30], [sflag:$0x1] =	stream.indirect.gather @!p0 [spmem:s7], $0x1, s15, s22, $0xb8;
	[tilespmem:$0x1F1A0] =	vst v63  }
0x1a2: {  	s30 =	simm.s32 @!p0 $0xAA00  }
0x1a3: {  	[tilespmem:s30], [sflag:$0x1] =	stream.indirect.gather @!p0 [spmem:s8], $0x1, s15, s22, $0xb8;
	[tilespmem:$0x1F1A0] =	vst v63  }
0x1a4: {  	s30 =	simm.s32 @!p0 $0xAA80  }
0x1a5: {  	[tilespmem:s30], [sflag:$0x1] =	stream.indirect.gather @!p0 [spmem:s9], $0x1, s15, s22, $0xb8;
	[tilespmem:$0x1F1A0] =	vst v63  }
0x1a6: {  	s15 =	sadd.s32 @!p0 $0x3900, s16;
	s30 =	simm.s32 @!p0 $0xAB00  }
0x1a7: {  	[tilespmem:s30], [sflag:$0x1] =	stream.indirect.gather @!p0 [spmem:s7], $0x1, s15, s22, $0xb8;
	[tilespmem:$0x1F1A0] =	vst v63  }
0x1a8: {  	s30 =	simm.s32 @!p0 $0xAB80  }
0x1a9: {  	[tilespmem:s30], [sflag:$0x1] =	stream.indirect.gather @!p0 [spmem:s8], $0x1, s15, s22, $0xb8;
	[tilespmem:$0x1F1A0] =	vst v63  }
0x1aa: {  	s30 =	simm.s32 @!p0 $0xAC00  }
0x1ab: {  	[tilespmem:s30], [sflag:$0x1] =	stream.indirect.gather @!p0 [spmem:s9], $0x1, s15, s22, $0xb8;
	[tilespmem:$0x1F1A0] =	vst v63  }
0x1ac: {  	s15 =	sadd.s32 @!p0 $0x5500, s16;
	s30 =	simm.s32 @!p0 $0xB100  }
0x1ad: {  	[tilespmem:s30], [sflag:$0x1] =	stream.indirect.gather @!p0 [spmem:s11], $0x1, s15, s22, $0xb8;
	[tilespmem:$0x1F1A0] =	vst v63  }
0x1ae: {  	s30 =	simm.s32 @!p0 $0xB180  }
0x1af: {  	[tilespmem:s30], [sflag:$0x1] =	stream.indirect.gather @!p0 [spmem:s12], $0x1, s15, s22, $0xb8;
	[tilespmem:$0x1F1A0] =	vst v63  }
0x1b0: {  	s15 =	sadd.s32 @!p0 $0x7100, s16;
	s30 =	simm.s32 @!p0 $0xB200  }
0x1b1: {  	[tilespmem:s30], [sflag:$0x1] =	stream.indirect.gather @!p0 [spmem:s11], $0x1, s15, s22, $0xb8;
	[tilespmem:$0x1F1A0] =	vst v63  }
0x1b2: {  	s30 =	simm.s32 @!p0 $0xB280  }
0x1b3: {  	[tilespmem:s30], [sflag:$0x1] =	stream.indirect.gather @!p0 [spmem:s12], $0x1, s15, s22, $0xb8;
	[tilespmem:$0x1F1A0] =	vst v63  }
0x1b4: {  	s15 =	sadd.s32 @!p0 $0x8D00, s16;
	s16 =	simm.s32 @!p0 $0xB300  }
0x1b5: {  	[tilespmem:s16], [sflag:$0x1] =	stream.indirect.gather @!p0 [spmem:s11], $0x1, s15, s22, $0xb8;
	[tilespmem:$0x1F1A0] =	vst v63  }
0x1b6: {  	p1 =	seq.s32 @!p0 s10, $0x0;
	s16 =	simm.s32 @!p0 $0xB380  }
0x1b7: {  	[tilespmem:s16], [sflag:$0x1] =	stream.indirect.gather @!p0 [spmem:s12], $0x1, s15, s22, $0xb8;
	[tilespmem:$0x1F1A0] =	vst v63  }
0x1b8: {  	p0 =	por p0, !p1  }
0x1b9: {  	s15 =	simm.s32 @p0 $0x3  }
0x1ba: {  	_ =	swait.ge @p0 [sflag:s15], $0x900  }
0x1bb: {  	[sflag:s15] =	ssyncset.done @p0 $0x0  }
0x1bc: {  	[sflag:s15] =	ssyncadd.s32 @p0 $0xFFFFF700  }
0x1bd: {  	v37 =	vld [tilespmem:$0xAC80]  }
0x1be: {  	v38 =	vld [tilespmem:$0xAD00]  }
0x1bf: {  	v39 =	vld [tilespmem:$0xAD80]  }
0x1c0: {  	v41 =	vld [tilespmem:$0xAE00]  }
0x1c1: {  	v42 =	vld [tilespmem:$0xAE80]  }
0x1c2: {  	v43 =	vld [tilespmem:$0xAF00]  }
0x1c3: {  	v44 =	vld [tilespmem:$0xAF80]  }
0x1c4: {  	v45 =	vld [tilespmem:$0xB000]  }
0x1c5: {  	v46 =	vld [tilespmem:$0xB080]  }
0x1c6: {  	v47 =	vld [tilespmem:$0xB400]  }
0x1c7: {  	v48 =	vld [tilespmem:$0xB480]  }
0x1c8: {  	v49 =	vld [tilespmem:$0xB500]  }
0x1c9: {  	v50 =	vld [tilespmem:$0xB580]  }
0x1ca: {  	v51 =	vld [tilespmem:$0xB600]  }
0x1cb: {  	v52 =	vld [tilespmem:$0xB680]  }
0x1cc: {  	v15 =	vld [tilespmem:$0xAC90]  }
0x1cd: {  	v16 =	vld [tilespmem:$0xAD10]  }
0x1ce: {  	v17 =	vld [tilespmem:$0xAD90]  }
0x1cf: {  	v18 =	vld [tilespmem:$0xAE10]  }
0x1d0: {  	v53 =	vld [tilespmem:$0xAE90]  }
0x1d1: {  	v54 =	vld [tilespmem:$0xAF10]  }
0x1d2: {  	v21 =	vld [tilespmem:$0xAF90]  }
0x1d3: {  	v22 =	vld [tilespmem:$0xB010]  }
0x1d4: {  	v40 =	vld [tilespmem:$0xB090]  }
0x1d5: {  	v55 =	vld [tilespmem:$0xB410]  }
0x1d6: {  	v56 =	vld [tilespmem:$0xB490]  }
0x1d7: {  	v57 =	vld [tilespmem:$0xB510]  }
0x1d8: {  	v58 =	vld [tilespmem:$0xB590];
	v11 =	vsub.f32 v49, v47  }
0x1d9: {  	v60 =	vld [tilespmem:$0xB690];
	v12 =	vsub.f32 v50, v48;
	v9 =	vsub.f32 v51, v47  }
0x1da: {  	v59 =	vld [tilespmem:$0xB610];
	v10 =	vsub.f32 v52, v48;
	v4 =	vsub.f32 v42, v38  }
0x1db: {  	v28 =	vld [tilespmem:$0xACA0];
	v5 =	vsub.f32 v43, v39;
	v1 =	vsub.f32 v45, v38  }
0x1dc: {  	v27 =	vld [tilespmem:$0xAD20];
	v2 =	vsub.f32 v46, v39;
	v3 =	vsub.f32 v41, v37  }
0x1dd: {  	v7 =	vld [tilespmem:$0xADA0];
	v0 =	vsub.f32 v44, v37;
	v24 =	vsub.f32 v57, v55  }
0x1de: {  	v29 =	vld [tilespmem:$0xAE20];
	v25 =	vsub.f32 v58, v56;
	v13 =	vsub.f32 v60, v56  }
0x1df: {  	v30 =	vld [tilespmem:$0xAEA0];
	v53 =	vsub.f32 v53, v16;
	v54 =	vsub.f32 v54, v17;
	v11 =	vmul.f32 v10, v11  }
0x1e0: {  	v14 =	vld [tilespmem:$0xB0A0];
	v16 =	vsub.f32 v22, v16;
	v9 =	vmul.f32 v9, v12;
	v62 =	vmul.f32 v2, v4  }
0x1e1: {  	v35 =	vld [tilespmem:$0xAFA0];
	v17 =	vsub.f32 v40, v17;
	v63 =	vmul.f32 v1, v5;
	v31 =	vmul.f32 v2, v3  }
0x1e2: {  	v45 =	vld [tilespmem:$0xB420];
	v21 =	vsub.f32 v21, v15;
	v41 =	vmul.f32 v10, v3;
	v42 =	vmul.f32 v12, v0  }
0x1e3: {  	v47 =	vld [tilespmem:$0xB4A0];
	v57 =	vsub.f32 v18, v15;
	v43 =	vmul.f32 v10, v4;
	v44 =	vmul.f32 v12, v1  }
0x1e4: {  	v50 =	vld [tilespmem:$0xB520];
	v15 =	vsub.f32 v30, v27;
	v2 =	vmul.f32 v12, v2;
	v24 =	vmul.f32 v13, v24  }
0x1e5: {  	v52 =	vld [tilespmem:$0xB5A0];
	v30 =	vsub.f32 v14, v7;
	v3 =	vmul.f32 v1, v3;
	v4 =	vmul.f32 v0, v4  }
0x1e6: {  	v56 =	vld [tilespmem:$0xB6A0];
	v58 =	vmul.f32 v17, v53;
	v60 =	vmul.f32 v21, v54;
	v9 =	vsub.f32 v11, v9  }
0x1e7: {  	v37 =	vld [tilespmem:$0xB020];
	v12 =	vmul.f32 v13, v53;
	v11 =	vsub.f32 v59, v55;
	v46 =	vsub.f32 v41, v42  }
0x1e8: {  	v23 =	vld [tilespmem:$0xAD30];
	v49 =	vsub.f32 v43, v44;
	v59 =	vmul.f32 v16, v54;
	v8 =	vsub.f32 v3, v4  }
0x1e9: {  	v36 =	vld [tilespmem:$0xAEB0];
	vm8 =	vgt.f32 v9, $0.0e+00;
	v61 =	vmax.f32 v9, $9.999999970e-07;
	v9 =	vmin.f32 v9, $-9.999999970e-07  }
0x1ea: {  	v32 =	vld [tilespmem:$0xAF20];
	v34 =	vsub.f32 v50, v45;
	v38 =	vsub.f32 v52, v47;
	v9 =	vsel vm8, v61, v9  }
0x1eb: {  	v33 =	vld [tilespmem:$0xB4C0];
	v26 =	vsub.f32 v56, v47;
	v47 =	vmul.f32 v25, v21;
	(erf) = vrcp.f32 v9  }
0x1ec: {  	v55 =	vld [tilespmem:$0xB620];
	v56 =	vsub.f32 v35, v28;
	v27 =	vsub.f32 v37, v27;
	v11 =	vmul.f32 v11, v25  }
0x1ed: {  	v40 =	vld [tilespmem:$0xAF40];
	v4 =	vsub.f32 v58, v59;
	v58 =	vsub.f32 v29, v28;
	v59 =	vmul.f32 v30, v15  }
0x1ee: {  	v41 =	vld [tilespmem:$0xADC0];
	v28 =	vsub.f32 v36, v23;
	v61 =	vmul.f32 v17, v57;
	v9 =	vmul.f32 v0, v5  }
0x1ef: {  	v44 =	vld [tilespmem:$0xB0C0];
	v5 =	vmul.f32 v10, v5;
	v10 =	vsub.f32 v62, v63;
	v62 =	vmul.f32 v16, v57  }
0x1f0: {  	v22 =	vld [tilespmem:$0xACB0];
	v51 =	vsub.f32 v24, v11;
	v63 =	vmul.f32 v21, v53;
	v16 =	vmul.f32 v25, v16  }
0x1f1: {  	v39 =	vld [tilespmem:$0xAE30];
	v20 =	vsub.f32 v55, v45;
	v45 =	vmul.f32 v26, v34;
	v2 =	vsub.f32 v5, v2  }
0x1f2: {  	v42 =	vld [tilespmem:$0xAF30];
	vm9 =	vgt.f32 v51, $0.0e+00;
	v24 =	vmax.f32 v51, $9.999999970e-07;
	v5 =	vmin.f32 v51, $-9.999999970e-07  }
0x1f3: {  	v21 =	vld [tilespmem:$0xB030];
	v14 =	vsub.f32 v60, v61;
	v40 =	vsub.f32 v40, v41;
	v5 =	vsel vm9, v24, v5  }
0x1f4: {  	v50 =	vld [tilespmem:$0xB4B0];
	v41 =	vsub.f32 v44, v41;
	v20 =	vmul.f32 v20, v38;
	v48 =	vpop (erf);
	(erf) = vrcp.f32 v5  }
0x1f5: {  	v52 =	vld [tilespmem:$0xB530];
	v9 =	vsub.f32 v9, v31;
	v1 =	vmul.f32 v48, v46;
	v0 =	vmul.f32 v48, v49  }
0x1f6: {  	v6 =	vsub.f32 v45, v20;
	v2 =	vmul.f32 v48, v2;
	v48 =	vmul.f32 v25, v17;
	v17 =	vld [tilespmem:$0xB430]  }
0x1f7: {  	v51 =	vsub.f32 v12, v16;
	v16 =	vmul.f32 v27, v58;
	v46 =	vmul.f32 v13, v57;
	v57 =	vld [tilespmem:$0xB6B0]  }
0x1f8: {  	v55 =	vld [tilespmem:$0xB630];
	v21 =	vsub.f32 v21, v23;
	vm10 =	vgt.f32 v6, $0.0e+00;
	v25 =	vsub.f32 v32, v7  }
0x1f9: {  	v31 =	vld [tilespmem:$0xAFB0];
	v13 =	vmul.f32 v13, v54;
	v49 =	vmax.f32 v6, $9.999999970e-07;
	v6 =	vmin.f32 v6, $-9.999999970e-07  }
0x1fa: {  	v54 =	vld [tilespmem:$0xB5B0];
	v6 =	vsel vm10, v49, v6;
	v3 =	vsub.f32 v46, v47;
	v60 =	vmul.f32 v27, v25  }
0x1fb: {  	v24 =	vld [tilespmem:$0xADB0];
	v13 =	vsub.f32 v13, v48;
	v61 =	vmul.f32 v56, v25;
	v48 =	vmul.f32 v38, v56  }
0x1fc: {  	v20 =	vld [tilespmem:$0xB0B0];
	v27 =	vmul.f32 v38, v27;
	v49 =	vsub.f32 v52, v17;
	v34 =	vsub.f32 v57, v50  }
0x1fd: {  	v12 =	vsub.f32 v59, v60;
	v59 =	vld [tilespmem:$0xB5C0];
	v7 =	vsub.f32 v55, v17;
	v55 =	vmul.f32 v38, v30  }
0x1fe: {  	v35 =	vld [tilespmem:$0xAD40];
	v31 =	vsub.f32 v31, v22;
	v52 =	vmul.f32 v34, v49;
	v53 =	vpop (erf);
	(erf) = vrcp.f32 v6  }
0x1ff: {  	v29 =	vld [tilespmem:$0xACC0];
	v18 =	vsub.f32 v54, v50;
	v6 =	vmul.f32 v53, v3;
	v5 =	vmul.f32 v53, v51  }
0x200: {  	v44 =	vld [tilespmem:$0xAED0];
	v3 =	vmul.f32 v53, v13;
	v13 =	vsub.f32 v62, v63;
	v62 =	vmul.f32 v30, v58  }
0x201: {  	v20 =	vsub.f32 v20, v24;
	v60 =	vld [tilespmem:$0xB640];
	v63 =	vmul.f32 v26, v58;
	v51 =	vmul.f32 v26, v15  }
0x202: {  	v49 =	vld [tilespmem:$0xB440];
	v53 =	vmul.f32 v7, v18;
	v30 =	vsub.f32 v42, v24;
	v24 =	vsub.f32 v59, v33  }
0x203: {  	v45 =	vld [tilespmem:$0xAE40];
	v15 =	vmul.f32 v56, v15;
	v50 =	vsub.f32 v63, v48;
	v11 =	vsub.f32 v61, v62  }
0x204: {  	v32 =	vld [tilespmem:$0xB040];
	v63 =	vmul.f32 v26, v25;
	v48 =	vsub.f32 v52, v53;
	v61 =	vmul.f32 v20, v28  }
0x205: {  	v47 =	vld [tilespmem:$0xAFC0];
	v54 =	vsub.f32 v51, v27;
	v62 =	vmul.f32 v21, v30;
	v53 =	vmul.f32 v18, v31  }
0x206: {  	v57 =	vld [tilespmem:$0xB540];
	vm11 =	vgt.f32 v48, $0.0e+00;
	v56 =	vmax.f32 v48, $9.999999970e-07;
	v25 =	vmin.f32 v48, $-9.999999970e-07  }
0x207: {  	v42 =	vld [tilespmem:$0xAD50];
	v23 =	vsub.f32 v60, v49;
	v58 =	vsel vm11, v56, v25;
	v25 =	vsub.f32 v39, v22  }
0x208: {  	v59 =	vld [tilespmem:$0xB550];
	v27 =	vsub.f32 v63, v55;
	v55 =	vmul.f32 v18, v21;
	v18 =	vmul.f32 v18, v20  }
0x209: {  	v32 =	vsub.f32 v32, v35;
	v63 =	vld [tilespmem:$0xB6C0];
	v23 =	vmul.f32 v23, v24;
	v51 =	vmul.f32 v20, v25  }
0x20a: {  	v22 =	vsub.f32 v16, v15;
	v56 =	vld [tilespmem:$0xB450];
	v52 =	vmul.f32 v34, v25;
	v25 =	vmul.f32 v21, v25;
	v43 =	vpop (erf)  }
0x20b: {  	v16 =	vsub.f32 v61, v62;
	v62 =	vld [tilespmem:$0xB650];
	(erf) = vrcp.f32 v58;
	v7 =	vmul.f32 v43, v50  }
0x20c: {  	v37 =	vsub.f32 v57, v49;
	v57 =	vld [tilespmem:$0xB4D0];
	v50 =	vmul.f32 v31, v30;
	v19 =	vmul.f32 v43, v54  }
0x20d: {  	[tilespmem:$0xBA90] =	vst v14;
	v61 =	vld [tilespmem:$0xB5D0];
	v14 =	vsub.f32 v44, v42;
	v17 =	vmul.f32 v43, v27;
	v54 =	vmul.f32 v34, v28  }
0x20e: {  	v46 =	vld [tilespmem:$0xAEC0];
	v33 =	vsub.f32 v63, v33;
	v36 =	vsub.f32 v52, v53;
	v30 =	vmul.f32 v34, v30  }
0x20f: {  	v26 =	vld [tilespmem:$0xADD0];
	v28 =	vmul.f32 v31, v28;
	v63 =	vsub.f32 v45, v29;
	v29 =	vsub.f32 v47, v29  }
0x210: {  	v52 =	vld [tilespmem:$0xB6D0];
	v38 =	vsub.f32 v59, v56;
	v31 =	vsub.f32 v62, v56;
	v62 =	vmul.f32 v24, v32  }
0x211: {  	v48 =	vld [tilespmem:$0xB050];
	v15 =	vsub.f32 v50, v51;
	v58 =	vsub.f32 v54, v55;
	v37 =	vmul.f32 v33, v37  }
0x212: {  	v44 =	vld [tilespmem:$0xAEE0];
	v18 =	vsub.f32 v30, v18;
	v30 =	vsub.f32 v61, v57;
	v55 =	vmul.f32 v32, v40  }
0x213: {  	[tilespmem:$0xBB00] =	vst v8;
	v27 =	vld [tilespmem:$0xACD0];
	v25 =	vsub.f32 v25, v28;
	v56 =	vmul.f32 v33, v63;
	v8 =	vmul.f32 v32, v63  }
0x214: {  	v45 =	vld [tilespmem:$0xAFD0];
	v63 =	vmul.f32 v41, v63;
	v50 =	vmul.f32 v33, v40;
	v23 =	vsub.f32 v37, v23  }
0x215: {  	v47 =	vld [tilespmem:$0xAD60];
	v37 =	vsub.f32 v46, v35;
	v31 =	vmul.f32 v31, v30;
	v34 =	vsub.f32 v52, v57  }
0x216: {  	v28 =	vld [tilespmem:$0xB4E0];
	v57 =	vmul.f32 v24, v29;
	v24 =	vmul.f32 v24, v41;
	vm12 =	vgt.f32 v23, $0.0e+00  }
0x217: {  	v35 =	vld [tilespmem:$0xADE0];
	v53 =	vmax.f32 v23, $9.999999970e-07;
	v23 =	vmin.f32 v23, $-9.999999970e-07;
	v54 =	vmul.f32 v41, v37  }
0x218: {  	v52 =	vld [tilespmem:$0xB460];
	v61 =	vmul.f32 v33, v37;
	v23 =	vsel vm12, v53, v23;
	v59 =	vmul.f32 v34, v38  }
0x219: {  	v53 =	vmul.f32 v29, v40;
	v60 =	vpop (erf);
	(erf) = vrcp.f32 v23;
	v23 =	vld [tilespmem:$0xAF50]  }
0x21a: {  	[tilespmem:$0xBA00] =	vst v10;
	v10 =	vsub.f32 v54, v55;
	v49 =	vsub.f32 v61, v62;
	v54 =	vmul.f32 v29, v37;
	v62 =	vld [tilespmem:$0xB6E0]  }
0x21b: {  	[tilespmem:$0xBB10] =	vst v13;
	v13 =	vsub.f32 v45, v27;
	v21 =	vmul.f32 v60, v36;
	v20 =	vmul.f32 v60, v58;
	v58 =	vld [tilespmem:$0xB0D0]  }
0x21c: {  	[tilespmem:$0xBC80] =	vst v2;
	v18 =	vmul.f32 v60, v18;
	v60 =	vsub.f32 v56, v57;
	v31 =	vsub.f32 v59, v31;
	v56 =	vld [tilespmem:$0xB560]  }
0x21d: {  	[tilespmem:$0xBA30] =	vst v16;
	v16 =	vsub.f32 v44, v47;
	v24 =	vsub.f32 v50, v24;
	v50 =	vmul.f32 v34, v14;
	v59 =	vld [tilespmem:$0xB660]  }
0x21e: {  	[tilespmem:$0xBC90] =	vst v3;
	v2 =	vsub.f32 v53, v63;
	v3 =	vsub.f32 v8, v54;
	v54 =	vld [tilespmem:$0xB0E0];
	vm13 =	vgt.f32 v31, $0.0e+00  }
0x21f: {  	[tilespmem:$0xBA10] =	vst v4;
	v57 =	vld [tilespmem:$0xB5E0];
	v51 =	vmax.f32 v31, $9.999999970e-07;
	v31 =	vmin.f32 v31, $-9.999999970e-07;
	v23 =	vsub.f32 v23, v26  }
0x220: {  	[tilespmem:$0xBC00] =	vst v0;
	v46 =	vld [tilespmem:$0xAE50];
	v0 =	vsel vm13, v51, v31;
	v26 =	vsub.f32 v58, v26;
	v58 =	vsub.f32 v48, v42  }
0x221: {  	[tilespmem:$0xBA80] =	vst v9;
	v33 =	vld [tilespmem:$0xAE60];
	v48 =	vmul.f32 v30, v13;
	v31 =	vsub.f32 v56, v52;
	v32 =	vmul.f32 v13, v23  }
0x222: {  	[tilespmem:$0xBB80] =	vst v1;
	v38 =	vld [tilespmem:$0xACE0];
	v51 =	vsub.f32 v59, v52;
	v61 =	vmul.f32 v26, v14;
	v63 =	vmul.f32 v58, v23  }
0x223: {  	[tilespmem:$0xBA20] =	vst v12;
	v52 =	vld [tilespmem:$0xB060];
	v39 =	vsub.f32 v54, v35;
	v23 =	vmul.f32 v34, v23;
	v53 =	vmul.f32 v30, v58  }
0x224: {  	[tilespmem:$0xBB90] =	vst v6;
	v42 =	vld [tilespmem:$0xB6F0];
	v55 =	vpop (erf);
	(erf) = vrcp.f32 v0;
	v0 =	vsub.f32 v57, v28;
	v28 =	vsub.f32 v62, v28  }
0x225: {  	[tilespmem:$0xBC10] =	vst v5;
	v57 =	vmul.f32 v30, v26;
	v62 =	vld [tilespmem:$0xB4F0];
	v9 =	vmul.f32 v55, v60;
	v60 =	vsub.f32 v46, v27  }
0x226: {  	[tilespmem:$0xBAA0] =	vst v11;
	v1 =	vmul.f32 v55, v49;
	v46 =	vld [tilespmem:$0xAF60];
	v5 =	vsub.f32 v61, v63;
	v61 =	vmul.f32 v51, v0  }
0x227: {  	[tilespmem:$0xBB20] =	vst v22;
	v49 =	vld [tilespmem:$0xAFE0];
	v11 =	vsub.f32 v50, v53;
	v4 =	vmul.f32 v58, v60;
	v45 =	vmul.f32 v34, v60  }
0x228: {  	[tilespmem:$0xBBA0] =	vst v7;
	v12 =	vsub.f32 v23, v57;
	v56 =	vmul.f32 v26, v60;
	v60 =	vmul.f32 v28, v31  }
0x229: {  	[tilespmem:$0xBC20] =	vst v19;
	v40 =	vld [tilespmem:$0xB670];
	v6 =	vmul.f32 v55, v24;
	v43 =	vsub.f32 v52, v47;
	v55 =	vsub.f32 v45, v48  }
0x22a: {  	[tilespmem:$0xBCA0] =	vst v17;
	v63 =	vld [tilespmem:$0xB570];
	v31 =	vsub.f32 v60, v61;
	v45 =	vsub.f32 v33, v38  }
0x22b: {  	[tilespmem:$0xBAB0] =	vst v15;
	v13 =	vmul.f32 v13, v14;
	v58 =	vld [tilespmem:$0xB470];
	v8 =	vsub.f32 v32, v56;
	v26 =	vsub.f32 v42, v62  }
0x22c: {  	[tilespmem:$0xBBB0] =	vst v21;
	v34 =	vld [tilespmem:$0xB5F0];
	v21 =	vmul.f32 v0, v43;
	v37 =	vsub.f32 v46, v35;
	v44 =	vsub.f32 v49, v38  }
0x22d: {  	[tilespmem:$0xBB30] =	vst v25;
	v29 =	vld [tilespmem:$0xB070];
	v46 =	vmul.f32 v39, v16;
	vm14 =	vgt.f32 v31, $0.0e+00;
	v41 =	vmax.f32 v31, $9.999999970e-07  }
0x22e: {  	[tilespmem:$0xBA40] =	vst v10;
	v54 =	vld [tilespmem:$0xAE70];
	v17 =	vmin.f32 v31, $-9.999999970e-07;
	v51 =	vmul.f32 v39, v45;
	v53 =	vmul.f32 v43, v45  }
0x22f: {  	[tilespmem:$0xBC30] =	vst v20;
	v47 =	vld [tilespmem:$0xACF0];
	v56 =	vmul.f32 v28, v45;
	v17 =	vsel vm14, v41, v17;
	v48 =	vmul.f32 v43, v37  }
0x230: {  	[tilespmem:$0xBCB0] =	vst v18;
	v50 =	vld [tilespmem:$0xAD70];
	v49 =	vmul.f32 v44, v37;
	v14 =	vsub.f32 v63, v58;
	v59 =	vpop (erf);
	(erf) = vrcp.f32 v17  }
0x231: {  	[tilespmem:$0xBAC0] =	vst v2;
	v52 =	vld [tilespmem:$0xADF0];
	v23 =	vsub.f32 v40, v58;
	v22 =	vsub.f32 v34, v62;
	v57 =	vmul.f32 v0, v44  }
0x232: {  	[tilespmem:$0xBB40] =	vst v3;
	v60 =	vld [tilespmem:$0xAF70];
	v63 =	vmul.f32 v28, v16;
	v32 =	vmul.f32 v44, v16  }
0x233: {  	[tilespmem:$0xBBC0] =	vst v9;
	v58 =	vld [tilespmem:$0xAEF0];
	v14 =	vmul.f32 v26, v14;
	v61 =	vmul.f32 v23, v22  }
0x234: {  	[tilespmem:$0xBC40] =	vst v1;
	v45 =	vsub.f32 v54, v47;
	v34 =	vld [tilespmem:$0xB0F0];
	v36 =	vmul.f32 v28, v37;
	v0 =	vmul.f32 v0, v39  }
0x235: {  	[tilespmem:$0xBCC0] =	vst v6;
	v37 =	vld [tilespmem:$0xAFF0];
	v41 =	vsub.f32 v29, v50;
	v7 =	vmul.f32 v59, v55;
	v33 =	vsub.f32 v14, v61  }
0x236: {  	[tilespmem:$0xBA50] =	vst v5;
	v11 =	vmul.f32 v59, v11;
	v12 =	vmul.f32 v59, v12;
	v55 =	vsub.f32 v4, v13  }
0x237: {  	[tilespmem:$0xBAD0] =	vst v8;
	vm15 =	vgt.f32 v33, $0.0e+00;
	v38 =	vmax.f32 v33, $9.999999970e-07;
	v13 =	vmin.f32 v33, $-9.999999970e-07  }
0x238: {  	v59 =	vsub.f32 v46, v48;
	v43 =	vsub.f32 v60, v52;
	[tilespmem:$0xBB50] =	vst v55;
	v39 =	vsel vm15, v38, v13  }
0x239: {  	[tilespmem:$0xBBD0] =	vst v7;
	v40 =	vsub.f32 v58, v50;
	v44 =	vsub.f32 v34, v52;
	v42 =	vpop (erf);
	(erf) = vrcp.f32 v39  }
0x23a: {  	v54 =	vmul.f32 v26, v45;
	v62 =	vsub.f32 v49, v51;
	[tilespmem:$0xBC50] =	vst v11;
	v46 =	vsub.f32 v37, v47  }
0x23b: {  	v4 =	vsub.f32 v56, v57;
	[tilespmem:$0xBCD0] =	vst v12;
	v48 =	vmul.f32 v41, v43;
	v47 =	vmul.f32 v44, v40  }
0x23c: {  	v2 =	vsub.f32 v53, v32;
	[tilespmem:$0xBA60] =	vst v59;
	v49 =	vmul.f32 v46, v43;
	v50 =	vmul.f32 v44, v45  }
0x23d: {  	v51 =	vmul.f32 v41, v45;
	[tilespmem:$0xBAE0] =	vst v62;
	v52 =	vmul.f32 v46, v40;
	v53 =	vsub.f32 v47, v48  }
0x23e: {  	v0 =	vsub.f32 v36, v0;
	[tilespmem:$0xBB60] =	vst v2;
	v7 =	vmul.f32 v22, v41;
	v1 =	vsub.f32 v49, v50  }
0x23f: {  	v3 =	vmul.f32 v26, v43;
	v55 =	vmul.f32 v22, v46;
	v2 =	vsub.f32 v51, v52;
	[tilespmem:$0xBA70] =	vst v53  }
0x240: {  	v35 =	vsub.f32 v63, v21;
	v56 =	vmul.f32 v26, v40;
	v4 =	vmul.f32 v42, v4;
	[tilespmem:$0xBAF0] =	vst v1  }
0x241: {  	v58 =	vmul.f32 v22, v44;
	v57 =	vsub.f32 v54, v55;
	v0 =	vmul.f32 v42, v0;
	[tilespmem:$0xBB70] =	vst v2  }
0x242: {  	v60 =	vsub.f32 v56, v7;
	v5 =	vmul.f32 v42, v35;
	[tilespmem:$0xBBE0] =	vst v4;
	v59 =	vpop (erf)  }
0x243: {  	v61 =	vsub.f32 v3, v58;
	[tilespmem:$0xBCE0] =	vst v0;
	v0 =	vmul.f32 v59, v57  }
0x244: {  	[tilespmem:$0xBC60] =	vst v5;
	v62 =	vmul.f32 v59, v60  }
0x245: {  	v63 =	vmul.f32 v59, v61;
	[tilespmem:$0xBBF0] =	vst v0  }
0x246: {  	[tilespmem:$0xBC70] =	vst v62  }
0x247: {  	[tilespmem:$0xBCF0] =	vst v63  }
0x248: {  	[spmem:s0] =	stream.indirect.scatter.add.f32 [tilespmem:s25], [sflag:$0x3], $0x1, s13, s17, $0xb8;
	[tilespmem:$0x1F1A0] =	vst v63  }
0x249: {  	_ = 	snop  }
0x24a: {  	[spmem:s1] =	stream.indirect.scatter.add.f32 [tilespmem:s26], [sflag:$0x3], $0x1, s13, s17, $0xb8;
	[tilespmem:$0x1F1A0] =	vst v63  }
0x24b: {  	_ = 	snop  }
0x24c: {  	[spmem:s2] =	stream.indirect.scatter.add.f32 [tilespmem:s28], [sflag:$0x3], $0x1, s13, s17, $0xb8;
	[tilespmem:$0x1F1A0] =	vst v63  }
0x24d: {  	_ = 	snop  }
0x24e: {  	[spmem:s3] =	stream.indirect.scatter.add.f32 [tilespmem:s29], [sflag:$0x3], $0x1, s13, s17, $0xb8;
	[tilespmem:$0x1F1A0] =	vst v63  }
0x24f: {  	_ = 	snop  }
0x250: {  	[spmem:s5] =	stream.indirect.scatter.add.f32 [tilespmem:s31], [sflag:$0x3], $0x1, s13, s17, $0xb8;
	[tilespmem:$0x1F1A0] =	vst v63  }
0x251: {  	_ = 	snop  }
0x252: {  	[spmem:s6] =	stream.indirect.scatter.add.f32 [tilespmem:s4], [sflag:$0x3], $0x1, s13, s17, $0xb8;
	[tilespmem:$0x1F1A0] =	vst v63  }
0x253: {  	_ = 	snop  }
0x254: {  	[spmem:s0] =	stream.indirect.scatter.add.f32 [tilespmem:s25], [sflag:$0x3], $0x1, s21, s17, $0xb8;
	[tilespmem:$0x1F1A0] =	vst v63  }
0x255: {  	_ = 	snop  }
0x256: {  	[spmem:s1] =	stream.indirect.scatter.add.f32 [tilespmem:s26], [sflag:$0x3], $0x1, s21, s17, $0xb8;
	[tilespmem:$0x1F1A0] =	vst v63  }
0x257: {  	_ = 	snop  }
0x258: {  	[spmem:s2] =	stream.indirect.scatter.add.f32 [tilespmem:s28], [sflag:$0x3], $0x1, s21, s17, $0xb8;
	[tilespmem:$0x1F1A0] =	vst v63  }
0x259: {  	_ = 	snop  }
0x25a: {  	[spmem:s3] =	stream.indirect.scatter.add.f32 [tilespmem:s29], [sflag:$0x3], $0x1, s21, s17, $0xb8;
	[tilespmem:$0x1F1A0] =	vst v63  }
0x25b: {  	_ = 	snop  }
0x25c: {  	[spmem:s5] =	stream.indirect.scatter.add.f32 [tilespmem:s31], [sflag:$0x3], $0x1, s21, s17, $0xb8;
	[tilespmem:$0x1F1A0] =	vst v63  }
0x25d: {  	_ = 	snop  }
0x25e: {  	[spmem:s6] =	stream.indirect.scatter.add.f32 [tilespmem:s4], [sflag:$0x3], $0x1, s21, s17, $0xb8;
	[tilespmem:$0x1F1A0] =	vst v63  }
0x25f: {  	_ = 	snop  }
0x260: {  	[spmem:s0] =	stream.indirect.scatter.add.f32 [tilespmem:s25], [sflag:$0x3], $0x1, s14, s17, $0xb8;
	[tilespmem:$0x1F1A0] =	vst v63  }
0x261: {  	_ = 	snop  }
0x262: {  	[spmem:s1] =	stream.indirect.scatter.add.f32 [tilespmem:s26], [sflag:$0x3], $0x1, s14, s17, $0xb8;
	[tilespmem:$0x1F1A0] =	vst v63  }
0x263: {  	s10 =	sadd.s32 $0x400, s10  }
0x264: {  	[spmem:s2] =	stream.indirect.scatter.add.f32 [tilespmem:s28], [sflag:$0x3], $0x1, s14, s17, $0xb8;
	[tilespmem:$0x1F1A0] =	vst v63  }
0x265: {  	p0 =	sne.s32 s10, $0x6400  }
0x266: {  	[spmem:s3] =	stream.indirect.scatter.add.f32 [tilespmem:s29], [sflag:$0x3], $0x1, s14, s17, $0xb8;
	[tilespmem:$0x1F1A0] =	vst v63  }
.Ltmp0:
0x267: {  	_ = 	snop;
	(pc) =	sbr.rel @p0 .LBB2_2-.Ltmp0, $4  }
0x268: {  	_ = 	snop  }
0x269: {  	[spmem:s5] =	stream.indirect.scatter.add.f32 [tilespmem:s31], [sflag:$0x3], $0x1, s14, s17, $0xb8;
	[tilespmem:$0x1F1A0] =	vst v63  }
0x26a: {  	_ = 	snop  }
0x26b: {  	[spmem:s6] =	stream.indirect.scatter.add.f32 [tilespmem:s4], [sflag:$0x3], $0x1, s14, s17, $0xb8;
	[tilespmem:$0x1F1A0] =	vst v63  }
0x26c: {  	s15 =	simm.s32 $0x2  }
0x26d: {  	_ =	swait.ge [sflag:s15], $0x900  }
0x26e: {  	[sflag:s15] =	ssyncset.done $0x0  }
0x26f: {  	s10 =	simm.s32 $0x3;
	[sflag:s15] =	ssyncadd.s32 $0xFFFFF700  }
0x270: {  	_ =	swait.ge [sflag:s10], $0x900  }
0x271: {  	[sflag:s10] =	ssyncset.done $0x0  }
0x272: {  	[sflag:s10] =	ssyncadd.s32 $0xFFFFF700  }
0x273: {  	[bflag:$0x0] =	sbarrier.arrive $0xFFFF  }
0x274: {  	s19 =	sld [smem:$0x7F7]  }
0x275: {  	s14 =	sld [smem:$0x7EB];
	_ =	sdelay $0x1  }
0x276: {  	s13 =	simm.s32 $0x10;
	s21 =	rddreg [dreg:$0x16]  }
0x277: {  	[hbm:s19@s17], [sflag:s21] =	dma.strided [spmem:s14@s13], $0x310, s18, $0x10   }
0x278: {  	s10 =	sld [smem:$0x7F8]  }
0x279: {  	s14 =	sld [smem:$0x7EC];
	_ =	sdelay $0x2  }
0x27a: {  	[hbm:s10@s17], [sflag:s21] =	dma.strided [spmem:s14@s13], $0x310, s18, $0x10   }
0x27b: {  	s10 =	sld [smem:$0x7F9]  }
0x27c: {  	s14 =	sld [smem:$0x7ED];
	_ =	sdelay $0x2  }
0x27d: {  	[hbm:s10@s17], [sflag:s21] =	dma.strided [spmem:s14@s13], $0x310, s18, $0x10   }
0x27e: {  	s10 =	sld [smem:$0x7FA]  }
0x27f: {  	s14 =	sld [smem:$0x7EE];
	_ =	sdelay $0x2  }
0x280: {  	[hbm:s10@s17], [sflag:s21] =	dma.strided [spmem:s14@s13], $0x310, s18, $0x10   }
0x281: {  	s10 =	sld [smem:$0x7FB]  }
0x282: {  	s14 =	sld [smem:$0x7EF];
	_ =	sdelay $0x2  }
0x283: {  	[hbm:s10@s17], [sflag:s21] =	dma.strided [spmem:s14@s13], $0x310, s18, $0x10   }
0x284: {  	s10 =	sld [smem:$0x7FC]  }
0x285: {  	s14 =	sld [smem:$0x7F0];
	_ =	sdelay $0x2  }
0x286: {  	[hbm:s10@s17], [sflag:s21] =	dma.strided [spmem:s14@s13], $0x310, s18, $0x10   }
0x287: {  	_ =	swait.ge [sflag:s15], $0x310  }
0x288: {  	[sflag:s15] =	ssyncset.done $0x0  }
0x289: {  	[sflag:s15] =	ssyncadd.s32 $0xFFFFFCF0  }
0x28a: {  	_ =	swait.ge [sflag:s15], $0x310  }
0x28b: {  	[sflag:s15] =	ssyncset.done $0x0  }
0x28c: {  	[sflag:s15] =	ssyncadd.s32 $0xFFFFFCF0  }
0x28d: {  	_ =	swait.ge [sflag:s15], $0x310  }
0x28e: {  	[sflag:s15] =	ssyncset.done $0x0  }
0x28f: {  	[sflag:s15] =	ssyncadd.s32 $0xFFFFFCF0  }
0x290: {  	_ =	swait.ge [sflag:s15], $0x310  }
0x291: {  	[sflag:s15] =	ssyncset.done $0x0  }
0x292: {  	[sflag:s15] =	ssyncadd.s32 $0xFFFFFCF0  }
0x293: {  	_ =	swait.ge [sflag:s15], $0x310  }
0x294: {  	[sflag:s15] =	ssyncset.done $0x0  }
0x295: {  	[sflag:s15] =	ssyncadd.s32 $0xFFFFFCF0  }
0x296: {  	_ =	swait.ge [sflag:s15], $0x310  }
0x297: {  	s22 =	sld [smem:$0x7EA]  }
0x298: {  	s30 =	sld [smem:$0x7FD];
	_ =	sdelay $0x1  }
0x299: {  	s13 =	sadd.s32 $0x1, s22  }
0x29a: {  	p0 =	sne.s32 s13, s30  }
.Ltmp1:
0x29b: {  	_ = 	snop;
	(pc) =	sbr.rel @p0 .LBB2_1-.Ltmp1, $3  }
0x29c: {  	_ =	sdelay $0x1  }
0x29d: {  	[sflag:s15] =	ssyncset.done $0x0  }
0x29e: {  	[sflag:s15] =	ssyncadd.s32 $0xFFFFFCF0  }
0x29f: {  	_ =	sfence.sel $0x180000  }
0x2a0: {  	[bflag:$0x0] =	sbarrier.arrive $0xFFFF  }
0x2a1: {  	_ =	strace $0x90000047  }
0x2a2: {  	s0 =	stileid.u32;
	[bflag:$0x2] =	sbarrier.arrive $0xFFFF  }
0x2a3: {  	p0 =	sne.s32 s0, $0x0;
	s0 =	rddreg [dreg:$0xd]  }
0x2a4: {  	s0 =	sadd.s32 @!p0 $0x100000, s0  }
0x2a5: {  	[sflag:s0] =	ssyncadd.tile.s32 @!p0 $0x1;
	_ =	shalt  }
.Lfunc_end2:
_tile_overlayer_lowered:
.L_overlay_start_2:
0x2a6: {  	(tag) =	ssettag $0x2  }
0x2a7: {  	s0 =	rddreg [dreg:$0x0];
	s2 =	stileid.u32  }
0x2a8: {  	s1 =	rddreg [dreg:$0x1];
	p0 =	sne.s32 s2, $0x0  }
0x2a9: {  	s3 =	rddreg [dreg:$0x2];
	[bflag:$0x3] =	sbarrier.arrive $0xFFFF;
	s2 =	simm.s32 @!p0 $0x1C04  }
0x2aa: {  	[timem:s3], [sflag:s2] =	dma.local @!p0 [hbm:s0], s1  }
0x2ab: {  	s0 =	simm.s32 @!p0 $0x4  }
0x2ac: {  	_ =	swait.ge @!p0 [sflag:s0], s1  }
0x2ad: {  	s1 =	ssub.s32 @!p0 $0x0, s1;
	[sflag:s0] =	ssyncset.done @!p0 $0x0  }
0x2ae: {  	[sflag:s0] =	ssyncadd.s32 @!p0 s1  }
0x2af: {  	[bflag:$0x3] =	sbarrier.arrive $0xFFFF  }
0x2b0: {  	_ =	shalt  }

</sc_bundles>
